<compile_context>
chip_gen: v7x
topology: tpu7x:2x2x1
jax: 0.10.2.dev20260603
libtpu: 0.0.44.dev20260713+nightly
codegen_flags: <defaults>
</compile_context>

<pallas_src>
import functools

import jax
import jax.numpy as jnp
from jax import lax
from jax.experimental import pallas as pl
from jax.experimental.pallas import tpu as pltpu
from jax.experimental.pallas import tpu_sc as plsc

NUM_KEEP = 8192

N = 65536
M = 8192
NW = 16
CH = N // NW
NV = CH // 16
SNV = M // 16
NG = 32
RW = M // NG

_mesh = plsc.VectorSubcoreMesh(core_axis_name="c", subcore_axis_name="s")


def _score_body(feat_ref, coord_ref, w1f_ref, w1c_ref, b1_ref, w2_ref, out_ref):
    h = jnp.dot(feat_ref[...], w1f_ref[...], preferred_element_type=jnp.float32)
    h = h + jnp.dot(coord_ref[...], w1c_ref[...], preferred_element_type=jnp.float32)
    h = h + b1_ref[...]
    h = jnp.maximum(h, 0.0)
    s = jnp.dot(h, w2_ref[...], preferred_element_type=jnp.float32)
    bits = lax.bitcast_convert_type(s, jnp.uint32)
    m = jnp.where(s >= 0.0, bits + jnp.uint32(0x80000000), ~bits)
    k = ~m
    out_ref[...] = lax.bitcast_convert_type(k, jnp.int32)


def _score_keys(feat, coord, W1, b1, W2):
    n, d = feat.shape
    blk = 1024
    w1f = W1[:d]
    w1c = W1[d:]
    w2p = jnp.pad(W2, ((0, 0), (0, 7)))
    b1r = b1.reshape(1, d)
    out = pl.pallas_call(
        _score_body,
        grid=(n // blk,),
        in_specs=[
            pl.BlockSpec((blk, d), lambda i: (i, 0)),
            pl.BlockSpec((blk, 3), lambda i: (i, 0)),
            pl.BlockSpec((d, d), lambda i: (0, 0)),
            pl.BlockSpec((3, d), lambda i: (0, 0)),
            pl.BlockSpec((1, d), lambda i: (0, 0)),
            pl.BlockSpec((d, 8), lambda i: (0, 0)),
        ],
        out_specs=pl.BlockSpec((blk, 8), lambda i: (i, 0)),
        out_shape=jax.ShapeDtypeStruct((n, 8), jnp.int32),
    )(feat, coord, w1f, w1c, b1r, w2p)
    return out[:, 0]


def _sel_body(scores_hbm, idx_hbm,
              sbuf, kbuf, gbuf, posK, posF, hist, hl, cntl, misc,
              ck, ci, posb,
              H, CNT, SCL, SKEY, SIDX, TKEY, TIDX, FIDX):
    c = lax.axis_index("c")
    s = lax.axis_index("s")

    @pl.when(c == 0)
    def _():
        w = s
        lane = lax.iota(jnp.int32, 16)

        pltpu.sync_copy(scores_hbm.at[pl.ds(w * CH, CH)], sbuf)

        def tokey(v, _):
            sc = sbuf[pl.ds(v * 16, 16)]
            bits = plsc.bitcast(sc, jnp.uint32)
            mm = jnp.where(sc >= 0.0, bits + jnp.uint32(0x80000000), ~bits)
            kbuf[pl.ds(v * 16, 16)] = plsc.bitcast(~mm, jnp.int32)
            return 0
        lax.fori_loop(0, NV, tokey, 0)

        def fill_gbuf(v, _):
            gbuf[pl.ds(v * 16, 16)] = w * CH + v * 16 + lane
            return 0
        lax.fori_loop(0, NV, fill_gbuf, 0)

        def fs(v, _):
            ck[pl.ds(v * 16, 16)] = jnp.full((16,), -1, jnp.int32)
            return 0
        lax.fori_loop(0, (M // NW) // 16, fs, 0)
        pltpu.sync_copy(ck, SKEY.at[pl.ds(w * (M // NW), M // NW)])

        def zero_hist(v, _):
            hist[pl.ds(v * 16, 16)] = jnp.zeros((16,), jnp.int32)
            return 0

        def histo(level, b1, b2):
            lax.fori_loop(0, 128, zero_hist, 0)

            def body(v, _):
                u = plsc.bitcast(kbuf[pl.ds(v * 16, 16)], jnp.uint32)
                d1 = (u >> 21).astype(jnp.int32)
                if level == 0:
                    d, elig = d1, None
                elif level == 1:
                    d = ((u >> 10) & 0x7FF).astype(jnp.int32)
                    elig = d1 == b1
                else:
                    d = (u & 0x3FF).astype(jnp.int32)
                    d2 = ((u >> 10) & 0x7FF).astype(jnp.int32)
                    elig = (d1 == b1) & (d2 == b2)
                plsc.addupdate_scatter(hist, [d], jnp.ones((16,), jnp.int32),
                                       mask=elig)
                return 0
            lax.fori_loop(0, NV, body, 0)
            pltpu.sync_copy(hist, H.at[w])
            plsc.subcore_barrier()

        def reduce_find(target, nbins):
            pltpu.sync_copy(H, hl)

            def red(v, _):
                acc = jnp.zeros((16,), jnp.int32)
                for j in range(NW):
                    acc = acc + hl[j, pl.ds(v * 16, 16)]
                hist[pl.ds(v * 16, 16)] = acc
                return 0
            lax.fori_loop(0, nbins // 16, red, 0)

            def scan(v, carry):
                run, b, less = carry
                chunk = hist[pl.ds(v * 16, 16)]
                incl = run + plsc.cumsum(chunk)
                mlt = incl < target
                b = b + jnp.max(plsc.all_reduce_population_count(mlt))
                less = jnp.maximum(less, jnp.max(jnp.where(mlt, incl, 0)))
                run = jnp.max(incl)
                return run, b, less
            _, b, less = lax.fori_loop(0, nbins // 16, scan,
                                       (jnp.int32(0), jnp.int32(0), jnp.int32(0)))
            return b, less

        histo(0, None, None)

        @pl.when(w == 0)
        def _():
            b1, less1 = reduce_find(jnp.int32(M), 2048)
            misc[...] = jnp.where(lane == 0, b1, jnp.where(lane == 1, less1, 0))
            pltpu.sync_copy(misc, SCL)
        plsc.subcore_barrier()
        pltpu.sync_copy(SCL, misc)
        mv = misc[...]
        b1 = mv[0]
        less1 = mv[1]

        histo(1, b1, None)

        @pl.when(w == 0)
        def _():
            b2, less2 = reduce_find(jnp.int32(M) - less1, 2048)
            misc[...] = jnp.where(lane == 0, b2, jnp.where(lane == 1, less2, 0))
            pltpu.sync_copy(misc, SCL)
        plsc.subcore_barrier()
        pltpu.sync_copy(SCL, misc)
        mv = misc[...]
        b2 = mv[0]
        less2 = mv[1]

        histo(2, b1, b2)

        @pl.when(w == 0)
        def _():
            b3, less3 = reduce_find(jnp.int32(M) - less1 - less2, 1024)
            misc[...] = jnp.where(lane == 0, b3, jnp.where(lane == 1, less3, 0))
            pltpu.sync_copy(misc, SCL)
        plsc.subcore_barrier()
        pltpu.sync_copy(SCL, misc)
        mv = misc[...]
        b3 = mv[0]
        less3 = mv[1]
        cl = less1 + less2 + less3
        tstar = ((b1.astype(jnp.uint32) << 21) | (b2.astype(jnp.uint32) << 10)
                 | b3.astype(jnp.uint32))

        def cntit(v, carry):
            ns, nt = carry
            u = plsc.bitcast(kbuf[pl.ds(v * 16, 16)], jnp.uint32)
            ms = u < tstar
            mt = u == tstar
            ns = ns + jnp.max(plsc.all_reduce_population_count(ms))
            nt = nt + jnp.max(plsc.all_reduce_population_count(mt))
            return ns, nt
        ns, nt = lax.fori_loop(0, NV, cntit, (jnp.int32(0), jnp.int32(0)))
        misc[...] = jnp.where(lane == 0, ns, jnp.where(lane == 1, nt, 0))
        pltpu.sync_copy(misc, CNT.at[w])
        plsc.subcore_barrier()
        pltpu.sync_copy(CNT, cntl)

        sbase = jnp.int32(0)
        tbase = jnp.int32(0)
        for j in range(NW):
            row = cntl[j, pl.ds(0, 16)]
            take = (j < w).astype(jnp.int32)
            sbase = sbase + take * row[0]
            tbase = tbase + take * row[1]
        tbase = cl + tbase

        def comp(v, carry):
            rs, rt = carry
            u = plsc.bitcast(kbuf[pl.ds(v * 16, 16)], jnp.uint32)
            ms = u < tstar
            mt = u == tstar
            rks = plsc.cumsum(ms.astype(jnp.int32))
            rkt = plsc.cumsum(mt.astype(jnp.int32))
            pk = jnp.where(ms, sbase + rs + rks - 1, M + w)
            pf_raw = tbase + rt + rkt - 1
            pf = jnp.where(mt & (pf_raw < M), pf_raw, M + w)
            posK[pl.ds(v * 16, 16)] = pk
            posF[pl.ds(v * 16, 16)] = pf
            rs = rs + jnp.max(plsc.all_reduce_population_count(ms))
            rt = rt + jnp.max(plsc.all_reduce_population_count(mt))
            return rs, rt
        lax.fori_loop(0, NV, comp, (jnp.int32(0), jnp.int32(0)))
        pltpu.sync_copy(kbuf, SKEY.at[posK])
        pltpu.sync_copy(gbuf, SIDX.at[posK])
        pltpu.sync_copy(gbuf, FIDX.at[posF])
        plsc.subcore_barrier()

        CW = M // NW
        CV = CW // 16

        def digit_of(u, p):
            return ((u >> (8 * p)) & 0xFF).astype(jnp.int32)

        def sort_pass(p, nbins, src_k, src_v, dst_k, dst_v, last):
            pltpu.sync_copy(src_k.at[pl.ds(w * CW, CW)], ck)
            pltpu.sync_copy(src_v.at[pl.ds(w * CW, CW)], ci)
            lax.fori_loop(0, nbins // 16, zero_hist, 0)

            def count(v, _):
                u = plsc.bitcast(ck[pl.ds(v * 16, 16)], jnp.uint32)
                d = digit_of(u, p)
                plsc.addupdate_scatter(hist, [d], jnp.ones((16,), jnp.int32))
                return 0
            lax.fori_loop(0, CV, count, 0)
            pltpu.sync_copy(hist, H.at[w])
            plsc.subcore_barrier()

            pltpu.sync_copy(H, hl)

            def bases(v, run):
                sl = pl.ds(v * 16, 16)
                tot = jnp.zeros((16,), jnp.int32)
                pre = jnp.zeros((16,), jnp.int32)
                for j in range(NW):
                    t = hl[j, sl]
                    tot = tot + t
                    pre = pre + jnp.where(j < w, t, 0)
                inc = plsc.cumsum(tot)
                hist[sl] = run + inc - tot + pre
                return run + jnp.max(inc)
            lax.fori_loop(0, nbins // 16, bases, jnp.int32(0))

            def perm(v, _):
                u = plsc.bitcast(ck[pl.ds(v * 16, 16)], jnp.uint32)
                d = digit_of(u, p)
                base = plsc.load_gather(hist, [d])
                cnt, lastm = plsc.scan_count(d)
                pos = base + cnt - 1
                plsc.store_scatter(hist, [d], base + cnt, mask=lastm)
                if last:
                    pos = jnp.where(pos < cl, pos, M + w)
                posb[pl.ds(v * 16, 16)] = pos
                return 0
            lax.fori_loop(0, CV, perm, 0)
            if last:
                pltpu.sync_copy(ci, dst_v.at[posb])
            else:
                pltpu.sync_copy(ck, dst_k.at[posb])
                pltpu.sync_copy(ci, dst_v.at[posb])
            plsc.subcore_barrier()

        sort_pass(0, 256, SKEY, SIDX, TKEY, TIDX, False)
        sort_pass(1, 256, TKEY, TIDX, SKEY, SIDX, False)
        sort_pass(2, 256, SKEY, SIDX, TKEY, TIDX, False)
        sort_pass(3, 256, TKEY, TIDX, None, FIDX, True)

        @pl.when(w == 0)
        def _():
            pltpu.sync_copy(FIDX.at[pl.ds(0, M)], idx_hbm)


@functools.partial(
    pl.kernel, mesh=_mesh,
    compiler_params=pltpu.CompilerParams(needs_layout_passes=False),
    out_type=jax.ShapeDtypeStruct((M,), jnp.int32),
    scratch_types=[
        pltpu.VMEM((CH,), jnp.float32),
        pltpu.VMEM((CH,), jnp.int32),
        pltpu.VMEM((CH,), jnp.int32),
        pltpu.VMEM((CH,), jnp.int32),
        pltpu.VMEM((CH,), jnp.int32),
        pltpu.VMEM((2048,), jnp.int32),
        pltpu.VMEM((NW, 2048), jnp.int32),
        pltpu.VMEM((NW, 16), jnp.int32),
        pltpu.VMEM((16,), jnp.int32),
        pltpu.VMEM((M // NW,), jnp.int32),
        pltpu.VMEM((M // NW,), jnp.int32),
        pltpu.VMEM((M // NW,), jnp.int32),
        pltpu.VMEM_SHARED((NW, 2048), jnp.int32),
        pltpu.VMEM_SHARED((NW, 16), jnp.int32),
        pltpu.VMEM_SHARED((16,), jnp.int32),
        pltpu.VMEM_SHARED((M + 16,), jnp.int32),
        pltpu.VMEM_SHARED((M + 16,), jnp.int32),
        pltpu.VMEM_SHARED((M + 16,), jnp.int32),
        pltpu.VMEM_SHARED((M + 16,), jnp.int32),
        pltpu.VMEM_SHARED((M + 16,), jnp.int32),
    ],
)
def _select_topk(scores_hbm, idx_hbm, *refs):
    _sel_body(scores_hbm, idx_hbm, *refs)


def _gather_body(feat_hbm, coord_hbm, idx_hbm, outf_hbm, outc_hbm,
                 idxb, rows, cpos, crows, semf, semc):
    c = lax.axis_index("c")
    s = lax.axis_index("s")
    wid = s * 2 + c
    base = wid * RW
    lane = lax.iota(jnp.int32, 16)
    pltpu.sync_copy(idx_hbm.at[pl.ds(base, RW)], idxb)

    def posloop(v, _):
        j = v * 16 + lane
        rowidx = plsc.load_gather(idxb, [j >> 2])
        cpos[pl.ds(v * 16, 16)] = rowidx * 4 + (j & 3)
        return 0
    lax.fori_loop(0, RW * 4 // 16, posloop, 0)
    cp = pltpu.async_copy(coord_hbm.at[cpos], crows, semc)
    for ch in range(2):
        g = pltpu.async_copy(feat_hbm.at[idxb.at[pl.ds(ch * (RW // 2), RW // 2)]],
                             rows, semf)
        g.wait()
        pltpu.sync_copy(rows, outf_hbm.at[pl.ds(base + ch * (RW // 2), RW // 2)])
    cp.wait()
    pltpu.sync_copy(crows, outc_hbm.at[pl.ds(base * 4, RW * 4)])


@functools.partial(
    pl.kernel, mesh=_mesh,
    compiler_params=pltpu.CompilerParams(needs_layout_passes=False),
    out_type=[jax.ShapeDtypeStruct((M, 512), jnp.float32),
              jax.ShapeDtypeStruct((M * 4,), jnp.float32)],
    scratch_types=[
        pltpu.VMEM((RW,), jnp.int32),
        pltpu.VMEM((RW // 2, 512), jnp.float32),
        pltpu.VMEM((RW * 4,), jnp.int32),
        pltpu.VMEM((RW * 4,), jnp.float32),
        pltpu.SemaphoreType.DMA,
        pltpu.SemaphoreType.DMA,
    ],
)
def _gather_rows(feat_hbm, coord_hbm, idx_hbm, outf_hbm, outc_hbm, *refs):
    _gather_body(feat_hbm, coord_hbm, idx_hbm, outf_hbm, outc_hbm, *refs)


def kernel(feat_list, coord_list, W1, b1, W2, b2):
    B, n, d = feat_list.shape
    feat = feat_list[0]
    coord = coord_list[0]
    h = jnp.concatenate([feat, coord], axis=-1) @ W1 + b1
    h = jnp.maximum(h, 0.0)
    scores = (h @ W2 + b2)[:, 0]
    idx = _select_topk(scores)
    coord4 = jnp.pad(coord, ((0, 0), (0, 1))).reshape(-1)
    feats, coords4 = _gather_rows(feat, coord4, idx)
    return feats[None], coords4.reshape(M, 4)[:, :3][None]

# --- scband reference (transcript-rebuilt; emitter-appended) ---
"""Pipeline reference for scband-point-prefilter-12816182411310 (READ-ONLY COPY).

The authoritative reference and input builder live on the scoring server;
editing this copy changes nothing except your own understanding.
"""

import jax, jax.numpy as jnp
import numpy as np

NUM_CANDIDATES = 8192

def setup_inputs(seed: int = 0) -> dict:
    key = jax.random.key(seed)
    k1, k2, k3, k4 = jax.random.split(key, 4)
    B, N, D = 1, 65536, 512
    feat_list = jax.random.normal(k1, (B, N, D), dtype=jnp.float32)
    coord_list = jax.random.normal(k2, (B, N, 3), dtype=jnp.float32)
    # score_mlp params: Linear(D+3 -> D), ReLU, Linear(D -> 1)
    W1 = jax.random.normal(k3, (D + 3, D), dtype=jnp.float32) / np.sqrt(D + 3)
    b1 = jnp.zeros((D,), dtype=jnp.float32)
    W2 = jax.random.normal(k4, (D, 1), dtype=jnp.float32) / np.sqrt(D)
    b2 = jnp.zeros((1,), dtype=jnp.float32)
    return {"feat_list": feat_list, "coord_list": coord_list,
            "W1": W1, "b1": b1, "W2": W2, "b2": b2}

def reference(feat_list, coord_list, W1, b1, W2, b2):
    # PointPrefilter forward, mode='surface':
    # for each cloud: score = MLP(cat([feat, coord])); idx = topk(score, M); gather.
    B = feat_list.shape[0]
    M = min(NUM_CANDIDATES, feat_list.shape[1])
    feats = []
    coords = []
    for i in range(B):
        feat = feat_list[i]   # (N, D)
        coord = coord_list[i]  # (N, 3)
        h = jnp.concatenate([feat, coord], axis=-1) @ W1 + b1
        h = jnp.maximum(h, 0.0)
        score = (h @ W2 + b2)[:, 0]  # (N,)
        _, idx = jax.lax.top_k(score, M)  # largest=True
        feats.append(jnp.take(feat, idx, axis=0))
        coords.append(jnp.take(coord, idx, axis=0))
    return (jnp.stack(feats, axis=0), jnp.stack(coords, axis=0))

if __name__ == "__main__":
    import jax
    _d = setup_inputs()
    print(jax.jit(kernel)(*tuple(_d.values())))

</pallas_src>

<mosaic_0001>
#map = affine_map<(d0, d1) -> (0)>
module attributes {stable_mosaic.version = 14 : i64} {
  func.func @_select_topk(%arg0: i32, %arg1: i32, %arg2: memref<65536xf32, #tpu.memory_space<hbm>>, %arg3: memref<8192xi32, #tpu.memory_space<hbm>>, %arg4: memref<4096xf32, #tpu.memory_space<vmem>>, %arg5: memref<4096xi32, #tpu.memory_space<vmem>>, %arg6: memref<4096xi32, #tpu.memory_space<vmem>>, %arg7: memref<4096xi32, #tpu.memory_space<vmem>>, %arg8: memref<4096xi32, #tpu.memory_space<vmem>>, %arg9: memref<2048xi32, #tpu.memory_space<vmem>>, %arg10: memref<16x2048xi32, #tpu.memory_space<vmem>>, %arg11: memref<16x16xi32, #tpu.memory_space<vmem>>, %arg12: memref<16xi32, #tpu.memory_space<vmem>>, %arg13: memref<512xi32, #tpu.memory_space<vmem>>, %arg14: memref<512xi32, #tpu.memory_space<vmem>>, %arg15: memref<512xi32, #tpu.memory_space<vmem>>, %arg16: memref<16x2048xi32, #tpu.memory_space<vmem_shared>>, %arg17: memref<16x16xi32, #tpu.memory_space<vmem_shared>>, %arg18: memref<16xi32, #tpu.memory_space<vmem_shared>>, %arg19: memref<8208xi32, #tpu.memory_space<vmem_shared>>, %arg20: memref<8208xi32, #tpu.memory_space<vmem_shared>>, %arg21: memref<8208xi32, #tpu.memory_space<vmem_shared>>, %arg22: memref<8208xi32, #tpu.memory_space<vmem_shared>>, %arg23: memref<8208xi32, #tpu.memory_space<vmem_shared>>) attributes {dimension_semantics = [#tpu.dimension_semantics<core_parallel>, #tpu.dimension_semantics<subcore_parallel>], iteration_bounds = array<i64: 2, 16>, scalar_prefetch = 0 : i64, scratch_operands = 20 : i64, tpu.core_type = #tpu.core_type<sc_vector_subcore>, window_params = [{transform_indices = #map}, {transform_indices = #map}]} {
    %eq3A = arith.constant 0 : i32
    %eq3A_0 = arith.cmpi eq, %arg0, %eq3A : i32
    %convert_element_type3A = arith.extui %eq3A_0 : i1 to i32
    %cond3A = arith.constant 0 : i32
    %cond3A_1 = arith.cmpi ne, %convert_element_type3A, %cond3A : i32
    scf.if %cond3A_1 {
      %iota3A = tpu.iota {dimensions = array<i32: 0>} : vector<16xi32>
      %mul3A = arith.constant 4096 : i32
      %mul3A_2 = arith.muli %arg1, %mul3A : i32
      "tpu.region"() ({
        %run_scoped3A = tpu.sem_alloc : memref<!tpu.dma_semaphore, #tpu.memory_space<semaphore_mem>>
        %dma_start3A = tpu.memref_slice %arg2[%mul3A_2] : memref<65536xf32, #tpu.memory_space<hbm>> -> memref<4096xf32, #tpu.memory_space<hbm>>
        %dma_start3A_518 = tpu.memref_slice %arg2[%mul3A_2] : memref<65536xf32, #tpu.memory_space<hbm>> -> memref<4096xf32, #tpu.memory_space<hbm>>
        tpu.enqueue_dma source(%dma_start3A_518 : memref<4096xf32, #tpu.memory_space<hbm>>) target(%arg4 : memref<4096xf32, #tpu.memory_space<vmem>>) target_semaphore(%run_scoped3A : memref<!tpu.dma_semaphore, #tpu.memory_space<semaphore_mem>>)
        %dma_wait3A = tpu.memref_slice %arg2[%mul3A_2] : memref<65536xf32, #tpu.memory_space<hbm>> -> memref<4096xf32, #tpu.memory_space<hbm>>
        %dma_wait3A_519 = tpu.memref_slice %arg2[%mul3A_2] : memref<65536xf32, #tpu.memory_space<hbm>> -> memref<4096xf32, #tpu.memory_space<hbm>>
        tpu.wait_dma2 semaphore(%run_scoped3A : memref<!tpu.dma_semaphore, #tpu.memory_space<semaphore_mem>>) src(%dma_wait3A_519 : memref<4096xf32, #tpu.memory_space<hbm>>) dst(%arg4 : memref<4096xf32, #tpu.memory_space<vmem>>)
        tpu.yield
      }) : () -> ()
      %scan3A = arith.constant 0 : i32
      %scan3A_3 = arith.constant 0 : i32
      %scan3A_4 = arith.constant 256 : i32
      %scan3A_5 = arith.addi %scan3A_3, %scan3A_4 : i32
      %scan3A_6 = arith.constant 1 : i32
      %scan3A_7 = scf.for %scan3A_518 = %scan3A_3 to %scan3A_5 step %scan3A_6 iter_args(%scan3A_519 = %scan3A) -> (i32)  : i32 {
        %mul3A_520 = arith.constant 16 : i32
        %mul3A_521 = arith.muli %scan3A_518, %mul3A_520 : i32
        %get3A_522 = arith.index_cast %mul3A_521 : i32 to index
        %get3A_523 = tpu.vector_load %arg4[%get3A_522] {strides = array<i32>} : memref<4096xf32, #tpu.memory_space<vmem>>, vector<16xf32>,
        %bitcast3A = vector.bitcast %get3A_523 : vector<16xf32> to vector<16xi32>
        %ge3A = arith.constant 0.000000e+00 : f32
        %ge3A_524 = vector.broadcast %ge3A : f32 to vector<16xf32>
        %ge3A_525 = arith.cmpf oge, %get3A_523, %ge3A_524 : vector<16xf32>
        %add3A_526 = arith.constant -2147483648 : i32
        %add3A_527 = vector.broadcast %add3A_526 : i32 to vector<16xi32>
        %add3A_528 = arith.addi %bitcast3A, %add3A_527 : vector<16xi32>
        %not3A = arith.constant dense<-1> : vector<16xi32>
        %not3A_529 = arith.xori %bitcast3A, %not3A : vector<16xi32>
        %select_n3A_530 = arith.select %ge3A_525, %add3A_528, %not3A_529 : vector<16xi1>, vector<16xi32>
        %not3A_531 = arith.constant dense<-1> : vector<16xi32>
        %not3A_532 = arith.xori %select_n3A_530, %not3A_531 : vector<16xi32>
        %bitcast3A_533 = vector.bitcast %not3A_532 : vector<16xi32> to vector<16xi32>
        %mul3A_534 = arith.constant 16 : i32
        %mul3A_535 = arith.muli %scan3A_518, %mul3A_534 : i32
        %swap3A_536 = arith.index_cast %mul3A_535 : i32 to index
        %swap3A_537 = tpu.vector_load %arg5[%swap3A_536] {strides = array<i32>} : memref<4096xi32, #tpu.memory_space<vmem>>, vector<16xi32>,
        tpu.vector_store %arg5[%swap3A_536], %bitcast3A_533 {strides = array<i32>} : memref<4096xi32, #tpu.memory_space<vmem>>, vector<16xi32>,
        %scan3A_538 = arith.constant 0 : i32
        scf.yield %scan3A_538 : i32
      }
      %scan3A_8 = arith.constant 256 : i32
      %scan3A_9 = arith.constant 0 : i32
      %scan3A_10 = arith.constant 0 : i32
      %scan3A_11 = arith.constant 256 : i32
      %scan3A_12 = arith.addi %scan3A_10, %scan3A_11 : i32
      %scan3A_13 = arith.constant 1 : i32
      %scan3A_14 = scf.for %scan3A_518 = %scan3A_10 to %scan3A_12 step %scan3A_13 iter_args(%scan3A_519 = %scan3A_9) -> (i32)  : i32 {
        %mul3A_520 = arith.constant 4096 : i32
        %mul3A_521 = arith.muli %arg1, %mul3A_520 : i32
        %mul3A_522 = arith.constant 16 : i32
        %mul3A_523 = arith.muli %scan3A_518, %mul3A_522 : i32
        %add3A_524 = arith.addi %mul3A_521, %mul3A_523 : i32
        %add3A_525 = vector.broadcast %add3A_524 : i32 to vector<16xi32>
        %add3A_526 = arith.addi %add3A_525, %iota3A : vector<16xi32>
        %mul3A_527 = arith.constant 16 : i32
        %mul3A_528 = arith.muli %scan3A_518, %mul3A_527 : i32
        %swap3A_529 = arith.index_cast %mul3A_528 : i32 to index
        %swap3A_530 = tpu.vector_load %arg6[%swap3A_529] {strides = array<i32>} : memref<4096xi32, #tpu.memory_space<vmem>>, vector<16xi32>,
        tpu.vector_store %arg6[%swap3A_529], %add3A_526 {strides = array<i32>} : memref<4096xi32, #tpu.memory_space<vmem>>, vector<16xi32>,
        %scan3A_531 = arith.constant 0 : i32
        scf.yield %scan3A_531 : i32
      }
      %scan3A_15 = arith.constant 256 : i32
      %scan3A_16 = arith.constant 0 : i32
      %scan3A_17 = arith.constant 0 : i32
      %scan3A_18 = arith.constant 32 : i32
      %scan3A_19 = arith.addi %scan3A_17, %scan3A_18 : i32
      %scan3A_20 = arith.constant 1 : i32
      %scan3A_21 = scf.for %scan3A_518 = %scan3A_17 to %scan3A_19 step %scan3A_20 iter_args(%scan3A_519 = %scan3A_16) -> (i32)  : i32 {
        %broadcast_in_dim3A_520 = arith.constant -1 : i32
        %broadcast_in_dim3A_521 = vector.broadcast %broadcast_in_dim3A_520 : i32 to vector<16xi32>
        %mul3A_522 = arith.constant 16 : i32
        %mul3A_523 = arith.muli %scan3A_518, %mul3A_522 : i32
        %swap3A_524 = arith.index_cast %mul3A_523 : i32 to index
        %swap3A_525 = tpu.vector_load %arg13[%swap3A_524] {strides = array<i32>} : memref<512xi32, #tpu.memory_space<vmem>>, vector<16xi32>,
        tpu.vector_store %arg13[%swap3A_524], %broadcast_in_dim3A_521 {strides = array<i32>} : memref<512xi32, #tpu.memory_space<vmem>>, vector<16xi32>,
        %scan3A_526 = arith.constant 0 : i32
        scf.yield %scan3A_526 : i32
      }
      %scan3A_22 = arith.constant 32 : i32
      %mul3A_23 = arith.constant 512 : i32
      %mul3A_24 = arith.muli %arg1, %mul3A_23 : i32
      "tpu.region"() ({
        %run_scoped3A = tpu.sem_alloc : memref<!tpu.dma_semaphore, #tpu.memory_space<semaphore_mem>>
        %dma_start3A = tpu.memref_slice %arg19[%mul3A_24] : memref<8208xi32, #tpu.memory_space<vmem_shared>> -> memref<512xi32, #tpu.memory_space<vmem_shared>>
        %dma_start3A_518 = tpu.memref_slice %arg19[%mul3A_24] : memref<8208xi32, #tpu.memory_space<vmem_shared>> -> memref<512xi32, #tpu.memory_space<vmem_shared>>
        tpu.enqueue_dma source(%arg13 : memref<512xi32, #tpu.memory_space<vmem>>) target(%dma_start3A_518 : memref<512xi32, #tpu.memory_space<vmem_shared>>) target_semaphore(%run_scoped3A : memref<!tpu.dma_semaphore, #tpu.memory_space<semaphore_mem>>)
        %dma_wait3A = tpu.memref_slice %arg19[%mul3A_24] : memref<8208xi32, #tpu.memory_space<vmem_shared>> -> memref<512xi32, #tpu.memory_space<vmem_shared>>
        %dma_wait3A_519 = tpu.memref_slice %arg19[%mul3A_24] : memref<8208xi32, #tpu.memory_space<vmem_shared>> -> memref<512xi32, #tpu.memory_space<vmem_shared>>
        tpu.wait_dma2 semaphore(%run_scoped3A : memref<!tpu.dma_semaphore, #tpu.memory_space<semaphore_mem>>) src(%arg13 : memref<512xi32, #tpu.memory_space<vmem>>) dst(%dma_wait3A_519 : memref<512xi32, #tpu.memory_space<vmem_shared>>)
        tpu.yield
      }) : () -> ()
      %scan3A_25 = arith.constant 0 : i32
      %scan3A_26 = arith.constant 0 : i32
      %scan3A_27 = arith.constant 128 : i32
      %scan3A_28 = arith.addi %scan3A_26, %scan3A_27 : i32
      %scan3A_29 = arith.constant 1 : i32
      %scan3A_30 = scf.for %scan3A_518 = %scan3A_26 to %scan3A_28 step %scan3A_29 iter_args(%scan3A_519 = %scan3A_25) -> (i32)  : i32 {
        %broadcast_in_dim3A_520 = arith.constant 0 : i32
        %broadcast_in_dim3A_521 = vector.broadcast %broadcast_in_dim3A_520 : i32 to vector<16xi32>
        %mul3A_522 = arith.constant 16 : i32
        %mul3A_523 = arith.muli %scan3A_518, %mul3A_522 : i32
        %swap3A_524 = arith.index_cast %mul3A_523 : i32 to index
        %swap3A_525 = tpu.vector_load %arg9[%swap3A_524] {strides = array<i32>} : memref<2048xi32, #tpu.memory_space<vmem>>, vector<16xi32>,
        tpu.vector_store %arg9[%swap3A_524], %broadcast_in_dim3A_521 {strides = array<i32>} : memref<2048xi32, #tpu.memory_space<vmem>>, vector<16xi32>,
        %scan3A_526 = arith.constant 0 : i32
        scf.yield %scan3A_526 : i32
      }
      %scan3A_31 = arith.constant 128 : i32
      %scan3A_32 = arith.constant 0 : i32
      %scan3A_33 = arith.constant 0 : i32
      %scan3A_34 = arith.constant 256 : i32
      %scan3A_35 = arith.addi %scan3A_33, %scan3A_34 : i32
      %scan3A_36 = arith.constant 1 : i32
      %scan3A_37 = scf.for %scan3A_518 = %scan3A_33 to %scan3A_35 step %scan3A_36 iter_args(%scan3A_519 = %scan3A_32) -> (i32)  : i32 {
        %mul3A_520 = arith.constant 16 : i32
        %mul3A_521 = arith.muli %scan3A_518, %mul3A_520 : i32
        %get3A_522 = arith.index_cast %mul3A_521 : i32 to index
        %get3A_523 = tpu.vector_load %arg5[%get3A_522] {strides = array<i32>} : memref<4096xi32, #tpu.memory_space<vmem>>, vector<16xi32>,
        %bitcast3A = vector.bitcast %get3A_523 : vector<16xi32> to vector<16xi32>
        %shift_right_logical3A = arith.constant 21 : i32
        %shift_right_logical3A_524 = vector.broadcast %shift_right_logical3A : i32 to vector<16xi32>
        %shift_right_logical3A_525 = arith.shrui %bitcast3A, %shift_right_logical3A_524 : vector<16xi32>
        %broadcast_in_dim3A_526 = arith.constant 1 : i32
        %broadcast_in_dim3A_527 = vector.broadcast %broadcast_in_dim3A_526 : i32 to vector<16xi32>
        tpu.vector_store_idx %arg9[%shift_right_logical3A_525], %broadcast_in_dim3A_527 {add = true} : memref<2048xi32, #tpu.memory_space<vmem>>[vector<16xi32>], vector<16xi32>,
        %scan3A_528 = arith.constant 0 : i32
        scf.yield %scan3A_528 : i32
      }
      %scan3A_38 = arith.constant 256 : i32
      "tpu.region"() ({
        %run_scoped3A = tpu.sem_alloc : memref<!tpu.dma_semaphore, #tpu.memory_space<semaphore_mem>>
        %dma_start3A = arith.constant 0 : i32
        %dma_start3A_518 = tpu.memref_slice %arg16[%arg1, %dma_start3A] : memref<16x2048xi32, #tpu.memory_space<vmem_shared>> -> memref<1x2048xi32, #tpu.memory_space<vmem_shared>>
        %dma_start3A_519 = tpu.memref_squeeze %dma_start3A_518 : memref<1x2048xi32, #tpu.memory_space<vmem_shared>> -> memref<2048xi32, #tpu.memory_space<vmem_shared>>
        %dma_start3A_520 = arith.constant 0 : i32
        %dma_start3A_521 = tpu.memref_slice %arg16[%arg1, %dma_start3A_520] : memref<16x2048xi32, #tpu.memory_space<vmem_shared>> -> memref<1x2048xi32, #tpu.memory_space<vmem_shared>>
        %dma_start3A_522 = tpu.memref_squeeze %dma_start3A_521 : memref<1x2048xi32, #tpu.memory_space<vmem_shared>> -> memref<2048xi32, #tpu.memory_space<vmem_shared>>
        tpu.enqueue_dma source(%arg9 : memref<2048xi32, #tpu.memory_space<vmem>>) target(%dma_start3A_522 : memref<2048xi32, #tpu.memory_space<vmem_shared>>) target_semaphore(%run_scoped3A : memref<!tpu.dma_semaphore, #tpu.memory_space<semaphore_mem>>)
        %dma_wait3A = arith.constant 0 : i32
        %dma_wait3A_523 = tpu.memref_slice %arg16[%arg1, %dma_wait3A] : memref<16x2048xi32, #tpu.memory_space<vmem_shared>> -> memref<1x2048xi32, #tpu.memory_space<vmem_shared>>
        %dma_wait3A_524 = tpu.memref_squeeze %dma_wait3A_523 : memref<1x2048xi32, #tpu.memory_space<vmem_shared>> -> memref<2048xi32, #tpu.memory_space<vmem_shared>>
        %dma_wait3A_525 = arith.constant 0 : i32
        %dma_wait3A_526 = tpu.memref_slice %arg16[%arg1, %dma_wait3A_525] : memref<16x2048xi32, #tpu.memory_space<vmem_shared>> -> memref<1x2048xi32, #tpu.memory_space<vmem_shared>>
        %dma_wait3A_527 = tpu.memref_squeeze %dma_wait3A_526 : memref<1x2048xi32, #tpu.memory_space<vmem_shared>> -> memref<2048xi32, #tpu.memory_space<vmem_shared>>
        tpu.wait_dma2 semaphore(%run_scoped3A : memref<!tpu.dma_semaphore, #tpu.memory_space<semaphore_mem>>) src(%arg9 : memref<2048xi32, #tpu.memory_space<vmem>>) dst(%dma_wait3A_527 : memref<2048xi32, #tpu.memory_space<vmem_shared>>)
        tpu.yield
      }) : () -> ()
      %barrier3A = arith.constant 0 : index
      tpu.barrier barrier_id(%barrier3A)
      %eq3A_39 = arith.constant 0 : i32
      %eq3A_40 = arith.cmpi eq, %arg1, %eq3A_39 : i32
      %convert_element_type3A_41 = arith.extui %eq3A_40 : i1 to i32
      %cond3A_42 = arith.constant 0 : i32
      %cond3A_43 = arith.cmpi ne, %convert_element_type3A_41, %cond3A_42 : i32
      scf.if %cond3A_43 {
        "tpu.region"() ({
          %run_scoped3A = tpu.sem_alloc : memref<!tpu.dma_semaphore, #tpu.memory_space<semaphore_mem>>
          tpu.enqueue_dma source(%arg16 : memref<16x2048xi32, #tpu.memory_space<vmem_shared>>) target(%arg10 : memref<16x2048xi32, #tpu.memory_space<vmem>>) target_semaphore(%run_scoped3A : memref<!tpu.dma_semaphore, #tpu.memory_space<semaphore_mem>>)
          tpu.wait_dma2 semaphore(%run_scoped3A : memref<!tpu.dma_semaphore, #tpu.memory_space<semaphore_mem>>) src(%arg16 : memref<16x2048xi32, #tpu.memory_space<vmem_shared>>) dst(%arg10 : memref<16x2048xi32, #tpu.memory_space<vmem>>)
          tpu.yield
        }) : () -> ()
        %scan3A_518 = arith.constant 0 : i32
        %scan3A_519 = arith.constant 0 : i32
        %scan3A_520 = arith.constant 128 : i32
        %scan3A_521 = arith.addi %scan3A_519, %scan3A_520 : i32
        %scan3A_522 = arith.constant 1 : i32
        %scan3A_523 = scf.for %scan3A_549 = %scan3A_519 to %scan3A_521 step %scan3A_522 iter_args(%scan3A_550 = %scan3A_518) -> (i32)  : i32 {
          %broadcast_in_dim3A_551 = arith.constant 0 : i32
          %broadcast_in_dim3A_552 = vector.broadcast %broadcast_in_dim3A_551 : i32 to vector<16xi32>
          %mul3A_553 = arith.constant 16 : i32
          %mul3A_554 = arith.muli %scan3A_549, %mul3A_553 : i32
          %get3A_555 = arith.constant 0 : i32
          %get3A_556 = arith.index_cast %get3A_555 : i32 to index
          %get3A_557 = arith.index_cast %mul3A_554 : i32 to index
          %get3A_558 = tpu.vector_load %arg10[%get3A_556, %get3A_557] {strides = array<i32>} : memref<16x2048xi32, #tpu.memory_space<vmem>>, vector<16xi32>,
          %add3A_559 = arith.addi %broadcast_in_dim3A_552, %get3A_558 : vector<16xi32>
          %mul3A_560 = arith.constant 16 : i32
          %mul3A_561 = arith.muli %scan3A_549, %mul3A_560 : i32
          %get3A_562 = arith.constant 1 : i32
          %get3A_563 = arith.index_cast %get3A_562 : i32 to index
          %get3A_564 = arith.index_cast %mul3A_561 : i32 to index
          %get3A_565 = tpu.vector_load %arg10[%get3A_563, %get3A_564] {strides = array<i32>} : memref<16x2048xi32, #tpu.memory_space<vmem>>, vector<16xi32>,
          %add3A_566 = arith.addi %add3A_559, %get3A_565 : vector<16xi32>
          %mul3A_567 = arith.constant 16 : i32
          %mul3A_568 = arith.muli %scan3A_549, %mul3A_567 : i32
          %get3A_569 = arith.constant 2 : i32
          %get3A_570 = arith.index_cast %get3A_569 : i32 to index
          %get3A_571 = arith.index_cast %mul3A_568 : i32 to index
          %get3A_572 = tpu.vector_load %arg10[%get3A_570, %get3A_571] {strides = array<i32>} : memref<16x2048xi32, #tpu.memory_space<vmem>>, vector<16xi32>,
          %add3A_573 = arith.addi %add3A_566, %get3A_572 : vector<16xi32>
          %mul3A_574 = arith.constant 16 : i32
          %mul3A_575 = arith.muli %scan3A_549, %mul3A_574 : i32
          %get3A_576 = arith.constant 3 : i32
          %get3A_577 = arith.index_cast %get3A_576 : i32 to index
          %get3A_578 = arith.index_cast %mul3A_575 : i32 to index
          %get3A_579 = tpu.vector_load %arg10[%get3A_577, %get3A_578] {strides = array<i32>} : memref<16x2048xi32, #tpu.memory_space<vmem>>, vector<16xi32>,
          %add3A_580 = arith.addi %add3A_573, %get3A_579 : vector<16xi32>
          %mul3A_581 = arith.constant 16 : i32
          %mul3A_582 = arith.muli %scan3A_549, %mul3A_581 : i32
          %get3A_583 = arith.constant 4 : i32
          %get3A_584 = arith.index_cast %get3A_583 : i32 to index
          %get3A_585 = arith.index_cast %mul3A_582 : i32 to index
          %get3A_586 = tpu.vector_load %arg10[%get3A_584, %get3A_585] {strides = array<i32>} : memref<16x2048xi32, #tpu.memory_space<vmem>>, vector<16xi32>,
          %add3A_587 = arith.addi %add3A_580, %get3A_586 : vector<16xi32>
          %mul3A_588 = arith.constant 16 : i32
          %mul3A_589 = arith.muli %scan3A_549, %mul3A_588 : i32
          %get3A_590 = arith.constant 5 : i32
          %get3A_591 = arith.index_cast %get3A_590 : i32 to index
          %get3A_592 = arith.index_cast %mul3A_589 : i32 to index
          %get3A_593 = tpu.vector_load %arg10[%get3A_591, %get3A_592] {strides = array<i32>} : memref<16x2048xi32, #tpu.memory_space<vmem>>, vector<16xi32>,
          %add3A_594 = arith.addi %add3A_587, %get3A_593 : vector<16xi32>
          %mul3A_595 = arith.constant 16 : i32
          %mul3A_596 = arith.muli %scan3A_549, %mul3A_595 : i32
          %get3A_597 = arith.constant 6 : i32
          %get3A_598 = arith.index_cast %get3A_597 : i32 to index
          %get3A_599 = arith.index_cast %mul3A_596 : i32 to index
          %get3A_600 = tpu.vector_load %arg10[%get3A_598, %get3A_599] {strides = array<i32>} : memref<16x2048xi32, #tpu.memory_space<vmem>>, vector<16xi32>,
          %add3A_601 = arith.addi %add3A_594, %get3A_600 : vector<16xi32>
          %mul3A_602 = arith.constant 16 : i32
          %mul3A_603 = arith.muli %scan3A_549, %mul3A_602 : i32
          %get3A_604 = arith.constant 7 : i32
          %get3A_605 = arith.index_cast %get3A_604 : i32 to index
          %get3A_606 = arith.index_cast %mul3A_603 : i32 to index
          %get3A_607 = tpu.vector_load %arg10[%get3A_605, %get3A_606] {strides = array<i32>} : memref<16x2048xi32, #tpu.memory_space<vmem>>, vector<16xi32>,
          %add3A_608 = arith.addi %add3A_601, %get3A_607 : vector<16xi32>
          %mul3A_609 = arith.constant 16 : i32
          %mul3A_610 = arith.muli %scan3A_549, %mul3A_609 : i32
          %get3A_611 = arith.constant 8 : i32
          %get3A_612 = arith.index_cast %get3A_611 : i32 to index
          %get3A_613 = arith.index_cast %mul3A_610 : i32 to index
          %get3A_614 = tpu.vector_load %arg10[%get3A_612, %get3A_613] {strides = array<i32>} : memref<16x2048xi32, #tpu.memory_space<vmem>>, vector<16xi32>,
          %add3A_615 = arith.addi %add3A_608, %get3A_614 : vector<16xi32>
          %mul3A_616 = arith.constant 16 : i32
          %mul3A_617 = arith.muli %scan3A_549, %mul3A_616 : i32
          %get3A_618 = arith.constant 9 : i32
          %get3A_619 = arith.index_cast %get3A_618 : i32 to index
          %get3A_620 = arith.index_cast %mul3A_617 : i32 to index
          %get3A_621 = tpu.vector_load %arg10[%get3A_619, %get3A_620] {strides = array<i32>} : memref<16x2048xi32, #tpu.memory_space<vmem>>, vector<16xi32>,
          %add3A_622 = arith.addi %add3A_615, %get3A_621 : vector<16xi32>
          %mul3A_623 = arith.constant 16 : i32
          %mul3A_624 = arith.muli %scan3A_549, %mul3A_623 : i32
          %get3A_625 = arith.constant 10 : i32
          %get3A_626 = arith.index_cast %get3A_625 : i32 to index
          %get3A_627 = arith.index_cast %mul3A_624 : i32 to index
          %get3A_628 = tpu.vector_load %arg10[%get3A_626, %get3A_627] {strides = array<i32>} : memref<16x2048xi32, #tpu.memory_space<vmem>>, vector<16xi32>,
          %add3A_629 = arith.addi %add3A_622, %get3A_628 : vector<16xi32>
          %mul3A_630 = arith.constant 16 : i32
          %mul3A_631 = arith.muli %scan3A_549, %mul3A_630 : i32
          %get3A_632 = arith.constant 11 : i32
          %get3A_633 = arith.index_cast %get3A_632 : i32 to index
          %get3A_634 = arith.index_cast %mul3A_631 : i32 to index
          %get3A_635 = tpu.vector_load %arg10[%get3A_633, %get3A_634] {strides = array<i32>} : memref<16x2048xi32, #tpu.memory_space<vmem>>, vector<16xi32>,
          %add3A_636 = arith.addi %add3A_629, %get3A_635 : vector<16xi32>
          %mul3A_637 = arith.constant 16 : i32
          %mul3A_638 = arith.muli %scan3A_549, %mul3A_637 : i32
          %get3A_639 = arith.constant 12 : i32
          %get3A_640 = arith.index_cast %get3A_639 : i32 to index
          %get3A_641 = arith.index_cast %mul3A_638 : i32 to index
          %get3A_642 = tpu.vector_load %arg10[%get3A_640, %get3A_641] {strides = array<i32>} : memref<16x2048xi32, #tpu.memory_space<vmem>>, vector<16xi32>,
          %add3A_643 = arith.addi %add3A_636, %get3A_642 : vector<16xi32>
          %mul3A_644 = arith.constant 16 : i32
          %mul3A_645 = arith.muli %scan3A_549, %mul3A_644 : i32
          %get3A_646 = arith.constant 13 : i32
          %get3A_647 = arith.index_cast %get3A_646 : i32 to index
          %get3A_648 = arith.index_cast %mul3A_645 : i32 to index
          %get3A_649 = tpu.vector_load %arg10[%get3A_647, %get3A_648] {strides = array<i32>} : memref<16x2048xi32, #tpu.memory_space<vmem>>, vector<16xi32>,
          %add3A_650 = arith.addi %add3A_643, %get3A_649 : vector<16xi32>
          %mul3A_651 = arith.constant 16 : i32
          %mul3A_652 = arith.muli %scan3A_549, %mul3A_651 : i32
          %get3A_653 = arith.constant 14 : i32
          %get3A_654 = arith.index_cast %get3A_653 : i32 to index
          %get3A_655 = arith.index_cast %mul3A_652 : i32 to index
          %get3A_656 = tpu.vector_load %arg10[%get3A_654, %get3A_655] {strides = array<i32>} : memref<16x2048xi32, #tpu.memory_space<vmem>>, vector<16xi32>,
          %add3A_657 = arith.addi %add3A_650, %get3A_656 : vector<16xi32>
          %mul3A_658 = arith.constant 16 : i32
          %mul3A_659 = arith.muli %scan3A_549, %mul3A_658 : i32
          %get3A_660 = arith.constant 15 : i32
          %get3A_661 = arith.index_cast %get3A_660 : i32 to index
          %get3A_662 = arith.index_cast %mul3A_659 : i32 to index
          %get3A_663 = tpu.vector_load %arg10[%get3A_661, %get3A_662] {strides = array<i32>} : memref<16x2048xi32, #tpu.memory_space<vmem>>, vector<16xi32>,
          %add3A_664 = arith.addi %add3A_657, %get3A_663 : vector<16xi32>
          %mul3A_665 = arith.constant 16 : i32
          %mul3A_666 = arith.muli %scan3A_549, %mul3A_665 : i32
          %swap3A_667 = arith.index_cast %mul3A_666 : i32 to index
          %swap3A_668 = tpu.vector_load %arg9[%swap3A_667] {strides = array<i32>} : memref<2048xi32, #tpu.memory_space<vmem>>, vector<16xi32>,
          tpu.vector_store %arg9[%swap3A_667], %add3A_664 {strides = array<i32>} : memref<2048xi32, #tpu.memory_space<vmem>>, vector<16xi32>,
          %scan3A_669 = arith.constant 0 : i32
          scf.yield %scan3A_669 : i32
        }
        %scan3A_524 = arith.constant 128 : i32
        %scan3A_525 = arith.constant 8192 : i32
        %scan3A_526 = arith.constant 0 : i32
        %scan3A_527 = arith.constant 0 : i32
        %scan3A_528 = arith.constant 0 : i32
        %scan3A_529 = arith.constant 0 : i32
        %scan3A_530 = arith.constant 128 : i32
        %scan3A_531 = arith.addi %scan3A_529, %scan3A_530 : i32
        %scan3A_532 = arith.constant 1 : i32
        %scan3A_533:3 = scf.for %scan3A_549 = %scan3A_529 to %scan3A_531 step %scan3A_532 iter_args(%scan3A_550 = %scan3A_526, %scan3A_551 = %scan3A_527, %scan3A_552 = %scan3A_528) -> (i32, i32, i32)  : i32 {
          %mul3A_553 = arith.constant 16 : i32
          %mul3A_554 = arith.muli %scan3A_549, %mul3A_553 : i32
          %get3A_555 = arith.index_cast %mul3A_554 : i32 to index
          %get3A_556 = tpu.vector_load %arg9[%get3A_555] {strides = array<i32>} : memref<2048xi32, #tpu.memory_space<vmem>>, vector<16xi32>,
          %broadcast_in_dim3A_557 = arith.constant true
          %broadcast_in_dim3A_558 = vector.broadcast %broadcast_in_dim3A_557 : i1 to vector<16xi1>
          %masked_cumsum3A = tpu.scan <sum>, %get3A_556 masked %broadcast_in_dim3A_558 : vector<16xi32>, vector<16xi1> -> vector<16xi32>
          %add3A_559 = vector.broadcast %scan3A_550 : i32 to vector<16xi32>
          %add3A_560 = arith.addi %add3A_559, %masked_cumsum3A : vector<16xi32>
          %lt3A = vector.broadcast %scan3A_525 : i32 to vector<16xi32>
          %lt3A_561 = arith.cmpi slt, %add3A_560, %lt3A : vector<16xi32>
          %all_reduce_population_count3A = tpu.all_reduce %lt3A_561 {dim = 0 : i64, kind = #tpu.reduction_kind<sum>} : vector<16xi1> -> vector<16xi32>
          %reduce_max3A = arith.constant true
          %reduce_max3A_562 = vector.broadcast %reduce_max3A : i1 to vector<16xi1>
          %reduce_max3A_563 = arith.constant -2147483648 : i32
          %reduce_max3A_564 = vector.broadcast %reduce_max3A_563 : i32 to vector<16xi32>
          %reduce_max3A_565 = arith.xori %all_reduce_population_count3A, %reduce_max3A_564 : vector<16xi32>
          %reduce_max3A_566 = tpu.scan <max>, %reduce_max3A_565 masked %reduce_max3A_562 : vector<16xi32>, vector<16xi1> -> vector<16xi32>
          %reduce_max3A_567 = arith.xori %reduce_max3A_566, %reduce_max3A_564 : vector<16xi32>
          %reduce_max3A_568 = vector.extract %reduce_max3A_567[15] : i32 from vector<16xi32>
          %add3A_569 = arith.addi %scan3A_551, %reduce_max3A_568 : i32
          %jit3A_570 = arith.constant 0 : i32
          %broadcast_in_dim3A_571 = vector.broadcast %jit3A_570 : i32 to vector<16xi32>
          %select_n3A_572 = arith.select %lt3A_561, %add3A_560, %broadcast_in_dim3A_571 : vector<16xi1>, vector<16xi32>
          %reduce_max3A_573 = arith.constant true
          %reduce_max3A_574 = vector.broadcast %reduce_max3A_573 : i1 to vector<16xi1>
          %reduce_max3A_575 = arith.constant -2147483648 : i32
          %reduce_max3A_576 = vector.broadcast %reduce_max3A_575 : i32 to vector<16xi32>
          %reduce_max3A_577 = arith.xori %select_n3A_572, %reduce_max3A_576 : vector<16xi32>
          %reduce_max3A_578 = tpu.scan <max>, %reduce_max3A_577 masked %reduce_max3A_574 : vector<16xi32>, vector<16xi1> -> vector<16xi32>
          %reduce_max3A_579 = arith.xori %reduce_max3A_578, %reduce_max3A_576 : vector<16xi32>
          %reduce_max3A_580 = vector.extract %reduce_max3A_579[15] : i32 from vector<16xi32>
          %max3A = arith.maxsi %scan3A_552, %reduce_max3A_580 : i32
          %reduce_max3A_581 = arith.constant true
          %reduce_max3A_582 = vector.broadcast %reduce_max3A_581 : i1 to vector<16xi1>
          %reduce_max3A_583 = arith.constant -2147483648 : i32
          %reduce_max3A_584 = vector.broadcast %reduce_max3A_583 : i32 to vector<16xi32>
          %reduce_max3A_585 = arith.xori %add3A_560, %reduce_max3A_584 : vector<16xi32>
          %reduce_max3A_586 = tpu.scan <max>, %reduce_max3A_585 masked %reduce_max3A_582 : vector<16xi32>, vector<16xi1> -> vector<16xi32>
          %reduce_max3A_587 = arith.xori %reduce_max3A_586, %reduce_max3A_584 : vector<16xi32>
          %reduce_max3A_588 = vector.extract %reduce_max3A_587[15] : i32 from vector<16xi32>
          scf.yield %reduce_max3A_588, %add3A_569, %max3A : i32, i32, i32
        }
        %scan3A_534 = arith.constant 128 : i32
        %eq3A_535 = arith.constant 0 : i32
        %eq3A_536 = vector.broadcast %eq3A_535 : i32 to vector<16xi32>
        %eq3A_537 = arith.cmpi eq, %iota3A, %eq3A_536 : vector<16xi32>
        %eq3A_538 = arith.constant 1 : i32
        %eq3A_539 = vector.broadcast %eq3A_538 : i32 to vector<16xi32>
        %eq3A_540 = arith.cmpi eq, %iota3A, %eq3A_539 : vector<16xi32>
        %jit3A_541 = arith.constant 0 : i32
        %broadcast_in_dim3A_542 = vector.broadcast %scan3A_533#2 : i32 to vector<16xi32>
        %broadcast_in_dim3A_543 = vector.broadcast %jit3A_541 : i32 to vector<16xi32>
        %select_n3A_544 = arith.select %eq3A_540, %broadcast_in_dim3A_542, %broadcast_in_dim3A_543 : vector<16xi1>, vector<16xi32>
        %broadcast_in_dim3A_545 = vector.broadcast %scan3A_533#1 : i32 to vector<16xi32>
        %select_n3A_546 = arith.select %eq3A_537, %broadcast_in_dim3A_545, %select_n3A_544 : vector<16xi1>, vector<16xi32>
        %swap3A_547 = arith.constant 0 : index
        %swap3A_548 = tpu.vector_load %arg12[%swap3A_547] {strides = array<i32>} : memref<16xi32, #tpu.memory_space<vmem>>, vector<16xi32>,
        tpu.vector_store %arg12[%swap3A_547], %select_n3A_546 {strides = array<i32>} : memref<16xi32, #tpu.memory_space<vmem>>, vector<16xi32>,
        "tpu.region"() ({
          %run_scoped3A = tpu.sem_alloc : memref<!tpu.dma_semaphore, #tpu.memory_space<semaphore_mem>>
          tpu.enqueue_dma source(%arg12 : memref<16xi32, #tpu.memory_space<vmem>>) target(%arg18 : memref<16xi32, #tpu.memory_space<vmem_shared>>) target_semaphore(%run_scoped3A : memref<!tpu.dma_semaphore, #tpu.memory_space<semaphore_mem>>)
          tpu.wait_dma2 semaphore(%run_scoped3A : memref<!tpu.dma_semaphore, #tpu.memory_space<semaphore_mem>>) src(%arg12 : memref<16xi32, #tpu.memory_space<vmem>>) dst(%arg18 : memref<16xi32, #tpu.memory_space<vmem_shared>>)
          tpu.yield
        }) : () -> ()
      } else {
      }
      %barrier3A_44 = arith.constant 0 : index
      tpu.barrier barrier_id(%barrier3A_44)
      "tpu.region"() ({
        %run_scoped3A = tpu.sem_alloc : memref<!tpu.dma_semaphore, #tpu.memory_space<semaphore_mem>>
        tpu.enqueue_dma source(%arg18 : memref<16xi32, #tpu.memory_space<vmem_shared>>) target(%arg12 : memref<16xi32, #tpu.memory_space<vmem>>) target_semaphore(%run_scoped3A : memref<!tpu.dma_semaphore, #tpu.memory_space<semaphore_mem>>)
        tpu.wait_dma2 semaphore(%run_scoped3A : memref<!tpu.dma_semaphore, #tpu.memory_space<semaphore_mem>>) src(%arg18 : memref<16xi32, #tpu.memory_space<vmem_shared>>) dst(%arg12 : memref<16xi32, #tpu.memory_space<vmem>>)
        tpu.yield
      }) : () -> ()
      %get3A = arith.constant 0 : index
      %get3A_45 = tpu.vector_load %arg12[%get3A] {strides = array<i32>} : memref<16xi32, #tpu.memory_space<vmem>>, vector<16xi32>,
      %slice3A = vector.extract_strided_slice %get3A_45 {offsets = [0], sizes = [1], strides = [1]} : vector<16xi32> to vector<1xi32>
      %squeeze3A = vector.extract %slice3A[0] : i32 from vector<1xi32>
      %slice3A_46 = vector.extract_strided_slice %get3A_45 {offsets = [1], sizes = [1], strides = [1]} : vector<16xi32> to vector<1xi32>
      %squeeze3A_47 = vector.extract %slice3A_46[0] : i32 from vector<1xi32>
      %scan3A_48 = arith.constant 0 : i32
      %scan3A_49 = arith.constant 0 : i32
      %scan3A_50 = arith.constant 128 : i32
      %scan3A_51 = arith.addi %scan3A_49, %scan3A_50 : i32
      %scan3A_52 = arith.constant 1 : i32
      %scan3A_53 = scf.for %scan3A_518 = %scan3A_49 to %scan3A_51 step %scan3A_52 iter_args(%scan3A_519 = %scan3A_48) -> (i32)  : i32 {
        %broadcast_in_dim3A_520 = arith.constant 0 : i32
        %broadcast_in_dim3A_521 = vector.broadcast %broadcast_in_dim3A_520 : i32 to vector<16xi32>
        %mul3A_522 = arith.constant 16 : i32
        %mul3A_523 = arith.muli %scan3A_518, %mul3A_522 : i32
        %swap3A_524 = arith.index_cast %mul3A_523 : i32 to index
        %swap3A_525 = tpu.vector_load %arg9[%swap3A_524] {strides = array<i32>} : memref<2048xi32, #tpu.memory_space<vmem>>, vector<16xi32>,
        tpu.vector_store %arg9[%swap3A_524], %broadcast_in_dim3A_521 {strides = array<i32>} : memref<2048xi32, #tpu.memory_space<vmem>>, vector<16xi32>,
        %scan3A_526 = arith.constant 0 : i32
        scf.yield %scan3A_526 : i32
      }
      %scan3A_54 = arith.constant 128 : i32
      %scan3A_55 = arith.constant 0 : i32
      %scan3A_56 = arith.constant 0 : i32
      %scan3A_57 = arith.constant 256 : i32
      %scan3A_58 = arith.addi %scan3A_56, %scan3A_57 : i32
      %scan3A_59 = arith.constant 1 : i32
      %scan3A_60 = scf.for %scan3A_518 = %scan3A_56 to %scan3A_58 step %scan3A_59 iter_args(%scan3A_519 = %scan3A_55) -> (i32)  : i32 {
        %mul3A_520 = arith.constant 16 : i32
        %mul3A_521 = arith.muli %scan3A_518, %mul3A_520 : i32
        %get3A_522 = arith.index_cast %mul3A_521 : i32 to index
        %get3A_523 = tpu.vector_load %arg5[%get3A_522] {strides = array<i32>} : memref<4096xi32, #tpu.memory_space<vmem>>, vector<16xi32>,
        %bitcast3A = vector.bitcast %get3A_523 : vector<16xi32> to vector<16xi32>
        %shift_right_logical3A = arith.constant 21 : i32
        %shift_right_logical3A_524 = vector.broadcast %shift_right_logical3A : i32 to vector<16xi32>
        %shift_right_logical3A_525 = arith.shrui %bitcast3A, %shift_right_logical3A_524 : vector<16xi32>
        %shift_right_logical3A_526 = arith.constant 10 : i32
        %shift_right_logical3A_527 = vector.broadcast %shift_right_logical3A_526 : i32 to vector<16xi32>
        %shift_right_logical3A_528 = arith.shrui %bitcast3A, %shift_right_logical3A_527 : vector<16xi32>
        %and3A = arith.constant 2047 : i32
        %and3A_529 = vector.broadcast %and3A : i32 to vector<16xi32>
        %and3A_530 = arith.andi %shift_right_logical3A_528, %and3A_529 : vector<16xi32>
        %eq3A_531 = vector.broadcast %squeeze3A : i32 to vector<16xi32>
        %eq3A_532 = arith.cmpi eq, %shift_right_logical3A_525, %eq3A_531 : vector<16xi32>
        %broadcast_in_dim3A_533 = arith.constant 1 : i32
        %broadcast_in_dim3A_534 = vector.broadcast %broadcast_in_dim3A_533 : i32 to vector<16xi32>
        tpu.vector_store_idx %arg9[%and3A_530], %broadcast_in_dim3A_534 masked %eq3A_532 {add = true} : memref<2048xi32, #tpu.memory_space<vmem>>[vector<16xi32>], vector<16xi32>, vector<16xi1>
        %scan3A_535 = arith.constant 0 : i32
        scf.yield %scan3A_535 : i32
      }
      %scan3A_61 = arith.constant 256 : i32
      "tpu.region"() ({
        %run_scoped3A = tpu.sem_alloc : memref<!tpu.dma_semaphore, #tpu.memory_space<semaphore_mem>>
        %dma_start3A = arith.constant 0 : i32
        %dma_start3A_518 = tpu.memref_slice %arg16[%arg1, %dma_start3A] : memref<16x2048xi32, #tpu.memory_space<vmem_shared>> -> memref<1x2048xi32, #tpu.memory_space<vmem_shared>>
        %dma_start3A_519 = tpu.memref_squeeze %dma_start3A_518 : memref<1x2048xi32, #tpu.memory_space<vmem_shared>> -> memref<2048xi32, #tpu.memory_space<vmem_shared>>
        %dma_start3A_520 = arith.constant 0 : i32
        %dma_start3A_521 = tpu.memref_slice %arg16[%arg1, %dma_start3A_520] : memref<16x2048xi32, #tpu.memory_space<vmem_shared>> -> memref<1x2048xi32, #tpu.memory_space<vmem_shared>>
        %dma_start3A_522 = tpu.memref_squeeze %dma_start3A_521 : memref<1x2048xi32, #tpu.memory_space<vmem_shared>> -> memref<2048xi32, #tpu.memory_space<vmem_shared>>
        tpu.enqueue_dma source(%arg9 : memref<2048xi32, #tpu.memory_space<vmem>>) target(%dma_start3A_522 : memref<2048xi32, #tpu.memory_space<vmem_shared>>) target_semaphore(%run_scoped3A : memref<!tpu.dma_semaphore, #tpu.memory_space<semaphore_mem>>)
        %dma_wait3A = arith.constant 0 : i32
        %dma_wait3A_523 = tpu.memref_slice %arg16[%arg1, %dma_wait3A] : memref<16x2048xi32, #tpu.memory_space<vmem_shared>> -> memref<1x2048xi32, #tpu.memory_space<vmem_shared>>
        %dma_wait3A_524 = tpu.memref_squeeze %dma_wait3A_523 : memref<1x2048xi32, #tpu.memory_space<vmem_shared>> -> memref<2048xi32, #tpu.memory_space<vmem_shared>>
        %dma_wait3A_525 = arith.constant 0 : i32
        %dma_wait3A_526 = tpu.memref_slice %arg16[%arg1, %dma_wait3A_525] : memref<16x2048xi32, #tpu.memory_space<vmem_shared>> -> memref<1x2048xi32, #tpu.memory_space<vmem_shared>>
        %dma_wait3A_527 = tpu.memref_squeeze %dma_wait3A_526 : memref<1x2048xi32, #tpu.memory_space<vmem_shared>> -> memref<2048xi32, #tpu.memory_space<vmem_shared>>
        tpu.wait_dma2 semaphore(%run_scoped3A : memref<!tpu.dma_semaphore, #tpu.memory_space<semaphore_mem>>) src(%arg9 : memref<2048xi32, #tpu.memory_space<vmem>>) dst(%dma_wait3A_527 : memref<2048xi32, #tpu.memory_space<vmem_shared>>)
        tpu.yield
      }) : () -> ()
      %barrier3A_62 = arith.constant 0 : index
      tpu.barrier barrier_id(%barrier3A_62)
      %eq3A_63 = arith.constant 0 : i32
      %eq3A_64 = arith.cmpi eq, %arg1, %eq3A_63 : i32
      %convert_element_type3A_65 = arith.extui %eq3A_64 : i1 to i32
      %cond3A_66 = arith.constant 0 : i32
      %cond3A_67 = arith.cmpi ne, %convert_element_type3A_65, %cond3A_66 : i32
      scf.if %cond3A_67 {
        %sub3A = arith.constant 8192 : i32
        %sub3A_518 = arith.subi %sub3A, %squeeze3A_47 : i32
        "tpu.region"() ({
          %run_scoped3A = tpu.sem_alloc : memref<!tpu.dma_semaphore, #tpu.memory_space<semaphore_mem>>
          tpu.enqueue_dma source(%arg16 : memref<16x2048xi32, #tpu.memory_space<vmem_shared>>) target(%arg10 : memref<16x2048xi32, #tpu.memory_space<vmem>>) target_semaphore(%run_scoped3A : memref<!tpu.dma_semaphore, #tpu.memory_space<semaphore_mem>>)
          tpu.wait_dma2 semaphore(%run_scoped3A : memref<!tpu.dma_semaphore, #tpu.memory_space<semaphore_mem>>) src(%arg16 : memref<16x2048xi32, #tpu.memory_space<vmem_shared>>) dst(%arg10 : memref<16x2048xi32, #tpu.memory_space<vmem>>)
          tpu.yield
        }) : () -> ()
        %scan3A_519 = arith.constant 0 : i32
        %scan3A_520 = arith.constant 0 : i32
        %scan3A_521 = arith.constant 128 : i32
        %scan3A_522 = arith.addi %scan3A_520, %scan3A_521 : i32
        %scan3A_523 = arith.constant 1 : i32
        %scan3A_524 = scf.for %scan3A_549 = %scan3A_520 to %scan3A_522 step %scan3A_523 iter_args(%scan3A_550 = %scan3A_519) -> (i32)  : i32 {
          %broadcast_in_dim3A_551 = arith.constant 0 : i32
          %broadcast_in_dim3A_552 = vector.broadcast %broadcast_in_dim3A_551 : i32 to vector<16xi32>
          %mul3A_553 = arith.constant 16 : i32
          %mul3A_554 = arith.muli %scan3A_549, %mul3A_553 : i32
          %get3A_555 = arith.constant 0 : i32
          %get3A_556 = arith.index_cast %get3A_555 : i32 to index
          %get3A_557 = arith.index_cast %mul3A_554 : i32 to index
          %get3A_558 = tpu.vector_load %arg10[%get3A_556, %get3A_557] {strides = array<i32>} : memref<16x2048xi32, #tpu.memory_space<vmem>>, vector<16xi32>,
          %add3A_559 = arith.addi %broadcast_in_dim3A_552, %get3A_558 : vector<16xi32>
          %mul3A_560 = arith.constant 16 : i32
          %mul3A_561 = arith.muli %scan3A_549, %mul3A_560 : i32
          %get3A_562 = arith.constant 1 : i32
          %get3A_563 = arith.index_cast %get3A_562 : i32 to index
          %get3A_564 = arith.index_cast %mul3A_561 : i32 to index
          %get3A_565 = tpu.vector_load %arg10[%get3A_563, %get3A_564] {strides = array<i32>} : memref<16x2048xi32, #tpu.memory_space<vmem>>, vector<16xi32>,
          %add3A_566 = arith.addi %add3A_559, %get3A_565 : vector<16xi32>
          %mul3A_567 = arith.constant 16 : i32
          %mul3A_568 = arith.muli %scan3A_549, %mul3A_567 : i32
          %get3A_569 = arith.constant 2 : i32
          %get3A_570 = arith.index_cast %get3A_569 : i32 to index
          %get3A_571 = arith.index_cast %mul3A_568 : i32 to index
          %get3A_572 = tpu.vector_load %arg10[%get3A_570, %get3A_571] {strides = array<i32>} : memref<16x2048xi32, #tpu.memory_space<vmem>>, vector<16xi32>,
          %add3A_573 = arith.addi %add3A_566, %get3A_572 : vector<16xi32>
          %mul3A_574 = arith.constant 16 : i32
          %mul3A_575 = arith.muli %scan3A_549, %mul3A_574 : i32
          %get3A_576 = arith.constant 3 : i32
          %get3A_577 = arith.index_cast %get3A_576 : i32 to index
          %get3A_578 = arith.index_cast %mul3A_575 : i32 to index
          %get3A_579 = tpu.vector_load %arg10[%get3A_577, %get3A_578] {strides = array<i32>} : memref<16x2048xi32, #tpu.memory_space<vmem>>, vector<16xi32>,
          %add3A_580 = arith.addi %add3A_573, %get3A_579 : vector<16xi32>
          %mul3A_581 = arith.constant 16 : i32
          %mul3A_582 = arith.muli %scan3A_549, %mul3A_581 : i32
          %get3A_583 = arith.constant 4 : i32
          %get3A_584 = arith.index_cast %get3A_583 : i32 to index
          %get3A_585 = arith.index_cast %mul3A_582 : i32 to index
          %get3A_586 = tpu.vector_load %arg10[%get3A_584, %get3A_585] {strides = array<i32>} : memref<16x2048xi32, #tpu.memory_space<vmem>>, vector<16xi32>,
          %add3A_587 = arith.addi %add3A_580, %get3A_586 : vector<16xi32>
          %mul3A_588 = arith.constant 16 : i32
          %mul3A_589 = arith.muli %scan3A_549, %mul3A_588 : i32
          %get3A_590 = arith.constant 5 : i32
          %get3A_591 = arith.index_cast %get3A_590 : i32 to index
          %get3A_592 = arith.index_cast %mul3A_589 : i32 to index
          %get3A_593 = tpu.vector_load %arg10[%get3A_591, %get3A_592] {strides = array<i32>} : memref<16x2048xi32, #tpu.memory_space<vmem>>, vector<16xi32>,
          %add3A_594 = arith.addi %add3A_587, %get3A_593 : vector<16xi32>
          %mul3A_595 = arith.constant 16 : i32
          %mul3A_596 = arith.muli %scan3A_549, %mul3A_595 : i32
          %get3A_597 = arith.constant 6 : i32
          %get3A_598 = arith.index_cast %get3A_597 : i32 to index
          %get3A_599 = arith.index_cast %mul3A_596 : i32 to index
          %get3A_600 = tpu.vector_load %arg10[%get3A_598, %get3A_599] {strides = array<i32>} : memref<16x2048xi32, #tpu.memory_space<vmem>>, vector<16xi32>,
          %add3A_601 = arith.addi %add3A_594, %get3A_600 : vector<16xi32>
          %mul3A_602 = arith.constant 16 : i32
          %mul3A_603 = arith.muli %scan3A_549, %mul3A_602 : i32
          %get3A_604 = arith.constant 7 : i32
          %get3A_605 = arith.index_cast %get3A_604 : i32 to index
          %get3A_606 = arith.index_cast %mul3A_603 : i32 to index
          %get3A_607 = tpu.vector_load %arg10[%get3A_605, %get3A_606] {strides = array<i32>} : memref<16x2048xi32, #tpu.memory_space<vmem>>, vector<16xi32>,
          %add3A_608 = arith.addi %add3A_601, %get3A_607 : vector<16xi32>
          %mul3A_609 = arith.constant 16 : i32
          %mul3A_610 = arith.muli %scan3A_549, %mul3A_609 : i32
          %get3A_611 = arith.constant 8 : i32
          %get3A_612 = arith.index_cast %get3A_611 : i32 to index
          %get3A_613 = arith.index_cast %mul3A_610 : i32 to index
          %get3A_614 = tpu.vector_load %arg10[%get3A_612, %get3A_613] {strides = array<i32>} : memref<16x2048xi32, #tpu.memory_space<vmem>>, vector<16xi32>,
          %add3A_615 = arith.addi %add3A_608, %get3A_614 : vector<16xi32>
          %mul3A_616 = arith.constant 16 : i32
          %mul3A_617 = arith.muli %scan3A_549, %mul3A_616 : i32
          %get3A_618 = arith.constant 9 : i32
          %get3A_619 = arith.index_cast %get3A_618 : i32 to index
          %get3A_620 = arith.index_cast %mul3A_617 : i32 to index
          %get3A_621 = tpu.vector_load %arg10[%get3A_619, %get3A_620] {strides = array<i32>} : memref<16x2048xi32, #tpu.memory_space<vmem>>, vector<16xi32>,
          %add3A_622 = arith.addi %add3A_615, %get3A_621 : vector<16xi32>
          %mul3A_623 = arith.constant 16 : i32
          %mul3A_624 = arith.muli %scan3A_549, %mul3A_623 : i32
          %get3A_625 = arith.constant 10 : i32
          %get3A_626 = arith.index_cast %get3A_625 : i32 to index
          %get3A_627 = arith.index_cast %mul3A_624 : i32 to index
          %get3A_628 = tpu.vector_load %arg10[%get3A_626, %get3A_627] {strides = array<i32>} : memref<16x2048xi32, #tpu.memory_space<vmem>>, vector<16xi32>,
          %add3A_629 = arith.addi %add3A_622, %get3A_628 : vector<16xi32>
          %mul3A_630 = arith.constant 16 : i32
          %mul3A_631 = arith.muli %scan3A_549, %mul3A_630 : i32
          %get3A_632 = arith.constant 11 : i32
          %get3A_633 = arith.index_cast %get3A_632 : i32 to index
          %get3A_634 = arith.index_cast %mul3A_631 : i32 to index
          %get3A_635 = tpu.vector_load %arg10[%get3A_633, %get3A_634] {strides = array<i32>} : memref<16x2048xi32, #tpu.memory_space<vmem>>, vector<16xi32>,
          %add3A_636 = arith.addi %add3A_629, %get3A_635 : vector<16xi32>
          %mul3A_637 = arith.constant 16 : i32
          %mul3A_638 = arith.muli %scan3A_549, %mul3A_637 : i32
          %get3A_639 = arith.constant 12 : i32
          %get3A_640 = arith.index_cast %get3A_639 : i32 to index
          %get3A_641 = arith.index_cast %mul3A_638 : i32 to index
          %get3A_642 = tpu.vector_load %arg10[%get3A_640, %get3A_641] {strides = array<i32>} : memref<16x2048xi32, #tpu.memory_space<vmem>>, vector<16xi32>,
          %add3A_643 = arith.addi %add3A_636, %get3A_642 : vector<16xi32>
          %mul3A_644 = arith.constant 16 : i32
          %mul3A_645 = arith.muli %scan3A_549, %mul3A_644 : i32
          %get3A_646 = arith.constant 13 : i32
          %get3A_647 = arith.index_cast %get3A_646 : i32 to index
          %get3A_648 = arith.index_cast %mul3A_645 : i32 to index
          %get3A_649 = tpu.vector_load %arg10[%get3A_647, %get3A_648] {strides = array<i32>} : memref<16x2048xi32, #tpu.memory_space<vmem>>, vector<16xi32>,
          %add3A_650 = arith.addi %add3A_643, %get3A_649 : vector<16xi32>
          %mul3A_651 = arith.constant 16 : i32
          %mul3A_652 = arith.muli %scan3A_549, %mul3A_651 : i32
          %get3A_653 = arith.constant 14 : i32
          %get3A_654 = arith.index_cast %get3A_653 : i32 to index
          %get3A_655 = arith.index_cast %mul3A_652 : i32 to index
          %get3A_656 = tpu.vector_load %arg10[%get3A_654, %get3A_655] {strides = array<i32>} : memref<16x2048xi32, #tpu.memory_space<vmem>>, vector<16xi32>,
          %add3A_657 = arith.addi %add3A_650, %get3A_656 : vector<16xi32>
          %mul3A_658 = arith.constant 16 : i32
          %mul3A_659 = arith.muli %scan3A_549, %mul3A_658 : i32
          %get3A_660 = arith.constant 15 : i32
          %get3A_661 = arith.index_cast %get3A_660 : i32 to index
          %get3A_662 = arith.index_cast %mul3A_659 : i32 to index
          %get3A_663 = tpu.vector_load %arg10[%get3A_661, %get3A_662] {strides = array<i32>} : memref<16x2048xi32, #tpu.memory_space<vmem>>, vector<16xi32>,
          %add3A_664 = arith.addi %add3A_657, %get3A_663 : vector<16xi32>
          %mul3A_665 = arith.constant 16 : i32
          %mul3A_666 = arith.muli %scan3A_549, %mul3A_665 : i32
          %swap3A_667 = arith.index_cast %mul3A_666 : i32 to index
          %swap3A_668 = tpu.vector_load %arg9[%swap3A_667] {strides = array<i32>} : memref<2048xi32, #tpu.memory_space<vmem>>, vector<16xi32>,
          tpu.vector_store %arg9[%swap3A_667], %add3A_664 {strides = array<i32>} : memref<2048xi32, #tpu.memory_space<vmem>>, vector<16xi32>,
          %scan3A_669 = arith.constant 0 : i32
          scf.yield %scan3A_669 : i32
        }
        %scan3A_525 = arith.constant 128 : i32
        %scan3A_526 = arith.constant 0 : i32
        %scan3A_527 = arith.constant 0 : i32
        %scan3A_528 = arith.constant 0 : i32
        %scan3A_529 = arith.constant 0 : i32
        %scan3A_530 = arith.constant 128 : i32
        %scan3A_531 = arith.addi %scan3A_529, %scan3A_530 : i32
        %scan3A_532 = arith.constant 1 : i32
        %scan3A_533:3 = scf.for %scan3A_549 = %scan3A_529 to %scan3A_531 step %scan3A_532 iter_args(%scan3A_550 = %scan3A_526, %scan3A_551 = %scan3A_527, %scan3A_552 = %scan3A_528) -> (i32, i32, i32)  : i32 {
          %mul3A_553 = arith.constant 16 : i32
          %mul3A_554 = arith.muli %scan3A_549, %mul3A_553 : i32
          %get3A_555 = arith.index_cast %mul3A_554 : i32 to index
          %get3A_556 = tpu.vector_load %arg9[%get3A_555] {strides = array<i32>} : memref<2048xi32, #tpu.memory_space<vmem>>, vector<16xi32>,
          %broadcast_in_dim3A_557 = arith.constant true
          %broadcast_in_dim3A_558 = vector.broadcast %broadcast_in_dim3A_557 : i1 to vector<16xi1>
          %masked_cumsum3A = tpu.scan <sum>, %get3A_556 masked %broadcast_in_dim3A_558 : vector<16xi32>, vector<16xi1> -> vector<16xi32>
          %add3A_559 = vector.broadcast %scan3A_550 : i32 to vector<16xi32>
          %add3A_560 = arith.addi %add3A_559, %masked_cumsum3A : vector<16xi32>
          %lt3A = vector.broadcast %sub3A_518 : i32 to vector<16xi32>
          %lt3A_561 = arith.cmpi slt, %add3A_560, %lt3A : vector<16xi32>
          %all_reduce_population_count3A = tpu.all_reduce %lt3A_561 {dim = 0 : i64, kind = #tpu.reduction_kind<sum>} : vector<16xi1> -> vector<16xi32>
          %reduce_max3A = arith.constant true
          %reduce_max3A_562 = vector.broadcast %reduce_max3A : i1 to vector<16xi1>
          %reduce_max3A_563 = arith.constant -2147483648 : i32
          %reduce_max3A_564 = vector.broadcast %reduce_max3A_563 : i32 to vector<16xi32>
          %reduce_max3A_565 = arith.xori %all_reduce_population_count3A, %reduce_max3A_564 : vector<16xi32>
          %reduce_max3A_566 = tpu.scan <max>, %reduce_max3A_565 masked %reduce_max3A_562 : vector<16xi32>, vector<16xi1> -> vector<16xi32>
          %reduce_max3A_567 = arith.xori %reduce_max3A_566, %reduce_max3A_564 : vector<16xi32>
          %reduce_max3A_568 = vector.extract %reduce_max3A_567[15] : i32 from vector<16xi32>
          %add3A_569 = arith.addi %scan3A_551, %reduce_max3A_568 : i32
          %jit3A_570 = arith.constant 0 : i32
          %broadcast_in_dim3A_571 = vector.broadcast %jit3A_570 : i32 to vector<16xi32>
          %select_n3A_572 = arith.select %lt3A_561, %add3A_560, %broadcast_in_dim3A_571 : vector<16xi1>, vector<16xi32>
          %reduce_max3A_573 = arith.constant true
          %reduce_max3A_574 = vector.broadcast %reduce_max3A_573 : i1 to vector<16xi1>
          %reduce_max3A_575 = arith.constant -2147483648 : i32
          %reduce_max3A_576 = vector.broadcast %reduce_max3A_575 : i32 to vector<16xi32>
          %reduce_max3A_577 = arith.xori %select_n3A_572, %reduce_max3A_576 : vector<16xi32>
          %reduce_max3A_578 = tpu.scan <max>, %reduce_max3A_577 masked %reduce_max3A_574 : vector<16xi32>, vector<16xi1> -> vector<16xi32>
          %reduce_max3A_579 = arith.xori %reduce_max3A_578, %reduce_max3A_576 : vector<16xi32>
          %reduce_max3A_580 = vector.extract %reduce_max3A_579[15] : i32 from vector<16xi32>
          %max3A = arith.maxsi %scan3A_552, %reduce_max3A_580 : i32
          %reduce_max3A_581 = arith.constant true
          %reduce_max3A_582 = vector.broadcast %reduce_max3A_581 : i1 to vector<16xi1>
          %reduce_max3A_583 = arith.constant -2147483648 : i32
          %reduce_max3A_584 = vector.broadcast %reduce_max3A_583 : i32 to vector<16xi32>
          %reduce_max3A_585 = arith.xori %add3A_560, %reduce_max3A_584 : vector<16xi32>
          %reduce_max3A_586 = tpu.scan <max>, %reduce_max3A_585 masked %reduce_max3A_582 : vector<16xi32>, vector<16xi1> -> vector<16xi32>
          %reduce_max3A_587 = arith.xori %reduce_max3A_586, %reduce_max3A_584 : vector<16xi32>
          %reduce_max3A_588 = vector.extract %reduce_max3A_587[15] : i32 from vector<16xi32>
          scf.yield %reduce_max3A_588, %add3A_569, %max3A : i32, i32, i32
        }
        %scan3A_534 = arith.constant 128 : i32
        %eq3A_535 = arith.constant 0 : i32
        %eq3A_536 = vector.broadcast %eq3A_535 : i32 to vector<16xi32>
        %eq3A_537 = arith.cmpi eq, %iota3A, %eq3A_536 : vector<16xi32>
        %eq3A_538 = arith.constant 1 : i32
        %eq3A_539 = vector.broadcast %eq3A_538 : i32 to vector<16xi32>
        %eq3A_540 = arith.cmpi eq, %iota3A, %eq3A_539 : vector<16xi32>
        %jit3A_541 = arith.constant 0 : i32
        %broadcast_in_dim3A_542 = vector.broadcast %scan3A_533#2 : i32 to vector<16xi32>
        %broadcast_in_dim3A_543 = vector.broadcast %jit3A_541 : i32 to vector<16xi32>
        %select_n3A_544 = arith.select %eq3A_540, %broadcast_in_dim3A_542, %broadcast_in_dim3A_543 : vector<16xi1>, vector<16xi32>
        %broadcast_in_dim3A_545 = vector.broadcast %scan3A_533#1 : i32 to vector<16xi32>
        %select_n3A_546 = arith.select %eq3A_537, %broadcast_in_dim3A_545, %select_n3A_544 : vector<16xi1>, vector<16xi32>
        %swap3A_547 = arith.constant 0 : index
        %swap3A_548 = tpu.vector_load %arg12[%swap3A_547] {strides = array<i32>} : memref<16xi32, #tpu.memory_space<vmem>>, vector<16xi32>,
        tpu.vector_store %arg12[%swap3A_547], %select_n3A_546 {strides = array<i32>} : memref<16xi32, #tpu.memory_space<vmem>>, vector<16xi32>,
        "tpu.region"() ({
          %run_scoped3A = tpu.sem_alloc : memref<!tpu.dma_semaphore, #tpu.memory_space<semaphore_mem>>
          tpu.enqueue_dma source(%arg12 : memref<16xi32, #tpu.memory_space<vmem>>) target(%arg18 : memref<16xi32, #tpu.memory_space<vmem_shared>>) target_semaphore(%run_scoped3A : memref<!tpu.dma_semaphore, #tpu.memory_space<semaphore_mem>>)
          tpu.wait_dma2 semaphore(%run_scoped3A : memref<!tpu.dma_semaphore, #tpu.memory_space<semaphore_mem>>) src(%arg12 : memref<16xi32, #tpu.memory_space<vmem>>) dst(%arg18 : memref<16xi32, #tpu.memory_space<vmem_shared>>)
          tpu.yield
        }) : () -> ()
      } else {
      }
      %barrier3A_68 = arith.constant 0 : index
      tpu.barrier barrier_id(%barrier3A_68)
      "tpu.region"() ({
        %run_scoped3A = tpu.sem_alloc : memref<!tpu.dma_semaphore, #tpu.memory_space<semaphore_mem>>
        tpu.enqueue_dma source(%arg18 : memref<16xi32, #tpu.memory_space<vmem_shared>>) target(%arg12 : memref<16xi32, #tpu.memory_space<vmem>>) target_semaphore(%run_scoped3A : memref<!tpu.dma_semaphore, #tpu.memory_space<semaphore_mem>>)
        tpu.wait_dma2 semaphore(%run_scoped3A : memref<!tpu.dma_semaphore, #tpu.memory_space<semaphore_mem>>) src(%arg18 : memref<16xi32, #tpu.memory_space<vmem_shared>>) dst(%arg12 : memref<16xi32, #tpu.memory_space<vmem>>)
        tpu.yield
      }) : () -> ()
      %get3A_69 = arith.constant 0 : index
      %get3A_70 = tpu.vector_load %arg12[%get3A_69] {strides = array<i32>} : memref<16xi32, #tpu.memory_space<vmem>>, vector<16xi32>,
      %slice3A_71 = vector.extract_strided_slice %get3A_70 {offsets = [0], sizes = [1], strides = [1]} : vector<16xi32> to vector<1xi32>
      %squeeze3A_72 = vector.extract %slice3A_71[0] : i32 from vector<1xi32>
      %slice3A_73 = vector.extract_strided_slice %get3A_70 {offsets = [1], sizes = [1], strides = [1]} : vector<16xi32> to vector<1xi32>
      %squeeze3A_74 = vector.extract %slice3A_73[0] : i32 from vector<1xi32>
      %scan3A_75 = arith.constant 0 : i32
      %scan3A_76 = arith.constant 0 : i32
      %scan3A_77 = arith.constant 128 : i32
      %scan3A_78 = arith.addi %scan3A_76, %scan3A_77 : i32
      %scan3A_79 = arith.constant 1 : i32
      %scan3A_80 = scf.for %scan3A_518 = %scan3A_76 to %scan3A_78 step %scan3A_79 iter_args(%scan3A_519 = %scan3A_75) -> (i32)  : i32 {
        %broadcast_in_dim3A_520 = arith.constant 0 : i32
        %broadcast_in_dim3A_521 = vector.broadcast %broadcast_in_dim3A_520 : i32 to vector<16xi32>
        %mul3A_522 = arith.constant 16 : i32
        %mul3A_523 = arith.muli %scan3A_518, %mul3A_522 : i32
        %swap3A_524 = arith.index_cast %mul3A_523 : i32 to index
        %swap3A_525 = tpu.vector_load %arg9[%swap3A_524] {strides = array<i32>} : memref<2048xi32, #tpu.memory_space<vmem>>, vector<16xi32>,
        tpu.vector_store %arg9[%swap3A_524], %broadcast_in_dim3A_521 {strides = array<i32>} : memref<2048xi32, #tpu.memory_space<vmem>>, vector<16xi32>,
        %scan3A_526 = arith.constant 0 : i32
        scf.yield %scan3A_526 : i32
      }
      %scan3A_81 = arith.constant 128 : i32
      %scan3A_82 = arith.constant 0 : i32
      %scan3A_83 = arith.constant 0 : i32
      %scan3A_84 = arith.constant 256 : i32
      %scan3A_85 = arith.addi %scan3A_83, %scan3A_84 : i32
      %scan3A_86 = arith.constant 1 : i32
      %scan3A_87 = scf.for %scan3A_518 = %scan3A_83 to %scan3A_85 step %scan3A_86 iter_args(%scan3A_519 = %scan3A_82) -> (i32)  : i32 {
        %mul3A_520 = arith.constant 16 : i32
        %mul3A_521 = arith.muli %scan3A_518, %mul3A_520 : i32
        %get3A_522 = arith.index_cast %mul3A_521 : i32 to index
        %get3A_523 = tpu.vector_load %arg5[%get3A_522] {strides = array<i32>} : memref<4096xi32, #tpu.memory_space<vmem>>, vector<16xi32>,
        %bitcast3A = vector.bitcast %get3A_523 : vector<16xi32> to vector<16xi32>
        %shift_right_logical3A = arith.constant 21 : i32
        %shift_right_logical3A_524 = vector.broadcast %shift_right_logical3A : i32 to vector<16xi32>
        %shift_right_logical3A_525 = arith.shrui %bitcast3A, %shift_right_logical3A_524 : vector<16xi32>
        %and3A = arith.constant 1023 : i32
        %and3A_526 = vector.broadcast %and3A : i32 to vector<16xi32>
        %and3A_527 = arith.andi %bitcast3A, %and3A_526 : vector<16xi32>
        %shift_right_logical3A_528 = arith.constant 10 : i32
        %shift_right_logical3A_529 = vector.broadcast %shift_right_logical3A_528 : i32 to vector<16xi32>
        %shift_right_logical3A_530 = arith.shrui %bitcast3A, %shift_right_logical3A_529 : vector<16xi32>
        %and3A_531 = arith.constant 2047 : i32
        %and3A_532 = vector.broadcast %and3A_531 : i32 to vector<16xi32>
        %and3A_533 = arith.andi %shift_right_logical3A_530, %and3A_532 : vector<16xi32>
        %eq3A_534 = vector.broadcast %squeeze3A : i32 to vector<16xi32>
        %eq3A_535 = arith.cmpi eq, %shift_right_logical3A_525, %eq3A_534 : vector<16xi32>
        %eq3A_536 = vector.broadcast %squeeze3A_72 : i32 to vector<16xi32>
        %eq3A_537 = arith.cmpi eq, %and3A_533, %eq3A_536 : vector<16xi32>
        %and3A_538 = arith.andi %eq3A_535, %eq3A_537 : vector<16xi1>
        %broadcast_in_dim3A_539 = arith.constant 1 : i32
        %broadcast_in_dim3A_540 = vector.broadcast %broadcast_in_dim3A_539 : i32 to vector<16xi32>
        tpu.vector_store_idx %arg9[%and3A_527], %broadcast_in_dim3A_540 masked %and3A_538 {add = true} : memref<2048xi32, #tpu.memory_space<vmem>>[vector<16xi32>], vector<16xi32>, vector<16xi1>
        %scan3A_541 = arith.constant 0 : i32
        scf.yield %scan3A_541 : i32
      }
      %scan3A_88 = arith.constant 256 : i32
      "tpu.region"() ({
        %run_scoped3A = tpu.sem_alloc : memref<!tpu.dma_semaphore, #tpu.memory_space<semaphore_mem>>
        %dma_start3A = arith.constant 0 : i32
        %dma_start3A_518 = tpu.memref_slice %arg16[%arg1, %dma_start3A] : memref<16x2048xi32, #tpu.memory_space<vmem_shared>> -> memref<1x2048xi32, #tpu.memory_space<vmem_shared>>
        %dma_start3A_519 = tpu.memref_squeeze %dma_start3A_518 : memref<1x2048xi32, #tpu.memory_space<vmem_shared>> -> memref<2048xi32, #tpu.memory_space<vmem_shared>>
        %dma_start3A_520 = arith.constant 0 : i32
        %dma_start3A_521 = tpu.memref_slice %arg16[%arg1, %dma_start3A_520] : memref<16x2048xi32, #tpu.memory_space<vmem_shared>> -> memref<1x2048xi32, #tpu.memory_space<vmem_shared>>
        %dma_start3A_522 = tpu.memref_squeeze %dma_start3A_521 : memref<1x2048xi32, #tpu.memory_space<vmem_shared>> -> memref<2048xi32, #tpu.memory_space<vmem_shared>>
        tpu.enqueue_dma source(%arg9 : memref<2048xi32, #tpu.memory_space<vmem>>) target(%dma_start3A_522 : memref<2048xi32, #tpu.memory_space<vmem_shared>>) target_semaphore(%run_scoped3A : memref<!tpu.dma_semaphore, #tpu.memory_space<semaphore_mem>>)
        %dma_wait3A = arith.constant 0 : i32
        %dma_wait3A_523 = tpu.memref_slice %arg16[%arg1, %dma_wait3A] : memref<16x2048xi32, #tpu.memory_space<vmem_shared>> -> memref<1x2048xi32, #tpu.memory_space<vmem_shared>>
        %dma_wait3A_524 = tpu.memref_squeeze %dma_wait3A_523 : memref<1x2048xi32, #tpu.memory_space<vmem_shared>> -> memref<2048xi32, #tpu.memory_space<vmem_shared>>
        %dma_wait3A_525 = arith.constant 0 : i32
        %dma_wait3A_526 = tpu.memref_slice %arg16[%arg1, %dma_wait3A_525] : memref<16x2048xi32, #tpu.memory_space<vmem_shared>> -> memref<1x2048xi32, #tpu.memory_space<vmem_shared>>
        %dma_wait3A_527 = tpu.memref_squeeze %dma_wait3A_526 : memref<1x2048xi32, #tpu.memory_space<vmem_shared>> -> memref<2048xi32, #tpu.memory_space<vmem_shared>>
        tpu.wait_dma2 semaphore(%run_scoped3A : memref<!tpu.dma_semaphore, #tpu.memory_space<semaphore_mem>>) src(%arg9 : memref<2048xi32, #tpu.memory_space<vmem>>) dst(%dma_wait3A_527 : memref<2048xi32, #tpu.memory_space<vmem_shared>>)
        tpu.yield
      }) : () -> ()
      %barrier3A_89 = arith.constant 0 : index
      tpu.barrier barrier_id(%barrier3A_89)
      %eq3A_90 = arith.constant 0 : i32
      %eq3A_91 = arith.cmpi eq, %arg1, %eq3A_90 : i32
      %convert_element_type3A_92 = arith.extui %eq3A_91 : i1 to i32
      %cond3A_93 = arith.constant 0 : i32
      %cond3A_94 = arith.cmpi ne, %convert_element_type3A_92, %cond3A_93 : i32
      scf.if %cond3A_94 {
        %sub3A = arith.constant 8192 : i32
        %sub3A_518 = arith.subi %sub3A, %squeeze3A_47 : i32
        %sub3A_519 = arith.subi %sub3A_518, %squeeze3A_74 : i32
        "tpu.region"() ({
          %run_scoped3A = tpu.sem_alloc : memref<!tpu.dma_semaphore, #tpu.memory_space<semaphore_mem>>
          tpu.enqueue_dma source(%arg16 : memref<16x2048xi32, #tpu.memory_space<vmem_shared>>) target(%arg10 : memref<16x2048xi32, #tpu.memory_space<vmem>>) target_semaphore(%run_scoped3A : memref<!tpu.dma_semaphore, #tpu.memory_space<semaphore_mem>>)
          tpu.wait_dma2 semaphore(%run_scoped3A : memref<!tpu.dma_semaphore, #tpu.memory_space<semaphore_mem>>) src(%arg16 : memref<16x2048xi32, #tpu.memory_space<vmem_shared>>) dst(%arg10 : memref<16x2048xi32, #tpu.memory_space<vmem>>)
          tpu.yield
        }) : () -> ()
        %scan3A_520 = arith.constant 0 : i32
        %scan3A_521 = arith.constant 0 : i32
        %scan3A_522 = arith.constant 64 : i32
        %scan3A_523 = arith.addi %scan3A_521, %scan3A_522 : i32
        %scan3A_524 = arith.constant 1 : i32
        %scan3A_525 = scf.for %scan3A_550 = %scan3A_521 to %scan3A_523 step %scan3A_524 iter_args(%scan3A_551 = %scan3A_520) -> (i32)  : i32 {
          %broadcast_in_dim3A_552 = arith.constant 0 : i32
          %broadcast_in_dim3A_553 = vector.broadcast %broadcast_in_dim3A_552 : i32 to vector<16xi32>
          %mul3A_554 = arith.constant 16 : i32
          %mul3A_555 = arith.muli %scan3A_550, %mul3A_554 : i32
          %get3A_556 = arith.constant 0 : i32
          %get3A_557 = arith.index_cast %get3A_556 : i32 to index
          %get3A_558 = arith.index_cast %mul3A_555 : i32 to index
          %get3A_559 = tpu.vector_load %arg10[%get3A_557, %get3A_558] {strides = array<i32>} : memref<16x2048xi32, #tpu.memory_space<vmem>>, vector<16xi32>,
          %add3A_560 = arith.addi %broadcast_in_dim3A_553, %get3A_559 : vector<16xi32>
          %mul3A_561 = arith.constant 16 : i32
          %mul3A_562 = arith.muli %scan3A_550, %mul3A_561 : i32
          %get3A_563 = arith.constant 1 : i32
          %get3A_564 = arith.index_cast %get3A_563 : i32 to index
          %get3A_565 = arith.index_cast %mul3A_562 : i32 to index
          %get3A_566 = tpu.vector_load %arg10[%get3A_564, %get3A_565] {strides = array<i32>} : memref<16x2048xi32, #tpu.memory_space<vmem>>, vector<16xi32>,
          %add3A_567 = arith.addi %add3A_560, %get3A_566 : vector<16xi32>
          %mul3A_568 = arith.constant 16 : i32
          %mul3A_569 = arith.muli %scan3A_550, %mul3A_568 : i32
          %get3A_570 = arith.constant 2 : i32
          %get3A_571 = arith.index_cast %get3A_570 : i32 to index
          %get3A_572 = arith.index_cast %mul3A_569 : i32 to index
          %get3A_573 = tpu.vector_load %arg10[%get3A_571, %get3A_572] {strides = array<i32>} : memref<16x2048xi32, #tpu.memory_space<vmem>>, vector<16xi32>,
          %add3A_574 = arith.addi %add3A_567, %get3A_573 : vector<16xi32>
          %mul3A_575 = arith.constant 16 : i32
          %mul3A_576 = arith.muli %scan3A_550, %mul3A_575 : i32
          %get3A_577 = arith.constant 3 : i32
          %get3A_578 = arith.index_cast %get3A_577 : i32 to index
          %get3A_579 = arith.index_cast %mul3A_576 : i32 to index
          %get3A_580 = tpu.vector_load %arg10[%get3A_578, %get3A_579] {strides = array<i32>} : memref<16x2048xi32, #tpu.memory_space<vmem>>, vector<16xi32>,
          %add3A_581 = arith.addi %add3A_574, %get3A_580 : vector<16xi32>
          %mul3A_582 = arith.constant 16 : i32
          %mul3A_583 = arith.muli %scan3A_550, %mul3A_582 : i32
          %get3A_584 = arith.constant 4 : i32
          %get3A_585 = arith.index_cast %get3A_584 : i32 to index
          %get3A_586 = arith.index_cast %mul3A_583 : i32 to index
          %get3A_587 = tpu.vector_load %arg10[%get3A_585, %get3A_586] {strides = array<i32>} : memref<16x2048xi32, #tpu.memory_space<vmem>>, vector<16xi32>,
          %add3A_588 = arith.addi %add3A_581, %get3A_587 : vector<16xi32>
          %mul3A_589 = arith.constant 16 : i32
          %mul3A_590 = arith.muli %scan3A_550, %mul3A_589 : i32
          %get3A_591 = arith.constant 5 : i32
          %get3A_592 = arith.index_cast %get3A_591 : i32 to index
          %get3A_593 = arith.index_cast %mul3A_590 : i32 to index
          %get3A_594 = tpu.vector_load %arg10[%get3A_592, %get3A_593] {strides = array<i32>} : memref<16x2048xi32, #tpu.memory_space<vmem>>, vector<16xi32>,
          %add3A_595 = arith.addi %add3A_588, %get3A_594 : vector<16xi32>
          %mul3A_596 = arith.constant 16 : i32
          %mul3A_597 = arith.muli %scan3A_550, %mul3A_596 : i32
          %get3A_598 = arith.constant 6 : i32
          %get3A_599 = arith.index_cast %get3A_598 : i32 to index
          %get3A_600 = arith.index_cast %mul3A_597 : i32 to index
          %get3A_601 = tpu.vector_load %arg10[%get3A_599, %get3A_600] {strides = array<i32>} : memref<16x2048xi32, #tpu.memory_space<vmem>>, vector<16xi32>,
          %add3A_602 = arith.addi %add3A_595, %get3A_601 : vector<16xi32>
          %mul3A_603 = arith.constant 16 : i32
          %mul3A_604 = arith.muli %scan3A_550, %mul3A_603 : i32
          %get3A_605 = arith.constant 7 : i32
          %get3A_606 = arith.index_cast %get3A_605 : i32 to index
          %get3A_607 = arith.index_cast %mul3A_604 : i32 to index
          %get3A_608 = tpu.vector_load %arg10[%get3A_606, %get3A_607] {strides = array<i32>} : memref<16x2048xi32, #tpu.memory_space<vmem>>, vector<16xi32>,
          %add3A_609 = arith.addi %add3A_602, %get3A_608 : vector<16xi32>
          %mul3A_610 = arith.constant 16 : i32
          %mul3A_611 = arith.muli %scan3A_550, %mul3A_610 : i32
          %get3A_612 = arith.constant 8 : i32
          %get3A_613 = arith.index_cast %get3A_612 : i32 to index
          %get3A_614 = arith.index_cast %mul3A_611 : i32 to index
          %get3A_615 = tpu.vector_load %arg10[%get3A_613, %get3A_614] {strides = array<i32>} : memref<16x2048xi32, #tpu.memory_space<vmem>>, vector<16xi32>,
          %add3A_616 = arith.addi %add3A_609, %get3A_615 : vector<16xi32>
          %mul3A_617 = arith.constant 16 : i32
          %mul3A_618 = arith.muli %scan3A_550, %mul3A_617 : i32
          %get3A_619 = arith.constant 9 : i32
          %get3A_620 = arith.index_cast %get3A_619 : i32 to index
          %get3A_621 = arith.index_cast %mul3A_618 : i32 to index
          %get3A_622 = tpu.vector_load %arg10[%get3A_620, %get3A_621] {strides = array<i32>} : memref<16x2048xi32, #tpu.memory_space<vmem>>, vector<16xi32>,
          %add3A_623 = arith.addi %add3A_616, %get3A_622 : vector<16xi32>
          %mul3A_624 = arith.constant 16 : i32
          %mul3A_625 = arith.muli %scan3A_550, %mul3A_624 : i32
          %get3A_626 = arith.constant 10 : i32
          %get3A_627 = arith.index_cast %get3A_626 : i32 to index
          %get3A_628 = arith.index_cast %mul3A_625 : i32 to index
          %get3A_629 = tpu.vector_load %arg10[%get3A_627, %get3A_628] {strides = array<i32>} : memref<16x2048xi32, #tpu.memory_space<vmem>>, vector<16xi32>,
          %add3A_630 = arith.addi %add3A_623, %get3A_629 : vector<16xi32>
          %mul3A_631 = arith.constant 16 : i32
          %mul3A_632 = arith.muli %scan3A_550, %mul3A_631 : i32
          %get3A_633 = arith.constant 11 : i32
          %get3A_634 = arith.index_cast %get3A_633 : i32 to index
          %get3A_635 = arith.index_cast %mul3A_632 : i32 to index
          %get3A_636 = tpu.vector_load %arg10[%get3A_634, %get3A_635] {strides = array<i32>} : memref<16x2048xi32, #tpu.memory_space<vmem>>, vector<16xi32>,
          %add3A_637 = arith.addi %add3A_630, %get3A_636 : vector<16xi32>
          %mul3A_638 = arith.constant 16 : i32
          %mul3A_639 = arith.muli %scan3A_550, %mul3A_638 : i32
          %get3A_640 = arith.constant 12 : i32
          %get3A_641 = arith.index_cast %get3A_640 : i32 to index
          %get3A_642 = arith.index_cast %mul3A_639 : i32 to index
          %get3A_643 = tpu.vector_load %arg10[%get3A_641, %get3A_642] {strides = array<i32>} : memref<16x2048xi32, #tpu.memory_space<vmem>>, vector<16xi32>,
          %add3A_644 = arith.addi %add3A_637, %get3A_643 : vector<16xi32>
          %mul3A_645 = arith.constant 16 : i32
          %mul3A_646 = arith.muli %scan3A_550, %mul3A_645 : i32
          %get3A_647 = arith.constant 13 : i32
          %get3A_648 = arith.index_cast %get3A_647 : i32 to index
          %get3A_649 = arith.index_cast %mul3A_646 : i32 to index
          %get3A_650 = tpu.vector_load %arg10[%get3A_648, %get3A_649] {strides = array<i32>} : memref<16x2048xi32, #tpu.memory_space<vmem>>, vector<16xi32>,
          %add3A_651 = arith.addi %add3A_644, %get3A_650 : vector<16xi32>
          %mul3A_652 = arith.constant 16 : i32
          %mul3A_653 = arith.muli %scan3A_550, %mul3A_652 : i32
          %get3A_654 = arith.constant 14 : i32
          %get3A_655 = arith.index_cast %get3A_654 : i32 to index
          %get3A_656 = arith.index_cast %mul3A_653 : i32 to index
          %get3A_657 = tpu.vector_load %arg10[%get3A_655, %get3A_656] {strides = array<i32>} : memref<16x2048xi32, #tpu.memory_space<vmem>>, vector<16xi32>,
          %add3A_658 = arith.addi %add3A_651, %get3A_657 : vector<16xi32>
          %mul3A_659 = arith.constant 16 : i32
          %mul3A_660 = arith.muli %scan3A_550, %mul3A_659 : i32
          %get3A_661 = arith.constant 15 : i32
          %get3A_662 = arith.index_cast %get3A_661 : i32 to index
          %get3A_663 = arith.index_cast %mul3A_660 : i32 to index
          %get3A_664 = tpu.vector_load %arg10[%get3A_662, %get3A_663] {strides = array<i32>} : memref<16x2048xi32, #tpu.memory_space<vmem>>, vector<16xi32>,
          %add3A_665 = arith.addi %add3A_658, %get3A_664 : vector<16xi32>
          %mul3A_666 = arith.constant 16 : i32
          %mul3A_667 = arith.muli %scan3A_550, %mul3A_666 : i32
          %swap3A_668 = arith.index_cast %mul3A_667 : i32 to index
          %swap3A_669 = tpu.vector_load %arg9[%swap3A_668] {strides = array<i32>} : memref<2048xi32, #tpu.memory_space<vmem>>, vector<16xi32>,
          tpu.vector_store %arg9[%swap3A_668], %add3A_665 {strides = array<i32>} : memref<2048xi32, #tpu.memory_space<vmem>>, vector<16xi32>,
          %scan3A_670 = arith.constant 0 : i32
          scf.yield %scan3A_670 : i32
        }
        %scan3A_526 = arith.constant 64 : i32
        %scan3A_527 = arith.constant 0 : i32
        %scan3A_528 = arith.constant 0 : i32
        %scan3A_529 = arith.constant 0 : i32
        %scan3A_530 = arith.constant 0 : i32
        %scan3A_531 = arith.constant 64 : i32
        %scan3A_532 = arith.addi %scan3A_530, %scan3A_531 : i32
        %scan3A_533 = arith.constant 1 : i32
        %scan3A_534:3 = scf.for %scan3A_550 = %scan3A_530 to %scan3A_532 step %scan3A_533 iter_args(%scan3A_551 = %scan3A_527, %scan3A_552 = %scan3A_528, %scan3A_553 = %scan3A_529) -> (i32, i32, i32)  : i32 {
          %mul3A_554 = arith.constant 16 : i32
          %mul3A_555 = arith.muli %scan3A_550, %mul3A_554 : i32
          %get3A_556 = arith.index_cast %mul3A_555 : i32 to index
          %get3A_557 = tpu.vector_load %arg9[%get3A_556] {strides = array<i32>} : memref<2048xi32, #tpu.memory_space<vmem>>, vector<16xi32>,
          %broadcast_in_dim3A_558 = arith.constant true
          %broadcast_in_dim3A_559 = vector.broadcast %broadcast_in_dim3A_558 : i1 to vector<16xi1>
          %masked_cumsum3A = tpu.scan <sum>, %get3A_557 masked %broadcast_in_dim3A_559 : vector<16xi32>, vector<16xi1> -> vector<16xi32>
          %add3A_560 = vector.broadcast %scan3A_551 : i32 to vector<16xi32>
          %add3A_561 = arith.addi %add3A_560, %masked_cumsum3A : vector<16xi32>
          %lt3A = vector.broadcast %sub3A_519 : i32 to vector<16xi32>
          %lt3A_562 = arith.cmpi slt, %add3A_561, %lt3A : vector<16xi32>
          %all_reduce_population_count3A = tpu.all_reduce %lt3A_562 {dim = 0 : i64, kind = #tpu.reduction_kind<sum>} : vector<16xi1> -> vector<16xi32>
          %reduce_max3A = arith.constant true
          %reduce_max3A_563 = vector.broadcast %reduce_max3A : i1 to vector<16xi1>
          %reduce_max3A_564 = arith.constant -2147483648 : i32
          %reduce_max3A_565 = vector.broadcast %reduce_max3A_564 : i32 to vector<16xi32>
          %reduce_max3A_566 = arith.xori %all_reduce_population_count3A, %reduce_max3A_565 : vector<16xi32>
          %reduce_max3A_567 = tpu.scan <max>, %reduce_max3A_566 masked %reduce_max3A_563 : vector<16xi32>, vector<16xi1> -> vector<16xi32>
          %reduce_max3A_568 = arith.xori %reduce_max3A_567, %reduce_max3A_565 : vector<16xi32>
          %reduce_max3A_569 = vector.extract %reduce_max3A_568[15] : i32 from vector<16xi32>
          %add3A_570 = arith.addi %scan3A_552, %reduce_max3A_569 : i32
          %jit3A_571 = arith.constant 0 : i32
          %broadcast_in_dim3A_572 = vector.broadcast %jit3A_571 : i32 to vector<16xi32>
          %select_n3A_573 = arith.select %lt3A_562, %add3A_561, %broadcast_in_dim3A_572 : vector<16xi1>, vector<16xi32>
          %reduce_max3A_574 = arith.constant true
          %reduce_max3A_575 = vector.broadcast %reduce_max3A_574 : i1 to vector<16xi1>
          %reduce_max3A_576 = arith.constant -2147483648 : i32
          %reduce_max3A_577 = vector.broadcast %reduce_max3A_576 : i32 to vector<16xi32>
          %reduce_max3A_578 = arith.xori %select_n3A_573, %reduce_max3A_577 : vector<16xi32>
          %reduce_max3A_579 = tpu.scan <max>, %reduce_max3A_578 masked %reduce_max3A_575 : vector<16xi32>, vector<16xi1> -> vector<16xi32>
          %reduce_max3A_580 = arith.xori %reduce_max3A_579, %reduce_max3A_577 : vector<16xi32>
          %reduce_max3A_581 = vector.extract %reduce_max3A_580[15] : i32 from vector<16xi32>
          %max3A = arith.maxsi %scan3A_553, %reduce_max3A_581 : i32
          %reduce_max3A_582 = arith.constant true
          %reduce_max3A_583 = vector.broadcast %reduce_max3A_582 : i1 to vector<16xi1>
          %reduce_max3A_584 = arith.constant -2147483648 : i32
          %reduce_max3A_585 = vector.broadcast %reduce_max3A_584 : i32 to vector<16xi32>
          %reduce_max3A_586 = arith.xori %add3A_561, %reduce_max3A_585 : vector<16xi32>
          %reduce_max3A_587 = tpu.scan <max>, %reduce_max3A_586 masked %reduce_max3A_583 : vector<16xi32>, vector<16xi1> -> vector<16xi32>
          %reduce_max3A_588 = arith.xori %reduce_max3A_587, %reduce_max3A_585 : vector<16xi32>
          %reduce_max3A_589 = vector.extract %reduce_max3A_588[15] : i32 from vector<16xi32>
          scf.yield %reduce_max3A_589, %add3A_570, %max3A : i32, i32, i32
        }
        %scan3A_535 = arith.constant 64 : i32
        %eq3A_536 = arith.constant 0 : i32
        %eq3A_537 = vector.broadcast %eq3A_536 : i32 to vector<16xi32>
        %eq3A_538 = arith.cmpi eq, %iota3A, %eq3A_537 : vector<16xi32>
        %eq3A_539 = arith.constant 1 : i32
        %eq3A_540 = vector.broadcast %eq3A_539 : i32 to vector<16xi32>
        %eq3A_541 = arith.cmpi eq, %iota3A, %eq3A_540 : vector<16xi32>
        %jit3A_542 = arith.constant 0 : i32
        %broadcast_in_dim3A_543 = vector.broadcast %scan3A_534#2 : i32 to vector<16xi32>
        %broadcast_in_dim3A_544 = vector.broadcast %jit3A_542 : i32 to vector<16xi32>
        %select_n3A_545 = arith.select %eq3A_541, %broadcast_in_dim3A_543, %broadcast_in_dim3A_544 : vector<16xi1>, vector<16xi32>
        %broadcast_in_dim3A_546 = vector.broadcast %scan3A_534#1 : i32 to vector<16xi32>
        %select_n3A_547 = arith.select %eq3A_538, %broadcast_in_dim3A_546, %select_n3A_545 : vector<16xi1>, vector<16xi32>
        %swap3A_548 = arith.constant 0 : index
        %swap3A_549 = tpu.vector_load %arg12[%swap3A_548] {strides = array<i32>} : memref<16xi32, #tpu.memory_space<vmem>>, vector<16xi32>,
        tpu.vector_store %arg12[%swap3A_548], %select_n3A_547 {strides = array<i32>} : memref<16xi32, #tpu.memory_space<vmem>>, vector<16xi32>,
        "tpu.region"() ({
          %run_scoped3A = tpu.sem_alloc : memref<!tpu.dma_semaphore, #tpu.memory_space<semaphore_mem>>
          tpu.enqueue_dma source(%arg12 : memref<16xi32, #tpu.memory_space<vmem>>) target(%arg18 : memref<16xi32, #tpu.memory_space<vmem_shared>>) target_semaphore(%run_scoped3A : memref<!tpu.dma_semaphore, #tpu.memory_space<semaphore_mem>>)
          tpu.wait_dma2 semaphore(%run_scoped3A : memref<!tpu.dma_semaphore, #tpu.memory_space<semaphore_mem>>) src(%arg12 : memref<16xi32, #tpu.memory_space<vmem>>) dst(%arg18 : memref<16xi32, #tpu.memory_space<vmem_shared>>)
          tpu.yield
        }) : () -> ()
      } else {
      }
      %barrier3A_95 = arith.constant 0 : index
      tpu.barrier barrier_id(%barrier3A_95)
      "tpu.region"() ({
        %run_scoped3A = tpu.sem_alloc : memref<!tpu.dma_semaphore, #tpu.memory_space<semaphore_mem>>
        tpu.enqueue_dma source(%arg18 : memref<16xi32, #tpu.memory_space<vmem_shared>>) target(%arg12 : memref<16xi32, #tpu.memory_space<vmem>>) target_semaphore(%run_scoped3A : memref<!tpu.dma_semaphore, #tpu.memory_space<semaphore_mem>>)
        tpu.wait_dma2 semaphore(%run_scoped3A : memref<!tpu.dma_semaphore, #tpu.memory_space<semaphore_mem>>) src(%arg18 : memref<16xi32, #tpu.memory_space<vmem_shared>>) dst(%arg12 : memref<16xi32, #tpu.memory_space<vmem>>)
        tpu.yield
      }) : () -> ()
      %get3A_96 = arith.constant 0 : index
      %get3A_97 = tpu.vector_load %arg12[%get3A_96] {strides = array<i32>} : memref<16xi32, #tpu.memory_space<vmem>>, vector<16xi32>,
      %slice3A_98 = vector.extract_strided_slice %get3A_97 {offsets = [0], sizes = [1], strides = [1]} : vector<16xi32> to vector<1xi32>
      %squeeze3A_99 = vector.extract %slice3A_98[0] : i32 from vector<1xi32>
      %slice3A_100 = vector.extract_strided_slice %get3A_97 {offsets = [1], sizes = [1], strides = [1]} : vector<16xi32> to vector<1xi32>
      %squeeze3A_101 = vector.extract %slice3A_100[0] : i32 from vector<1xi32>
      %add3A = arith.addi %squeeze3A_47, %squeeze3A_74 : i32
      %add3A_102 = arith.addi %add3A, %squeeze3A_101 : i32
      %shift_left3A = arith.constant 21 : i32
      %shift_left3A_103 = arith.shli %squeeze3A, %shift_left3A : i32
      %shift_left3A_104 = arith.constant 10 : i32
      %shift_left3A_105 = arith.shli %squeeze3A_72, %shift_left3A_104 : i32
      %or3A = arith.ori %shift_left3A_103, %shift_left3A_105 : i32
      %or3A_106 = arith.ori %or3A, %squeeze3A_99 : i32
      %scan3A_107 = arith.constant 0 : i32
      %scan3A_108 = arith.constant 0 : i32
      %scan3A_109 = arith.constant 0 : i32
      %scan3A_110 = arith.constant 256 : i32
      %scan3A_111 = arith.addi %scan3A_109, %scan3A_110 : i32
      %scan3A_112 = arith.constant 1 : i32
      %scan3A_113:2 = scf.for %scan3A_518 = %scan3A_109 to %scan3A_111 step %scan3A_112 iter_args(%scan3A_519 = %scan3A_107, %scan3A_520 = %scan3A_108) -> (i32, i32)  : i32 {
        %mul3A_521 = arith.constant 16 : i32
        %mul3A_522 = arith.muli %scan3A_518, %mul3A_521 : i32
        %get3A_523 = arith.index_cast %mul3A_522 : i32 to index
        %get3A_524 = tpu.vector_load %arg5[%get3A_523] {strides = array<i32>} : memref<4096xi32, #tpu.memory_space<vmem>>, vector<16xi32>,
        %bitcast3A = vector.bitcast %get3A_524 : vector<16xi32> to vector<16xi32>
        %lt3A = vector.broadcast %or3A_106 : i32 to vector<16xi32>
        %lt3A_525 = arith.cmpi ult, %bitcast3A, %lt3A : vector<16xi32>
        %eq3A_526 = vector.broadcast %or3A_106 : i32 to vector<16xi32>
        %eq3A_527 = arith.cmpi eq, %bitcast3A, %eq3A_526 : vector<16xi32>
        %all_reduce_population_count3A = tpu.all_reduce %lt3A_525 {dim = 0 : i64, kind = #tpu.reduction_kind<sum>} : vector<16xi1> -> vector<16xi32>
        %reduce_max3A = arith.constant true
        %reduce_max3A_528 = vector.broadcast %reduce_max3A : i1 to vector<16xi1>
        %reduce_max3A_529 = arith.constant -2147483648 : i32
        %reduce_max3A_530 = vector.broadcast %reduce_max3A_529 : i32 to vector<16xi32>
        %reduce_max3A_531 = arith.xori %all_reduce_population_count3A, %reduce_max3A_530 : vector<16xi32>
        %reduce_max3A_532 = tpu.scan <max>, %reduce_max3A_531 masked %reduce_max3A_528 : vector<16xi32>, vector<16xi1> -> vector<16xi32>
        %reduce_max3A_533 = arith.xori %reduce_max3A_532, %reduce_max3A_530 : vector<16xi32>
        %reduce_max3A_534 = vector.extract %reduce_max3A_533[15] : i32 from vector<16xi32>
        %add3A_535 = arith.addi %scan3A_519, %reduce_max3A_534 : i32
        %all_reduce_population_count3A_536 = tpu.all_reduce %eq3A_527 {dim = 0 : i64, kind = #tpu.reduction_kind<sum>} : vector<16xi1> -> vector<16xi32>
        %reduce_max3A_537 = arith.constant true
        %reduce_max3A_538 = vector.broadcast %reduce_max3A_537 : i1 to vector<16xi1>
        %reduce_max3A_539 = arith.constant -2147483648 : i32
        %reduce_max3A_540 = vector.broadcast %reduce_max3A_539 : i32 to vector<16xi32>
        %reduce_max3A_541 = arith.xori %all_reduce_population_count3A_536, %reduce_max3A_540 : vector<16xi32>
        %reduce_max3A_542 = tpu.scan <max>, %reduce_max3A_541 masked %reduce_max3A_538 : vector<16xi32>, vector<16xi1> -> vector<16xi32>
        %reduce_max3A_543 = arith.xori %reduce_max3A_542, %reduce_max3A_540 : vector<16xi32>
        %reduce_max3A_544 = vector.extract %reduce_max3A_543[15] : i32 from vector<16xi32>
        %add3A_545 = arith.addi %scan3A_520, %reduce_max3A_544 : i32
        scf.yield %add3A_535, %add3A_545 : i32, i32
      }
      %scan3A_114 = arith.constant 256 : i32
      %eq3A_115 = arith.constant 0 : i32
      %eq3A_116 = vector.broadcast %eq3A_115 : i32 to vector<16xi32>
      %eq3A_117 = arith.cmpi eq, %iota3A, %eq3A_116 : vector<16xi32>
      %eq3A_118 = arith.constant 1 : i32
      %eq3A_119 = vector.broadcast %eq3A_118 : i32 to vector<16xi32>
      %eq3A_120 = arith.cmpi eq, %iota3A, %eq3A_119 : vector<16xi32>
      %jit3A = arith.constant 0 : i32
      %broadcast_in_dim3A = vector.broadcast %scan3A_113#1 : i32 to vector<16xi32>
      %broadcast_in_dim3A_121 = vector.broadcast %jit3A : i32 to vector<16xi32>
      %select_n3A = arith.select %eq3A_120, %broadcast_in_dim3A, %broadcast_in_dim3A_121 : vector<16xi1>, vector<16xi32>
      %broadcast_in_dim3A_122 = vector.broadcast %scan3A_113#0 : i32 to vector<16xi32>
      %select_n3A_123 = arith.select %eq3A_117, %broadcast_in_dim3A_122, %select_n3A : vector<16xi1>, vector<16xi32>
      %swap3A = arith.constant 0 : index
      %swap3A_124 = tpu.vector_load %arg12[%swap3A] {strides = array<i32>} : memref<16xi32, #tpu.memory_space<vmem>>, vector<16xi32>,
      tpu.vector_store %arg12[%swap3A], %select_n3A_123 {strides = array<i32>} : memref<16xi32, #tpu.memory_space<vmem>>, vector<16xi32>,
      "tpu.region"() ({
        %run_scoped3A = tpu.sem_alloc : memref<!tpu.dma_semaphore, #tpu.memory_space<semaphore_mem>>
        %dma_start3A = arith.constant 0 : i32
        %dma_start3A_518 = tpu.memref_slice %arg17[%arg1, %dma_start3A] : memref<16x16xi32, #tpu.memory_space<vmem_shared>> -> memref<1x16xi32, #tpu.memory_space<vmem_shared>>
        %dma_start3A_519 = tpu.memref_squeeze %dma_start3A_518 : memref<1x16xi32, #tpu.memory_space<vmem_shared>> -> memref<16xi32, #tpu.memory_space<vmem_shared>>
        %dma_start3A_520 = arith.constant 0 : i32
        %dma_start3A_521 = tpu.memref_slice %arg17[%arg1, %dma_start3A_520] : memref<16x16xi32, #tpu.memory_space<vmem_shared>> -> memref<1x16xi32, #tpu.memory_space<vmem_shared>>
        %dma_start3A_522 = tpu.memref_squeeze %dma_start3A_521 : memref<1x16xi32, #tpu.memory_space<vmem_shared>> -> memref<16xi32, #tpu.memory_space<vmem_shared>>
        tpu.enqueue_dma source(%arg12 : memref<16xi32, #tpu.memory_space<vmem>>) target(%dma_start3A_522 : memref<16xi32, #tpu.memory_space<vmem_shared>>) target_semaphore(%run_scoped3A : memref<!tpu.dma_semaphore, #tpu.memory_space<semaphore_mem>>)
        %dma_wait3A = arith.constant 0 : i32
        %dma_wait3A_523 = tpu.memref_slice %arg17[%arg1, %dma_wait3A] : memref<16x16xi32, #tpu.memory_space<vmem_shared>> -> memref<1x16xi32, #tpu.memory_space<vmem_shared>>
        %dma_wait3A_524 = tpu.memref_squeeze %dma_wait3A_523 : memref<1x16xi32, #tpu.memory_space<vmem_shared>> -> memref<16xi32, #tpu.memory_space<vmem_shared>>
        %dma_wait3A_525 = arith.constant 0 : i32
        %dma_wait3A_526 = tpu.memref_slice %arg17[%arg1, %dma_wait3A_525] : memref<16x16xi32, #tpu.memory_space<vmem_shared>> -> memref<1x16xi32, #tpu.memory_space<vmem_shared>>
        %dma_wait3A_527 = tpu.memref_squeeze %dma_wait3A_526 : memref<1x16xi32, #tpu.memory_space<vmem_shared>> -> memref<16xi32, #tpu.memory_space<vmem_shared>>
        tpu.wait_dma2 semaphore(%run_scoped3A : memref<!tpu.dma_semaphore, #tpu.memory_space<semaphore_mem>>) src(%arg12 : memref<16xi32, #tpu.memory_space<vmem>>) dst(%dma_wait3A_527 : memref<16xi32, #tpu.memory_space<vmem_shared>>)
        tpu.yield
      }) : () -> ()
      %barrier3A_125 = arith.constant 0 : index
      tpu.barrier barrier_id(%barrier3A_125)
      "tpu.region"() ({
        %run_scoped3A = tpu.sem_alloc : memref<!tpu.dma_semaphore, #tpu.memory_space<semaphore_mem>>
        tpu.enqueue_dma source(%arg17 : memref<16x16xi32, #tpu.memory_space<vmem_shared>>) target(%arg11 : memref<16x16xi32, #tpu.memory_space<vmem>>) target_semaphore(%run_scoped3A : memref<!tpu.dma_semaphore, #tpu.memory_space<semaphore_mem>>)
        tpu.wait_dma2 semaphore(%run_scoped3A : memref<!tpu.dma_semaphore, #tpu.memory_space<semaphore_mem>>) src(%arg17 : memref<16x16xi32, #tpu.memory_space<vmem_shared>>) dst(%arg11 : memref<16x16xi32, #tpu.memory_space<vmem>>)
        tpu.yield
      }) : () -> ()
      %get3A_126 = arith.constant 0 : i32
      %get3A_127 = arith.index_cast %get3A_126 : i32 to index
      %get3A_128 = arith.constant 0 : index
      %get3A_129 = tpu.vector_load %arg11[%get3A_127, %get3A_128] {strides = array<i32>} : memref<16x16xi32, #tpu.memory_space<vmem>>, vector<16xi32>,
      %gt3A = arith.constant 0 : i32
      %gt3A_130 = arith.cmpi sgt, %arg1, %gt3A : i32
      %convert_element_type3A_131 = arith.extui %gt3A_130 : i1 to i32
      %slice3A_132 = vector.extract_strided_slice %get3A_129 {offsets = [0], sizes = [1], strides = [1]} : vector<16xi32> to vector<1xi32>
      %squeeze3A_133 = vector.extract %slice3A_132[0] : i32 from vector<1xi32>
      %mul3A_134 = arith.muli %convert_element_type3A_131, %squeeze3A_133 : i32
      %add3A_135 = arith.constant 0 : i32
      %add3A_136 = arith.addi %add3A_135, %mul3A_134 : i32
      %slice3A_137 = vector.extract_strided_slice %get3A_129 {offsets = [1], sizes = [1], strides = [1]} : vector<16xi32> to vector<1xi32>
      %squeeze3A_138 = vector.extract %slice3A_137[0] : i32 from vector<1xi32>
      %mul3A_139 = arith.muli %convert_element_type3A_131, %squeeze3A_138 : i32
      %add3A_140 = arith.constant 0 : i32
      %add3A_141 = arith.addi %add3A_140, %mul3A_139 : i32
      %get3A_142 = arith.constant 1 : i32
      %get3A_143 = arith.index_cast %get3A_142 : i32 to index
      %get3A_144 = arith.constant 0 : index
      %get3A_145 = tpu.vector_load %arg11[%get3A_143, %get3A_144] {strides = array<i32>} : memref<16x16xi32, #tpu.memory_space<vmem>>, vector<16xi32>,
      %gt3A_146 = arith.constant 1 : i32
      %gt3A_147 = arith.cmpi sgt, %arg1, %gt3A_146 : i32
      %convert_element_type3A_148 = arith.extui %gt3A_147 : i1 to i32
      %slice3A_149 = vector.extract_strided_slice %get3A_145 {offsets = [0], sizes = [1], strides = [1]} : vector<16xi32> to vector<1xi32>
      %squeeze3A_150 = vector.extract %slice3A_149[0] : i32 from vector<1xi32>
      %mul3A_151 = arith.muli %convert_element_type3A_148, %squeeze3A_150 : i32
      %add3A_152 = arith.addi %add3A_136, %mul3A_151 : i32
      %slice3A_153 = vector.extract_strided_slice %get3A_145 {offsets = [1], sizes = [1], strides = [1]} : vector<16xi32> to vector<1xi32>
      %squeeze3A_154 = vector.extract %slice3A_153[0] : i32 from vector<1xi32>
      %mul3A_155 = arith.muli %convert_element_type3A_148, %squeeze3A_154 : i32
      %add3A_156 = arith.addi %add3A_141, %mul3A_155 : i32
      %get3A_157 = arith.constant 2 : i32
      %get3A_158 = arith.index_cast %get3A_157 : i32 to index
      %get3A_159 = arith.constant 0 : index
      %get3A_160 = tpu.vector_load %arg11[%get3A_158, %get3A_159] {strides = array<i32>} : memref<16x16xi32, #tpu.memory_space<vmem>>, vector<16xi32>,
      %gt3A_161 = arith.constant 2 : i32
      %gt3A_162 = arith.cmpi sgt, %arg1, %gt3A_161 : i32
      %convert_element_type3A_163 = arith.extui %gt3A_162 : i1 to i32
      %slice3A_164 = vector.extract_strided_slice %get3A_160 {offsets = [0], sizes = [1], strides = [1]} : vector<16xi32> to vector<1xi32>
      %squeeze3A_165 = vector.extract %slice3A_164[0] : i32 from vector<1xi32>
      %mul3A_166 = arith.muli %convert_element_type3A_163, %squeeze3A_165 : i32
      %add3A_167 = arith.addi %add3A_152, %mul3A_166 : i32
      %slice3A_168 = vector.extract_strided_slice %get3A_160 {offsets = [1], sizes = [1], strides = [1]} : vector<16xi32> to vector<1xi32>
      %squeeze3A_169 = vector.extract %slice3A_168[0] : i32 from vector<1xi32>
      %mul3A_170 = arith.muli %convert_element_type3A_163, %squeeze3A_169 : i32
      %add3A_171 = arith.addi %add3A_156, %mul3A_170 : i32
      %get3A_172 = arith.constant 3 : i32
      %get3A_173 = arith.index_cast %get3A_172 : i32 to index
      %get3A_174 = arith.constant 0 : index
      %get3A_175 = tpu.vector_load %arg11[%get3A_173, %get3A_174] {strides = array<i32>} : memref<16x16xi32, #tpu.memory_space<vmem>>, vector<16xi32>,
      %gt3A_176 = arith.constant 3 : i32
      %gt3A_177 = arith.cmpi sgt, %arg1, %gt3A_176 : i32
      %convert_element_type3A_178 = arith.extui %gt3A_177 : i1 to i32
      %slice3A_179 = vector.extract_strided_slice %get3A_175 {offsets = [0], sizes = [1], strides = [1]} : vector<16xi32> to vector<1xi32>
      %squeeze3A_180 = vector.extract %slice3A_179[0] : i32 from vector<1xi32>
      %mul3A_181 = arith.muli %convert_element_type3A_178, %squeeze3A_180 : i32
      %add3A_182 = arith.addi %add3A_167, %mul3A_181 : i32
      %slice3A_183 = vector.extract_strided_slice %get3A_175 {offsets = [1], sizes = [1], strides = [1]} : vector<16xi32> to vector<1xi32>
      %squeeze3A_184 = vector.extract %slice3A_183[0] : i32 from vector<1xi32>
      %mul3A_185 = arith.muli %convert_element_type3A_178, %squeeze3A_184 : i32
      %add3A_186 = arith.addi %add3A_171, %mul3A_185 : i32
      %get3A_187 = arith.constant 4 : i32
      %get3A_188 = arith.index_cast %get3A_187 : i32 to index
      %get3A_189 = arith.constant 0 : index
      %get3A_190 = tpu.vector_load %arg11[%get3A_188, %get3A_189] {strides = array<i32>} : memref<16x16xi32, #tpu.memory_space<vmem>>, vector<16xi32>,
      %gt3A_191 = arith.constant 4 : i32
      %gt3A_192 = arith.cmpi sgt, %arg1, %gt3A_191 : i32
      %convert_element_type3A_193 = arith.extui %gt3A_192 : i1 to i32
      %slice3A_194 = vector.extract_strided_slice %get3A_190 {offsets = [0], sizes = [1], strides = [1]} : vector<16xi32> to vector<1xi32>
      %squeeze3A_195 = vector.extract %slice3A_194[0] : i32 from vector<1xi32>
      %mul3A_196 = arith.muli %convert_element_type3A_193, %squeeze3A_195 : i32
      %add3A_197 = arith.addi %add3A_182, %mul3A_196 : i32
      %slice3A_198 = vector.extract_strided_slice %get3A_190 {offsets = [1], sizes = [1], strides = [1]} : vector<16xi32> to vector<1xi32>
      %squeeze3A_199 = vector.extract %slice3A_198[0] : i32 from vector<1xi32>
      %mul3A_200 = arith.muli %convert_element_type3A_193, %squeeze3A_199 : i32
      %add3A_201 = arith.addi %add3A_186, %mul3A_200 : i32
      %get3A_202 = arith.constant 5 : i32
      %get3A_203 = arith.index_cast %get3A_202 : i32 to index
      %get3A_204 = arith.constant 0 : index
      %get3A_205 = tpu.vector_load %arg11[%get3A_203, %get3A_204] {strides = array<i32>} : memref<16x16xi32, #tpu.memory_space<vmem>>, vector<16xi32>,
      %gt3A_206 = arith.constant 5 : i32
      %gt3A_207 = arith.cmpi sgt, %arg1, %gt3A_206 : i32
      %convert_element_type3A_208 = arith.extui %gt3A_207 : i1 to i32
      %slice3A_209 = vector.extract_strided_slice %get3A_205 {offsets = [0], sizes = [1], strides = [1]} : vector<16xi32> to vector<1xi32>
      %squeeze3A_210 = vector.extract %slice3A_209[0] : i32 from vector<1xi32>
      %mul3A_211 = arith.muli %convert_element_type3A_208, %squeeze3A_210 : i32
      %add3A_212 = arith.addi %add3A_197, %mul3A_211 : i32
      %slice3A_213 = vector.extract_strided_slice %get3A_205 {offsets = [1], sizes = [1], strides = [1]} : vector<16xi32> to vector<1xi32>
      %squeeze3A_214 = vector.extract %slice3A_213[0] : i32 from vector<1xi32>
      %mul3A_215 = arith.muli %convert_element_type3A_208, %squeeze3A_214 : i32
      %add3A_216 = arith.addi %add3A_201, %mul3A_215 : i32
      %get3A_217 = arith.constant 6 : i32
      %get3A_218 = arith.index_cast %get3A_217 : i32 to index
      %get3A_219 = arith.constant 0 : index
      %get3A_220 = tpu.vector_load %arg11[%get3A_218, %get3A_219] {strides = array<i32>} : memref<16x16xi32, #tpu.memory_space<vmem>>, vector<16xi32>,
      %gt3A_221 = arith.constant 6 : i32
      %gt3A_222 = arith.cmpi sgt, %arg1, %gt3A_221 : i32
      %convert_element_type3A_223 = arith.extui %gt3A_222 : i1 to i32
      %slice3A_224 = vector.extract_strided_slice %get3A_220 {offsets = [0], sizes = [1], strides = [1]} : vector<16xi32> to vector<1xi32>
      %squeeze3A_225 = vector.extract %slice3A_224[0] : i32 from vector<1xi32>
      %mul3A_226 = arith.muli %convert_element_type3A_223, %squeeze3A_225 : i32
      %add3A_227 = arith.addi %add3A_212, %mul3A_226 : i32
      %slice3A_228 = vector.extract_strided_slice %get3A_220 {offsets = [1], sizes = [1], strides = [1]} : vector<16xi32> to vector<1xi32>
      %squeeze3A_229 = vector.extract %slice3A_228[0] : i32 from vector<1xi32>
      %mul3A_230 = arith.muli %convert_element_type3A_223, %squeeze3A_229 : i32
      %add3A_231 = arith.addi %add3A_216, %mul3A_230 : i32
      %get3A_232 = arith.constant 7 : i32
      %get3A_233 = arith.index_cast %get3A_232 : i32 to index
      %get3A_234 = arith.constant 0 : index
      %get3A_235 = tpu.vector_load %arg11[%get3A_233, %get3A_234] {strides = array<i32>} : memref<16x16xi32, #tpu.memory_space<vmem>>, vector<16xi32>,
      %gt3A_236 = arith.constant 7 : i32
      %gt3A_237 = arith.cmpi sgt, %arg1, %gt3A_236 : i32
      %convert_element_type3A_238 = arith.extui %gt3A_237 : i1 to i32
      %slice3A_239 = vector.extract_strided_slice %get3A_235 {offsets = [0], sizes = [1], strides = [1]} : vector<16xi32> to vector<1xi32>
      %squeeze3A_240 = vector.extract %slice3A_239[0] : i32 from vector<1xi32>
      %mul3A_241 = arith.muli %convert_element_type3A_238, %squeeze3A_240 : i32
      %add3A_242 = arith.addi %add3A_227, %mul3A_241 : i32
      %slice3A_243 = vector.extract_strided_slice %get3A_235 {offsets = [1], sizes = [1], strides = [1]} : vector<16xi32> to vector<1xi32>
      %squeeze3A_244 = vector.extract %slice3A_243[0] : i32 from vector<1xi32>
      %mul3A_245 = arith.muli %convert_element_type3A_238, %squeeze3A_244 : i32
      %add3A_246 = arith.addi %add3A_231, %mul3A_245 : i32
      %get3A_247 = arith.constant 8 : i32
      %get3A_248 = arith.index_cast %get3A_247 : i32 to index
      %get3A_249 = arith.constant 0 : index
      %get3A_250 = tpu.vector_load %arg11[%get3A_248, %get3A_249] {strides = array<i32>} : memref<16x16xi32, #tpu.memory_space<vmem>>, vector<16xi32>,
      %gt3A_251 = arith.constant 8 : i32
      %gt3A_252 = arith.cmpi sgt, %arg1, %gt3A_251 : i32
      %convert_element_type3A_253 = arith.extui %gt3A_252 : i1 to i32
      %slice3A_254 = vector.extract_strided_slice %get3A_250 {offsets = [0], sizes = [1], strides = [1]} : vector<16xi32> to vector<1xi32>
      %squeeze3A_255 = vector.extract %slice3A_254[0] : i32 from vector<1xi32>
      %mul3A_256 = arith.muli %convert_element_type3A_253, %squeeze3A_255 : i32
      %add3A_257 = arith.addi %add3A_242, %mul3A_256 : i32
      %slice3A_258 = vector.extract_strided_slice %get3A_250 {offsets = [1], sizes = [1], strides = [1]} : vector<16xi32> to vector<1xi32>
      %squeeze3A_259 = vector.extract %slice3A_258[0] : i32 from vector<1xi32>
      %mul3A_260 = arith.muli %convert_element_type3A_253, %squeeze3A_259 : i32
      %add3A_261 = arith.addi %add3A_246, %mul3A_260 : i32
      %get3A_262 = arith.constant 9 : i32
      %get3A_263 = arith.index_cast %get3A_262 : i32 to index
      %get3A_264 = arith.constant 0 : index
      %get3A_265 = tpu.vector_load %arg11[%get3A_263, %get3A_264] {strides = array<i32>} : memref<16x16xi32, #tpu.memory_space<vmem>>, vector<16xi32>,
      %gt3A_266 = arith.constant 9 : i32
      %gt3A_267 = arith.cmpi sgt, %arg1, %gt3A_266 : i32
      %convert_element_type3A_268 = arith.extui %gt3A_267 : i1 to i32
      %slice3A_269 = vector.extract_strided_slice %get3A_265 {offsets = [0], sizes = [1], strides = [1]} : vector<16xi32> to vector<1xi32>
      %squeeze3A_270 = vector.extract %slice3A_269[0] : i32 from vector<1xi32>
      %mul3A_271 = arith.muli %convert_element_type3A_268, %squeeze3A_270 : i32
      %add3A_272 = arith.addi %add3A_257, %mul3A_271 : i32
      %slice3A_273 = vector.extract_strided_slice %get3A_265 {offsets = [1], sizes = [1], strides = [1]} : vector<16xi32> to vector<1xi32>
      %squeeze3A_274 = vector.extract %slice3A_273[0] : i32 from vector<1xi32>
      %mul3A_275 = arith.muli %convert_element_type3A_268, %squeeze3A_274 : i32
      %add3A_276 = arith.addi %add3A_261, %mul3A_275 : i32
      %get3A_277 = arith.constant 10 : i32
      %get3A_278 = arith.index_cast %get3A_277 : i32 to index
      %get3A_279 = arith.constant 0 : index
      %get3A_280 = tpu.vector_load %arg11[%get3A_278, %get3A_279] {strides = array<i32>} : memref<16x16xi32, #tpu.memory_space<vmem>>, vector<16xi32>,
      %gt3A_281 = arith.constant 10 : i32
      %gt3A_282 = arith.cmpi sgt, %arg1, %gt3A_281 : i32
      %convert_element_type3A_283 = arith.extui %gt3A_282 : i1 to i32
      %slice3A_284 = vector.extract_strided_slice %get3A_280 {offsets = [0], sizes = [1], strides = [1]} : vector<16xi32> to vector<1xi32>
      %squeeze3A_285 = vector.extract %slice3A_284[0] : i32 from vector<1xi32>
      %mul3A_286 = arith.muli %convert_element_type3A_283, %squeeze3A_285 : i32
      %add3A_287 = arith.addi %add3A_272, %mul3A_286 : i32
      %slice3A_288 = vector.extract_strided_slice %get3A_280 {offsets = [1], sizes = [1], strides = [1]} : vector<16xi32> to vector<1xi32>
      %squeeze3A_289 = vector.extract %slice3A_288[0] : i32 from vector<1xi32>
      %mul3A_290 = arith.muli %convert_element_type3A_283, %squeeze3A_289 : i32
      %add3A_291 = arith.addi %add3A_276, %mul3A_290 : i32
      %get3A_292 = arith.constant 11 : i32
      %get3A_293 = arith.index_cast %get3A_292 : i32 to index
      %get3A_294 = arith.constant 0 : index
      %get3A_295 = tpu.vector_load %arg11[%get3A_293, %get3A_294] {strides = array<i32>} : memref<16x16xi32, #tpu.memory_space<vmem>>, vector<16xi32>,
      %gt3A_296 = arith.constant 11 : i32
      %gt3A_297 = arith.cmpi sgt, %arg1, %gt3A_296 : i32
      %convert_element_type3A_298 = arith.extui %gt3A_297 : i1 to i32
      %slice3A_299 = vector.extract_strided_slice %get3A_295 {offsets = [0], sizes = [1], strides = [1]} : vector<16xi32> to vector<1xi32>
      %squeeze3A_300 = vector.extract %slice3A_299[0] : i32 from vector<1xi32>
      %mul3A_301 = arith.muli %convert_element_type3A_298, %squeeze3A_300 : i32
      %add3A_302 = arith.addi %add3A_287, %mul3A_301 : i32
      %slice3A_303 = vector.extract_strided_slice %get3A_295 {offsets = [1], sizes = [1], strides = [1]} : vector<16xi32> to vector<1xi32>
      %squeeze3A_304 = vector.extract %slice3A_303[0] : i32 from vector<1xi32>
      %mul3A_305 = arith.muli %convert_element_type3A_298, %squeeze3A_304 : i32
      %add3A_306 = arith.addi %add3A_291, %mul3A_305 : i32
      %get3A_307 = arith.constant 12 : i32
      %get3A_308 = arith.index_cast %get3A_307 : i32 to index
      %get3A_309 = arith.constant 0 : index
      %get3A_310 = tpu.vector_load %arg11[%get3A_308, %get3A_309] {strides = array<i32>} : memref<16x16xi32, #tpu.memory_space<vmem>>, vector<16xi32>,
      %gt3A_311 = arith.constant 12 : i32
      %gt3A_312 = arith.cmpi sgt, %arg1, %gt3A_311 : i32
      %convert_element_type3A_313 = arith.extui %gt3A_312 : i1 to i32
      %slice3A_314 = vector.extract_strided_slice %get3A_310 {offsets = [0], sizes = [1], strides = [1]} : vector<16xi32> to vector<1xi32>
      %squeeze3A_315 = vector.extract %slice3A_314[0] : i32 from vector<1xi32>
      %mul3A_316 = arith.muli %convert_element_type3A_313, %squeeze3A_315 : i32
      %add3A_317 = arith.addi %add3A_302, %mul3A_316 : i32
      %slice3A_318 = vector.extract_strided_slice %get3A_310 {offsets = [1], sizes = [1], strides = [1]} : vector<16xi32> to vector<1xi32>
      %squeeze3A_319 = vector.extract %slice3A_318[0] : i32 from vector<1xi32>
      %mul3A_320 = arith.muli %convert_element_type3A_313, %squeeze3A_319 : i32
      %add3A_321 = arith.addi %add3A_306, %mul3A_320 : i32
      %get3A_322 = arith.constant 13 : i32
      %get3A_323 = arith.index_cast %get3A_322 : i32 to index
      %get3A_324 = arith.constant 0 : index
      %get3A_325 = tpu.vector_load %arg11[%get3A_323, %get3A_324] {strides = array<i32>} : memref<16x16xi32, #tpu.memory_space<vmem>>, vector<16xi32>,
      %gt3A_326 = arith.constant 13 : i32
      %gt3A_327 = arith.cmpi sgt, %arg1, %gt3A_326 : i32
      %convert_element_type3A_328 = arith.extui %gt3A_327 : i1 to i32
      %slice3A_329 = vector.extract_strided_slice %get3A_325 {offsets = [0], sizes = [1], strides = [1]} : vector<16xi32> to vector<1xi32>
      %squeeze3A_330 = vector.extract %slice3A_329[0] : i32 from vector<1xi32>
      %mul3A_331 = arith.muli %convert_element_type3A_328, %squeeze3A_330 : i32
      %add3A_332 = arith.addi %add3A_317, %mul3A_331 : i32
      %slice3A_333 = vector.extract_strided_slice %get3A_325 {offsets = [1], sizes = [1], strides = [1]} : vector<16xi32> to vector<1xi32>
      %squeeze3A_334 = vector.extract %slice3A_333[0] : i32 from vector<1xi32>
      %mul3A_335 = arith.muli %convert_element_type3A_328, %squeeze3A_334 : i32
      %add3A_336 = arith.addi %add3A_321, %mul3A_335 : i32
      %get3A_337 = arith.constant 14 : i32
      %get3A_338 = arith.index_cast %get3A_337 : i32 to index
      %get3A_339 = arith.constant 0 : index
      %get3A_340 = tpu.vector_load %arg11[%get3A_338, %get3A_339] {strides = array<i32>} : memref<16x16xi32, #tpu.memory_space<vmem>>, vector<16xi32>,
      %gt3A_341 = arith.constant 14 : i32
      %gt3A_342 = arith.cmpi sgt, %arg1, %gt3A_341 : i32
      %convert_element_type3A_343 = arith.extui %gt3A_342 : i1 to i32
      %slice3A_344 = vector.extract_strided_slice %get3A_340 {offsets = [0], sizes = [1], strides = [1]} : vector<16xi32> to vector<1xi32>
      %squeeze3A_345 = vector.extract %slice3A_344[0] : i32 from vector<1xi32>
      %mul3A_346 = arith.muli %convert_element_type3A_343, %squeeze3A_345 : i32
      %add3A_347 = arith.addi %add3A_332, %mul3A_346 : i32
      %slice3A_348 = vector.extract_strided_slice %get3A_340 {offsets = [1], sizes = [1], strides = [1]} : vector<16xi32> to vector<1xi32>
      %squeeze3A_349 = vector.extract %slice3A_348[0] : i32 from vector<1xi32>
      %mul3A_350 = arith.muli %convert_element_type3A_343, %squeeze3A_349 : i32
      %add3A_351 = arith.addi %add3A_336, %mul3A_350 : i32
      %get3A_352 = arith.constant 15 : i32
      %get3A_353 = arith.index_cast %get3A_352 : i32 to index
      %get3A_354 = arith.constant 0 : index
      %get3A_355 = tpu.vector_load %arg11[%get3A_353, %get3A_354] {strides = array<i32>} : memref<16x16xi32, #tpu.memory_space<vmem>>, vector<16xi32>,
      %gt3A_356 = arith.constant 15 : i32
      %gt3A_357 = arith.cmpi sgt, %arg1, %gt3A_356 : i32
      %convert_element_type3A_358 = arith.extui %gt3A_357 : i1 to i32
      %slice3A_359 = vector.extract_strided_slice %get3A_355 {offsets = [0], sizes = [1], strides = [1]} : vector<16xi32> to vector<1xi32>
      %squeeze3A_360 = vector.extract %slice3A_359[0] : i32 from vector<1xi32>
      %mul3A_361 = arith.muli %convert_element_type3A_358, %squeeze3A_360 : i32
      %add3A_362 = arith.addi %add3A_347, %mul3A_361 : i32
      %slice3A_363 = vector.extract_strided_slice %get3A_355 {offsets = [1], sizes = [1], strides = [1]} : vector<16xi32> to vector<1xi32>
      %squeeze3A_364 = vector.extract %slice3A_363[0] : i32 from vector<1xi32>
      %mul3A_365 = arith.muli %convert_element_type3A_358, %squeeze3A_364 : i32
      %add3A_366 = arith.addi %add3A_351, %mul3A_365 : i32
      %add3A_367 = arith.addi %add3A_102, %add3A_366 : i32
      %scan3A_368 = arith.constant 0 : i32
      %scan3A_369 = arith.constant 0 : i32
      %scan3A_370 = arith.constant 0 : i32
      %scan3A_371 = arith.constant 256 : i32
      %scan3A_372 = arith.addi %scan3A_370, %scan3A_371 : i32
      %scan3A_373 = arith.constant 1 : i32
      %scan3A_374:2 = scf.for %scan3A_518 = %scan3A_370 to %scan3A_372 step %scan3A_373 iter_args(%scan3A_519 = %scan3A_368, %scan3A_520 = %scan3A_369) -> (i32, i32)  : i32 {
        %mul3A_521 = arith.constant 16 : i32
        %mul3A_522 = arith.muli %scan3A_518, %mul3A_521 : i32
        %get3A_523 = arith.index_cast %mul3A_522 : i32 to index
        %get3A_524 = tpu.vector_load %arg5[%get3A_523] {strides = array<i32>} : memref<4096xi32, #tpu.memory_space<vmem>>, vector<16xi32>,
        %bitcast3A = vector.bitcast %get3A_524 : vector<16xi32> to vector<16xi32>
        %lt3A = vector.broadcast %or3A_106 : i32 to vector<16xi32>
        %lt3A_525 = arith.cmpi ult, %bitcast3A, %lt3A : vector<16xi32>
        %eq3A_526 = vector.broadcast %or3A_106 : i32 to vector<16xi32>
        %eq3A_527 = arith.cmpi eq, %bitcast3A, %eq3A_526 : vector<16xi32>
        %convert_element_type3A_528 = arith.extui %lt3A_525 : vector<16xi1> to vector<16xi32>
        %broadcast_in_dim3A_529 = arith.constant true
        %broadcast_in_dim3A_530 = vector.broadcast %broadcast_in_dim3A_529 : i1 to vector<16xi1>
        %masked_cumsum3A = tpu.scan <sum>, %convert_element_type3A_528 masked %broadcast_in_dim3A_530 : vector<16xi32>, vector<16xi1> -> vector<16xi32>
        %convert_element_type3A_531 = arith.extui %eq3A_527 : vector<16xi1> to vector<16xi32>
        %broadcast_in_dim3A_532 = arith.constant true
        %broadcast_in_dim3A_533 = vector.broadcast %broadcast_in_dim3A_532 : i1 to vector<16xi1>
        %masked_cumsum3A_534 = tpu.scan <sum>, %convert_element_type3A_531 masked %broadcast_in_dim3A_533 : vector<16xi32>, vector<16xi1> -> vector<16xi32>
        %add3A_535 = arith.addi %add3A_362, %scan3A_519 : i32
        %add3A_536 = vector.broadcast %add3A_535 : i32 to vector<16xi32>
        %add3A_537 = arith.addi %add3A_536, %masked_cumsum3A : vector<16xi32>
        %sub3A = arith.constant 1 : i32
        %sub3A_538 = vector.broadcast %sub3A : i32 to vector<16xi32>
        %sub3A_539 = arith.subi %add3A_537, %sub3A_538 : vector<16xi32>
        %add3A_540 = arith.constant 8192 : i32
        %add3A_541 = arith.addi %add3A_540, %arg1 : i32
        %broadcast_in_dim3A_542 = vector.broadcast %add3A_541 : i32 to vector<16xi32>
        %select_n3A_543 = arith.select %lt3A_525, %sub3A_539, %broadcast_in_dim3A_542 : vector<16xi1>, vector<16xi32>
        %add3A_544 = arith.addi %add3A_367, %scan3A_520 : i32
        %add3A_545 = vector.broadcast %add3A_544 : i32 to vector<16xi32>
        %add3A_546 = arith.addi %add3A_545, %masked_cumsum3A_534 : vector<16xi32>
        %sub3A_547 = arith.constant 1 : i32
        %sub3A_548 = vector.broadcast %sub3A_547 : i32 to vector<16xi32>
        %sub3A_549 = arith.subi %add3A_546, %sub3A_548 : vector<16xi32>
        %lt3A_550 = arith.constant 8192 : i32
        %lt3A_551 = vector.broadcast %lt3A_550 : i32 to vector<16xi32>
        %lt3A_552 = arith.cmpi slt, %sub3A_549, %lt3A_551 : vector<16xi32>
        %and3A = arith.andi %eq3A_527, %lt3A_552 : vector<16xi1>
        %add3A_553 = arith.constant 8192 : i32
        %add3A_554 = arith.addi %add3A_553, %arg1 : i32
        %broadcast_in_dim3A_555 = vector.broadcast %add3A_554 : i32 to vector<16xi32>
        %select_n3A_556 = arith.select %and3A, %sub3A_549, %broadcast_in_dim3A_555 : vector<16xi1>, vector<16xi32>
        %mul3A_557 = arith.constant 16 : i32
        %mul3A_558 = arith.muli %scan3A_518, %mul3A_557 : i32
        %swap3A_559 = arith.index_cast %mul3A_558 : i32 to index
        %swap3A_560 = tpu.vector_load %arg7[%swap3A_559] {strides = array<i32>} : memref<4096xi32, #tpu.memory_space<vmem>>, vector<16xi32>,
        tpu.vector_store %arg7[%swap3A_559], %select_n3A_543 {strides = array<i32>} : memref<4096xi32, #tpu.memory_space<vmem>>, vector<16xi32>,
        %mul3A_561 = arith.constant 16 : i32
        %mul3A_562 = arith.muli %scan3A_518, %mul3A_561 : i32
        %swap3A_563 = arith.index_cast %mul3A_562 : i32 to index
        %swap3A_564 = tpu.vector_load %arg8[%swap3A_563] {strides = array<i32>} : memref<4096xi32, #tpu.memory_space<vmem>>, vector<16xi32>,
        tpu.vector_store %arg8[%swap3A_563], %select_n3A_556 {strides = array<i32>} : memref<4096xi32, #tpu.memory_space<vmem>>, vector<16xi32>,
        %all_reduce_population_count3A = tpu.all_reduce %lt3A_525 {dim = 0 : i64, kind = #tpu.reduction_kind<sum>} : vector<16xi1> -> vector<16xi32>
        %reduce_max3A = arith.constant true
        %reduce_max3A_565 = vector.broadcast %reduce_max3A : i1 to vector<16xi1>
        %reduce_max3A_566 = arith.constant -2147483648 : i32
        %reduce_max3A_567 = vector.broadcast %reduce_max3A_566 : i32 to vector<16xi32>
        %reduce_max3A_568 = arith.xori %all_reduce_population_count3A, %reduce_max3A_567 : vector<16xi32>
        %reduce_max3A_569 = tpu.scan <max>, %reduce_max3A_568 masked %reduce_max3A_565 : vector<16xi32>, vector<16xi1> -> vector<16xi32>
        %reduce_max3A_570 = arith.xori %reduce_max3A_569, %reduce_max3A_567 : vector<16xi32>
        %reduce_max3A_571 = vector.extract %reduce_max3A_570[15] : i32 from vector<16xi32>
        %add3A_572 = arith.addi %scan3A_519, %reduce_max3A_571 : i32
        %all_reduce_population_count3A_573 = tpu.all_reduce %eq3A_527 {dim = 0 : i64, kind = #tpu.reduction_kind<sum>} : vector<16xi1> -> vector<16xi32>
        %reduce_max3A_574 = arith.constant true
        %reduce_max3A_575 = vector.broadcast %reduce_max3A_574 : i1 to vector<16xi1>
        %reduce_max3A_576 = arith.constant -2147483648 : i32
        %reduce_max3A_577 = vector.broadcast %reduce_max3A_576 : i32 to vector<16xi32>
        %reduce_max3A_578 = arith.xori %all_reduce_population_count3A_573, %reduce_max3A_577 : vector<16xi32>
        %reduce_max3A_579 = tpu.scan <max>, %reduce_max3A_578 masked %reduce_max3A_575 : vector<16xi32>, vector<16xi1> -> vector<16xi32>
        %reduce_max3A_580 = arith.xori %reduce_max3A_579, %reduce_max3A_577 : vector<16xi32>
        %reduce_max3A_581 = vector.extract %reduce_max3A_580[15] : i32 from vector<16xi32>
        %add3A_582 = arith.addi %scan3A_520, %reduce_max3A_581 : i32
        scf.yield %add3A_572, %add3A_582 : i32, i32
      }
      %scan3A_375 = arith.constant 256 : i32
      "tpu.region"() ({
        %run_scoped3A = tpu.sem_alloc : memref<!tpu.dma_semaphore, #tpu.memory_space<semaphore_mem>>
        %dma_start3A = arith.constant 0 : i32
        %dma_start3A_518 = tpu.memref_slice %arg19[%dma_start3A] : memref<8208xi32, #tpu.memory_space<vmem_shared>> -> memref<8208xi32, #tpu.memory_space<vmem_shared>>
        tpu.enqueue_indirect_dma source(%arg5 : memref<4096xi32, #tpu.memory_space<vmem>>) target(%dma_start3A_518 : memref<8208xi32, #tpu.memory_space<vmem_shared>>) offsets(%arg7 : memref<4096xi32, #tpu.memory_space<vmem>>) semaphore(%run_scoped3A : memref<!tpu.dma_semaphore, #tpu.memory_space<semaphore_mem>>)
        %dma_wait3A = arith.constant 0 : i32
        %dma_wait3A_519 = tpu.memref_slice %arg19[%dma_wait3A] : memref<8208xi32, #tpu.memory_space<vmem_shared>> -> memref<8208xi32, #tpu.memory_space<vmem_shared>>
        tpu.wait_indirect_dma semaphore(%run_scoped3A : memref<!tpu.dma_semaphore, #tpu.memory_space<semaphore_mem>>) src(%arg5 : memref<4096xi32, #tpu.memory_space<vmem>>) dst(%dma_wait3A_519 : memref<8208xi32, #tpu.memory_space<vmem_shared>>)
        tpu.yield
      }) : () -> ()
      "tpu.region"() ({
        %run_scoped3A = tpu.sem_alloc : memref<!tpu.dma_semaphore, #tpu.memory_space<semaphore_mem>>
        %dma_start3A = arith.constant 0 : i32
        %dma_start3A_518 = tpu.memref_slice %arg20[%dma_start3A] : memref<8208xi32, #tpu.memory_space<vmem_shared>> -> memref<8208xi32, #tpu.memory_space<vmem_shared>>
        tpu.enqueue_indirect_dma source(%arg6 : memref<4096xi32, #tpu.memory_space<vmem>>) target(%dma_start3A_518 : memref<8208xi32, #tpu.memory_space<vmem_shared>>) offsets(%arg7 : memref<4096xi32, #tpu.memory_space<vmem>>) semaphore(%run_scoped3A : memref<!tpu.dma_semaphore, #tpu.memory_space<semaphore_mem>>)
        %dma_wait3A = arith.constant 0 : i32
        %dma_wait3A_519 = tpu.memref_slice %arg20[%dma_wait3A] : memref<8208xi32, #tpu.memory_space<vmem_shared>> -> memref<8208xi32, #tpu.memory_space<vmem_shared>>
        tpu.wait_indirect_dma semaphore(%run_scoped3A : memref<!tpu.dma_semaphore, #tpu.memory_space<semaphore_mem>>) src(%arg6 : memref<4096xi32, #tpu.memory_space<vmem>>) dst(%dma_wait3A_519 : memref<8208xi32, #tpu.memory_space<vmem_shared>>)
        tpu.yield
      }) : () -> ()
      "tpu.region"() ({
        %run_scoped3A = tpu.sem_alloc : memref<!tpu.dma_semaphore, #tpu.memory_space<semaphore_mem>>
        %dma_start3A = arith.constant 0 : i32
        %dma_start3A_518 = tpu.memref_slice %arg23[%dma_start3A] : memref<8208xi32, #tpu.memory_space<vmem_shared>> -> memref<8208xi32, #tpu.memory_space<vmem_shared>>
        tpu.enqueue_indirect_dma source(%arg6 : memref<4096xi32, #tpu.memory_space<vmem>>) target(%dma_start3A_518 : memref<8208xi32, #tpu.memory_space<vmem_shared>>) offsets(%arg8 : memref<4096xi32, #tpu.memory_space<vmem>>) semaphore(%run_scoped3A : memref<!tpu.dma_semaphore, #tpu.memory_space<semaphore_mem>>)
        %dma_wait3A = arith.constant 0 : i32
        %dma_wait3A_519 = tpu.memref_slice %arg23[%dma_wait3A] : memref<8208xi32, #tpu.memory_space<vmem_shared>> -> memref<8208xi32, #tpu.memory_space<vmem_shared>>
        tpu.wait_indirect_dma semaphore(%run_scoped3A : memref<!tpu.dma_semaphore, #tpu.memory_space<semaphore_mem>>) src(%arg6 : memref<4096xi32, #tpu.memory_space<vmem>>) dst(%dma_wait3A_519 : memref<8208xi32, #tpu.memory_space<vmem_shared>>)
        tpu.yield
      }) : () -> ()
      %barrier3A_376 = arith.constant 0 : index
      tpu.barrier barrier_id(%barrier3A_376)
      %mul3A_377 = arith.constant 512 : i32
      %mul3A_378 = arith.muli %arg1, %mul3A_377 : i32
      "tpu.region"() ({
        %run_scoped3A = tpu.sem_alloc : memref<!tpu.dma_semaphore, #tpu.memory_space<semaphore_mem>>
        %dma_start3A = tpu.memref_slice %arg19[%mul3A_378] : memref<8208xi32, #tpu.memory_space<vmem_shared>> -> memref<512xi32, #tpu.memory_space<vmem_shared>>
        %dma_start3A_518 = tpu.memref_slice %arg19[%mul3A_378] : memref<8208xi32, #tpu.memory_space<vmem_shared>> -> memref<512xi32, #tpu.memory_space<vmem_shared>>
        tpu.enqueue_dma source(%dma_start3A_518 : memref<512xi32, #tpu.memory_space<vmem_shared>>) target(%arg13 : memref<512xi32, #tpu.memory_space<vmem>>) target_semaphore(%run_scoped3A : memref<!tpu.dma_semaphore, #tpu.memory_space<semaphore_mem>>)
        %dma_wait3A = tpu.memref_slice %arg19[%mul3A_378] : memref<8208xi32, #tpu.memory_space<vmem_shared>> -> memref<512xi32, #tpu.memory_space<vmem_shared>>
        %dma_wait3A_519 = tpu.memref_slice %arg19[%mul3A_378] : memref<8208xi32, #tpu.memory_space<vmem_shared>> -> memref<512xi32, #tpu.memory_space<vmem_shared>>
        tpu.wait_dma2 semaphore(%run_scoped3A : memref<!tpu.dma_semaphore, #tpu.memory_space<semaphore_mem>>) src(%dma_wait3A_519 : memref<512xi32, #tpu.memory_space<vmem_shared>>) dst(%arg13 : memref<512xi32, #tpu.memory_space<vmem>>)
        tpu.yield
      }) : () -> ()
      %mul3A_379 = arith.constant 512 : i32
      %mul3A_380 = arith.muli %arg1, %mul3A_379 : i32
      "tpu.region"() ({
        %run_scoped3A = tpu.sem_alloc : memref<!tpu.dma_semaphore, #tpu.memory_space<semaphore_mem>>
        %dma_start3A = tpu.memref_slice %arg20[%mul3A_380] : memref<8208xi32, #tpu.memory_space<vmem_shared>> -> memref<512xi32, #tpu.memory_space<vmem_shared>>
        %dma_start3A_518 = tpu.memref_slice %arg20[%mul3A_380] : memref<8208xi32, #tpu.memory_space<vmem_shared>> -> memref<512xi32, #tpu.memory_space<vmem_shared>>
        tpu.enqueue_dma source(%dma_start3A_518 : memref<512xi32, #tpu.memory_space<vmem_shared>>) target(%arg14 : memref<512xi32, #tpu.memory_space<vmem>>) target_semaphore(%run_scoped3A : memref<!tpu.dma_semaphore, #tpu.memory_space<semaphore_mem>>)
        %dma_wait3A = tpu.memref_slice %arg20[%mul3A_380] : memref<8208xi32, #tpu.memory_space<vmem_shared>> -> memref<512xi32, #tpu.memory_space<vmem_shared>>
        %dma_wait3A_519 = tpu.memref_slice %arg20[%mul3A_380] : memref<8208xi32, #tpu.memory_space<vmem_shared>> -> memref<512xi32, #tpu.memory_space<vmem_shared>>
        tpu.wait_dma2 semaphore(%run_scoped3A : memref<!tpu.dma_semaphore, #tpu.memory_space<semaphore_mem>>) src(%dma_wait3A_519 : memref<512xi32, #tpu.memory_space<vmem_shared>>) dst(%arg14 : memref<512xi32, #tpu.memory_space<vmem>>)
        tpu.yield
      }) : () -> ()
      %scan3A_381 = arith.constant 0 : i32
      %scan3A_382 = arith.constant 0 : i32
      %scan3A_383 = arith.constant 16 : i32
      %scan3A_384 = arith.addi %scan3A_382, %scan3A_383 : i32
      %scan3A_385 = arith.constant 1 : i32
      %scan3A_386 = scf.for %scan3A_518 = %scan3A_382 to %scan3A_384 step %scan3A_385 iter_args(%scan3A_519 = %scan3A_381) -> (i32)  : i32 {
        %broadcast_in_dim3A_520 = arith.constant 0 : i32
        %broadcast_in_dim3A_521 = vector.broadcast %broadcast_in_dim3A_520 : i32 to vector<16xi32>
        %mul3A_522 = arith.constant 16 : i32
        %mul3A_523 = arith.muli %scan3A_518, %mul3A_522 : i32
        %swap3A_524 = arith.index_cast %mul3A_523 : i32 to index
        %swap3A_525 = tpu.vector_load %arg9[%swap3A_524] {strides = array<i32>} : memref<2048xi32, #tpu.memory_space<vmem>>, vector<16xi32>,
        tpu.vector_store %arg9[%swap3A_524], %broadcast_in_dim3A_521 {strides = array<i32>} : memref<2048xi32, #tpu.memory_space<vmem>>, vector<16xi32>,
        %scan3A_526 = arith.constant 0 : i32
        scf.yield %scan3A_526 : i32
      }
      %scan3A_387 = arith.constant 16 : i32
      %scan3A_388 = arith.constant 0 : i32
      %scan3A_389 = arith.constant 0 : i32
      %scan3A_390 = arith.constant 32 : i32
      %scan3A_391 = arith.addi %scan3A_389, %scan3A_390 : i32
      %scan3A_392 = arith.constant 1 : i32
      %scan3A_393 = scf.for %scan3A_518 = %scan3A_389 to %scan3A_391 step %scan3A_392 iter_args(%scan3A_519 = %scan3A_388) -> (i32)  : i32 {
        %mul3A_520 = arith.constant 16 : i32
        %mul3A_521 = arith.muli %scan3A_518, %mul3A_520 : i32
        %get3A_522 = arith.index_cast %mul3A_521 : i32 to index
        %get3A_523 = tpu.vector_load %arg13[%get3A_522] {strides = array<i32>} : memref<512xi32, #tpu.memory_space<vmem>>, vector<16xi32>,
        %bitcast3A = vector.bitcast %get3A_523 : vector<16xi32> to vector<16xi32>
        %shift_right_logical3A = arith.constant 0 : i32
        %shift_right_logical3A_524 = vector.broadcast %shift_right_logical3A : i32 to vector<16xi32>
        %shift_right_logical3A_525 = arith.shrui %bitcast3A, %shift_right_logical3A_524 : vector<16xi32>
        %and3A = arith.constant 255 : i32
        %and3A_526 = vector.broadcast %and3A : i32 to vector<16xi32>
        %and3A_527 = arith.andi %shift_right_logical3A_525, %and3A_526 : vector<16xi32>
        %broadcast_in_dim3A_528 = arith.constant 1 : i32
        %broadcast_in_dim3A_529 = vector.broadcast %broadcast_in_dim3A_528 : i32 to vector<16xi32>
        tpu.vector_store_idx %arg9[%and3A_527], %broadcast_in_dim3A_529 {add = true} : memref<2048xi32, #tpu.memory_space<vmem>>[vector<16xi32>], vector<16xi32>,
        %scan3A_530 = arith.constant 0 : i32
        scf.yield %scan3A_530 : i32
      }
      %scan3A_394 = arith.constant 32 : i32
      "tpu.region"() ({
        %run_scoped3A = tpu.sem_alloc : memref<!tpu.dma_semaphore, #tpu.memory_space<semaphore_mem>>
        %dma_start3A = arith.constant 0 : i32
        %dma_start3A_518 = tpu.memref_slice %arg16[%arg1, %dma_start3A] : memref<16x2048xi32, #tpu.memory_space<vmem_shared>> -> memref<1x2048xi32, #tpu.memory_space<vmem_shared>>
        %dma_start3A_519 = tpu.memref_squeeze %dma_start3A_518 : memref<1x2048xi32, #tpu.memory_space<vmem_shared>> -> memref<2048xi32, #tpu.memory_space<vmem_shared>>
        %dma_start3A_520 = arith.constant 0 : i32
        %dma_start3A_521 = tpu.memref_slice %arg16[%arg1, %dma_start3A_520] : memref<16x2048xi32, #tpu.memory_space<vmem_shared>> -> memref<1x2048xi32, #tpu.memory_space<vmem_shared>>
        %dma_start3A_522 = tpu.memref_squeeze %dma_start3A_521 : memref<1x2048xi32, #tpu.memory_space<vmem_shared>> -> memref<2048xi32, #tpu.memory_space<vmem_shared>>
        tpu.enqueue_dma source(%arg9 : memref<2048xi32, #tpu.memory_space<vmem>>) target(%dma_start3A_522 : memref<2048xi32, #tpu.memory_space<vmem_shared>>) target_semaphore(%run_scoped3A : memref<!tpu.dma_semaphore, #tpu.memory_space<semaphore_mem>>)
        %dma_wait3A = arith.constant 0 : i32
        %dma_wait3A_523 = tpu.memref_slice %arg16[%arg1, %dma_wait3A] : memref<16x2048xi32, #tpu.memory_space<vmem_shared>> -> memref<1x2048xi32, #tpu.memory_space<vmem_shared>>
        %dma_wait3A_524 = tpu.memref_squeeze %dma_wait3A_523 : memref<1x2048xi32, #tpu.memory_space<vmem_shared>> -> memref<2048xi32, #tpu.memory_space<vmem_shared>>
        %dma_wait3A_525 = arith.constant 0 : i32
        %dma_wait3A_526 = tpu.memref_slice %arg16[%arg1, %dma_wait3A_525] : memref<16x2048xi32, #tpu.memory_space<vmem_shared>> -> memref<1x2048xi32, #tpu.memory_space<vmem_shared>>
        %dma_wait3A_527 = tpu.memref_squeeze %dma_wait3A_526 : memref<1x2048xi32, #tpu.memory_space<vmem_shared>> -> memref<2048xi32, #tpu.memory_space<vmem_shared>>
        tpu.wait_dma2 semaphore(%run_scoped3A : memref<!tpu.dma_semaphore, #tpu.memory_space<semaphore_mem>>) src(%arg9 : memref<2048xi32, #tpu.memory_space<vmem>>) dst(%dma_wait3A_527 : memref<2048xi32, #tpu.memory_space<vmem_shared>>)
        tpu.yield
      }) : () -> ()
      %barrier3A_395 = arith.constant 0 : index
      tpu.barrier barrier_id(%barrier3A_395)
      "tpu.region"() ({
        %run_scoped3A = tpu.sem_alloc : memref<!tpu.dma_semaphore, #tpu.memory_space<semaphore_mem>>
        tpu.enqueue_dma source(%arg16 : memref<16x2048xi32, #tpu.memory_space<vmem_shared>>) target(%arg10 : memref<16x2048xi32, #tpu.memory_space<vmem>>) target_semaphore(%run_scoped3A : memref<!tpu.dma_semaphore, #tpu.memory_space<semaphore_mem>>)
        tpu.wait_dma2 semaphore(%run_scoped3A : memref<!tpu.dma_semaphore, #tpu.memory_space<semaphore_mem>>) src(%arg16 : memref<16x2048xi32, #tpu.memory_space<vmem_shared>>) dst(%arg10 : memref<16x2048xi32, #tpu.memory_space<vmem>>)
        tpu.yield
      }) : () -> ()
      %scan3A_396 = arith.constant 0 : i32
      %scan3A_397 = arith.constant 0 : i32
      %scan3A_398 = arith.constant 16 : i32
      %scan3A_399 = arith.addi %scan3A_397, %scan3A_398 : i32
      %scan3A_400 = arith.constant 1 : i32
      %scan3A_401 = scf.for %scan3A_518 = %scan3A_397 to %scan3A_399 step %scan3A_400 iter_args(%scan3A_519 = %scan3A_396) -> (i32)  : i32 {
        %mul3A_520 = arith.constant 16 : i32
        %mul3A_521 = arith.muli %scan3A_518, %mul3A_520 : i32
        %broadcast_in_dim3A_522 = arith.constant 0 : i32
        %broadcast_in_dim3A_523 = vector.broadcast %broadcast_in_dim3A_522 : i32 to vector<16xi32>
        %broadcast_in_dim3A_524 = arith.constant 0 : i32
        %broadcast_in_dim3A_525 = vector.broadcast %broadcast_in_dim3A_524 : i32 to vector<16xi32>
        %get3A_526 = arith.constant 0 : i32
        %get3A_527 = arith.index_cast %get3A_526 : i32 to index
        %get3A_528 = arith.index_cast %mul3A_521 : i32 to index
        %get3A_529 = tpu.vector_load %arg10[%get3A_527, %get3A_528] {strides = array<i32>} : memref<16x2048xi32, #tpu.memory_space<vmem>>, vector<16xi32>,
        %add3A_530 = arith.addi %broadcast_in_dim3A_523, %get3A_529 : vector<16xi32>
        %gt3A_531 = arith.constant 0 : i32
        %gt3A_532 = arith.cmpi sgt, %arg1, %gt3A_531 : i32
        %jit3A_533 = arith.constant 0 : i32
        %broadcast_in_dim3A_534 = vector.broadcast %jit3A_533 : i32 to vector<16xi32>
        %select_n3A_535 = arith.select %gt3A_532, %get3A_529, %broadcast_in_dim3A_534 : vector<16xi32>
        %add3A_536 = arith.addi %broadcast_in_dim3A_525, %select_n3A_535 : vector<16xi32>
        %get3A_537 = arith.constant 1 : i32
        %get3A_538 = arith.index_cast %get3A_537 : i32 to index
        %get3A_539 = arith.index_cast %mul3A_521 : i32 to index
        %get3A_540 = tpu.vector_load %arg10[%get3A_538, %get3A_539] {strides = array<i32>} : memref<16x2048xi32, #tpu.memory_space<vmem>>, vector<16xi32>,
        %add3A_541 = arith.addi %add3A_530, %get3A_540 : vector<16xi32>
        %gt3A_542 = arith.constant 1 : i32
        %gt3A_543 = arith.cmpi sgt, %arg1, %gt3A_542 : i32
        %jit3A_544 = arith.constant 0 : i32
        %broadcast_in_dim3A_545 = vector.broadcast %jit3A_544 : i32 to vector<16xi32>
        %select_n3A_546 = arith.select %gt3A_543, %get3A_540, %broadcast_in_dim3A_545 : vector<16xi32>
        %add3A_547 = arith.addi %add3A_536, %select_n3A_546 : vector<16xi32>
        %get3A_548 = arith.constant 2 : i32
        %get3A_549 = arith.index_cast %get3A_548 : i32 to index
        %get3A_550 = arith.index_cast %mul3A_521 : i32 to index
        %get3A_551 = tpu.vector_load %arg10[%get3A_549, %get3A_550] {strides = array<i32>} : memref<16x2048xi32, #tpu.memory_space<vmem>>, vector<16xi32>,
        %add3A_552 = arith.addi %add3A_541, %get3A_551 : vector<16xi32>
        %gt3A_553 = arith.constant 2 : i32
        %gt3A_554 = arith.cmpi sgt, %arg1, %gt3A_553 : i32
        %jit3A_555 = arith.constant 0 : i32
        %broadcast_in_dim3A_556 = vector.broadcast %jit3A_555 : i32 to vector<16xi32>
        %select_n3A_557 = arith.select %gt3A_554, %get3A_551, %broadcast_in_dim3A_556 : vector<16xi32>
        %add3A_558 = arith.addi %add3A_547, %select_n3A_557 : vector<16xi32>
        %get3A_559 = arith.constant 3 : i32
        %get3A_560 = arith.index_cast %get3A_559 : i32 to index
        %get3A_561 = arith.index_cast %mul3A_521 : i32 to index
        %get3A_562 = tpu.vector_load %arg10[%get3A_560, %get3A_561] {strides = array<i32>} : memref<16x2048xi32, #tpu.memory_space<vmem>>, vector<16xi32>,
        %add3A_563 = arith.addi %add3A_552, %get3A_562 : vector<16xi32>
        %gt3A_564 = arith.constant 3 : i32
        %gt3A_565 = arith.cmpi sgt, %arg1, %gt3A_564 : i32
        %jit3A_566 = arith.constant 0 : i32
        %broadcast_in_dim3A_567 = vector.broadcast %jit3A_566 : i32 to vector<16xi32>
        %select_n3A_568 = arith.select %gt3A_565, %get3A_562, %broadcast_in_dim3A_567 : vector<16xi32>
        %add3A_569 = arith.addi %add3A_558, %select_n3A_568 : vector<16xi32>
        %get3A_570 = arith.constant 4 : i32
        %get3A_571 = arith.index_cast %get3A_570 : i32 to index
        %get3A_572 = arith.index_cast %mul3A_521 : i32 to index
        %get3A_573 = tpu.vector_load %arg10[%get3A_571, %get3A_572] {strides = array<i32>} : memref<16x2048xi32, #tpu.memory_space<vmem>>, vector<16xi32>,
        %add3A_574 = arith.addi %add3A_563, %get3A_573 : vector<16xi32>
        %gt3A_575 = arith.constant 4 : i32
        %gt3A_576 = arith.cmpi sgt, %arg1, %gt3A_575 : i32
        %jit3A_577 = arith.constant 0 : i32
        %broadcast_in_dim3A_578 = vector.broadcast %jit3A_577 : i32 to vector<16xi32>
        %select_n3A_579 = arith.select %gt3A_576, %get3A_573, %broadcast_in_dim3A_578 : vector<16xi32>
        %add3A_580 = arith.addi %add3A_569, %select_n3A_579 : vector<16xi32>
        %get3A_581 = arith.constant 5 : i32
        %get3A_582 = arith.index_cast %get3A_581 : i32 to index
        %get3A_583 = arith.index_cast %mul3A_521 : i32 to index
        %get3A_584 = tpu.vector_load %arg10[%get3A_582, %get3A_583] {strides = array<i32>} : memref<16x2048xi32, #tpu.memory_space<vmem>>, vector<16xi32>,
        %add3A_585 = arith.addi %add3A_574, %get3A_584 : vector<16xi32>
        %gt3A_586 = arith.constant 5 : i32
        %gt3A_587 = arith.cmpi sgt, %arg1, %gt3A_586 : i32
        %jit3A_588 = arith.constant 0 : i32
        %broadcast_in_dim3A_589 = vector.broadcast %jit3A_588 : i32 to vector<16xi32>
        %select_n3A_590 = arith.select %gt3A_587, %get3A_584, %broadcast_in_dim3A_589 : vector<16xi32>
        %add3A_591 = arith.addi %add3A_580, %select_n3A_590 : vector<16xi32>
        %get3A_592 = arith.constant 6 : i32
        %get3A_593 = arith.index_cast %get3A_592 : i32 to index
        %get3A_594 = arith.index_cast %mul3A_521 : i32 to index
        %get3A_595 = tpu.vector_load %arg10[%get3A_593, %get3A_594] {strides = array<i32>} : memref<16x2048xi32, #tpu.memory_space<vmem>>, vector<16xi32>,
        %add3A_596 = arith.addi %add3A_585, %get3A_595 : vector<16xi32>
        %gt3A_597 = arith.constant 6 : i32
        %gt3A_598 = arith.cmpi sgt, %arg1, %gt3A_597 : i32
        %jit3A_599 = arith.constant 0 : i32
        %broadcast_in_dim3A_600 = vector.broadcast %jit3A_599 : i32 to vector<16xi32>
        %select_n3A_601 = arith.select %gt3A_598, %get3A_595, %broadcast_in_dim3A_600 : vector<16xi32>
        %add3A_602 = arith.addi %add3A_591, %select_n3A_601 : vector<16xi32>
        %get3A_603 = arith.constant 7 : i32
        %get3A_604 = arith.index_cast %get3A_603 : i32 to index
        %get3A_605 = arith.index_cast %mul3A_521 : i32 to index
        %get3A_606 = tpu.vector_load %arg10[%get3A_604, %get3A_605] {strides = array<i32>} : memref<16x2048xi32, #tpu.memory_space<vmem>>, vector<16xi32>,
        %add3A_607 = arith.addi %add3A_596, %get3A_606 : vector<16xi32>
        %gt3A_608 = arith.constant 7 : i32
        %gt3A_609 = arith.cmpi sgt, %arg1, %gt3A_608 : i32
        %jit3A_610 = arith.constant 0 : i32
        %broadcast_in_dim3A_611 = vector.broadcast %jit3A_610 : i32 to vector<16xi32>
        %select_n3A_612 = arith.select %gt3A_609, %get3A_606, %broadcast_in_dim3A_611 : vector<16xi32>
        %add3A_613 = arith.addi %add3A_602, %select_n3A_612 : vector<16xi32>
        %get3A_614 = arith.constant 8 : i32
        %get3A_615 = arith.index_cast %get3A_614 : i32 to index
        %get3A_616 = arith.index_cast %mul3A_521 : i32 to index
        %get3A_617 = tpu.vector_load %arg10[%get3A_615, %get3A_616] {strides = array<i32>} : memref<16x2048xi32, #tpu.memory_space<vmem>>, vector<16xi32>,
        %add3A_618 = arith.addi %add3A_607, %get3A_617 : vector<16xi32>
        %gt3A_619 = arith.constant 8 : i32
        %gt3A_620 = arith.cmpi sgt, %arg1, %gt3A_619 : i32
        %jit3A_621 = arith.constant 0 : i32
        %broadcast_in_dim3A_622 = vector.broadcast %jit3A_621 : i32 to vector<16xi32>
        %select_n3A_623 = arith.select %gt3A_620, %get3A_617, %broadcast_in_dim3A_622 : vector<16xi32>
        %add3A_624 = arith.addi %add3A_613, %select_n3A_623 : vector<16xi32>
        %get3A_625 = arith.constant 9 : i32
        %get3A_626 = arith.index_cast %get3A_625 : i32 to index
        %get3A_627 = arith.index_cast %mul3A_521 : i32 to index
        %get3A_628 = tpu.vector_load %arg10[%get3A_626, %get3A_627] {strides = array<i32>} : memref<16x2048xi32, #tpu.memory_space<vmem>>, vector<16xi32>,
        %add3A_629 = arith.addi %add3A_618, %get3A_628 : vector<16xi32>
        %gt3A_630 = arith.constant 9 : i32
        %gt3A_631 = arith.cmpi sgt, %arg1, %gt3A_630 : i32
        %jit3A_632 = arith.constant 0 : i32
        %broadcast_in_dim3A_633 = vector.broadcast %jit3A_632 : i32 to vector<16xi32>
        %select_n3A_634 = arith.select %gt3A_631, %get3A_628, %broadcast_in_dim3A_633 : vector<16xi32>
        %add3A_635 = arith.addi %add3A_624, %select_n3A_634 : vector<16xi32>
        %get3A_636 = arith.constant 10 : i32
        %get3A_637 = arith.index_cast %get3A_636 : i32 to index
        %get3A_638 = arith.index_cast %mul3A_521 : i32 to index
        %get3A_639 = tpu.vector_load %arg10[%get3A_637, %get3A_638] {strides = array<i32>} : memref<16x2048xi32, #tpu.memory_space<vmem>>, vector<16xi32>,
        %add3A_640 = arith.addi %add3A_629, %get3A_639 : vector<16xi32>
        %gt3A_641 = arith.constant 10 : i32
        %gt3A_642 = arith.cmpi sgt, %arg1, %gt3A_641 : i32
        %jit3A_643 = arith.constant 0 : i32
        %broadcast_in_dim3A_644 = vector.broadcast %jit3A_643 : i32 to vector<16xi32>
        %select_n3A_645 = arith.select %gt3A_642, %get3A_639, %broadcast_in_dim3A_644 : vector<16xi32>
        %add3A_646 = arith.addi %add3A_635, %select_n3A_645 : vector<16xi32>
        %get3A_647 = arith.constant 11 : i32
        %get3A_648 = arith.index_cast %get3A_647 : i32 to index
        %get3A_649 = arith.index_cast %mul3A_521 : i32 to index
        %get3A_650 = tpu.vector_load %arg10[%get3A_648, %get3A_649] {strides = array<i32>} : memref<16x2048xi32, #tpu.memory_space<vmem>>, vector<16xi32>,
        %add3A_651 = arith.addi %add3A_640, %get3A_650 : vector<16xi32>
        %gt3A_652 = arith.constant 11 : i32
        %gt3A_653 = arith.cmpi sgt, %arg1, %gt3A_652 : i32
        %jit3A_654 = arith.constant 0 : i32
        %broadcast_in_dim3A_655 = vector.broadcast %jit3A_654 : i32 to vector<16xi32>
        %select_n3A_656 = arith.select %gt3A_653, %get3A_650, %broadcast_in_dim3A_655 : vector<16xi32>
        %add3A_657 = arith.addi %add3A_646, %select_n3A_656 : vector<16xi32>
        %get3A_658 = arith.constant 12 : i32
        %get3A_659 = arith.index_cast %get3A_658 : i32 to index
        %get3A_660 = arith.index_cast %mul3A_521 : i32 to index
        %get3A_661 = tpu.vector_load %arg10[%get3A_659, %get3A_660] {strides = array<i32>} : memref<16x2048xi32, #tpu.memory_space<vmem>>, vector<16xi32>,
        %add3A_662 = arith.addi %add3A_651, %get3A_661 : vector<16xi32>
        %gt3A_663 = arith.constant 12 : i32
        %gt3A_664 = arith.cmpi sgt, %arg1, %gt3A_663 : i32
        %jit3A_665 = arith.constant 0 : i32
        %broadcast_in_dim3A_666 = vector.broadcast %jit3A_665 : i32 to vector<16xi32>
        %select_n3A_667 = arith.select %gt3A_664, %get3A_661, %broadcast_in_dim3A_666 : vector<16xi32>
        %add3A_668 = arith.addi %add3A_657, %select_n3A_667 : vector<16xi32>
        %get3A_669 = arith.constant 13 : i32
        %get3A_670 = arith.index_cast %get3A_669 : i32 to index
        %get3A_671 = arith.index_cast %mul3A_521 : i32 to index
        %get3A_672 = tpu.vector_load %arg10[%get3A_670, %get3A_671] {strides = array<i32>} : memref<16x2048xi32, #tpu.memory_space<vmem>>, vector<16xi32>,
        %add3A_673 = arith.addi %add3A_662, %get3A_672 : vector<16xi32>
        %gt3A_674 = arith.constant 13 : i32
        %gt3A_675 = arith.cmpi sgt, %arg1, %gt3A_674 : i32
        %jit3A_676 = arith.constant 0 : i32
        %broadcast_in_dim3A_677 = vector.broadcast %jit3A_676 : i32 to vector<16xi32>
        %select_n3A_678 = arith.select %gt3A_675, %get3A_672, %broadcast_in_dim3A_677 : vector<16xi32>
        %add3A_679 = arith.addi %add3A_668, %select_n3A_678 : vector<16xi32>
        %get3A_680 = arith.constant 14 : i32
        %get3A_681 = arith.index_cast %get3A_680 : i32 to index
        %get3A_682 = arith.index_cast %mul3A_521 : i32 to index
        %get3A_683 = tpu.vector_load %arg10[%get3A_681, %get3A_682] {strides = array<i32>} : memref<16x2048xi32, #tpu.memory_space<vmem>>, vector<16xi32>,
        %add3A_684 = arith.addi %add3A_673, %get3A_683 : vector<16xi32>
        %gt3A_685 = arith.constant 14 : i32
        %gt3A_686 = arith.cmpi sgt, %arg1, %gt3A_685 : i32
        %jit3A_687 = arith.constant 0 : i32
        %broadcast_in_dim3A_688 = vector.broadcast %jit3A_687 : i32 to vector<16xi32>
        %select_n3A_689 = arith.select %gt3A_686, %get3A_683, %broadcast_in_dim3A_688 : vector<16xi32>
        %add3A_690 = arith.addi %add3A_679, %select_n3A_689 : vector<16xi32>
        %get3A_691 = arith.constant 15 : i32
        %get3A_692 = arith.index_cast %get3A_691 : i32 to index
        %get3A_693 = arith.index_cast %mul3A_521 : i32 to index
        %get3A_694 = tpu.vector_load %arg10[%get3A_692, %get3A_693] {strides = array<i32>} : memref<16x2048xi32, #tpu.memory_space<vmem>>, vector<16xi32>,
        %add3A_695 = arith.addi %add3A_684, %get3A_694 : vector<16xi32>
        %gt3A_696 = arith.constant 15 : i32
        %gt3A_697 = arith.cmpi sgt, %arg1, %gt3A_696 : i32
        %jit3A_698 = arith.constant 0 : i32
        %broadcast_in_dim3A_699 = vector.broadcast %jit3A_698 : i32 to vector<16xi32>
        %select_n3A_700 = arith.select %gt3A_697, %get3A_694, %broadcast_in_dim3A_699 : vector<16xi32>
        %add3A_701 = arith.addi %add3A_690, %select_n3A_700 : vector<16xi32>
        %broadcast_in_dim3A_702 = arith.constant true
        %broadcast_in_dim3A_703 = vector.broadcast %broadcast_in_dim3A_702 : i1 to vector<16xi1>
        %masked_cumsum3A = tpu.scan <sum>, %add3A_695 masked %broadcast_in_dim3A_703 : vector<16xi32>, vector<16xi1> -> vector<16xi32>
        %add3A_704 = vector.broadcast %scan3A_519 : i32 to vector<16xi32>
        %add3A_705 = arith.addi %add3A_704, %masked_cumsum3A : vector<16xi32>
        %sub3A = arith.subi %add3A_705, %add3A_695 : vector<16xi32>
        %add3A_706 = arith.addi %sub3A, %add3A_701 : vector<16xi32>
        %swap3A_707 = arith.index_cast %mul3A_521 : i32 to index
        %swap3A_708 = tpu.vector_load %arg9[%swap3A_707] {strides = array<i32>} : memref<2048xi32, #tpu.memory_space<vmem>>, vector<16xi32>,
        tpu.vector_store %arg9[%swap3A_707], %add3A_706 {strides = array<i32>} : memref<2048xi32, #tpu.memory_space<vmem>>, vector<16xi32>,
        %reduce_max3A = arith.constant true
        %reduce_max3A_709 = vector.broadcast %reduce_max3A : i1 to vector<16xi1>
        %reduce_max3A_710 = arith.constant -2147483648 : i32
        %reduce_max3A_711 = vector.broadcast %reduce_max3A_710 : i32 to vector<16xi32>
        %reduce_max3A_712 = arith.xori %masked_cumsum3A, %reduce_max3A_711 : vector<16xi32>
        %reduce_max3A_713 = tpu.scan <max>, %reduce_max3A_712 masked %reduce_max3A_709 : vector<16xi32>, vector<16xi1> -> vector<16xi32>
        %reduce_max3A_714 = arith.xori %reduce_max3A_713, %reduce_max3A_711 : vector<16xi32>
        %reduce_max3A_715 = vector.extract %reduce_max3A_714[15] : i32 from vector<16xi32>
        %add3A_716 = arith.addi %scan3A_519, %reduce_max3A_715 : i32
        scf.yield %add3A_716 : i32
      }
      %scan3A_402 = arith.constant 16 : i32
      %scan3A_403 = arith.constant 0 : i32
      %scan3A_404 = arith.constant 0 : i32
      %scan3A_405 = arith.constant 32 : i32
      %scan3A_406 = arith.addi %scan3A_404, %scan3A_405 : i32
      %scan3A_407 = arith.constant 1 : i32
      %scan3A_408 = scf.for %scan3A_518 = %scan3A_404 to %scan3A_406 step %scan3A_407 iter_args(%scan3A_519 = %scan3A_403) -> (i32)  : i32 {
        %mul3A_520 = arith.constant 16 : i32
        %mul3A_521 = arith.muli %scan3A_518, %mul3A_520 : i32
        %get3A_522 = arith.index_cast %mul3A_521 : i32 to index
        %get3A_523 = tpu.vector_load %arg13[%get3A_522] {strides = array<i32>} : memref<512xi32, #tpu.memory_space<vmem>>, vector<16xi32>,
        %bitcast3A = vector.bitcast %get3A_523 : vector<16xi32> to vector<16xi32>
        %shift_right_logical3A = arith.constant 0 : i32
        %shift_right_logical3A_524 = vector.broadcast %shift_right_logical3A : i32 to vector<16xi32>
        %shift_right_logical3A_525 = arith.shrui %bitcast3A, %shift_right_logical3A_524 : vector<16xi32>
        %and3A = arith.constant 255 : i32
        %and3A_526 = vector.broadcast %and3A : i32 to vector<16xi32>
        %and3A_527 = arith.andi %shift_right_logical3A_525, %and3A_526 : vector<16xi32>
        %gather3A = tpu.vector_load_idx %arg9[%and3A_527] : memref<2048xi32, #tpu.memory_space<vmem>>[vector<16xi32>], vector<16xi32>,
        %broadcast_in_dim3A_528 = arith.constant true
        %broadcast_in_dim3A_529 = vector.broadcast %broadcast_in_dim3A_528 : i1 to vector<16xi1>
        %unique3A, %unique3A_530 = tpu.scan_count mask(%broadcast_in_dim3A_529 : vector<16xi1>) value(%and3A_527 : vector<16xi32>) : vector<16xi1>, vector<16xi32>
        %add3A_531 = arith.addi %gather3A, %unique3A_530 : vector<16xi32>
        %sub3A = arith.constant 1 : i32
        %sub3A_532 = vector.broadcast %sub3A : i32 to vector<16xi32>
        %sub3A_533 = arith.subi %add3A_531, %sub3A_532 : vector<16xi32>
        %add3A_534 = arith.addi %gather3A, %unique3A_530 : vector<16xi32>
        tpu.vector_store_idx %arg9[%and3A_527], %add3A_534 masked %unique3A : memref<2048xi32, #tpu.memory_space<vmem>>[vector<16xi32>], vector<16xi32>, vector<16xi1>
        %mul3A_535 = arith.constant 16 : i32
        %mul3A_536 = arith.muli %scan3A_518, %mul3A_535 : i32
        %swap3A_537 = arith.index_cast %mul3A_536 : i32 to index
        %swap3A_538 = tpu.vector_load %arg15[%swap3A_537] {strides = array<i32>} : memref<512xi32, #tpu.memory_space<vmem>>, vector<16xi32>,
        tpu.vector_store %arg15[%swap3A_537], %sub3A_533 {strides = array<i32>} : memref<512xi32, #tpu.memory_space<vmem>>, vector<16xi32>,
        %scan3A_539 = arith.constant 0 : i32
        scf.yield %scan3A_539 : i32
      }
      %scan3A_409 = arith.constant 32 : i32
      "tpu.region"() ({
        %run_scoped3A = tpu.sem_alloc : memref<!tpu.dma_semaphore, #tpu.memory_space<semaphore_mem>>
        %dma_start3A = arith.constant 0 : i32
        %dma_start3A_518 = tpu.memref_slice %arg21[%dma_start3A] : memref<8208xi32, #tpu.memory_space<vmem_shared>> -> memref<8208xi32, #tpu.memory_space<vmem_shared>>
        tpu.enqueue_indirect_dma source(%arg13 : memref<512xi32, #tpu.memory_space<vmem>>) target(%dma_start3A_518 : memref<8208xi32, #tpu.memory_space<vmem_shared>>) offsets(%arg15 : memref<512xi32, #tpu.memory_space<vmem>>) semaphore(%run_scoped3A : memref<!tpu.dma_semaphore, #tpu.memory_space<semaphore_mem>>)
        %dma_wait3A = arith.constant 0 : i32
        %dma_wait3A_519 = tpu.memref_slice %arg21[%dma_wait3A] : memref<8208xi32, #tpu.memory_space<vmem_shared>> -> memref<8208xi32, #tpu.memory_space<vmem_shared>>
        tpu.wait_indirect_dma semaphore(%run_scoped3A : memref<!tpu.dma_semaphore, #tpu.memory_space<semaphore_mem>>) src(%arg13 : memref<512xi32, #tpu.memory_space<vmem>>) dst(%dma_wait3A_519 : memref<8208xi32, #tpu.memory_space<vmem_shared>>)
        tpu.yield
      }) : () -> ()
      "tpu.region"() ({
        %run_scoped3A = tpu.sem_alloc : memref<!tpu.dma_semaphore, #tpu.memory_space<semaphore_mem>>
        %dma_start3A = arith.constant 0 : i32
        %dma_start3A_518 = tpu.memref_slice %arg22[%dma_start3A] : memref<8208xi32, #tpu.memory_space<vmem_shared>> -> memref<8208xi32, #tpu.memory_space<vmem_shared>>
        tpu.enqueue_indirect_dma source(%arg14 : memref<512xi32, #tpu.memory_space<vmem>>) target(%dma_start3A_518 : memref<8208xi32, #tpu.memory_space<vmem_shared>>) offsets(%arg15 : memref<512xi32, #tpu.memory_space<vmem>>) semaphore(%run_scoped3A : memref<!tpu.dma_semaphore, #tpu.memory_space<semaphore_mem>>)
        %dma_wait3A = arith.constant 0 : i32
        %dma_wait3A_519 = tpu.memref_slice %arg22[%dma_wait3A] : memref<8208xi32, #tpu.memory_space<vmem_shared>> -> memref<8208xi32, #tpu.memory_space<vmem_shared>>
        tpu.wait_indirect_dma semaphore(%run_scoped3A : memref<!tpu.dma_semaphore, #tpu.memory_space<semaphore_mem>>) src(%arg14 : memref<512xi32, #tpu.memory_space<vmem>>) dst(%dma_wait3A_519 : memref<8208xi32, #tpu.memory_space<vmem_shared>>)
        tpu.yield
      }) : () -> ()
      %barrier3A_410 = arith.constant 0 : index
      tpu.barrier barrier_id(%barrier3A_410)
      %mul3A_411 = arith.constant 512 : i32
      %mul3A_412 = arith.muli %arg1, %mul3A_411 : i32
      "tpu.region"() ({
        %run_scoped3A = tpu.sem_alloc : memref<!tpu.dma_semaphore, #tpu.memory_space<semaphore_mem>>
        %dma_start3A = tpu.memref_slice %arg21[%mul3A_412] : memref<8208xi32, #tpu.memory_space<vmem_shared>> -> memref<512xi32, #tpu.memory_space<vmem_shared>>
        %dma_start3A_518 = tpu.memref_slice %arg21[%mul3A_412] : memref<8208xi32, #tpu.memory_space<vmem_shared>> -> memref<512xi32, #tpu.memory_space<vmem_shared>>
        tpu.enqueue_dma source(%dma_start3A_518 : memref<512xi32, #tpu.memory_space<vmem_shared>>) target(%arg13 : memref<512xi32, #tpu.memory_space<vmem>>) target_semaphore(%run_scoped3A : memref<!tpu.dma_semaphore, #tpu.memory_space<semaphore_mem>>)
        %dma_wait3A = tpu.memref_slice %arg21[%mul3A_412] : memref<8208xi32, #tpu.memory_space<vmem_shared>> -> memref<512xi32, #tpu.memory_space<vmem_shared>>
        %dma_wait3A_519 = tpu.memref_slice %arg21[%mul3A_412] : memref<8208xi32, #tpu.memory_space<vmem_shared>> -> memref<512xi32, #tpu.memory_space<vmem_shared>>
        tpu.wait_dma2 semaphore(%run_scoped3A : memref<!tpu.dma_semaphore, #tpu.memory_space<semaphore_mem>>) src(%dma_wait3A_519 : memref<512xi32, #tpu.memory_space<vmem_shared>>) dst(%arg13 : memref<512xi32, #tpu.memory_space<vmem>>)
        tpu.yield
      }) : () -> ()
      %mul3A_413 = arith.constant 512 : i32
      %mul3A_414 = arith.muli %arg1, %mul3A_413 : i32
      "tpu.region"() ({
        %run_scoped3A = tpu.sem_alloc : memref<!tpu.dma_semaphore, #tpu.memory_space<semaphore_mem>>
        %dma_start3A = tpu.memref_slice %arg22[%mul3A_414] : memref<8208xi32, #tpu.memory_space<vmem_shared>> -> memref<512xi32, #tpu.memory_space<vmem_shared>>
        %dma_start3A_518 = tpu.memref_slice %arg22[%mul3A_414] : memref<8208xi32, #tpu.memory_space<vmem_shared>> -> memref<512xi32, #tpu.memory_space<vmem_shared>>
        tpu.enqueue_dma source(%dma_start3A_518 : memref<512xi32, #tpu.memory_space<vmem_shared>>) target(%arg14 : memref<512xi32, #tpu.memory_space<vmem>>) target_semaphore(%run_scoped3A : memref<!tpu.dma_semaphore, #tpu.memory_space<semaphore_mem>>)
        %dma_wait3A = tpu.memref_slice %arg22[%mul3A_414] : memref<8208xi32, #tpu.memory_space<vmem_shared>> -> memref<512xi32, #tpu.memory_space<vmem_shared>>
        %dma_wait3A_519 = tpu.memref_slice %arg22[%mul3A_414] : memref<8208xi32, #tpu.memory_space<vmem_shared>> -> memref<512xi32, #tpu.memory_space<vmem_shared>>
        tpu.wait_dma2 semaphore(%run_scoped3A : memref<!tpu.dma_semaphore, #tpu.memory_space<semaphore_mem>>) src(%dma_wait3A_519 : memref<512xi32, #tpu.memory_space<vmem_shared>>) dst(%arg14 : memref<512xi32, #tpu.memory_space<vmem>>)
        tpu.yield
      }) : () -> ()
      %scan3A_415 = arith.constant 0 : i32
      %scan3A_416 = arith.constant 0 : i32
      %scan3A_417 = arith.constant 16 : i32
      %scan3A_418 = arith.addi %scan3A_416, %scan3A_417 : i32
      %scan3A_419 = arith.constant 1 : i32
      %scan3A_420 = scf.for %scan3A_518 = %scan3A_416 to %scan3A_418 step %scan3A_419 iter_args(%scan3A_519 = %scan3A_415) -> (i32)  : i32 {
        %broadcast_in_dim3A_520 = arith.constant 0 : i32
        %broadcast_in_dim3A_521 = vector.broadcast %broadcast_in_dim3A_520 : i32 to vector<16xi32>
        %mul3A_522 = arith.constant 16 : i32
        %mul3A_523 = arith.muli %scan3A_518, %mul3A_522 : i32
        %swap3A_524 = arith.index_cast %mul3A_523 : i32 to index
        %swap3A_525 = tpu.vector_load %arg9[%swap3A_524] {strides = array<i32>} : memref<2048xi32, #tpu.memory_space<vmem>>, vector<16xi32>,
        tpu.vector_store %arg9[%swap3A_524], %broadcast_in_dim3A_521 {strides = array<i32>} : memref<2048xi32, #tpu.memory_space<vmem>>, vector<16xi32>,
        %scan3A_526 = arith.constant 0 : i32
        scf.yield %scan3A_526 : i32
      }
      %scan3A_421 = arith.constant 16 : i32
      %scan3A_422 = arith.constant 0 : i32
      %scan3A_423 = arith.constant 0 : i32
      %scan3A_424 = arith.constant 32 : i32
      %scan3A_425 = arith.addi %scan3A_423, %scan3A_424 : i32
      %scan3A_426 = arith.constant 1 : i32
      %scan3A_427 = scf.for %scan3A_518 = %scan3A_423 to %scan3A_425 step %scan3A_426 iter_args(%scan3A_519 = %scan3A_422) -> (i32)  : i32 {
        %mul3A_520 = arith.constant 16 : i32
        %mul3A_521 = arith.muli %scan3A_518, %mul3A_520 : i32
        %get3A_522 = arith.index_cast %mul3A_521 : i32 to index
        %get3A_523 = tpu.vector_load %arg13[%get3A_522] {strides = array<i32>} : memref<512xi32, #tpu.memory_space<vmem>>, vector<16xi32>,
        %bitcast3A = vector.bitcast %get3A_523 : vector<16xi32> to vector<16xi32>
        %shift_right_logical3A = arith.constant 8 : i32
        %shift_right_logical3A_524 = vector.broadcast %shift_right_logical3A : i32 to vector<16xi32>
        %shift_right_logical3A_525 = arith.shrui %bitcast3A, %shift_right_logical3A_524 : vector<16xi32>
        %and3A = arith.constant 255 : i32
        %and3A_526 = vector.broadcast %and3A : i32 to vector<16xi32>
        %and3A_527 = arith.andi %shift_right_logical3A_525, %and3A_526 : vector<16xi32>
        %broadcast_in_dim3A_528 = arith.constant 1 : i32
        %broadcast_in_dim3A_529 = vector.broadcast %broadcast_in_dim3A_528 : i32 to vector<16xi32>
        tpu.vector_store_idx %arg9[%and3A_527], %broadcast_in_dim3A_529 {add = true} : memref<2048xi32, #tpu.memory_space<vmem>>[vector<16xi32>], vector<16xi32>,
        %scan3A_530 = arith.constant 0 : i32
        scf.yield %scan3A_530 : i32
      }
      %scan3A_428 = arith.constant 32 : i32
      "tpu.region"() ({
        %run_scoped3A = tpu.sem_alloc : memref<!tpu.dma_semaphore, #tpu.memory_space<semaphore_mem>>
        %dma_start3A = arith.constant 0 : i32
        %dma_start3A_518 = tpu.memref_slice %arg16[%arg1, %dma_start3A] : memref<16x2048xi32, #tpu.memory_space<vmem_shared>> -> memref<1x2048xi32, #tpu.memory_space<vmem_shared>>
        %dma_start3A_519 = tpu.memref_squeeze %dma_start3A_518 : memref<1x2048xi32, #tpu.memory_space<vmem_shared>> -> memref<2048xi32, #tpu.memory_space<vmem_shared>>
        %dma_start3A_520 = arith.constant 0 : i32
        %dma_start3A_521 = tpu.memref_slice %arg16[%arg1, %dma_start3A_520] : memref<16x2048xi32, #tpu.memory_space<vmem_shared>> -> memref<1x2048xi32, #tpu.memory_space<vmem_shared>>
        %dma_start3A_522 = tpu.memref_squeeze %dma_start3A_521 : memref<1x2048xi32, #tpu.memory_space<vmem_shared>> -> memref<2048xi32, #tpu.memory_space<vmem_shared>>
        tpu.enqueue_dma source(%arg9 : memref<2048xi32, #tpu.memory_space<vmem>>) target(%dma_start3A_522 : memref<2048xi32, #tpu.memory_space<vmem_shared>>) target_semaphore(%run_scoped3A : memref<!tpu.dma_semaphore, #tpu.memory_space<semaphore_mem>>)
        %dma_wait3A = arith.constant 0 : i32
        %dma_wait3A_523 = tpu.memref_slice %arg16[%arg1, %dma_wait3A] : memref<16x2048xi32, #tpu.memory_space<vmem_shared>> -> memref<1x2048xi32, #tpu.memory_space<vmem_shared>>
        %dma_wait3A_524 = tpu.memref_squeeze %dma_wait3A_523 : memref<1x2048xi32, #tpu.memory_space<vmem_shared>> -> memref<2048xi32, #tpu.memory_space<vmem_shared>>
        %dma_wait3A_525 = arith.constant 0 : i32
        %dma_wait3A_526 = tpu.memref_slice %arg16[%arg1, %dma_wait3A_525] : memref<16x2048xi32, #tpu.memory_space<vmem_shared>> -> memref<1x2048xi32, #tpu.memory_space<vmem_shared>>
        %dma_wait3A_527 = tpu.memref_squeeze %dma_wait3A_526 : memref<1x2048xi32, #tpu.memory_space<vmem_shared>> -> memref<2048xi32, #tpu.memory_space<vmem_shared>>
        tpu.wait_dma2 semaphore(%run_scoped3A : memref<!tpu.dma_semaphore, #tpu.memory_space<semaphore_mem>>) src(%arg9 : memref<2048xi32, #tpu.memory_space<vmem>>) dst(%dma_wait3A_527 : memref<2048xi32, #tpu.memory_space<vmem_shared>>)
        tpu.yield
      }) : () -> ()
      %barrier3A_429 = arith.constant 0 : index
      tpu.barrier barrier_id(%barrier3A_429)
      "tpu.region"() ({
        %run_scoped3A = tpu.sem_alloc : memref<!tpu.dma_semaphore, #tpu.memory_space<semaphore_mem>>
        tpu.enqueue_dma source(%arg16 : memref<16x2048xi32, #tpu.memory_space<vmem_shared>>) target(%arg10 : memref<16x2048xi32, #tpu.memory_space<vmem>>) target_semaphore(%run_scoped3A : memref<!tpu.dma_semaphore, #tpu.memory_space<semaphore_mem>>)
        tpu.wait_dma2 semaphore(%run_scoped3A : memref<!tpu.dma_semaphore, #tpu.memory_space<semaphore_mem>>) src(%arg16 : memref<16x2048xi32, #tpu.memory_space<vmem_shared>>) dst(%arg10 : memref<16x2048xi32, #tpu.memory_space<vmem>>)
        tpu.yield
      }) : () -> ()
      %scan3A_430 = arith.constant 0 : i32
      %scan3A_431 = arith.constant 0 : i32
      %scan3A_432 = arith.constant 16 : i32
      %scan3A_433 = arith.addi %scan3A_431, %scan3A_432 : i32
      %scan3A_434 = arith.constant 1 : i32
      %scan3A_435 = scf.for %scan3A_518 = %scan3A_431 to %scan3A_433 step %scan3A_434 iter_args(%scan3A_519 = %scan3A_430) -> (i32)  : i32 {
        %mul3A_520 = arith.constant 16 : i32
        %mul3A_521 = arith.muli %scan3A_518, %mul3A_520 : i32
        %broadcast_in_dim3A_522 = arith.constant 0 : i32
        %broadcast_in_dim3A_523 = vector.broadcast %broadcast_in_dim3A_522 : i32 to vector<16xi32>
        %broadcast_in_dim3A_524 = arith.constant 0 : i32
        %broadcast_in_dim3A_525 = vector.broadcast %broadcast_in_dim3A_524 : i32 to vector<16xi32>
        %get3A_526 = arith.constant 0 : i32
        %get3A_527 = arith.index_cast %get3A_526 : i32 to index
        %get3A_528 = arith.index_cast %mul3A_521 : i32 to index
        %get3A_529 = tpu.vector_load %arg10[%get3A_527, %get3A_528] {strides = array<i32>} : memref<16x2048xi32, #tpu.memory_space<vmem>>, vector<16xi32>,
        %add3A_530 = arith.addi %broadcast_in_dim3A_523, %get3A_529 : vector<16xi32>
        %gt3A_531 = arith.constant 0 : i32
        %gt3A_532 = arith.cmpi sgt, %arg1, %gt3A_531 : i32
        %jit3A_533 = arith.constant 0 : i32
        %broadcast_in_dim3A_534 = vector.broadcast %jit3A_533 : i32 to vector<16xi32>
        %select_n3A_535 = arith.select %gt3A_532, %get3A_529, %broadcast_in_dim3A_534 : vector<16xi32>
        %add3A_536 = arith.addi %broadcast_in_dim3A_525, %select_n3A_535 : vector<16xi32>
        %get3A_537 = arith.constant 1 : i32
        %get3A_538 = arith.index_cast %get3A_537 : i32 to index
        %get3A_539 = arith.index_cast %mul3A_521 : i32 to index
        %get3A_540 = tpu.vector_load %arg10[%get3A_538, %get3A_539] {strides = array<i32>} : memref<16x2048xi32, #tpu.memory_space<vmem>>, vector<16xi32>,
        %add3A_541 = arith.addi %add3A_530, %get3A_540 : vector<16xi32>
        %gt3A_542 = arith.constant 1 : i32
        %gt3A_543 = arith.cmpi sgt, %arg1, %gt3A_542 : i32
        %jit3A_544 = arith.constant 0 : i32
        %broadcast_in_dim3A_545 = vector.broadcast %jit3A_544 : i32 to vector<16xi32>
        %select_n3A_546 = arith.select %gt3A_543, %get3A_540, %broadcast_in_dim3A_545 : vector<16xi32>
        %add3A_547 = arith.addi %add3A_536, %select_n3A_546 : vector<16xi32>
        %get3A_548 = arith.constant 2 : i32
        %get3A_549 = arith.index_cast %get3A_548 : i32 to index
        %get3A_550 = arith.index_cast %mul3A_521 : i32 to index
        %get3A_551 = tpu.vector_load %arg10[%get3A_549, %get3A_550] {strides = array<i32>} : memref<16x2048xi32, #tpu.memory_space<vmem>>, vector<16xi32>,
        %add3A_552 = arith.addi %add3A_541, %get3A_551 : vector<16xi32>
        %gt3A_553 = arith.constant 2 : i32
        %gt3A_554 = arith.cmpi sgt, %arg1, %gt3A_553 : i32
        %jit3A_555 = arith.constant 0 : i32
        %broadcast_in_dim3A_556 = vector.broadcast %jit3A_555 : i32 to vector<16xi32>
        %select_n3A_557 = arith.select %gt3A_554, %get3A_551, %broadcast_in_dim3A_556 : vector<16xi32>
        %add3A_558 = arith.addi %add3A_547, %select_n3A_557 : vector<16xi32>
        %get3A_559 = arith.constant 3 : i32
        %get3A_560 = arith.index_cast %get3A_559 : i32 to index
        %get3A_561 = arith.index_cast %mul3A_521 : i32 to index
        %get3A_562 = tpu.vector_load %arg10[%get3A_560, %get3A_561] {strides = array<i32>} : memref<16x2048xi32, #tpu.memory_space<vmem>>, vector<16xi32>,
        %add3A_563 = arith.addi %add3A_552, %get3A_562 : vector<16xi32>
        %gt3A_564 = arith.constant 3 : i32
        %gt3A_565 = arith.cmpi sgt, %arg1, %gt3A_564 : i32
        %jit3A_566 = arith.constant 0 : i32
        %broadcast_in_dim3A_567 = vector.broadcast %jit3A_566 : i32 to vector<16xi32>
        %select_n3A_568 = arith.select %gt3A_565, %get3A_562, %broadcast_in_dim3A_567 : vector<16xi32>
        %add3A_569 = arith.addi %add3A_558, %select_n3A_568 : vector<16xi32>
        %get3A_570 = arith.constant 4 : i32
        %get3A_571 = arith.index_cast %get3A_570 : i32 to index
        %get3A_572 = arith.index_cast %mul3A_521 : i32 to index
        %get3A_573 = tpu.vector_load %arg10[%get3A_571, %get3A_572] {strides = array<i32>} : memref<16x2048xi32, #tpu.memory_space<vmem>>, vector<16xi32>,
        %add3A_574 = arith.addi %add3A_563, %get3A_573 : vector<16xi32>
        %gt3A_575 = arith.constant 4 : i32
        %gt3A_576 = arith.cmpi sgt, %arg1, %gt3A_575 : i32
        %jit3A_577 = arith.constant 0 : i32
        %broadcast_in_dim3A_578 = vector.broadcast %jit3A_577 : i32 to vector<16xi32>
        %select_n3A_579 = arith.select %gt3A_576, %get3A_573, %broadcast_in_dim3A_578 : vector<16xi32>
        %add3A_580 = arith.addi %add3A_569, %select_n3A_579 : vector<16xi32>
        %get3A_581 = arith.constant 5 : i32
        %get3A_582 = arith.index_cast %get3A_581 : i32 to index
        %get3A_583 = arith.index_cast %mul3A_521 : i32 to index
        %get3A_584 = tpu.vector_load %arg10[%get3A_582, %get3A_583] {strides = array<i32>} : memref<16x2048xi32, #tpu.memory_space<vmem>>, vector<16xi32>,
        %add3A_585 = arith.addi %add3A_574, %get3A_584 : vector<16xi32>
        %gt3A_586 = arith.constant 5 : i32
        %gt3A_587 = arith.cmpi sgt, %arg1, %gt3A_586 : i32
        %jit3A_588 = arith.constant 0 : i32
        %broadcast_in_dim3A_589 = vector.broadcast %jit3A_588 : i32 to vector<16xi32>
        %select_n3A_590 = arith.select %gt3A_587, %get3A_584, %broadcast_in_dim3A_589 : vector<16xi32>
        %add3A_591 = arith.addi %add3A_580, %select_n3A_590 : vector<16xi32>
        %get3A_592 = arith.constant 6 : i32
        %get3A_593 = arith.index_cast %get3A_592 : i32 to index
        %get3A_594 = arith.index_cast %mul3A_521 : i32 to index
        %get3A_595 = tpu.vector_load %arg10[%get3A_593, %get3A_594] {strides = array<i32>} : memref<16x2048xi32, #tpu.memory_space<vmem>>, vector<16xi32>,
        %add3A_596 = arith.addi %add3A_585, %get3A_595 : vector<16xi32>
        %gt3A_597 = arith.constant 6 : i32
        %gt3A_598 = arith.cmpi sgt, %arg1, %gt3A_597 : i32
        %jit3A_599 = arith.constant 0 : i32
        %broadcast_in_dim3A_600 = vector.broadcast %jit3A_599 : i32 to vector<16xi32>
        %select_n3A_601 = arith.select %gt3A_598, %get3A_595, %broadcast_in_dim3A_600 : vector<16xi32>
        %add3A_602 = arith.addi %add3A_591, %select_n3A_601 : vector<16xi32>
        %get3A_603 = arith.constant 7 : i32
        %get3A_604 = arith.index_cast %get3A_603 : i32 to index
        %get3A_605 = arith.index_cast %mul3A_521 : i32 to index
        %get3A_606 = tpu.vector_load %arg10[%get3A_604, %get3A_605] {strides = array<i32>} : memref<16x2048xi32, #tpu.memory_space<vmem>>, vector<16xi32>,
        %add3A_607 = arith.addi %add3A_596, %get3A_606 : vector<16xi32>
        %gt3A_608 = arith.constant 7 : i32
        %gt3A_609 = arith.cmpi sgt, %arg1, %gt3A_608 : i32
        %jit3A_610 = arith.constant 0 : i32
        %broadcast_in_dim3A_611 = vector.broadcast %jit3A_610 : i32 to vector<16xi32>
        %select_n3A_612 = arith.select %gt3A_609, %get3A_606, %broadcast_in_dim3A_611 : vector<16xi32>
        %add3A_613 = arith.addi %add3A_602, %select_n3A_612 : vector<16xi32>
        %get3A_614 = arith.constant 8 : i32
        %get3A_615 = arith.index_cast %get3A_614 : i32 to index
        %get3A_616 = arith.index_cast %mul3A_521 : i32 to index
        %get3A_617 = tpu.vector_load %arg10[%get3A_615, %get3A_616] {strides = array<i32>} : memref<16x2048xi32, #tpu.memory_space<vmem>>, vector<16xi32>,
        %add3A_618 = arith.addi %add3A_607, %get3A_617 : vector<16xi32>
        %gt3A_619 = arith.constant 8 : i32
        %gt3A_620 = arith.cmpi sgt, %arg1, %gt3A_619 : i32
        %jit3A_621 = arith.constant 0 : i32
        %broadcast_in_dim3A_622 = vector.broadcast %jit3A_621 : i32 to vector<16xi32>
        %select_n3A_623 = arith.select %gt3A_620, %get3A_617, %broadcast_in_dim3A_622 : vector<16xi32>
        %add3A_624 = arith.addi %add3A_613, %select_n3A_623 : vector<16xi32>
        %get3A_625 = arith.constant 9 : i32
        %get3A_626 = arith.index_cast %get3A_625 : i32 to index
        %get3A_627 = arith.index_cast %mul3A_521 : i32 to index
        %get3A_628 = tpu.vector_load %arg10[%get3A_626, %get3A_627] {strides = array<i32>} : memref<16x2048xi32, #tpu.memory_space<vmem>>, vector<16xi32>,
        %add3A_629 = arith.addi %add3A_618, %get3A_628 : vector<16xi32>
        %gt3A_630 = arith.constant 9 : i32
        %gt3A_631 = arith.cmpi sgt, %arg1, %gt3A_630 : i32
        %jit3A_632 = arith.constant 0 : i32
        %broadcast_in_dim3A_633 = vector.broadcast %jit3A_632 : i32 to vector<16xi32>
        %select_n3A_634 = arith.select %gt3A_631, %get3A_628, %broadcast_in_dim3A_633 : vector<16xi32>
        %add3A_635 = arith.addi %add3A_624, %select_n3A_634 : vector<16xi32>
        %get3A_636 = arith.constant 10 : i32
        %get3A_637 = arith.index_cast %get3A_636 : i32 to index
        %get3A_638 = arith.index_cast %mul3A_521 : i32 to index
        %get3A_639 = tpu.vector_load %arg10[%get3A_637, %get3A_638] {strides = array<i32>} : memref<16x2048xi32, #tpu.memory_space<vmem>>, vector<16xi32>,
        %add3A_640 = arith.addi %add3A_629, %get3A_639 : vector<16xi32>
        %gt3A_641 = arith.constant 10 : i32
        %gt3A_642 = arith.cmpi sgt, %arg1, %gt3A_641 : i32
        %jit3A_643 = arith.constant 0 : i32
        %broadcast_in_dim3A_644 = vector.broadcast %jit3A_643 : i32 to vector<16xi32>
        %select_n3A_645 = arith.select %gt3A_642, %get3A_639, %broadcast_in_dim3A_644 : vector<16xi32>
        %add3A_646 = arith.addi %add3A_635, %select_n3A_645 : vector<16xi32>
        %get3A_647 = arith.constant 11 : i32
        %get3A_648 = arith.index_cast %get3A_647 : i32 to index
        %get3A_649 = arith.index_cast %mul3A_521 : i32 to index
        %get3A_650 = tpu.vector_load %arg10[%get3A_648, %get3A_649] {strides = array<i32>} : memref<16x2048xi32, #tpu.memory_space<vmem>>, vector<16xi32>,
        %add3A_651 = arith.addi %add3A_640, %get3A_650 : vector<16xi32>
        %gt3A_652 = arith.constant 11 : i32
        %gt3A_653 = arith.cmpi sgt, %arg1, %gt3A_652 : i32
        %jit3A_654 = arith.constant 0 : i32
        %broadcast_in_dim3A_655 = vector.broadcast %jit3A_654 : i32 to vector<16xi32>
        %select_n3A_656 = arith.select %gt3A_653, %get3A_650, %broadcast_in_dim3A_655 : vector<16xi32>
        %add3A_657 = arith.addi %add3A_646, %select_n3A_656 : vector<16xi32>
        %get3A_658 = arith.constant 12 : i32
        %get3A_659 = arith.index_cast %get3A_658 : i32 to index
        %get3A_660 = arith.index_cast %mul3A_521 : i32 to index
        %get3A_661 = tpu.vector_load %arg10[%get3A_659, %get3A_660] {strides = array<i32>} : memref<16x2048xi32, #tpu.memory_space<vmem>>, vector<16xi32>,
        %add3A_662 = arith.addi %add3A_651, %get3A_661 : vector<16xi32>
        %gt3A_663 = arith.constant 12 : i32
        %gt3A_664 = arith.cmpi sgt, %arg1, %gt3A_663 : i32
        %jit3A_665 = arith.constant 0 : i32
        %broadcast_in_dim3A_666 = vector.broadcast %jit3A_665 : i32 to vector<16xi32>
        %select_n3A_667 = arith.select %gt3A_664, %get3A_661, %broadcast_in_dim3A_666 : vector<16xi32>
        %add3A_668 = arith.addi %add3A_657, %select_n3A_667 : vector<16xi32>
        %get3A_669 = arith.constant 13 : i32
        %get3A_670 = arith.index_cast %get3A_669 : i32 to index
        %get3A_671 = arith.index_cast %mul3A_521 : i32 to index
        %get3A_672 = tpu.vector_load %arg10[%get3A_670, %get3A_671] {strides = array<i32>} : memref<16x2048xi32, #tpu.memory_space<vmem>>, vector<16xi32>,
        %add3A_673 = arith.addi %add3A_662, %get3A_672 : vector<16xi32>
        %gt3A_674 = arith.constant 13 : i32
        %gt3A_675 = arith.cmpi sgt, %arg1, %gt3A_674 : i32
        %jit3A_676 = arith.constant 0 : i32
        %broadcast_in_dim3A_677 = vector.broadcast %jit3A_676 : i32 to vector<16xi32>
        %select_n3A_678 = arith.select %gt3A_675, %get3A_672, %broadcast_in_dim3A_677 : vector<16xi32>
        %add3A_679 = arith.addi %add3A_668, %select_n3A_678 : vector<16xi32>
        %get3A_680 = arith.constant 14 : i32
        %get3A_681 = arith.index_cast %get3A_680 : i32 to index
        %get3A_682 = arith.index_cast %mul3A_521 : i32 to index
        %get3A_683 = tpu.vector_load %arg10[%get3A_681, %get3A_682] {strides = array<i32>} : memref<16x2048xi32, #tpu.memory_space<vmem>>, vector<16xi32>,
        %add3A_684 = arith.addi %add3A_673, %get3A_683 : vector<16xi32>
        %gt3A_685 = arith.constant 14 : i32
        %gt3A_686 = arith.cmpi sgt, %arg1, %gt3A_685 : i32
        %jit3A_687 = arith.constant 0 : i32
        %broadcast_in_dim3A_688 = vector.broadcast %jit3A_687 : i32 to vector<16xi32>
        %select_n3A_689 = arith.select %gt3A_686, %get3A_683, %broadcast_in_dim3A_688 : vector<16xi32>
        %add3A_690 = arith.addi %add3A_679, %select_n3A_689 : vector<16xi32>
        %get3A_691 = arith.constant 15 : i32
        %get3A_692 = arith.index_cast %get3A_691 : i32 to index
        %get3A_693 = arith.index_cast %mul3A_521 : i32 to index
        %get3A_694 = tpu.vector_load %arg10[%get3A_692, %get3A_693] {strides = array<i32>} : memref<16x2048xi32, #tpu.memory_space<vmem>>, vector<16xi32>,
        %add3A_695 = arith.addi %add3A_684, %get3A_694 : vector<16xi32>
        %gt3A_696 = arith.constant 15 : i32
        %gt3A_697 = arith.cmpi sgt, %arg1, %gt3A_696 : i32
        %jit3A_698 = arith.constant 0 : i32
        %broadcast_in_dim3A_699 = vector.broadcast %jit3A_698 : i32 to vector<16xi32>
        %select_n3A_700 = arith.select %gt3A_697, %get3A_694, %broadcast_in_dim3A_699 : vector<16xi32>
        %add3A_701 = arith.addi %add3A_690, %select_n3A_700 : vector<16xi32>
        %broadcast_in_dim3A_702 = arith.constant true
        %broadcast_in_dim3A_703 = vector.broadcast %broadcast_in_dim3A_702 : i1 to vector<16xi1>
        %masked_cumsum3A = tpu.scan <sum>, %add3A_695 masked %broadcast_in_dim3A_703 : vector<16xi32>, vector<16xi1> -> vector<16xi32>
        %add3A_704 = vector.broadcast %scan3A_519 : i32 to vector<16xi32>
        %add3A_705 = arith.addi %add3A_704, %masked_cumsum3A : vector<16xi32>
        %sub3A = arith.subi %add3A_705, %add3A_695 : vector<16xi32>
        %add3A_706 = arith.addi %sub3A, %add3A_701 : vector<16xi32>
        %swap3A_707 = arith.index_cast %mul3A_521 : i32 to index
        %swap3A_708 = tpu.vector_load %arg9[%swap3A_707] {strides = array<i32>} : memref<2048xi32, #tpu.memory_space<vmem>>, vector<16xi32>,
        tpu.vector_store %arg9[%swap3A_707], %add3A_706 {strides = array<i32>} : memref<2048xi32, #tpu.memory_space<vmem>>, vector<16xi32>,
        %reduce_max3A = arith.constant true
        %reduce_max3A_709 = vector.broadcast %reduce_max3A : i1 to vector<16xi1>
        %reduce_max3A_710 = arith.constant -2147483648 : i32
        %reduce_max3A_711 = vector.broadcast %reduce_max3A_710 : i32 to vector<16xi32>
        %reduce_max3A_712 = arith.xori %masked_cumsum3A, %reduce_max3A_711 : vector<16xi32>
        %reduce_max3A_713 = tpu.scan <max>, %reduce_max3A_712 masked %reduce_max3A_709 : vector<16xi32>, vector<16xi1> -> vector<16xi32>
        %reduce_max3A_714 = arith.xori %reduce_max3A_713, %reduce_max3A_711 : vector<16xi32>
        %reduce_max3A_715 = vector.extract %reduce_max3A_714[15] : i32 from vector<16xi32>
        %add3A_716 = arith.addi %scan3A_519, %reduce_max3A_715 : i32
        scf.yield %add3A_716 : i32
      }
      %scan3A_436 = arith.constant 16 : i32
      %scan3A_437 = arith.constant 0 : i32
      %scan3A_438 = arith.constant 0 : i32
      %scan3A_439 = arith.constant 32 : i32
      %scan3A_440 = arith.addi %scan3A_438, %scan3A_439 : i32
      %scan3A_441 = arith.constant 1 : i32
      %scan3A_442 = scf.for %scan3A_518 = %scan3A_438 to %scan3A_440 step %scan3A_441 iter_args(%scan3A_519 = %scan3A_437) -> (i32)  : i32 {
        %mul3A_520 = arith.constant 16 : i32
        %mul3A_521 = arith.muli %scan3A_518, %mul3A_520 : i32
        %get3A_522 = arith.index_cast %mul3A_521 : i32 to index
        %get3A_523 = tpu.vector_load %arg13[%get3A_522] {strides = array<i32>} : memref<512xi32, #tpu.memory_space<vmem>>, vector<16xi32>,
        %bitcast3A = vector.bitcast %get3A_523 : vector<16xi32> to vector<16xi32>
        %shift_right_logical3A = arith.constant 8 : i32
        %shift_right_logical3A_524 = vector.broadcast %shift_right_logical3A : i32 to vector<16xi32>
        %shift_right_logical3A_525 = arith.shrui %bitcast3A, %shift_right_logical3A_524 : vector<16xi32>
        %and3A = arith.constant 255 : i32
        %and3A_526 = vector.broadcast %and3A : i32 to vector<16xi32>
        %and3A_527 = arith.andi %shift_right_logical3A_525, %and3A_526 : vector<16xi32>
        %gather3A = tpu.vector_load_idx %arg9[%and3A_527] : memref<2048xi32, #tpu.memory_space<vmem>>[vector<16xi32>], vector<16xi32>,
        %broadcast_in_dim3A_528 = arith.constant true
        %broadcast_in_dim3A_529 = vector.broadcast %broadcast_in_dim3A_528 : i1 to vector<16xi1>
        %unique3A, %unique3A_530 = tpu.scan_count mask(%broadcast_in_dim3A_529 : vector<16xi1>) value(%and3A_527 : vector<16xi32>) : vector<16xi1>, vector<16xi32>
        %add3A_531 = arith.addi %gather3A, %unique3A_530 : vector<16xi32>
        %sub3A = arith.constant 1 : i32
        %sub3A_532 = vector.broadcast %sub3A : i32 to vector<16xi32>
        %sub3A_533 = arith.subi %add3A_531, %sub3A_532 : vector<16xi32>
        %add3A_534 = arith.addi %gather3A, %unique3A_530 : vector<16xi32>
        tpu.vector_store_idx %arg9[%and3A_527], %add3A_534 masked %unique3A : memref<2048xi32, #tpu.memory_space<vmem>>[vector<16xi32>], vector<16xi32>, vector<16xi1>
        %mul3A_535 = arith.constant 16 : i32
        %mul3A_536 = arith.muli %scan3A_518, %mul3A_535 : i32
        %swap3A_537 = arith.index_cast %mul3A_536 : i32 to index
        %swap3A_538 = tpu.vector_load %arg15[%swap3A_537] {strides = array<i32>} : memref<512xi32, #tpu.memory_space<vmem>>, vector<16xi32>,
        tpu.vector_store %arg15[%swap3A_537], %sub3A_533 {strides = array<i32>} : memref<512xi32, #tpu.memory_space<vmem>>, vector<16xi32>,
        %scan3A_539 = arith.constant 0 : i32
        scf.yield %scan3A_539 : i32
      }
      %scan3A_443 = arith.constant 32 : i32
      "tpu.region"() ({
        %run_scoped3A = tpu.sem_alloc : memref<!tpu.dma_semaphore, #tpu.memory_space<semaphore_mem>>
        %dma_start3A = arith.constant 0 : i32
        %dma_start3A_518 = tpu.memref_slice %arg19[%dma_start3A] : memref<8208xi32, #tpu.memory_space<vmem_shared>> -> memref<8208xi32, #tpu.memory_space<vmem_shared>>
        tpu.enqueue_indirect_dma source(%arg13 : memref<512xi32, #tpu.memory_space<vmem>>) target(%dma_start3A_518 : memref<8208xi32, #tpu.memory_space<vmem_shared>>) offsets(%arg15 : memref<512xi32, #tpu.memory_space<vmem>>) semaphore(%run_scoped3A : memref<!tpu.dma_semaphore, #tpu.memory_space<semaphore_mem>>)
        %dma_wait3A = arith.constant 0 : i32
        %dma_wait3A_519 = tpu.memref_slice %arg19[%dma_wait3A] : memref<8208xi32, #tpu.memory_space<vmem_shared>> -> memref<8208xi32, #tpu.memory_space<vmem_shared>>
        tpu.wait_indirect_dma semaphore(%run_scoped3A : memref<!tpu.dma_semaphore, #tpu.memory_space<semaphore_mem>>) src(%arg13 : memref<512xi32, #tpu.memory_space<vmem>>) dst(%dma_wait3A_519 : memref<8208xi32, #tpu.memory_space<vmem_shared>>)
        tpu.yield
      }) : () -> ()
      "tpu.region"() ({
        %run_scoped3A = tpu.sem_alloc : memref<!tpu.dma_semaphore, #tpu.memory_space<semaphore_mem>>
        %dma_start3A = arith.constant 0 : i32
        %dma_start3A_518 = tpu.memref_slice %arg20[%dma_start3A] : memref<8208xi32, #tpu.memory_space<vmem_shared>> -> memref<8208xi32, #tpu.memory_space<vmem_shared>>
        tpu.enqueue_indirect_dma source(%arg14 : memref<512xi32, #tpu.memory_space<vmem>>) target(%dma_start3A_518 : memref<8208xi32, #tpu.memory_space<vmem_shared>>) offsets(%arg15 : memref<512xi32, #tpu.memory_space<vmem>>) semaphore(%run_scoped3A : memref<!tpu.dma_semaphore, #tpu.memory_space<semaphore_mem>>)
        %dma_wait3A = arith.constant 0 : i32
        %dma_wait3A_519 = tpu.memref_slice %arg20[%dma_wait3A] : memref<8208xi32, #tpu.memory_space<vmem_shared>> -> memref<8208xi32, #tpu.memory_space<vmem_shared>>
        tpu.wait_indirect_dma semaphore(%run_scoped3A : memref<!tpu.dma_semaphore, #tpu.memory_space<semaphore_mem>>) src(%arg14 : memref<512xi32, #tpu.memory_space<vmem>>) dst(%dma_wait3A_519 : memref<8208xi32, #tpu.memory_space<vmem_shared>>)
        tpu.yield
      }) : () -> ()
      %barrier3A_444 = arith.constant 0 : index
      tpu.barrier barrier_id(%barrier3A_444)
      %mul3A_445 = arith.constant 512 : i32
      %mul3A_446 = arith.muli %arg1, %mul3A_445 : i32
      "tpu.region"() ({
        %run_scoped3A = tpu.sem_alloc : memref<!tpu.dma_semaphore, #tpu.memory_space<semaphore_mem>>
        %dma_start3A = tpu.memref_slice %arg19[%mul3A_446] : memref<8208xi32, #tpu.memory_space<vmem_shared>> -> memref<512xi32, #tpu.memory_space<vmem_shared>>
        %dma_start3A_518 = tpu.memref_slice %arg19[%mul3A_446] : memref<8208xi32, #tpu.memory_space<vmem_shared>> -> memref<512xi32, #tpu.memory_space<vmem_shared>>
        tpu.enqueue_dma source(%dma_start3A_518 : memref<512xi32, #tpu.memory_space<vmem_shared>>) target(%arg13 : memref<512xi32, #tpu.memory_space<vmem>>) target_semaphore(%run_scoped3A : memref<!tpu.dma_semaphore, #tpu.memory_space<semaphore_mem>>)
        %dma_wait3A = tpu.memref_slice %arg19[%mul3A_446] : memref<8208xi32, #tpu.memory_space<vmem_shared>> -> memref<512xi32, #tpu.memory_space<vmem_shared>>
        %dma_wait3A_519 = tpu.memref_slice %arg19[%mul3A_446] : memref<8208xi32, #tpu.memory_space<vmem_shared>> -> memref<512xi32, #tpu.memory_space<vmem_shared>>
        tpu.wait_dma2 semaphore(%run_scoped3A : memref<!tpu.dma_semaphore, #tpu.memory_space<semaphore_mem>>) src(%dma_wait3A_519 : memref<512xi32, #tpu.memory_space<vmem_shared>>) dst(%arg13 : memref<512xi32, #tpu.memory_space<vmem>>)
        tpu.yield
      }) : () -> ()
      %mul3A_447 = arith.constant 512 : i32
      %mul3A_448 = arith.muli %arg1, %mul3A_447 : i32
      "tpu.region"() ({
        %run_scoped3A = tpu.sem_alloc : memref<!tpu.dma_semaphore, #tpu.memory_space<semaphore_mem>>
        %dma_start3A = tpu.memref_slice %arg20[%mul3A_448] : memref<8208xi32, #tpu.memory_space<vmem_shared>> -> memref<512xi32, #tpu.memory_space<vmem_shared>>
        %dma_start3A_518 = tpu.memref_slice %arg20[%mul3A_448] : memref<8208xi32, #tpu.memory_space<vmem_shared>> -> memref<512xi32, #tpu.memory_space<vmem_shared>>
        tpu.enqueue_dma source(%dma_start3A_518 : memref<512xi32, #tpu.memory_space<vmem_shared>>) target(%arg14 : memref<512xi32, #tpu.memory_space<vmem>>) target_semaphore(%run_scoped3A : memref<!tpu.dma_semaphore, #tpu.memory_space<semaphore_mem>>)
        %dma_wait3A = tpu.memref_slice %arg20[%mul3A_448] : memref<8208xi32, #tpu.memory_space<vmem_shared>> -> memref<512xi32, #tpu.memory_space<vmem_shared>>
        %dma_wait3A_519 = tpu.memref_slice %arg20[%mul3A_448] : memref<8208xi32, #tpu.memory_space<vmem_shared>> -> memref<512xi32, #tpu.memory_space<vmem_shared>>
        tpu.wait_dma2 semaphore(%run_scoped3A : memref<!tpu.dma_semaphore, #tpu.memory_space<semaphore_mem>>) src(%dma_wait3A_519 : memref<512xi32, #tpu.memory_space<vmem_shared>>) dst(%arg14 : memref<512xi32, #tpu.memory_space<vmem>>)
        tpu.yield
      }) : () -> ()
      %scan3A_449 = arith.constant 0 : i32
      %scan3A_450 = arith.constant 0 : i32
      %scan3A_451 = arith.constant 16 : i32
      %scan3A_452 = arith.addi %scan3A_450, %scan3A_451 : i32
      %scan3A_453 = arith.constant 1 : i32
      %scan3A_454 = scf.for %scan3A_518 = %scan3A_450 to %scan3A_452 step %scan3A_453 iter_args(%scan3A_519 = %scan3A_449) -> (i32)  : i32 {
        %broadcast_in_dim3A_520 = arith.constant 0 : i32
        %broadcast_in_dim3A_521 = vector.broadcast %broadcast_in_dim3A_520 : i32 to vector<16xi32>
        %mul3A_522 = arith.constant 16 : i32
        %mul3A_523 = arith.muli %scan3A_518, %mul3A_522 : i32
        %swap3A_524 = arith.index_cast %mul3A_523 : i32 to index
        %swap3A_525 = tpu.vector_load %arg9[%swap3A_524] {strides = array<i32>} : memref<2048xi32, #tpu.memory_space<vmem>>, vector<16xi32>,
        tpu.vector_store %arg9[%swap3A_524], %broadcast_in_dim3A_521 {strides = array<i32>} : memref<2048xi32, #tpu.memory_space<vmem>>, vector<16xi32>,
        %scan3A_526 = arith.constant 0 : i32
        scf.yield %scan3A_526 : i32
      }
      %scan3A_455 = arith.constant 16 : i32
      %scan3A_456 = arith.constant 0 : i32
      %scan3A_457 = arith.constant 0 : i32
      %scan3A_458 = arith.constant 32 : i32
      %scan3A_459 = arith.addi %scan3A_457, %scan3A_458 : i32
      %scan3A_460 = arith.constant 1 : i32
      %scan3A_461 = scf.for %scan3A_518 = %scan3A_457 to %scan3A_459 step %scan3A_460 iter_args(%scan3A_519 = %scan3A_456) -> (i32)  : i32 {
        %mul3A_520 = arith.constant 16 : i32
        %mul3A_521 = arith.muli %scan3A_518, %mul3A_520 : i32
        %get3A_522 = arith.index_cast %mul3A_521 : i32 to index
        %get3A_523 = tpu.vector_load %arg13[%get3A_522] {strides = array<i32>} : memref<512xi32, #tpu.memory_space<vmem>>, vector<16xi32>,
        %bitcast3A = vector.bitcast %get3A_523 : vector<16xi32> to vector<16xi32>
        %shift_right_logical3A = arith.constant 16 : i32
        %shift_right_logical3A_524 = vector.broadcast %shift_right_logical3A : i32 to vector<16xi32>
        %shift_right_logical3A_525 = arith.shrui %bitcast3A, %shift_right_logical3A_524 : vector<16xi32>
        %and3A = arith.constant 255 : i32
        %and3A_526 = vector.broadcast %and3A : i32 to vector<16xi32>
        %and3A_527 = arith.andi %shift_right_logical3A_525, %and3A_526 : vector<16xi32>
        %broadcast_in_dim3A_528 = arith.constant 1 : i32
        %broadcast_in_dim3A_529 = vector.broadcast %broadcast_in_dim3A_528 : i32 to vector<16xi32>
        tpu.vector_store_idx %arg9[%and3A_527], %broadcast_in_dim3A_529 {add = true} : memref<2048xi32, #tpu.memory_space<vmem>>[vector<16xi32>], vector<16xi32>,
        %scan3A_530 = arith.constant 0 : i32
        scf.yield %scan3A_530 : i32
      }
      %scan3A_462 = arith.constant 32 : i32
      "tpu.region"() ({
        %run_scoped3A = tpu.sem_alloc : memref<!tpu.dma_semaphore, #tpu.memory_space<semaphore_mem>>
        %dma_start3A = arith.constant 0 : i32
        %dma_start3A_518 = tpu.memref_slice %arg16[%arg1, %dma_start3A] : memref<16x2048xi32, #tpu.memory_space<vmem_shared>> -> memref<1x2048xi32, #tpu.memory_space<vmem_shared>>
        %dma_start3A_519 = tpu.memref_squeeze %dma_start3A_518 : memref<1x2048xi32, #tpu.memory_space<vmem_shared>> -> memref<2048xi32, #tpu.memory_space<vmem_shared>>
        %dma_start3A_520 = arith.constant 0 : i32
        %dma_start3A_521 = tpu.memref_slice %arg16[%arg1, %dma_start3A_520] : memref<16x2048xi32, #tpu.memory_space<vmem_shared>> -> memref<1x2048xi32, #tpu.memory_space<vmem_shared>>
        %dma_start3A_522 = tpu.memref_squeeze %dma_start3A_521 : memref<1x2048xi32, #tpu.memory_space<vmem_shared>> -> memref<2048xi32, #tpu.memory_space<vmem_shared>>
        tpu.enqueue_dma source(%arg9 : memref<2048xi32, #tpu.memory_space<vmem>>) target(%dma_start3A_522 : memref<2048xi32, #tpu.memory_space<vmem_shared>>) target_semaphore(%run_scoped3A : memref<!tpu.dma_semaphore, #tpu.memory_space<semaphore_mem>>)
        %dma_wait3A = arith.constant 0 : i32
        %dma_wait3A_523 = tpu.memref_slice %arg16[%arg1, %dma_wait3A] : memref<16x2048xi32, #tpu.memory_space<vmem_shared>> -> memref<1x2048xi32, #tpu.memory_space<vmem_shared>>
        %dma_wait3A_524 = tpu.memref_squeeze %dma_wait3A_523 : memref<1x2048xi32, #tpu.memory_space<vmem_shared>> -> memref<2048xi32, #tpu.memory_space<vmem_shared>>
        %dma_wait3A_525 = arith.constant 0 : i32
        %dma_wait3A_526 = tpu.memref_slice %arg16[%arg1, %dma_wait3A_525] : memref<16x2048xi32, #tpu.memory_space<vmem_shared>> -> memref<1x2048xi32, #tpu.memory_space<vmem_shared>>
        %dma_wait3A_527 = tpu.memref_squeeze %dma_wait3A_526 : memref<1x2048xi32, #tpu.memory_space<vmem_shared>> -> memref<2048xi32, #tpu.memory_space<vmem_shared>>
        tpu.wait_dma2 semaphore(%run_scoped3A : memref<!tpu.dma_semaphore, #tpu.memory_space<semaphore_mem>>) src(%arg9 : memref<2048xi32, #tpu.memory_space<vmem>>) dst(%dma_wait3A_527 : memref<2048xi32, #tpu.memory_space<vmem_shared>>)
        tpu.yield
      }) : () -> ()
      %barrier3A_463 = arith.constant 0 : index
      tpu.barrier barrier_id(%barrier3A_463)
      "tpu.region"() ({
        %run_scoped3A = tpu.sem_alloc : memref<!tpu.dma_semaphore, #tpu.memory_space<semaphore_mem>>
        tpu.enqueue_dma source(%arg16 : memref<16x2048xi32, #tpu.memory_space<vmem_shared>>) target(%arg10 : memref<16x2048xi32, #tpu.memory_space<vmem>>) target_semaphore(%run_scoped3A : memref<!tpu.dma_semaphore, #tpu.memory_space<semaphore_mem>>)
        tpu.wait_dma2 semaphore(%run_scoped3A : memref<!tpu.dma_semaphore, #tpu.memory_space<semaphore_mem>>) src(%arg16 : memref<16x2048xi32, #tpu.memory_space<vmem_shared>>) dst(%arg10 : memref<16x2048xi32, #tpu.memory_space<vmem>>)
        tpu.yield
      }) : () -> ()
      %scan3A_464 = arith.constant 0 : i32
      %scan3A_465 = arith.constant 0 : i32
      %scan3A_466 = arith.constant 16 : i32
      %scan3A_467 = arith.addi %scan3A_465, %scan3A_466 : i32
      %scan3A_468 = arith.constant 1 : i32
      %scan3A_469 = scf.for %scan3A_518 = %scan3A_465 to %scan3A_467 step %scan3A_468 iter_args(%scan3A_519 = %scan3A_464) -> (i32)  : i32 {
        %mul3A_520 = arith.constant 16 : i32
        %mul3A_521 = arith.muli %scan3A_518, %mul3A_520 : i32
        %broadcast_in_dim3A_522 = arith.constant 0 : i32
        %broadcast_in_dim3A_523 = vector.broadcast %broadcast_in_dim3A_522 : i32 to vector<16xi32>
        %broadcast_in_dim3A_524 = arith.constant 0 : i32
        %broadcast_in_dim3A_525 = vector.broadcast %broadcast_in_dim3A_524 : i32 to vector<16xi32>
        %get3A_526 = arith.constant 0 : i32
        %get3A_527 = arith.index_cast %get3A_526 : i32 to index
        %get3A_528 = arith.index_cast %mul3A_521 : i32 to index
        %get3A_529 = tpu.vector_load %arg10[%get3A_527, %get3A_528] {strides = array<i32>} : memref<16x2048xi32, #tpu.memory_space<vmem>>, vector<16xi32>,
        %add3A_530 = arith.addi %broadcast_in_dim3A_523, %get3A_529 : vector<16xi32>
        %gt3A_531 = arith.constant 0 : i32
        %gt3A_532 = arith.cmpi sgt, %arg1, %gt3A_531 : i32
        %jit3A_533 = arith.constant 0 : i32
        %broadcast_in_dim3A_534 = vector.broadcast %jit3A_533 : i32 to vector<16xi32>
        %select_n3A_535 = arith.select %gt3A_532, %get3A_529, %broadcast_in_dim3A_534 : vector<16xi32>
        %add3A_536 = arith.addi %broadcast_in_dim3A_525, %select_n3A_535 : vector<16xi32>
        %get3A_537 = arith.constant 1 : i32
        %get3A_538 = arith.index_cast %get3A_537 : i32 to index
        %get3A_539 = arith.index_cast %mul3A_521 : i32 to index
        %get3A_540 = tpu.vector_load %arg10[%get3A_538, %get3A_539] {strides = array<i32>} : memref<16x2048xi32, #tpu.memory_space<vmem>>, vector<16xi32>,
        %add3A_541 = arith.addi %add3A_530, %get3A_540 : vector<16xi32>
        %gt3A_542 = arith.constant 1 : i32
        %gt3A_543 = arith.cmpi sgt, %arg1, %gt3A_542 : i32
        %jit3A_544 = arith.constant 0 : i32
        %broadcast_in_dim3A_545 = vector.broadcast %jit3A_544 : i32 to vector<16xi32>
        %select_n3A_546 = arith.select %gt3A_543, %get3A_540, %broadcast_in_dim3A_545 : vector<16xi32>
        %add3A_547 = arith.addi %add3A_536, %select_n3A_546 : vector<16xi32>
        %get3A_548 = arith.constant 2 : i32
        %get3A_549 = arith.index_cast %get3A_548 : i32 to index
        %get3A_550 = arith.index_cast %mul3A_521 : i32 to index
        %get3A_551 = tpu.vector_load %arg10[%get3A_549, %get3A_550] {strides = array<i32>} : memref<16x2048xi32, #tpu.memory_space<vmem>>, vector<16xi32>,
        %add3A_552 = arith.addi %add3A_541, %get3A_551 : vector<16xi32>
        %gt3A_553 = arith.constant 2 : i32
        %gt3A_554 = arith.cmpi sgt, %arg1, %gt3A_553 : i32
        %jit3A_555 = arith.constant 0 : i32
        %broadcast_in_dim3A_556 = vector.broadcast %jit3A_555 : i32 to vector<16xi32>
        %select_n3A_557 = arith.select %gt3A_554, %get3A_551, %broadcast_in_dim3A_556 : vector<16xi32>
        %add3A_558 = arith.addi %add3A_547, %select_n3A_557 : vector<16xi32>
        %get3A_559 = arith.constant 3 : i32
        %get3A_560 = arith.index_cast %get3A_559 : i32 to index
        %get3A_561 = arith.index_cast %mul3A_521 : i32 to index
        %get3A_562 = tpu.vector_load %arg10[%get3A_560, %get3A_561] {strides = array<i32>} : memref<16x2048xi32, #tpu.memory_space<vmem>>, vector<16xi32>,
        %add3A_563 = arith.addi %add3A_552, %get3A_562 : vector<16xi32>
        %gt3A_564 = arith.constant 3 : i32
        %gt3A_565 = arith.cmpi sgt, %arg1, %gt3A_564 : i32
        %jit3A_566 = arith.constant 0 : i32
        %broadcast_in_dim3A_567 = vector.broadcast %jit3A_566 : i32 to vector<16xi32>
        %select_n3A_568 = arith.select %gt3A_565, %get3A_562, %broadcast_in_dim3A_567 : vector<16xi32>
        %add3A_569 = arith.addi %add3A_558, %select_n3A_568 : vector<16xi32>
        %get3A_570 = arith.constant 4 : i32
        %get3A_571 = arith.index_cast %get3A_570 : i32 to index
        %get3A_572 = arith.index_cast %mul3A_521 : i32 to index
        %get3A_573 = tpu.vector_load %arg10[%get3A_571, %get3A_572] {strides = array<i32>} : memref<16x2048xi32, #tpu.memory_space<vmem>>, vector<16xi32>,
        %add3A_574 = arith.addi %add3A_563, %get3A_573 : vector<16xi32>
        %gt3A_575 = arith.constant 4 : i32
        %gt3A_576 = arith.cmpi sgt, %arg1, %gt3A_575 : i32
        %jit3A_577 = arith.constant 0 : i32
        %broadcast_in_dim3A_578 = vector.broadcast %jit3A_577 : i32 to vector<16xi32>
        %select_n3A_579 = arith.select %gt3A_576, %get3A_573, %broadcast_in_dim3A_578 : vector<16xi32>
        %add3A_580 = arith.addi %add3A_569, %select_n3A_579 : vector<16xi32>
        %get3A_581 = arith.constant 5 : i32
        %get3A_582 = arith.index_cast %get3A_581 : i32 to index
        %get3A_583 = arith.index_cast %mul3A_521 : i32 to index
        %get3A_584 = tpu.vector_load %arg10[%get3A_582, %get3A_583] {strides = array<i32>} : memref<16x2048xi32, #tpu.memory_space<vmem>>, vector<16xi32>,
        %add3A_585 = arith.addi %add3A_574, %get3A_584 : vector<16xi32>
        %gt3A_586 = arith.constant 5 : i32
        %gt3A_587 = arith.cmpi sgt, %arg1, %gt3A_586 : i32
        %jit3A_588 = arith.constant 0 : i32
        %broadcast_in_dim3A_589 = vector.broadcast %jit3A_588 : i32 to vector<16xi32>
        %select_n3A_590 = arith.select %gt3A_587, %get3A_584, %broadcast_in_dim3A_589 : vector<16xi32>
        %add3A_591 = arith.addi %add3A_580, %select_n3A_590 : vector<16xi32>
        %get3A_592 = arith.constant 6 : i32
        %get3A_593 = arith.index_cast %get3A_592 : i32 to index
        %get3A_594 = arith.index_cast %mul3A_521 : i32 to index
        %get3A_595 = tpu.vector_load %arg10[%get3A_593, %get3A_594] {strides = array<i32>} : memref<16x2048xi32, #tpu.memory_space<vmem>>, vector<16xi32>,
        %add3A_596 = arith.addi %add3A_585, %get3A_595 : vector<16xi32>
        %gt3A_597 = arith.constant 6 : i32
        %gt3A_598 = arith.cmpi sgt, %arg1, %gt3A_597 : i32
        %jit3A_599 = arith.constant 0 : i32
        %broadcast_in_dim3A_600 = vector.broadcast %jit3A_599 : i32 to vector<16xi32>
        %select_n3A_601 = arith.select %gt3A_598, %get3A_595, %broadcast_in_dim3A_600 : vector<16xi32>
        %add3A_602 = arith.addi %add3A_591, %select_n3A_601 : vector<16xi32>
        %get3A_603 = arith.constant 7 : i32
        %get3A_604 = arith.index_cast %get3A_603 : i32 to index
        %get3A_605 = arith.index_cast %mul3A_521 : i32 to index
        %get3A_606 = tpu.vector_load %arg10[%get3A_604, %get3A_605] {strides = array<i32>} : memref<16x2048xi32, #tpu.memory_space<vmem>>, vector<16xi32>,
        %add3A_607 = arith.addi %add3A_596, %get3A_606 : vector<16xi32>
        %gt3A_608 = arith.constant 7 : i32
        %gt3A_609 = arith.cmpi sgt, %arg1, %gt3A_608 : i32
        %jit3A_610 = arith.constant 0 : i32
        %broadcast_in_dim3A_611 = vector.broadcast %jit3A_610 : i32 to vector<16xi32>
        %select_n3A_612 = arith.select %gt3A_609, %get3A_606, %broadcast_in_dim3A_611 : vector<16xi32>
        %add3A_613 = arith.addi %add3A_602, %select_n3A_612 : vector<16xi32>
        %get3A_614 = arith.constant 8 : i32
        %get3A_615 = arith.index_cast %get3A_614 : i32 to index
        %get3A_616 = arith.index_cast %mul3A_521 : i32 to index
        %get3A_617 = tpu.vector_load %arg10[%get3A_615, %get3A_616] {strides = array<i32>} : memref<16x2048xi32, #tpu.memory_space<vmem>>, vector<16xi32>,
        %add3A_618 = arith.addi %add3A_607, %get3A_617 : vector<16xi32>
        %gt3A_619 = arith.constant 8 : i32
        %gt3A_620 = arith.cmpi sgt, %arg1, %gt3A_619 : i32
        %jit3A_621 = arith.constant 0 : i32
        %broadcast_in_dim3A_622 = vector.broadcast %jit3A_621 : i32 to vector<16xi32>
        %select_n3A_623 = arith.select %gt3A_620, %get3A_617, %broadcast_in_dim3A_622 : vector<16xi32>
        %add3A_624 = arith.addi %add3A_613, %select_n3A_623 : vector<16xi32>
        %get3A_625 = arith.constant 9 : i32
        %get3A_626 = arith.index_cast %get3A_625 : i32 to index
        %get3A_627 = arith.index_cast %mul3A_521 : i32 to index
        %get3A_628 = tpu.vector_load %arg10[%get3A_626, %get3A_627] {strides = array<i32>} : memref<16x2048xi32, #tpu.memory_space<vmem>>, vector<16xi32>,
        %add3A_629 = arith.addi %add3A_618, %get3A_628 : vector<16xi32>
        %gt3A_630 = arith.constant 9 : i32
        %gt3A_631 = arith.cmpi sgt, %arg1, %gt3A_630 : i32
        %jit3A_632 = arith.constant 0 : i32
        %broadcast_in_dim3A_633 = vector.broadcast %jit3A_632 : i32 to vector<16xi32>
        %select_n3A_634 = arith.select %gt3A_631, %get3A_628, %broadcast_in_dim3A_633 : vector<16xi32>
        %add3A_635 = arith.addi %add3A_624, %select_n3A_634 : vector<16xi32>
        %get3A_636 = arith.constant 10 : i32
        %get3A_637 = arith.index_cast %get3A_636 : i32 to index
        %get3A_638 = arith.index_cast %mul3A_521 : i32 to index
        %get3A_639 = tpu.vector_load %arg10[%get3A_637, %get3A_638] {strides = array<i32>} : memref<16x2048xi32, #tpu.memory_space<vmem>>, vector<16xi32>,
        %add3A_640 = arith.addi %add3A_629, %get3A_639 : vector<16xi32>
        %gt3A_641 = arith.constant 10 : i32
        %gt3A_642 = arith.cmpi sgt, %arg1, %gt3A_641 : i32
        %jit3A_643 = arith.constant 0 : i32
        %broadcast_in_dim3A_644 = vector.broadcast %jit3A_643 : i32 to vector<16xi32>
        %select_n3A_645 = arith.select %gt3A_642, %get3A_639, %broadcast_in_dim3A_644 : vector<16xi32>
        %add3A_646 = arith.addi %add3A_635, %select_n3A_645 : vector<16xi32>
        %get3A_647 = arith.constant 11 : i32
        %get3A_648 = arith.index_cast %get3A_647 : i32 to index
        %get3A_649 = arith.index_cast %mul3A_521 : i32 to index
        %get3A_650 = tpu.vector_load %arg10[%get3A_648, %get3A_649] {strides = array<i32>} : memref<16x2048xi32, #tpu.memory_space<vmem>>, vector<16xi32>,
        %add3A_651 = arith.addi %add3A_640, %get3A_650 : vector<16xi32>
        %gt3A_652 = arith.constant 11 : i32
        %gt3A_653 = arith.cmpi sgt, %arg1, %gt3A_652 : i32
        %jit3A_654 = arith.constant 0 : i32
        %broadcast_in_dim3A_655 = vector.broadcast %jit3A_654 : i32 to vector<16xi32>
        %select_n3A_656 = arith.select %gt3A_653, %get3A_650, %broadcast_in_dim3A_655 : vector<16xi32>
        %add3A_657 = arith.addi %add3A_646, %select_n3A_656 : vector<16xi32>
        %get3A_658 = arith.constant 12 : i32
        %get3A_659 = arith.index_cast %get3A_658 : i32 to index
        %get3A_660 = arith.index_cast %mul3A_521 : i32 to index
        %get3A_661 = tpu.vector_load %arg10[%get3A_659, %get3A_660] {strides = array<i32>} : memref<16x2048xi32, #tpu.memory_space<vmem>>, vector<16xi32>,
        %add3A_662 = arith.addi %add3A_651, %get3A_661 : vector<16xi32>
        %gt3A_663 = arith.constant 12 : i32
        %gt3A_664 = arith.cmpi sgt, %arg1, %gt3A_663 : i32
        %jit3A_665 = arith.constant 0 : i32
        %broadcast_in_dim3A_666 = vector.broadcast %jit3A_665 : i32 to vector<16xi32>
        %select_n3A_667 = arith.select %gt3A_664, %get3A_661, %broadcast_in_dim3A_666 : vector<16xi32>
        %add3A_668 = arith.addi %add3A_657, %select_n3A_667 : vector<16xi32>
        %get3A_669 = arith.constant 13 : i32
        %get3A_670 = arith.index_cast %get3A_669 : i32 to index
        %get3A_671 = arith.index_cast %mul3A_521 : i32 to index
        %get3A_672 = tpu.vector_load %arg10[%get3A_670, %get3A_671] {strides = array<i32>} : memref<16x2048xi32, #tpu.memory_space<vmem>>, vector<16xi32>,
        %add3A_673 = arith.addi %add3A_662, %get3A_672 : vector<16xi32>
        %gt3A_674 = arith.constant 13 : i32
        %gt3A_675 = arith.cmpi sgt, %arg1, %gt3A_674 : i32
        %jit3A_676 = arith.constant 0 : i32
        %broadcast_in_dim3A_677 = vector.broadcast %jit3A_676 : i32 to vector<16xi32>
        %select_n3A_678 = arith.select %gt3A_675, %get3A_672, %broadcast_in_dim3A_677 : vector<16xi32>
        %add3A_679 = arith.addi %add3A_668, %select_n3A_678 : vector<16xi32>
        %get3A_680 = arith.constant 14 : i32
        %get3A_681 = arith.index_cast %get3A_680 : i32 to index
        %get3A_682 = arith.index_cast %mul3A_521 : i32 to index
        %get3A_683 = tpu.vector_load %arg10[%get3A_681, %get3A_682] {strides = array<i32>} : memref<16x2048xi32, #tpu.memory_space<vmem>>, vector<16xi32>,
        %add3A_684 = arith.addi %add3A_673, %get3A_683 : vector<16xi32>
        %gt3A_685 = arith.constant 14 : i32
        %gt3A_686 = arith.cmpi sgt, %arg1, %gt3A_685 : i32
        %jit3A_687 = arith.constant 0 : i32
        %broadcast_in_dim3A_688 = vector.broadcast %jit3A_687 : i32 to vector<16xi32>
        %select_n3A_689 = arith.select %gt3A_686, %get3A_683, %broadcast_in_dim3A_688 : vector<16xi32>
        %add3A_690 = arith.addi %add3A_679, %select_n3A_689 : vector<16xi32>
        %get3A_691 = arith.constant 15 : i32
        %get3A_692 = arith.index_cast %get3A_691 : i32 to index
        %get3A_693 = arith.index_cast %mul3A_521 : i32 to index
        %get3A_694 = tpu.vector_load %arg10[%get3A_692, %get3A_693] {strides = array<i32>} : memref<16x2048xi32, #tpu.memory_space<vmem>>, vector<16xi32>,
        %add3A_695 = arith.addi %add3A_684, %get3A_694 : vector<16xi32>
        %gt3A_696 = arith.constant 15 : i32
        %gt3A_697 = arith.cmpi sgt, %arg1, %gt3A_696 : i32
        %jit3A_698 = arith.constant 0 : i32
        %broadcast_in_dim3A_699 = vector.broadcast %jit3A_698 : i32 to vector<16xi32>
        %select_n3A_700 = arith.select %gt3A_697, %get3A_694, %broadcast_in_dim3A_699 : vector<16xi32>
        %add3A_701 = arith.addi %add3A_690, %select_n3A_700 : vector<16xi32>
        %broadcast_in_dim3A_702 = arith.constant true
        %broadcast_in_dim3A_703 = vector.broadcast %broadcast_in_dim3A_702 : i1 to vector<16xi1>
        %masked_cumsum3A = tpu.scan <sum>, %add3A_695 masked %broadcast_in_dim3A_703 : vector<16xi32>, vector<16xi1> -> vector<16xi32>
        %add3A_704 = vector.broadcast %scan3A_519 : i32 to vector<16xi32>
        %add3A_705 = arith.addi %add3A_704, %masked_cumsum3A : vector<16xi32>
        %sub3A = arith.subi %add3A_705, %add3A_695 : vector<16xi32>
        %add3A_706 = arith.addi %sub3A, %add3A_701 : vector<16xi32>
        %swap3A_707 = arith.index_cast %mul3A_521 : i32 to index
        %swap3A_708 = tpu.vector_load %arg9[%swap3A_707] {strides = array<i32>} : memref<2048xi32, #tpu.memory_space<vmem>>, vector<16xi32>,
        tpu.vector_store %arg9[%swap3A_707], %add3A_706 {strides = array<i32>} : memref<2048xi32, #tpu.memory_space<vmem>>, vector<16xi32>,
        %reduce_max3A = arith.constant true
        %reduce_max3A_709 = vector.broadcast %reduce_max3A : i1 to vector<16xi1>
        %reduce_max3A_710 = arith.constant -2147483648 : i32
        %reduce_max3A_711 = vector.broadcast %reduce_max3A_710 : i32 to vector<16xi32>
        %reduce_max3A_712 = arith.xori %masked_cumsum3A, %reduce_max3A_711 : vector<16xi32>
        %reduce_max3A_713 = tpu.scan <max>, %reduce_max3A_712 masked %reduce_max3A_709 : vector<16xi32>, vector<16xi1> -> vector<16xi32>
        %reduce_max3A_714 = arith.xori %reduce_max3A_713, %reduce_max3A_711 : vector<16xi32>
        %reduce_max3A_715 = vector.extract %reduce_max3A_714[15] : i32 from vector<16xi32>
        %add3A_716 = arith.addi %scan3A_519, %reduce_max3A_715 : i32
        scf.yield %add3A_716 : i32
      }
      %scan3A_470 = arith.constant 16 : i32
      %scan3A_471 = arith.constant 0 : i32
      %scan3A_472 = arith.constant 0 : i32
      %scan3A_473 = arith.constant 32 : i32
      %scan3A_474 = arith.addi %scan3A_472, %scan3A_473 : i32
      %scan3A_475 = arith.constant 1 : i32
      %scan3A_476 = scf.for %scan3A_518 = %scan3A_472 to %scan3A_474 step %scan3A_475 iter_args(%scan3A_519 = %scan3A_471) -> (i32)  : i32 {
        %mul3A_520 = arith.constant 16 : i32
        %mul3A_521 = arith.muli %scan3A_518, %mul3A_520 : i32
        %get3A_522 = arith.index_cast %mul3A_521 : i32 to index
        %get3A_523 = tpu.vector_load %arg13[%get3A_522] {strides = array<i32>} : memref<512xi32, #tpu.memory_space<vmem>>, vector<16xi32>,
        %bitcast3A = vector.bitcast %get3A_523 : vector<16xi32> to vector<16xi32>
        %shift_right_logical3A = arith.constant 16 : i32
        %shift_right_logical3A_524 = vector.broadcast %shift_right_logical3A : i32 to vector<16xi32>
        %shift_right_logical3A_525 = arith.shrui %bitcast3A, %shift_right_logical3A_524 : vector<16xi32>
        %and3A = arith.constant 255 : i32
        %and3A_526 = vector.broadcast %and3A : i32 to vector<16xi32>
        %and3A_527 = arith.andi %shift_right_logical3A_525, %and3A_526 : vector<16xi32>
        %gather3A = tpu.vector_load_idx %arg9[%and3A_527] : memref<2048xi32, #tpu.memory_space<vmem>>[vector<16xi32>], vector<16xi32>,
        %broadcast_in_dim3A_528 = arith.constant true
        %broadcast_in_dim3A_529 = vector.broadcast %broadcast_in_dim3A_528 : i1 to vector<16xi1>
        %unique3A, %unique3A_530 = tpu.scan_count mask(%broadcast_in_dim3A_529 : vector<16xi1>) value(%and3A_527 : vector<16xi32>) : vector<16xi1>, vector<16xi32>
        %add3A_531 = arith.addi %gather3A, %unique3A_530 : vector<16xi32>
        %sub3A = arith.constant 1 : i32
        %sub3A_532 = vector.broadcast %sub3A : i32 to vector<16xi32>
        %sub3A_533 = arith.subi %add3A_531, %sub3A_532 : vector<16xi32>
        %add3A_534 = arith.addi %gather3A, %unique3A_530 : vector<16xi32>
        tpu.vector_store_idx %arg9[%and3A_527], %add3A_534 masked %unique3A : memref<2048xi32, #tpu.memory_space<vmem>>[vector<16xi32>], vector<16xi32>, vector<16xi1>
        %mul3A_535 = arith.constant 16 : i32
        %mul3A_536 = arith.muli %scan3A_518, %mul3A_535 : i32
        %swap3A_537 = arith.index_cast %mul3A_536 : i32 to index
        %swap3A_538 = tpu.vector_load %arg15[%swap3A_537] {strides = array<i32>} : memref<512xi32, #tpu.memory_space<vmem>>, vector<16xi32>,
        tpu.vector_store %arg15[%swap3A_537], %sub3A_533 {strides = array<i32>} : memref<512xi32, #tpu.memory_space<vmem>>, vector<16xi32>,
        %scan3A_539 = arith.constant 0 : i32
        scf.yield %scan3A_539 : i32
      }
      %scan3A_477 = arith.constant 32 : i32
      "tpu.region"() ({
        %run_scoped3A = tpu.sem_alloc : memref<!tpu.dma_semaphore, #tpu.memory_space<semaphore_mem>>
        %dma_start3A = arith.constant 0 : i32
        %dma_start3A_518 = tpu.memref_slice %arg21[%dma_start3A] : memref<8208xi32, #tpu.memory_space<vmem_shared>> -> memref<8208xi32, #tpu.memory_space<vmem_shared>>
        tpu.enqueue_indirect_dma source(%arg13 : memref<512xi32, #tpu.memory_space<vmem>>) target(%dma_start3A_518 : memref<8208xi32, #tpu.memory_space<vmem_shared>>) offsets(%arg15 : memref<512xi32, #tpu.memory_space<vmem>>) semaphore(%run_scoped3A : memref<!tpu.dma_semaphore, #tpu.memory_space<semaphore_mem>>)
        %dma_wait3A = arith.constant 0 : i32
        %dma_wait3A_519 = tpu.memref_slice %arg21[%dma_wait3A] : memref<8208xi32, #tpu.memory_space<vmem_shared>> -> memref<8208xi32, #tpu.memory_space<vmem_shared>>
        tpu.wait_indirect_dma semaphore(%run_scoped3A : memref<!tpu.dma_semaphore, #tpu.memory_space<semaphore_mem>>) src(%arg13 : memref<512xi32, #tpu.memory_space<vmem>>) dst(%dma_wait3A_519 : memref<8208xi32, #tpu.memory_space<vmem_shared>>)
        tpu.yield
      }) : () -> ()
      "tpu.region"() ({
        %run_scoped3A = tpu.sem_alloc : memref<!tpu.dma_semaphore, #tpu.memory_space<semaphore_mem>>
        %dma_start3A = arith.constant 0 : i32
        %dma_start3A_518 = tpu.memref_slice %arg22[%dma_start3A] : memref<8208xi32, #tpu.memory_space<vmem_shared>> -> memref<8208xi32, #tpu.memory_space<vmem_shared>>
        tpu.enqueue_indirect_dma source(%arg14 : memref<512xi32, #tpu.memory_space<vmem>>) target(%dma_start3A_518 : memref<8208xi32, #tpu.memory_space<vmem_shared>>) offsets(%arg15 : memref<512xi32, #tpu.memory_space<vmem>>) semaphore(%run_scoped3A : memref<!tpu.dma_semaphore, #tpu.memory_space<semaphore_mem>>)
        %dma_wait3A = arith.constant 0 : i32
        %dma_wait3A_519 = tpu.memref_slice %arg22[%dma_wait3A] : memref<8208xi32, #tpu.memory_space<vmem_shared>> -> memref<8208xi32, #tpu.memory_space<vmem_shared>>
        tpu.wait_indirect_dma semaphore(%run_scoped3A : memref<!tpu.dma_semaphore, #tpu.memory_space<semaphore_mem>>) src(%arg14 : memref<512xi32, #tpu.memory_space<vmem>>) dst(%dma_wait3A_519 : memref<8208xi32, #tpu.memory_space<vmem_shared>>)
        tpu.yield
      }) : () -> ()
      %barrier3A_478 = arith.constant 0 : index
      tpu.barrier barrier_id(%barrier3A_478)
      %mul3A_479 = arith.constant 512 : i32
      %mul3A_480 = arith.muli %arg1, %mul3A_479 : i32
      "tpu.region"() ({
        %run_scoped3A = tpu.sem_alloc : memref<!tpu.dma_semaphore, #tpu.memory_space<semaphore_mem>>
        %dma_start3A = tpu.memref_slice %arg21[%mul3A_480] : memref<8208xi32, #tpu.memory_space<vmem_shared>> -> memref<512xi32, #tpu.memory_space<vmem_shared>>
        %dma_start3A_518 = tpu.memref_slice %arg21[%mul3A_480] : memref<8208xi32, #tpu.memory_space<vmem_shared>> -> memref<512xi32, #tpu.memory_space<vmem_shared>>
        tpu.enqueue_dma source(%dma_start3A_518 : memref<512xi32, #tpu.memory_space<vmem_shared>>) target(%arg13 : memref<512xi32, #tpu.memory_space<vmem>>) target_semaphore(%run_scoped3A : memref<!tpu.dma_semaphore, #tpu.memory_space<semaphore_mem>>)
        %dma_wait3A = tpu.memref_slice %arg21[%mul3A_480] : memref<8208xi32, #tpu.memory_space<vmem_shared>> -> memref<512xi32, #tpu.memory_space<vmem_shared>>
        %dma_wait3A_519 = tpu.memref_slice %arg21[%mul3A_480] : memref<8208xi32, #tpu.memory_space<vmem_shared>> -> memref<512xi32, #tpu.memory_space<vmem_shared>>
        tpu.wait_dma2 semaphore(%run_scoped3A : memref<!tpu.dma_semaphore, #tpu.memory_space<semaphore_mem>>) src(%dma_wait3A_519 : memref<512xi32, #tpu.memory_space<vmem_shared>>) dst(%arg13 : memref<512xi32, #tpu.memory_space<vmem>>)
        tpu.yield
      }) : () -> ()
      %mul3A_481 = arith.constant 512 : i32
      %mul3A_482 = arith.muli %arg1, %mul3A_481 : i32
      "tpu.region"() ({
        %run_scoped3A = tpu.sem_alloc : memref<!tpu.dma_semaphore, #tpu.memory_space<semaphore_mem>>
        %dma_start3A = tpu.memref_slice %arg22[%mul3A_482] : memref<8208xi32, #tpu.memory_space<vmem_shared>> -> memref<512xi32, #tpu.memory_space<vmem_shared>>
        %dma_start3A_518 = tpu.memref_slice %arg22[%mul3A_482] : memref<8208xi32, #tpu.memory_space<vmem_shared>> -> memref<512xi32, #tpu.memory_space<vmem_shared>>
        tpu.enqueue_dma source(%dma_start3A_518 : memref<512xi32, #tpu.memory_space<vmem_shared>>) target(%arg14 : memref<512xi32, #tpu.memory_space<vmem>>) target_semaphore(%run_scoped3A : memref<!tpu.dma_semaphore, #tpu.memory_space<semaphore_mem>>)
        %dma_wait3A = tpu.memref_slice %arg22[%mul3A_482] : memref<8208xi32, #tpu.memory_space<vmem_shared>> -> memref<512xi32, #tpu.memory_space<vmem_shared>>
        %dma_wait3A_519 = tpu.memref_slice %arg22[%mul3A_482] : memref<8208xi32, #tpu.memory_space<vmem_shared>> -> memref<512xi32, #tpu.memory_space<vmem_shared>>
        tpu.wait_dma2 semaphore(%run_scoped3A : memref<!tpu.dma_semaphore, #tpu.memory_space<semaphore_mem>>) src(%dma_wait3A_519 : memref<512xi32, #tpu.memory_space<vmem_shared>>) dst(%arg14 : memref<512xi32, #tpu.memory_space<vmem>>)
        tpu.yield
      }) : () -> ()
      %scan3A_483 = arith.constant 0 : i32
      %scan3A_484 = arith.constant 0 : i32
      %scan3A_485 = arith.constant 16 : i32
      %scan3A_486 = arith.addi %scan3A_484, %scan3A_485 : i32
      %scan3A_487 = arith.constant 1 : i32
      %scan3A_488 = scf.for %scan3A_518 = %scan3A_484 to %scan3A_486 step %scan3A_487 iter_args(%scan3A_519 = %scan3A_483) -> (i32)  : i32 {
        %broadcast_in_dim3A_520 = arith.constant 0 : i32
        %broadcast_in_dim3A_521 = vector.broadcast %broadcast_in_dim3A_520 : i32 to vector<16xi32>
        %mul3A_522 = arith.constant 16 : i32
        %mul3A_523 = arith.muli %scan3A_518, %mul3A_522 : i32
        %swap3A_524 = arith.index_cast %mul3A_523 : i32 to index
        %swap3A_525 = tpu.vector_load %arg9[%swap3A_524] {strides = array<i32>} : memref<2048xi32, #tpu.memory_space<vmem>>, vector<16xi32>,
        tpu.vector_store %arg9[%swap3A_524], %broadcast_in_dim3A_521 {strides = array<i32>} : memref<2048xi32, #tpu.memory_space<vmem>>, vector<16xi32>,
        %scan3A_526 = arith.constant 0 : i32
        scf.yield %scan3A_526 : i32
      }
      %scan3A_489 = arith.constant 16 : i32
      %scan3A_490 = arith.constant 0 : i32
      %scan3A_491 = arith.constant 0 : i32
      %scan3A_492 = arith.constant 32 : i32
      %scan3A_493 = arith.addi %scan3A_491, %scan3A_492 : i32
      %scan3A_494 = arith.constant 1 : i32
      %scan3A_495 = scf.for %scan3A_518 = %scan3A_491 to %scan3A_493 step %scan3A_494 iter_args(%scan3A_519 = %scan3A_490) -> (i32)  : i32 {
        %mul3A_520 = arith.constant 16 : i32
        %mul3A_521 = arith.muli %scan3A_518, %mul3A_520 : i32
        %get3A_522 = arith.index_cast %mul3A_521 : i32 to index
        %get3A_523 = tpu.vector_load %arg13[%get3A_522] {strides = array<i32>} : memref<512xi32, #tpu.memory_space<vmem>>, vector<16xi32>,
        %bitcast3A = vector.bitcast %get3A_523 : vector<16xi32> to vector<16xi32>
        %shift_right_logical3A = arith.constant 24 : i32
        %shift_right_logical3A_524 = vector.broadcast %shift_right_logical3A : i32 to vector<16xi32>
        %shift_right_logical3A_525 = arith.shrui %bitcast3A, %shift_right_logical3A_524 : vector<16xi32>
        %and3A = arith.constant 255 : i32
        %and3A_526 = vector.broadcast %and3A : i32 to vector<16xi32>
        %and3A_527 = arith.andi %shift_right_logical3A_525, %and3A_526 : vector<16xi32>
        %broadcast_in_dim3A_528 = arith.constant 1 : i32
        %broadcast_in_dim3A_529 = vector.broadcast %broadcast_in_dim3A_528 : i32 to vector<16xi32>
        tpu.vector_store_idx %arg9[%and3A_527], %broadcast_in_dim3A_529 {add = true} : memref<2048xi32, #tpu.memory_space<vmem>>[vector<16xi32>], vector<16xi32>,
        %scan3A_530 = arith.constant 0 : i32
        scf.yield %scan3A_530 : i32
      }
      %scan3A_496 = arith.constant 32 : i32
      "tpu.region"() ({
        %run_scoped3A = tpu.sem_alloc : memref<!tpu.dma_semaphore, #tpu.memory_space<semaphore_mem>>
        %dma_start3A = arith.constant 0 : i32
        %dma_start3A_518 = tpu.memref_slice %arg16[%arg1, %dma_start3A] : memref<16x2048xi32, #tpu.memory_space<vmem_shared>> -> memref<1x2048xi32, #tpu.memory_space<vmem_shared>>
        %dma_start3A_519 = tpu.memref_squeeze %dma_start3A_518 : memref<1x2048xi32, #tpu.memory_space<vmem_shared>> -> memref<2048xi32, #tpu.memory_space<vmem_shared>>
        %dma_start3A_520 = arith.constant 0 : i32
        %dma_start3A_521 = tpu.memref_slice %arg16[%arg1, %dma_start3A_520] : memref<16x2048xi32, #tpu.memory_space<vmem_shared>> -> memref<1x2048xi32, #tpu.memory_space<vmem_shared>>
        %dma_start3A_522 = tpu.memref_squeeze %dma_start3A_521 : memref<1x2048xi32, #tpu.memory_space<vmem_shared>> -> memref<2048xi32, #tpu.memory_space<vmem_shared>>
        tpu.enqueue_dma source(%arg9 : memref<2048xi32, #tpu.memory_space<vmem>>) target(%dma_start3A_522 : memref<2048xi32, #tpu.memory_space<vmem_shared>>) target_semaphore(%run_scoped3A : memref<!tpu.dma_semaphore, #tpu.memory_space<semaphore_mem>>)
        %dma_wait3A = arith.constant 0 : i32
        %dma_wait3A_523 = tpu.memref_slice %arg16[%arg1, %dma_wait3A] : memref<16x2048xi32, #tpu.memory_space<vmem_shared>> -> memref<1x2048xi32, #tpu.memory_space<vmem_shared>>
        %dma_wait3A_524 = tpu.memref_squeeze %dma_wait3A_523 : memref<1x2048xi32, #tpu.memory_space<vmem_shared>> -> memref<2048xi32, #tpu.memory_space<vmem_shared>>
        %dma_wait3A_525 = arith.constant 0 : i32
        %dma_wait3A_526 = tpu.memref_slice %arg16[%arg1, %dma_wait3A_525] : memref<16x2048xi32, #tpu.memory_space<vmem_shared>> -> memref<1x2048xi32, #tpu.memory_space<vmem_shared>>
        %dma_wait3A_527 = tpu.memref_squeeze %dma_wait3A_526 : memref<1x2048xi32, #tpu.memory_space<vmem_shared>> -> memref<2048xi32, #tpu.memory_space<vmem_shared>>
        tpu.wait_dma2 semaphore(%run_scoped3A : memref<!tpu.dma_semaphore, #tpu.memory_space<semaphore_mem>>) src(%arg9 : memref<2048xi32, #tpu.memory_space<vmem>>) dst(%dma_wait3A_527 : memref<2048xi32, #tpu.memory_space<vmem_shared>>)
        tpu.yield
      }) : () -> ()
      %barrier3A_497 = arith.constant 0 : index
      tpu.barrier barrier_id(%barrier3A_497)
      "tpu.region"() ({
        %run_scoped3A = tpu.sem_alloc : memref<!tpu.dma_semaphore, #tpu.memory_space<semaphore_mem>>
        tpu.enqueue_dma source(%arg16 : memref<16x2048xi32, #tpu.memory_space<vmem_shared>>) target(%arg10 : memref<16x2048xi32, #tpu.memory_space<vmem>>) target_semaphore(%run_scoped3A : memref<!tpu.dma_semaphore, #tpu.memory_space<semaphore_mem>>)
        tpu.wait_dma2 semaphore(%run_scoped3A : memref<!tpu.dma_semaphore, #tpu.memory_space<semaphore_mem>>) src(%arg16 : memref<16x2048xi32, #tpu.memory_space<vmem_shared>>) dst(%arg10 : memref<16x2048xi32, #tpu.memory_space<vmem>>)
        tpu.yield
      }) : () -> ()
      %scan3A_498 = arith.constant 0 : i32
      %scan3A_499 = arith.constant 0 : i32
      %scan3A_500 = arith.constant 16 : i32
      %scan3A_501 = arith.addi %scan3A_499, %scan3A_500 : i32
      %scan3A_502 = arith.constant 1 : i32
      %scan3A_503 = scf.for %scan3A_518 = %scan3A_499 to %scan3A_501 step %scan3A_502 iter_args(%scan3A_519 = %scan3A_498) -> (i32)  : i32 {
        %mul3A_520 = arith.constant 16 : i32
        %mul3A_521 = arith.muli %scan3A_518, %mul3A_520 : i32
        %broadcast_in_dim3A_522 = arith.constant 0 : i32
        %broadcast_in_dim3A_523 = vector.broadcast %broadcast_in_dim3A_522 : i32 to vector<16xi32>
        %broadcast_in_dim3A_524 = arith.constant 0 : i32
        %broadcast_in_dim3A_525 = vector.broadcast %broadcast_in_dim3A_524 : i32 to vector<16xi32>
        %get3A_526 = arith.constant 0 : i32
        %get3A_527 = arith.index_cast %get3A_526 : i32 to index
        %get3A_528 = arith.index_cast %mul3A_521 : i32 to index
        %get3A_529 = tpu.vector_load %arg10[%get3A_527, %get3A_528] {strides = array<i32>} : memref<16x2048xi32, #tpu.memory_space<vmem>>, vector<16xi32>,
        %add3A_530 = arith.addi %broadcast_in_dim3A_523, %get3A_529 : vector<16xi32>
        %gt3A_531 = arith.constant 0 : i32
        %gt3A_532 = arith.cmpi sgt, %arg1, %gt3A_531 : i32
        %jit3A_533 = arith.constant 0 : i32
        %broadcast_in_dim3A_534 = vector.broadcast %jit3A_533 : i32 to vector<16xi32>
        %select_n3A_535 = arith.select %gt3A_532, %get3A_529, %broadcast_in_dim3A_534 : vector<16xi32>
        %add3A_536 = arith.addi %broadcast_in_dim3A_525, %select_n3A_535 : vector<16xi32>
        %get3A_537 = arith.constant 1 : i32
        %get3A_538 = arith.index_cast %get3A_537 : i32 to index
        %get3A_539 = arith.index_cast %mul3A_521 : i32 to index
        %get3A_540 = tpu.vector_load %arg10[%get3A_538, %get3A_539] {strides = array<i32>} : memref<16x2048xi32, #tpu.memory_space<vmem>>, vector<16xi32>,
        %add3A_541 = arith.addi %add3A_530, %get3A_540 : vector<16xi32>
        %gt3A_542 = arith.constant 1 : i32
        %gt3A_543 = arith.cmpi sgt, %arg1, %gt3A_542 : i32
        %jit3A_544 = arith.constant 0 : i32
        %broadcast_in_dim3A_545 = vector.broadcast %jit3A_544 : i32 to vector<16xi32>
        %select_n3A_546 = arith.select %gt3A_543, %get3A_540, %broadcast_in_dim3A_545 : vector<16xi32>
        %add3A_547 = arith.addi %add3A_536, %select_n3A_546 : vector<16xi32>
        %get3A_548 = arith.constant 2 : i32
        %get3A_549 = arith.index_cast %get3A_548 : i32 to index
        %get3A_550 = arith.index_cast %mul3A_521 : i32 to index
        %get3A_551 = tpu.vector_load %arg10[%get3A_549, %get3A_550] {strides = array<i32>} : memref<16x2048xi32, #tpu.memory_space<vmem>>, vector<16xi32>,
        %add3A_552 = arith.addi %add3A_541, %get3A_551 : vector<16xi32>
        %gt3A_553 = arith.constant 2 : i32
        %gt3A_554 = arith.cmpi sgt, %arg1, %gt3A_553 : i32
        %jit3A_555 = arith.constant 0 : i32
        %broadcast_in_dim3A_556 = vector.broadcast %jit3A_555 : i32 to vector<16xi32>
        %select_n3A_557 = arith.select %gt3A_554, %get3A_551, %broadcast_in_dim3A_556 : vector<16xi32>
        %add3A_558 = arith.addi %add3A_547, %select_n3A_557 : vector<16xi32>
        %get3A_559 = arith.constant 3 : i32
        %get3A_560 = arith.index_cast %get3A_559 : i32 to index
        %get3A_561 = arith.index_cast %mul3A_521 : i32 to index
        %get3A_562 = tpu.vector_load %arg10[%get3A_560, %get3A_561] {strides = array<i32>} : memref<16x2048xi32, #tpu.memory_space<vmem>>, vector<16xi32>,
        %add3A_563 = arith.addi %add3A_552, %get3A_562 : vector<16xi32>
        %gt3A_564 = arith.constant 3 : i32
        %gt3A_565 = arith.cmpi sgt, %arg1, %gt3A_564 : i32
        %jit3A_566 = arith.constant 0 : i32
        %broadcast_in_dim3A_567 = vector.broadcast %jit3A_566 : i32 to vector<16xi32>
        %select_n3A_568 = arith.select %gt3A_565, %get3A_562, %broadcast_in_dim3A_567 : vector<16xi32>
        %add3A_569 = arith.addi %add3A_558, %select_n3A_568 : vector<16xi32>
        %get3A_570 = arith.constant 4 : i32
        %get3A_571 = arith.index_cast %get3A_570 : i32 to index
        %get3A_572 = arith.index_cast %mul3A_521 : i32 to index
        %get3A_573 = tpu.vector_load %arg10[%get3A_571, %get3A_572] {strides = array<i32>} : memref<16x2048xi32, #tpu.memory_space<vmem>>, vector<16xi32>,
        %add3A_574 = arith.addi %add3A_563, %get3A_573 : vector<16xi32>
        %gt3A_575 = arith.constant 4 : i32
        %gt3A_576 = arith.cmpi sgt, %arg1, %gt3A_575 : i32
        %jit3A_577 = arith.constant 0 : i32
        %broadcast_in_dim3A_578 = vector.broadcast %jit3A_577 : i32 to vector<16xi32>
        %select_n3A_579 = arith.select %gt3A_576, %get3A_573, %broadcast_in_dim3A_578 : vector<16xi32>
        %add3A_580 = arith.addi %add3A_569, %select_n3A_579 : vector<16xi32>
        %get3A_581 = arith.constant 5 : i32
        %get3A_582 = arith.index_cast %get3A_581 : i32 to index
        %get3A_583 = arith.index_cast %mul3A_521 : i32 to index
        %get3A_584 = tpu.vector_load %arg10[%get3A_582, %get3A_583] {strides = array<i32>} : memref<16x2048xi32, #tpu.memory_space<vmem>>, vector<16xi32>,
        %add3A_585 = arith.addi %add3A_574, %get3A_584 : vector<16xi32>
        %gt3A_586 = arith.constant 5 : i32
        %gt3A_587 = arith.cmpi sgt, %arg1, %gt3A_586 : i32
        %jit3A_588 = arith.constant 0 : i32
        %broadcast_in_dim3A_589 = vector.broadcast %jit3A_588 : i32 to vector<16xi32>
        %select_n3A_590 = arith.select %gt3A_587, %get3A_584, %broadcast_in_dim3A_589 : vector<16xi32>
        %add3A_591 = arith.addi %add3A_580, %select_n3A_590 : vector<16xi32>
        %get3A_592 = arith.constant 6 : i32
        %get3A_593 = arith.index_cast %get3A_592 : i32 to index
        %get3A_594 = arith.index_cast %mul3A_521 : i32 to index
        %get3A_595 = tpu.vector_load %arg10[%get3A_593, %get3A_594] {strides = array<i32>} : memref<16x2048xi32, #tpu.memory_space<vmem>>, vector<16xi32>,
        %add3A_596 = arith.addi %add3A_585, %get3A_595 : vector<16xi32>
        %gt3A_597 = arith.constant 6 : i32
        %gt3A_598 = arith.cmpi sgt, %arg1, %gt3A_597 : i32
        %jit3A_599 = arith.constant 0 : i32
        %broadcast_in_dim3A_600 = vector.broadcast %jit3A_599 : i32 to vector<16xi32>
        %select_n3A_601 = arith.select %gt3A_598, %get3A_595, %broadcast_in_dim3A_600 : vector<16xi32>
        %add3A_602 = arith.addi %add3A_591, %select_n3A_601 : vector<16xi32>
        %get3A_603 = arith.constant 7 : i32
        %get3A_604 = arith.index_cast %get3A_603 : i32 to index
        %get3A_605 = arith.index_cast %mul3A_521 : i32 to index
        %get3A_606 = tpu.vector_load %arg10[%get3A_604, %get3A_605] {strides = array<i32>} : memref<16x2048xi32, #tpu.memory_space<vmem>>, vector<16xi32>,
        %add3A_607 = arith.addi %add3A_596, %get3A_606 : vector<16xi32>
        %gt3A_608 = arith.constant 7 : i32
        %gt3A_609 = arith.cmpi sgt, %arg1, %gt3A_608 : i32
        %jit3A_610 = arith.constant 0 : i32
        %broadcast_in_dim3A_611 = vector.broadcast %jit3A_610 : i32 to vector<16xi32>
        %select_n3A_612 = arith.select %gt3A_609, %get3A_606, %broadcast_in_dim3A_611 : vector<16xi32>
        %add3A_613 = arith.addi %add3A_602, %select_n3A_612 : vector<16xi32>
        %get3A_614 = arith.constant 8 : i32
        %get3A_615 = arith.index_cast %get3A_614 : i32 to index
        %get3A_616 = arith.index_cast %mul3A_521 : i32 to index
        %get3A_617 = tpu.vector_load %arg10[%get3A_615, %get3A_616] {strides = array<i32>} : memref<16x2048xi32, #tpu.memory_space<vmem>>, vector<16xi32>,
        %add3A_618 = arith.addi %add3A_607, %get3A_617 : vector<16xi32>
        %gt3A_619 = arith.constant 8 : i32
        %gt3A_620 = arith.cmpi sgt, %arg1, %gt3A_619 : i32
        %jit3A_621 = arith.constant 0 : i32
        %broadcast_in_dim3A_622 = vector.broadcast %jit3A_621 : i32 to vector<16xi32>
        %select_n3A_623 = arith.select %gt3A_620, %get3A_617, %broadcast_in_dim3A_622 : vector<16xi32>
        %add3A_624 = arith.addi %add3A_613, %select_n3A_623 : vector<16xi32>
        %get3A_625 = arith.constant 9 : i32
        %get3A_626 = arith.index_cast %get3A_625 : i32 to index
        %get3A_627 = arith.index_cast %mul3A_521 : i32 to index
        %get3A_628 = tpu.vector_load %arg10[%get3A_626, %get3A_627] {strides = array<i32>} : memref<16x2048xi32, #tpu.memory_space<vmem>>, vector<16xi32>,
        %add3A_629 = arith.addi %add3A_618, %get3A_628 : vector<16xi32>
        %gt3A_630 = arith.constant 9 : i32
        %gt3A_631 = arith.cmpi sgt, %arg1, %gt3A_630 : i32
        %jit3A_632 = arith.constant 0 : i32
        %broadcast_in_dim3A_633 = vector.broadcast %jit3A_632 : i32 to vector<16xi32>
        %select_n3A_634 = arith.select %gt3A_631, %get3A_628, %broadcast_in_dim3A_633 : vector<16xi32>
        %add3A_635 = arith.addi %add3A_624, %select_n3A_634 : vector<16xi32>
        %get3A_636 = arith.constant 10 : i32
        %get3A_637 = arith.index_cast %get3A_636 : i32 to index
        %get3A_638 = arith.index_cast %mul3A_521 : i32 to index
        %get3A_639 = tpu.vector_load %arg10[%get3A_637, %get3A_638] {strides = array<i32>} : memref<16x2048xi32, #tpu.memory_space<vmem>>, vector<16xi32>,
        %add3A_640 = arith.addi %add3A_629, %get3A_639 : vector<16xi32>
        %gt3A_641 = arith.constant 10 : i32
        %gt3A_642 = arith.cmpi sgt, %arg1, %gt3A_641 : i32
        %jit3A_643 = arith.constant 0 : i32
        %broadcast_in_dim3A_644 = vector.broadcast %jit3A_643 : i32 to vector<16xi32>
        %select_n3A_645 = arith.select %gt3A_642, %get3A_639, %broadcast_in_dim3A_644 : vector<16xi32>
        %add3A_646 = arith.addi %add3A_635, %select_n3A_645 : vector<16xi32>
        %get3A_647 = arith.constant 11 : i32
        %get3A_648 = arith.index_cast %get3A_647 : i32 to index
        %get3A_649 = arith.index_cast %mul3A_521 : i32 to index
        %get3A_650 = tpu.vector_load %arg10[%get3A_648, %get3A_649] {strides = array<i32>} : memref<16x2048xi32, #tpu.memory_space<vmem>>, vector<16xi32>,
        %add3A_651 = arith.addi %add3A_640, %get3A_650 : vector<16xi32>
        %gt3A_652 = arith.constant 11 : i32
        %gt3A_653 = arith.cmpi sgt, %arg1, %gt3A_652 : i32
        %jit3A_654 = arith.constant 0 : i32
        %broadcast_in_dim3A_655 = vector.broadcast %jit3A_654 : i32 to vector<16xi32>
        %select_n3A_656 = arith.select %gt3A_653, %get3A_650, %broadcast_in_dim3A_655 : vector<16xi32>
        %add3A_657 = arith.addi %add3A_646, %select_n3A_656 : vector<16xi32>
        %get3A_658 = arith.constant 12 : i32
        %get3A_659 = arith.index_cast %get3A_658 : i32 to index
        %get3A_660 = arith.index_cast %mul3A_521 : i32 to index
        %get3A_661 = tpu.vector_load %arg10[%get3A_659, %get3A_660] {strides = array<i32>} : memref<16x2048xi32, #tpu.memory_space<vmem>>, vector<16xi32>,
        %add3A_662 = arith.addi %add3A_651, %get3A_661 : vector<16xi32>
        %gt3A_663 = arith.constant 12 : i32
        %gt3A_664 = arith.cmpi sgt, %arg1, %gt3A_663 : i32
        %jit3A_665 = arith.constant 0 : i32
        %broadcast_in_dim3A_666 = vector.broadcast %jit3A_665 : i32 to vector<16xi32>
        %select_n3A_667 = arith.select %gt3A_664, %get3A_661, %broadcast_in_dim3A_666 : vector<16xi32>
        %add3A_668 = arith.addi %add3A_657, %select_n3A_667 : vector<16xi32>
        %get3A_669 = arith.constant 13 : i32
        %get3A_670 = arith.index_cast %get3A_669 : i32 to index
        %get3A_671 = arith.index_cast %mul3A_521 : i32 to index
        %get3A_672 = tpu.vector_load %arg10[%get3A_670, %get3A_671] {strides = array<i32>} : memref<16x2048xi32, #tpu.memory_space<vmem>>, vector<16xi32>,
        %add3A_673 = arith.addi %add3A_662, %get3A_672 : vector<16xi32>
        %gt3A_674 = arith.constant 13 : i32
        %gt3A_675 = arith.cmpi sgt, %arg1, %gt3A_674 : i32
        %jit3A_676 = arith.constant 0 : i32
        %broadcast_in_dim3A_677 = vector.broadcast %jit3A_676 : i32 to vector<16xi32>
        %select_n3A_678 = arith.select %gt3A_675, %get3A_672, %broadcast_in_dim3A_677 : vector<16xi32>
        %add3A_679 = arith.addi %add3A_668, %select_n3A_678 : vector<16xi32>
        %get3A_680 = arith.constant 14 : i32
        %get3A_681 = arith.index_cast %get3A_680 : i32 to index
        %get3A_682 = arith.index_cast %mul3A_521 : i32 to index
        %get3A_683 = tpu.vector_load %arg10[%get3A_681, %get3A_682] {strides = array<i32>} : memref<16x2048xi32, #tpu.memory_space<vmem>>, vector<16xi32>,
        %add3A_684 = arith.addi %add3A_673, %get3A_683 : vector<16xi32>
        %gt3A_685 = arith.constant 14 : i32
        %gt3A_686 = arith.cmpi sgt, %arg1, %gt3A_685 : i32
        %jit3A_687 = arith.constant 0 : i32
        %broadcast_in_dim3A_688 = vector.broadcast %jit3A_687 : i32 to vector<16xi32>
        %select_n3A_689 = arith.select %gt3A_686, %get3A_683, %broadcast_in_dim3A_688 : vector<16xi32>
        %add3A_690 = arith.addi %add3A_679, %select_n3A_689 : vector<16xi32>
        %get3A_691 = arith.constant 15 : i32
        %get3A_692 = arith.index_cast %get3A_691 : i32 to index
        %get3A_693 = arith.index_cast %mul3A_521 : i32 to index
        %get3A_694 = tpu.vector_load %arg10[%get3A_692, %get3A_693] {strides = array<i32>} : memref<16x2048xi32, #tpu.memory_space<vmem>>, vector<16xi32>,
        %add3A_695 = arith.addi %add3A_684, %get3A_694 : vector<16xi32>
        %gt3A_696 = arith.constant 15 : i32
        %gt3A_697 = arith.cmpi sgt, %arg1, %gt3A_696 : i32
        %jit3A_698 = arith.constant 0 : i32
        %broadcast_in_dim3A_699 = vector.broadcast %jit3A_698 : i32 to vector<16xi32>
        %select_n3A_700 = arith.select %gt3A_697, %get3A_694, %broadcast_in_dim3A_699 : vector<16xi32>
        %add3A_701 = arith.addi %add3A_690, %select_n3A_700 : vector<16xi32>
        %broadcast_in_dim3A_702 = arith.constant true
        %broadcast_in_dim3A_703 = vector.broadcast %broadcast_in_dim3A_702 : i1 to vector<16xi1>
        %masked_cumsum3A = tpu.scan <sum>, %add3A_695 masked %broadcast_in_dim3A_703 : vector<16xi32>, vector<16xi1> -> vector<16xi32>
        %add3A_704 = vector.broadcast %scan3A_519 : i32 to vector<16xi32>
        %add3A_705 = arith.addi %add3A_704, %masked_cumsum3A : vector<16xi32>
        %sub3A = arith.subi %add3A_705, %add3A_695 : vector<16xi32>
        %add3A_706 = arith.addi %sub3A, %add3A_701 : vector<16xi32>
        %swap3A_707 = arith.index_cast %mul3A_521 : i32 to index
        %swap3A_708 = tpu.vector_load %arg9[%swap3A_707] {strides = array<i32>} : memref<2048xi32, #tpu.memory_space<vmem>>, vector<16xi32>,
        tpu.vector_store %arg9[%swap3A_707], %add3A_706 {strides = array<i32>} : memref<2048xi32, #tpu.memory_space<vmem>>, vector<16xi32>,
        %reduce_max3A = arith.constant true
        %reduce_max3A_709 = vector.broadcast %reduce_max3A : i1 to vector<16xi1>
        %reduce_max3A_710 = arith.constant -2147483648 : i32
        %reduce_max3A_711 = vector.broadcast %reduce_max3A_710 : i32 to vector<16xi32>
        %reduce_max3A_712 = arith.xori %masked_cumsum3A, %reduce_max3A_711 : vector<16xi32>
        %reduce_max3A_713 = tpu.scan <max>, %reduce_max3A_712 masked %reduce_max3A_709 : vector<16xi32>, vector<16xi1> -> vector<16xi32>
        %reduce_max3A_714 = arith.xori %reduce_max3A_713, %reduce_max3A_711 : vector<16xi32>
        %reduce_max3A_715 = vector.extract %reduce_max3A_714[15] : i32 from vector<16xi32>
        %add3A_716 = arith.addi %scan3A_519, %reduce_max3A_715 : i32
        scf.yield %add3A_716 : i32
      }
      %scan3A_504 = arith.constant 16 : i32
      %scan3A_505 = arith.constant 0 : i32
      %scan3A_506 = arith.constant 0 : i32
      %scan3A_507 = arith.constant 32 : i32
      %scan3A_508 = arith.addi %scan3A_506, %scan3A_507 : i32
      %scan3A_509 = arith.constant 1 : i32
      %scan3A_510 = scf.for %scan3A_518 = %scan3A_506 to %scan3A_508 step %scan3A_509 iter_args(%scan3A_519 = %scan3A_505) -> (i32)  : i32 {
        %mul3A_520 = arith.constant 16 : i32
        %mul3A_521 = arith.muli %scan3A_518, %mul3A_520 : i32
        %get3A_522 = arith.index_cast %mul3A_521 : i32 to index
        %get3A_523 = tpu.vector_load %arg13[%get3A_522] {strides = array<i32>} : memref<512xi32, #tpu.memory_space<vmem>>, vector<16xi32>,
        %bitcast3A = vector.bitcast %get3A_523 : vector<16xi32> to vector<16xi32>
        %shift_right_logical3A = arith.constant 24 : i32
        %shift_right_logical3A_524 = vector.broadcast %shift_right_logical3A : i32 to vector<16xi32>
        %shift_right_logical3A_525 = arith.shrui %bitcast3A, %shift_right_logical3A_524 : vector<16xi32>
        %and3A = arith.constant 255 : i32
        %and3A_526 = vector.broadcast %and3A : i32 to vector<16xi32>
        %and3A_527 = arith.andi %shift_right_logical3A_525, %and3A_526 : vector<16xi32>
        %gather3A = tpu.vector_load_idx %arg9[%and3A_527] : memref<2048xi32, #tpu.memory_space<vmem>>[vector<16xi32>], vector<16xi32>,
        %broadcast_in_dim3A_528 = arith.constant true
        %broadcast_in_dim3A_529 = vector.broadcast %broadcast_in_dim3A_528 : i1 to vector<16xi1>
        %unique3A, %unique3A_530 = tpu.scan_count mask(%broadcast_in_dim3A_529 : vector<16xi1>) value(%and3A_527 : vector<16xi32>) : vector<16xi1>, vector<16xi32>
        %add3A_531 = arith.addi %gather3A, %unique3A_530 : vector<16xi32>
        %sub3A = arith.constant 1 : i32
        %sub3A_532 = vector.broadcast %sub3A : i32 to vector<16xi32>
        %sub3A_533 = arith.subi %add3A_531, %sub3A_532 : vector<16xi32>
        %add3A_534 = arith.addi %gather3A, %unique3A_530 : vector<16xi32>
        tpu.vector_store_idx %arg9[%and3A_527], %add3A_534 masked %unique3A : memref<2048xi32, #tpu.memory_space<vmem>>[vector<16xi32>], vector<16xi32>, vector<16xi1>
        %lt3A = vector.broadcast %add3A_102 : i32 to vector<16xi32>
        %lt3A_535 = arith.cmpi slt, %sub3A_533, %lt3A : vector<16xi32>
        %add3A_536 = arith.constant 8192 : i32
        %add3A_537 = arith.addi %add3A_536, %arg1 : i32
        %broadcast_in_dim3A_538 = vector.broadcast %add3A_537 : i32 to vector<16xi32>
        %select_n3A_539 = arith.select %lt3A_535, %sub3A_533, %broadcast_in_dim3A_538 : vector<16xi1>, vector<16xi32>
        %mul3A_540 = arith.constant 16 : i32
        %mul3A_541 = arith.muli %scan3A_518, %mul3A_540 : i32
        %swap3A_542 = arith.index_cast %mul3A_541 : i32 to index
        %swap3A_543 = tpu.vector_load %arg15[%swap3A_542] {strides = array<i32>} : memref<512xi32, #tpu.memory_space<vmem>>, vector<16xi32>,
        tpu.vector_store %arg15[%swap3A_542], %select_n3A_539 {strides = array<i32>} : memref<512xi32, #tpu.memory_space<vmem>>, vector<16xi32>,
        %scan3A_544 = arith.constant 0 : i32
        scf.yield %scan3A_544 : i32
      }
      %scan3A_511 = arith.constant 32 : i32
      "tpu.region"() ({
        %run_scoped3A = tpu.sem_alloc : memref<!tpu.dma_semaphore, #tpu.memory_space<semaphore_mem>>
        %dma_start3A = arith.constant 0 : i32
        %dma_start3A_518 = tpu.memref_slice %arg23[%dma_start3A] : memref<8208xi32, #tpu.memory_space<vmem_shared>> -> memref<8208xi32, #tpu.memory_space<vmem_shared>>
        tpu.enqueue_indirect_dma source(%arg14 : memref<512xi32, #tpu.memory_space<vmem>>) target(%dma_start3A_518 : memref<8208xi32, #tpu.memory_space<vmem_shared>>) offsets(%arg15 : memref<512xi32, #tpu.memory_space<vmem>>) semaphore(%run_scoped3A : memref<!tpu.dma_semaphore, #tpu.memory_space<semaphore_mem>>)
        %dma_wait3A = arith.constant 0 : i32
        %dma_wait3A_519 = tpu.memref_slice %arg23[%dma_wait3A] : memref<8208xi32, #tpu.memory_space<vmem_shared>> -> memref<8208xi32, #tpu.memory_space<vmem_shared>>
        tpu.wait_indirect_dma semaphore(%run_scoped3A : memref<!tpu.dma_semaphore, #tpu.memory_space<semaphore_mem>>) src(%arg14 : memref<512xi32, #tpu.memory_space<vmem>>) dst(%dma_wait3A_519 : memref<8208xi32, #tpu.memory_space<vmem_shared>>)
        tpu.yield
      }) : () -> ()
      %barrier3A_512 = arith.constant 0 : index
      tpu.barrier barrier_id(%barrier3A_512)
      %eq3A_513 = arith.constant 0 : i32
      %eq3A_514 = arith.cmpi eq, %arg1, %eq3A_513 : i32
      %convert_element_type3A_515 = arith.extui %eq3A_514 : i1 to i32
      %cond3A_516 = arith.constant 0 : i32
      %cond3A_517 = arith.cmpi ne, %convert_element_type3A_515, %cond3A_516 : i32
      scf.if %cond3A_517 {
        "tpu.region"() ({
          %run_scoped3A = tpu.sem_alloc : memref<!tpu.dma_semaphore, #tpu.memory_space<semaphore_mem>>
          %dma_start3A = arith.constant 0 : i32
          %dma_start3A_518 = tpu.memref_slice %arg23[%dma_start3A] : memref<8208xi32, #tpu.memory_space<vmem_shared>> -> memref<8192xi32, #tpu.memory_space<vmem_shared>>
          tpu.enqueue_dma source(%dma_start3A_518 : memref<8192xi32, #tpu.memory_space<vmem_shared>>) target(%arg3 : memref<8192xi32, #tpu.memory_space<hbm>>) target_semaphore(%run_scoped3A : memref<!tpu.dma_semaphore, #tpu.memory_space<semaphore_mem>>)
          %dma_wait3A = arith.constant 0 : i32
          %dma_wait3A_519 = tpu.memref_slice %arg23[%dma_wait3A] : memref<8208xi32, #tpu.memory_space<vmem_shared>> -> memref<8192xi32, #tpu.memory_space<vmem_shared>>
          tpu.wait_dma2 semaphore(%run_scoped3A : memref<!tpu.dma_semaphore, #tpu.memory_space<semaphore_mem>>) src(%dma_wait3A_519 : memref<8192xi32, #tpu.memory_space<vmem_shared>>) dst(%arg3 : memref<8192xi32, #tpu.memory_space<hbm>>)
          tpu.yield
        }) : () -> ()
      } else {
      }
    } else {
    }
    return
  }
}

#map = affine_map<(d0, d1) -> (0, 0)>
#map1 = affine_map<(d0, d1) -> (0)>
module attributes {stable_mosaic.version = 14 : i64} {
  func.func @_gather_rows(%arg0: i32, %arg1: i32, %arg2: memref<65536x512xf32, #tpu.memory_space<hbm>>, %arg3: memref<262144xf32, #tpu.memory_space<hbm>>, %arg4: memref<8192xi32, #tpu.memory_space<hbm>>, %arg5: memref<8192x512xf32, #tpu.memory_space<hbm>>, %arg6: memref<32768xf32, #tpu.memory_space<hbm>>, %arg7: memref<256xi32, #tpu.memory_space<vmem>>, %arg8: memref<128x512xf32, #tpu.memory_space<vmem>>, %arg9: memref<1024xi32, #tpu.memory_space<vmem>>, %arg10: memref<1024xf32, #tpu.memory_space<vmem>>, %arg11: memref<!tpu.dma_semaphore, #tpu.memory_space<semaphore_mem>>, %arg12: memref<!tpu.dma_semaphore, #tpu.memory_space<semaphore_mem>>) attributes {dimension_semantics = [#tpu.dimension_semantics<core_parallel>, #tpu.dimension_semantics<subcore_parallel>], iteration_bounds = array<i64: 2, 16>, scalar_prefetch = 0 : i64, scratch_operands = 6 : i64, tpu.core_type = #tpu.core_type<sc_vector_subcore>, window_params = [{transform_indices = #map}, {transform_indices = #map1}, {transform_indices = #map1}, {transform_indices = #map}, {transform_indices = #map1}]} {
    %mul3A = arith.constant 2 : i32
    %mul3A_0 = arith.muli %arg1, %mul3A : i32
    %add3A = arith.addi %mul3A_0, %arg0 : i32
    %mul3A_1 = arith.constant 256 : i32
    %mul3A_2 = arith.muli %add3A, %mul3A_1 : i32
    %iota3A = tpu.iota {dimensions = array<i32: 0>} : vector<16xi32>
    "tpu.region"() ({
      %run_scoped3A = tpu.sem_alloc : memref<!tpu.dma_semaphore, #tpu.memory_space<semaphore_mem>>
      %dma_start3A_37 = tpu.memref_slice %arg4[%mul3A_2] : memref<8192xi32, #tpu.memory_space<hbm>> -> memref<256xi32, #tpu.memory_space<hbm>>
      %dma_start3A_38 = tpu.memref_slice %arg4[%mul3A_2] : memref<8192xi32, #tpu.memory_space<hbm>> -> memref<256xi32, #tpu.memory_space<hbm>>
      tpu.enqueue_dma source(%dma_start3A_38 : memref<256xi32, #tpu.memory_space<hbm>>) target(%arg7 : memref<256xi32, #tpu.memory_space<vmem>>) target_semaphore(%run_scoped3A : memref<!tpu.dma_semaphore, #tpu.memory_space<semaphore_mem>>)
      %dma_wait3A_39 = tpu.memref_slice %arg4[%mul3A_2] : memref<8192xi32, #tpu.memory_space<hbm>> -> memref<256xi32, #tpu.memory_space<hbm>>
      %dma_wait3A_40 = tpu.memref_slice %arg4[%mul3A_2] : memref<8192xi32, #tpu.memory_space<hbm>> -> memref<256xi32, #tpu.memory_space<hbm>>
      tpu.wait_dma2 semaphore(%run_scoped3A : memref<!tpu.dma_semaphore, #tpu.memory_space<semaphore_mem>>) src(%dma_wait3A_40 : memref<256xi32, #tpu.memory_space<hbm>>) dst(%arg7 : memref<256xi32, #tpu.memory_space<vmem>>)
      tpu.yield
    }) : () -> ()
    %scan3A = arith.constant 0 : i32
    %scan3A_3 = arith.constant 0 : i32
    %scan3A_4 = arith.constant 64 : i32
    %scan3A_5 = arith.addi %scan3A_3, %scan3A_4 : i32
    %scan3A_6 = arith.constant 1 : i32
    %scan3A_7 = scf.for %scan3A_37 = %scan3A_3 to %scan3A_5 step %scan3A_6 iter_args(%scan3A_38 = %scan3A) -> (i32)  : i32 {
      %mul3A_39 = arith.constant 16 : i32
      %mul3A_40 = arith.muli %scan3A_37, %mul3A_39 : i32
      %add3A_41 = vector.broadcast %mul3A_40 : i32 to vector<16xi32>
      %add3A_42 = arith.addi %add3A_41, %iota3A : vector<16xi32>
      %shift_right_arithmetic3A = arith.constant 2 : i32
      %shift_right_arithmetic3A_43 = vector.broadcast %shift_right_arithmetic3A : i32 to vector<16xi32>
      %shift_right_arithmetic3A_44 = arith.shrsi %add3A_42, %shift_right_arithmetic3A_43 : vector<16xi32>
      %gather3A = tpu.vector_load_idx %arg7[%shift_right_arithmetic3A_44] : memref<256xi32, #tpu.memory_space<vmem>>[vector<16xi32>], vector<16xi32>,
      %mul3A_45 = arith.constant 4 : i32
      %mul3A_46 = vector.broadcast %mul3A_45 : i32 to vector<16xi32>
      %mul3A_47 = arith.muli %gather3A, %mul3A_46 : vector<16xi32>
      %and3A = arith.constant 3 : i32
      %and3A_48 = vector.broadcast %and3A : i32 to vector<16xi32>
      %and3A_49 = arith.andi %add3A_42, %and3A_48 : vector<16xi32>
      %add3A_50 = arith.addi %mul3A_47, %and3A_49 : vector<16xi32>
      %mul3A_51 = arith.constant 16 : i32
      %mul3A_52 = arith.muli %scan3A_37, %mul3A_51 : i32
      %swap3A = arith.index_cast %mul3A_52 : i32 to index
      %swap3A_53 = tpu.vector_load %arg9[%swap3A] {strides = array<i32>} : memref<1024xi32, #tpu.memory_space<vmem>>, vector<16xi32>,
      tpu.vector_store %arg9[%swap3A], %add3A_50 {strides = array<i32>} : memref<1024xi32, #tpu.memory_space<vmem>>, vector<16xi32>,
      %scan3A_54 = arith.constant 0 : i32
      scf.yield %scan3A_54 : i32
    }
    %scan3A_8 = arith.constant 64 : i32
    %dma_start3A = arith.constant 0 : i32
    %dma_start3A_9 = tpu.memref_slice %arg3[%dma_start3A] : memref<262144xf32, #tpu.memory_space<hbm>> -> memref<262144xf32, #tpu.memory_space<hbm>>
    tpu.enqueue_indirect_dma source(%dma_start3A_9 : memref<262144xf32, #tpu.memory_space<hbm>>) target(%arg10 : memref<1024xf32, #tpu.memory_space<vmem>>) offsets(%arg9 : memref<1024xi32, #tpu.memory_space<vmem>>) semaphore(%arg12 : memref<!tpu.dma_semaphore, #tpu.memory_space<semaphore_mem>>)
    %dma_start3A_10 = arith.constant 0 : i32
    %dma_start3A_11 = tpu.memref_slice %arg7[%dma_start3A_10] : memref<256xi32, #tpu.memory_space<vmem>> -> memref<128xi32, #tpu.memory_space<vmem>>
    %dma_start3A_12 = arith.constant 0 : i32
    %dma_start3A_13 = arith.constant 0 : i32
    %dma_start3A_14 = tpu.memref_slice %arg2[%dma_start3A_12, %dma_start3A_13] : memref<65536x512xf32, #tpu.memory_space<hbm>> -> memref<65536x512xf32, #tpu.memory_space<hbm>>
    tpu.enqueue_indirect_dma source(%dma_start3A_14 : memref<65536x512xf32, #tpu.memory_space<hbm>>) target(%arg8 : memref<128x512xf32, #tpu.memory_space<vmem>>) offsets(%dma_start3A_11 : memref<128xi32, #tpu.memory_space<vmem>>) semaphore(%arg11 : memref<!tpu.dma_semaphore, #tpu.memory_space<semaphore_mem>>)
    %dma_wait3A = arith.constant 0 : i32
    %dma_wait3A_15 = tpu.memref_slice %arg7[%dma_wait3A] : memref<256xi32, #tpu.memory_space<vmem>> -> memref<128xi32, #tpu.memory_space<vmem>>
    %dma_wait3A_16 = arith.constant 0 : i32
    %dma_wait3A_17 = arith.constant 0 : i32
    %dma_wait3A_18 = tpu.memref_slice %arg2[%dma_wait3A_16, %dma_wait3A_17] : memref<65536x512xf32, #tpu.memory_space<hbm>> -> memref<65536x512xf32, #tpu.memory_space<hbm>>
    tpu.wait_indirect_dma semaphore(%arg11 : memref<!tpu.dma_semaphore, #tpu.memory_space<semaphore_mem>>) src(%dma_wait3A_18 : memref<65536x512xf32, #tpu.memory_space<hbm>>) dst(%arg8 : memref<128x512xf32, #tpu.memory_space<vmem>>)
    %add3A_19 = arith.constant 0 : i32
    %add3A_20 = arith.addi %mul3A_2, %add3A_19 : i32
    "tpu.region"() ({
      %run_scoped3A = tpu.sem_alloc : memref<!tpu.dma_semaphore, #tpu.memory_space<semaphore_mem>>
      %dma_start3A_37 = arith.constant 0 : i32
      %dma_start3A_38 = tpu.memref_slice %arg5[%add3A_20, %dma_start3A_37] : memref<8192x512xf32, #tpu.memory_space<hbm>> -> memref<128x512xf32, #tpu.memory_space<hbm>>
      %dma_start3A_39 = arith.constant 0 : i32
      %dma_start3A_40 = tpu.memref_slice %arg5[%add3A_20, %dma_start3A_39] : memref<8192x512xf32, #tpu.memory_space<hbm>> -> memref<128x512xf32, #tpu.memory_space<hbm>>
      tpu.enqueue_dma source(%arg8 : memref<128x512xf32, #tpu.memory_space<vmem>>) target(%dma_start3A_40 : memref<128x512xf32, #tpu.memory_space<hbm>>) target_semaphore(%run_scoped3A : memref<!tpu.dma_semaphore, #tpu.memory_space<semaphore_mem>>)
      %dma_wait3A_41 = arith.constant 0 : i32
      %dma_wait3A_42 = tpu.memref_slice %arg5[%add3A_20, %dma_wait3A_41] : memref<8192x512xf32, #tpu.memory_space<hbm>> -> memref<128x512xf32, #tpu.memory_space<hbm>>
      %dma_wait3A_43 = arith.constant 0 : i32
      %dma_wait3A_44 = tpu.memref_slice %arg5[%add3A_20, %dma_wait3A_43] : memref<8192x512xf32, #tpu.memory_space<hbm>> -> memref<128x512xf32, #tpu.memory_space<hbm>>
      tpu.wait_dma2 semaphore(%run_scoped3A : memref<!tpu.dma_semaphore, #tpu.memory_space<semaphore_mem>>) src(%arg8 : memref<128x512xf32, #tpu.memory_space<vmem>>) dst(%dma_wait3A_44 : memref<128x512xf32, #tpu.memory_space<hbm>>)
      tpu.yield
    }) : () -> ()
    %dma_start3A_21 = arith.constant 128 : i32
    %dma_start3A_22 = tpu.memref_slice %arg7[%dma_start3A_21] : memref<256xi32, #tpu.memory_space<vmem>> -> memref<128xi32, #tpu.memory_space<vmem>>
    %dma_start3A_23 = arith.constant 0 : i32
    %dma_start3A_24 = arith.constant 0 : i32
    %dma_start3A_25 = tpu.memref_slice %arg2[%dma_start3A_23, %dma_start3A_24] : memref<65536x512xf32, #tpu.memory_space<hbm>> -> memref<65536x512xf32, #tpu.memory_space<hbm>>
    tpu.enqueue_indirect_dma source(%dma_start3A_25 : memref<65536x512xf32, #tpu.memory_space<hbm>>) target(%arg8 : memref<128x512xf32, #tpu.memory_space<vmem>>) offsets(%dma_start3A_22 : memref<128xi32, #tpu.memory_space<vmem>>) semaphore(%arg11 : memref<!tpu.dma_semaphore, #tpu.memory_space<semaphore_mem>>)
    %dma_wait3A_26 = arith.constant 128 : i32
    %dma_wait3A_27 = tpu.memref_slice %arg7[%dma_wait3A_26] : memref<256xi32, #tpu.memory_space<vmem>> -> memref<128xi32, #tpu.memory_space<vmem>>
    %dma_wait3A_28 = arith.constant 0 : i32
    %dma_wait3A_29 = arith.constant 0 : i32
    %dma_wait3A_30 = tpu.memref_slice %arg2[%dma_wait3A_28, %dma_wait3A_29] : memref<65536x512xf32, #tpu.memory_space<hbm>> -> memref<65536x512xf32, #tpu.memory_space<hbm>>
    tpu.wait_indirect_dma semaphore(%arg11 : memref<!tpu.dma_semaphore, #tpu.memory_space<semaphore_mem>>) src(%dma_wait3A_30 : memref<65536x512xf32, #tpu.memory_space<hbm>>) dst(%arg8 : memref<128x512xf32, #tpu.memory_space<vmem>>)
    %add3A_31 = arith.constant 128 : i32
    %add3A_32 = arith.addi %mul3A_2, %add3A_31 : i32
    "tpu.region"() ({
      %run_scoped3A = tpu.sem_alloc : memref<!tpu.dma_semaphore, #tpu.memory_space<semaphore_mem>>
      %dma_start3A_37 = arith.constant 0 : i32
      %dma_start3A_38 = tpu.memref_slice %arg5[%add3A_32, %dma_start3A_37] : memref<8192x512xf32, #tpu.memory_space<hbm>> -> memref<128x512xf32, #tpu.memory_space<hbm>>
      %dma_start3A_39 = arith.constant 0 : i32
      %dma_start3A_40 = tpu.memref_slice %arg5[%add3A_32, %dma_start3A_39] : memref<8192x512xf32, #tpu.memory_space<hbm>> -> memref<128x512xf32, #tpu.memory_space<hbm>>
      tpu.enqueue_dma source(%arg8 : memref<128x512xf32, #tpu.memory_space<vmem>>) target(%dma_start3A_40 : memref<128x512xf32, #tpu.memory_space<hbm>>) target_semaphore(%run_scoped3A : memref<!tpu.dma_semaphore, #tpu.memory_space<semaphore_mem>>)
      %dma_wait3A_41 = arith.constant 0 : i32
      %dma_wait3A_42 = tpu.memref_slice %arg5[%add3A_32, %dma_wait3A_41] : memref<8192x512xf32, #tpu.memory_space<hbm>> -> memref<128x512xf32, #tpu.memory_space<hbm>>
      %dma_wait3A_43 = arith.constant 0 : i32
      %dma_wait3A_44 = tpu.memref_slice %arg5[%add3A_32, %dma_wait3A_43] : memref<8192x512xf32, #tpu.memory_space<hbm>> -> memref<128x512xf32, #tpu.memory_space<hbm>>
      tpu.wait_dma2 semaphore(%run_scoped3A : memref<!tpu.dma_semaphore, #tpu.memory_space<semaphore_mem>>) src(%arg8 : memref<128x512xf32, #tpu.memory_space<vmem>>) dst(%dma_wait3A_44 : memref<128x512xf32, #tpu.memory_space<hbm>>)
      tpu.yield
    }) : () -> ()
    %dma_wait3A_33 = arith.constant 0 : i32
    %dma_wait3A_34 = tpu.memref_slice %arg3[%dma_wait3A_33] : memref<262144xf32, #tpu.memory_space<hbm>> -> memref<262144xf32, #tpu.memory_space<hbm>>
    tpu.wait_indirect_dma semaphore(%arg12 : memref<!tpu.dma_semaphore, #tpu.memory_space<semaphore_mem>>) src(%dma_wait3A_34 : memref<262144xf32, #tpu.memory_space<hbm>>) dst(%arg10 : memref<1024xf32, #tpu.memory_space<vmem>>)
    %mul3A_35 = arith.constant 4 : i32
    %mul3A_36 = arith.muli %mul3A_2, %mul3A_35 : i32
    "tpu.region"() ({
      %run_scoped3A = tpu.sem_alloc : memref<!tpu.dma_semaphore, #tpu.memory_space<semaphore_mem>>
      %dma_start3A_37 = tpu.memref_slice %arg6[%mul3A_36] : memref<32768xf32, #tpu.memory_space<hbm>> -> memref<1024xf32, #tpu.memory_space<hbm>>
      %dma_start3A_38 = tpu.memref_slice %arg6[%mul3A_36] : memref<32768xf32, #tpu.memory_space<hbm>> -> memref<1024xf32, #tpu.memory_space<hbm>>
      tpu.enqueue_dma source(%arg10 : memref<1024xf32, #tpu.memory_space<vmem>>) target(%dma_start3A_38 : memref<1024xf32, #tpu.memory_space<hbm>>) target_semaphore(%run_scoped3A : memref<!tpu.dma_semaphore, #tpu.memory_space<semaphore_mem>>)
      %dma_wait3A_39 = tpu.memref_slice %arg6[%mul3A_36] : memref<32768xf32, #tpu.memory_space<hbm>> -> memref<1024xf32, #tpu.memory_space<hbm>>
      %dma_wait3A_40 = tpu.memref_slice %arg6[%mul3A_36] : memref<32768xf32, #tpu.memory_space<hbm>> -> memref<1024xf32, #tpu.memory_space<hbm>>
      tpu.wait_dma2 semaphore(%run_scoped3A : memref<!tpu.dma_semaphore, #tpu.memory_space<semaphore_mem>>) src(%arg10 : memref<1024xf32, #tpu.memory_space<vmem>>) dst(%dma_wait3A_40 : memref<1024xf32, #tpu.memory_space<hbm>>)
      tpu.yield
    }) : () -> ()
    return
  }
}

</mosaic_0001>

<sc_bundles>
// kernel: kernel.4.cloned.1.call-start
scs
__scs_entry_jumppad:
0x0: {  	(pc) =	sbr.rel $0x88, $3  }
0x1: {  	(tag) =	ssettag $0x0;
	lr =	simm.s32 $0x1  }
0x2: {  	[smem:$0x3F9B] =	sst lr;
	_ =	strace $0xD0000000  }
0x3: {  	_ = 	snop  }
0x4: {  	_ = 	snop  }
0x5: {  	_ = 	snop  }
0x6: {  	_ = 	snop  }
0x7: {  	_ = 	snop  }
__scs_overlays_trampoline_lowered:
0x8: {  	[smem:$0x3FAA] =	sst s0  }
0x9: {  	[smem:$0x3FAB] =	sst s1  }
0xa: {  	[smem:$0x3FAC] =	sst s2  }
0xb: {  	[smem:$0x3FAD] =	sst s3  }
0xc: {  	[smem:$0x3FAE] =	sst s4  }
0xd: {  	[smem:$0x3FAF] =	sst s5  }
0xe: {  	[smem:$0x3FB0] =	sst s6  }
0xf: {  	[smem:$0x3FB1] =	sst s7  }
0x10: {  	[smem:$0x3FB2] =	sst s8  }
0x11: {  	[smem:$0x3FB3] =	sst s9;
	s0 =	simm.s32 @!p0 $0x0  }
0x12: {  	s1 =	sld [smem:$0x3F99];
	s0 =	simm.s32 @p0 $0x1  }
0x13: {  	[smem:$0x3FB4] =	sst s0;
	s0 =	simm.s32 @!p1 $0x0  }
0x14: {  	s2 =	sld [smem:$0x3F98];
	s0 =	simm.s32 @p1 $0x1  }
0x15: {  	[smem:$0x3FB5] =	sst s0;
	s0 =	simm.s32 @!p2 $0x0  }
0x16: {  	s3 =	sld [smem:$0x3FDB];
	s0 =	simm.s32 @p2 $0x1  }
0x17: {  	s4 =	simm.s32 $0x1BF5;
	[smem:$0x3FB7] =	sst s0  }
0x18: {  	s0 =	sld [smem:$0x3F9A];
	_ =	swait.ge [sflag:s4], $0x0  }
0x19: {  	s7 =	sld [smem:$0x3F9B]  }
0x1a: {  	s8 =	sadd.s32 $0xFFFFE003, lr  }
0x1b: {  	s9 =	sadd.s32 $0xFFFFFEF7, lr;
	s5 =	simm.s32 $0xFFFFFFFF;
	p2 =	slt.u32 s8, $0xFFFFF086  }
0x1c: {  	p1 =	slt.u32 s9, $0xF7A;
	s5 =	simm.s32 @!p2 $0x0  }
0x1d: {  	s5 =	simm.s32 @p1 $0x1;
	p0 =	seq.s32 s7, s2  }
0x1e: {  	s7 =	smul.u32 @!p0 $0xF7A, s2;
	p2 =	seq.s32 @!p0 s5, $0x0  }
0x1f: {  	s9 =	smul.u32 $0xF7A, s1;
	s8 =	simm.s32 @!p0 $0x1BF5;
	p2 =	por !p2, p0  }
0x20: {  	[sflag:s8] =	ssyncset.s32 @!p0 $0xFFFFF086;
	s6 =	sadd.s32 @!p0 s3, s7;
	s7 =	simm.s32 @!p0 $0x108  }
0x21: {  	s3 =	sadd.s32 s3, s9;
	s6 =	sadd.s32 @!p0 $0x88, s6;
	s7 =	simm.s32 @p2 $0x1082  }
0x22: {  	[simem:s7], [sflag:s8] =	dma.local @!p0 [hbm:s6], $0xF7A  }
0x23: {  	s9 =	sor.u32 $0xD0000000, s2;
	s6 =	simm.s32 $0x108;
	_ =	swait.ge @!p0 [sflag:s8], $0x0  }
0x24: {  	s3 =	sadd.s32 $0x88, s3;
	s6 =	simm.s32 @!p1 $0x1082;
	[sflag:s4] =	ssyncset.s32 $0xFFFFF086  }
0x25: {  	[simem:s6], [sflag:s4] =	dma.local [hbm:s3], $0xF7A  }
0x26: {  	[smem:$0x3F9B] =	sst s1;
	(tag) =	ssettag s2;
	_ =	strace s9  }
0x27: {  	s1 =	sld [smem:$0x3FAB]  }
0x28: {  	s2 =	sld [smem:$0x3FAC]  }
0x29: {  	s4 =	sld [smem:$0x3FAE]  }
0x2a: {  	p0 =	seq.s32 s5, $0x0;
	s5 =	sld [smem:$0x3FAF]  }
0x2b: {  	s6 =	sld [smem:$0x3FB0]  }
0x2c: {  	s7 =	sld [smem:$0x3FB1]  }
0x2d: {  	s3 =	simm.s32 $0x108;
	s8 =	sld [smem:$0x3FB2]  }
0x2e: {  	s3 =	simm.s32 @!p0 $0x1082;
	s9 =	sld [smem:$0x3FB3]  }
0x2f: {  	lr =	sadd.s32 s0, s3;
	s0 =	sld [smem:$0x3FAA]  }
0x30: {  	s3 =	sld [smem:$0x3FAD]  }
0x31: {  	[smem:$0x3FB6] =	sst s10  }
0x32: {  	s10 =	sld [smem:$0x3FB4];
	_ =	sdelay $0x3  }
0x33: {  	p0 =	seq.s32 s10, $0x1;
	s10 =	sld [smem:$0x3FB6];
	_ =	sdelay $0x3  }
0x34: {  	[smem:$0x3FB6] =	sst s10  }
0x35: {  	s10 =	sld [smem:$0x3FB5];
	_ =	sdelay $0x3  }
0x36: {  	p1 =	seq.s32 s10, $0x1;
	s10 =	sld [smem:$0x3FB6];
	_ =	sdelay $0x3  }
0x37: {  	[smem:$0x3FB6] =	sst s10  }
0x38: {  	s10 =	sld [smem:$0x3FB7]  }
0x39: {  	_ = 	snop;
	(pc) =	sbr.ind lr, $3  }
0x3a: {  	_ = 	snop  }
0x3b: {  	_ = 	snop  }
0x3c: {  	p2 =	seq.s32 s10, $0x1;
	s10 =	sld [smem:$0x3FB6]  }
0x3d: {  	_ =	shalt  }
0x3e: {  	_ =	shalt  }
0x3f: {  	_ =	shalt  }
0x40: {  	_ =	shalt  }
0x41: {  	_ =	shalt  }
0x42: {  	_ =	shalt  }
0x43: {  	_ =	shalt  }
0x44: {  	_ =	shalt  }
0x45: {  	_ =	shalt  }
0x46: {  	_ =	shalt  }
0x47: {  	_ =	shalt  }
0x48: {  	_ =	shalt  }
0x49: {  	_ =	shalt  }
0x4a: {  	_ =	shalt  }
0x4b: {  	_ =	shalt  }
0x4c: {  	_ =	shalt  }
0x4d: {  	_ =	shalt  }
0x4e: {  	_ =	shalt  }
0x4f: {  	_ =	shalt  }
0x50: {  	_ =	shalt  }
0x51: {  	_ =	shalt  }
0x52: {  	_ =	shalt  }
0x53: {  	_ =	shalt  }
0x54: {  	_ =	shalt  }
0x55: {  	_ =	shalt  }
0x56: {  	_ =	shalt  }
0x57: {  	_ =	shalt  }
0x58: {  	_ =	shalt  }
0x59: {  	_ =	shalt  }
0x5a: {  	_ =	shalt  }
0x5b: {  	_ =	shalt  }
0x5c: {  	_ =	shalt  }
0x5d: {  	_ =	shalt  }
0x5e: {  	_ =	shalt  }
0x5f: {  	_ =	shalt  }
0x60: {  	_ =	shalt  }
0x61: {  	_ =	shalt  }
0x62: {  	_ =	shalt  }
0x63: {  	_ =	shalt  }
0x64: {  	_ =	shalt  }
0x65: {  	_ =	shalt  }
0x66: {  	_ =	shalt  }
0x67: {  	_ =	shalt  }
0x68: {  	_ =	shalt  }
0x69: {  	_ =	shalt  }
0x6a: {  	_ =	shalt  }
0x6b: {  	_ =	shalt  }
0x6c: {  	_ =	shalt  }
0x6d: {  	_ =	shalt  }
0x6e: {  	_ =	shalt  }
0x6f: {  	_ =	shalt  }
0x70: {  	_ =	shalt  }
0x71: {  	_ =	shalt  }
0x72: {  	_ =	shalt  }
0x73: {  	_ =	shalt  }
0x74: {  	_ =	shalt  }
0x75: {  	_ =	shalt  }
0x76: {  	_ =	shalt  }
0x77: {  	_ =	shalt  }
0x78: {  	_ =	shalt  }
0x79: {  	_ =	shalt  }
0x7a: {  	_ =	shalt  }
0x7b: {  	_ =	shalt  }
0x7c: {  	_ =	shalt  }
0x7d: {  	_ =	shalt  }
0x7e: {  	_ =	shalt  }
0x7f: {  	_ =	shalt  }
0x80: {  	_ =	shalt  }
0x81: {  	_ =	shalt  }
0x82: {  	_ =	shalt  }
0x83: {  	_ =	shalt  }
0x84: {  	_ =	shalt  }
0x85: {  	_ =	shalt  }
0x86: {  	_ =	shalt  }
0x87: {  	_ =	shalt  }
.Lfunc_end0:
.L_simem_size_0:
called_computation_lowered:
.L_overlay_start_0:
0x88: {  	s2 =	sld [smem:$0x3FD9]  }
0x89: {  	s3 =	sld [smem:$0x3FFE];
	_ =	sdelay $0x1  }
0x8a: {  	s1 =	srdreg.scid  }
0x8b: {  	s0 =	sand.u32 $0x1, s1  }
0x8c: {  	s15 =	sshll.u32 s0, $0xA;
	s2 =	sadd.s32 s3, s2  }
0x8d: {  	s2 =	sadd.s32 s2, s15  }
0x8e: {  	[smem:$0x3FC2] =	sst s2  }
0x8f: {  	_ = 	snop  }
0x90: {  	s2 =	sld [smem:$0x3FD0];
	_ =	sdelay $0x2  }
0x91: {  	s16 =	simm.s32 $0xA;
	s4 =	simm.s32 $0x10  }
0x92: {  	[smem:s4], [sflag:s16] =	dma.local [hbm:s2], $0x1  }
0x93: {  	_ =	swait.eq [sflag:s16], $0x1  }
0x94: {  	[sflag:s16] =	ssyncset.done $0x0  }
0x95: {  	s17 =	sld [smem:$0x10];
	[sflag:s16] =	ssyncadd.s32 $0xFFFFFFFF  }
0x96: {  	s18 =	sld [smem:$0x11];
	(tm) =	ssettm $0x1  }
0x97: {  	s19 =	sld [smem:$0x3FFB];
	_ =	sdelay $0x3  }
0x98: {  	_ =	strace s19  }
0x99: {  	s4 =	sld [smem:$0x3FFC];
	_ =	sdelay $0x3  }
0x9a: {  	_ =	strace s4  }
0x9b: {  	s4 =	sld [smem:$0x3FFD];
	_ =	sdelay $0x3  }
0x9c: {  	_ =	strace s4  }
0x9d: {  	_ =	strace $0x8FFFFFFF  }
0x9e: {  	s20 =	sld [smem:$0x3FDB];
	_ =	sdelay $0x1  }
0x9f: {  	s5 =	simm.s32 $_scs_section_size  }
0xa0: {  	s6 =	simm.s32 $_size__tile_overlayer_lowered;
	s7 =	simm.s32 $_tile_overlayer_lowered  }
0xa1: {  	s23 =	simm.s32 $0x1BFF;
	s22 =	sshll.u32 s7, $0x1;
	s4 =	sadd.s32 s5, s20  }
0xa2: {  	s8 =	simm.s32 $0x0;
	s21 =	sshll.u32 s6, $0x1;
	s6 =	sadd.s32 s22, s4  }
0xa3: {  	[timem:s8], [sflag:s23] =	dma.local [hbm:s6], s21  }
0xa4: {  	_ =	swait.ge [sflag:s23], s21  }
0xa5: {  	s5 =	ssub.s32 $0x0, s21;
	[sflag:s23] =	ssyncset.done $0x0  }
0xa6: {  	[sflag:s23] =	ssyncadd.s32 s5;
	_ =	sdelay $0x1  }
0xa7: {  	s24 =	simm.s32 $0x1B8B  }
0xa8: {  	_ =	swait.ge [sflag:s24], $0x1  }
0xa9: {  	[sflag:s24] =	ssyncset.done $0x0  }
0xaa: {  	s25 =	simm.s32 $0x1B8E;
	[sflag:s24] =	ssyncadd.s32 $0xFFFFFFFF  }
0xab: {  	s26 =	simm.s32 $execute0_lowered;
	[smem:$0x3FD2] =	sst s25  }
0xac: {  	s5 =	sshll.u32 s26, $0x1;
	_ =	strace $0x80000046;
	[dreg:$0x1] =	wrdreg $0xFFFFFFFF  }
0xad: {  	s28 =	simm.s32 $_size_execute0_lowered;
	s4 =	sadd.s32 s4, s5;
	[dreg:$0x0] =	wrdreg $0x0  }
0xae: {  	s5 =	sshll.u32 s28, $0x1;
	[dreg:$0x2] =	wrdreg s4  }
0xaf: {  	[dreg:$0x3] =	wrdreg s5  }
0xb0: {  	[dreg:$0x4] =	wrdreg $0xC0  }
0xb1: {  	_ =	task [dreg:s8], $0x5FFFF  }
0xb2: {  	[dreg:$0x1] =	wrdreg $0xFFFFFFFF  }
0xb3: {  	[dreg:$0x0] =	wrdreg $0x60  }
0xb4: {  	[dreg:$0x2] =	wrdreg s17  }
0xb5: {  	[dreg:$0x3] =	wrdreg s18  }
0xb6: {  	[dreg:$0x4] =	wrdreg $0xEE800  }
0xb7: {  	[dreg:$0x5] =	wrdreg $0xEE980  }
0xb8: {  	[dreg:$0x6] =	wrdreg $0xE6800  }
0xb9: {  	[dreg:$0x7] =	wrdreg $0xEE900  }
0xba: {  	[dreg:$0x8] =	wrdreg $0xF0A00  }
0xbb: {  	[dreg:$0x9] =	wrdreg $0xF6B80  }
0xbc: {  	[dreg:$0xa] =	wrdreg $0xF2A80  }
0xbd: {  	[dreg:$0xb] =	wrdreg $0xF4B00  }
0xbe: {  	[dreg:$0xc] =	wrdreg $0x9  }
0xbf: {  	_ =	task.clear_ibuf [dreg:s8], $0xDFFFF;
	_ =	strace $0x90000046  }
0xc0: {  	s29 =	simm.s32 $0x9;
	_ =	strace $0x80000048  }
0xc1: {  	_ =	swait.ge [sflag:s29], $0x1  }
0xc2: {  	[sflag:s29] =	ssyncadd.s32 $0xFFFFFFFF  }
0xc3: {  	_ =	strace $0x90000048  }
0xc4: {  	_ =	sfence  }
0xc5: {  	s30 =	sld [smem:$0x0];
	_ =	sdelay $0x2  }
0xc6: {  	s31 =	sshll.u32 s1, $0xD;
	s1 =	sshrl.u32 s1, $0x2  }
0xc7: {  	s3 =	sand.u32 $0x4000, s31;
	s1 =	sadd.s32 s1, s30  }
0xc8: {  	s0 =	sor.u32 s3, s0;
	s1 =	sshll.u32 s1, $0x11  }
0xc9: {  	s0 =	sor.u32 s1, s0  }
0xca: {  	s0 =	sadd.s32 $0x8F2B, s0  }
0xcb: {  	[sflag:s0] =	ssyncadd.remote.s32 $0x1  }
0xcc: {  	_ =	sfence.sel $0xFFFF  }
0xcd: {  	[dreg:$0x0] =	wrdreg $0xFFFFFFFF;
	(pc) =	sbr.abs _section_cstart, $3  }
0xce: {  	[dreg:$0x1] =	wrdreg $0xFFFFFFFF  }
0xcf: {  	_ =	task.clear_ibuf [dreg:s8], $0x2FFFF;
	_ =	strace $0x9FFFFFFF  }
0xd0: {  	(tm) =	ssettm $0x7FFFFFFF  }
0xd1: {  	_ =	shalt  }
tec
execute0_lowered:
.L_overlay_start_1:
0x0: {  	(tag) =	ssettag $0x1  }
0x1: {  	s5 =	rddreg [dreg:$0x0]  }
0x2: {  	s14 =	rddreg [dreg:$0x2]  }
0x3: {  	s10 =	rddreg [dreg:$0x3];
	s2 =	srdreg.scid  }
0x4: {  	s4 =	rddreg [dreg:$0x4];
	s2 =	sand.u32 $0x1, s2  }
0x5: {  	s16 =	rddreg [dreg:$0x5];
	p0 =	seq.s32 s2, $0x1  }
.Ltmp0:
0x6: {  	s6 =	rddreg [dreg:$0x6];
	(pc) =	sbr.rel @p0 .LBB2_64-.Ltmp0, $4  }
0x7: {  	s11 =	rddreg [dreg:$0x8]  }
0x8: {  	s1 =	rddreg [dreg:$0x9];
	s8 =	simm.s32 $0x0  }
0x9: {  	[smem:$0x7FF] =	sst s8  }
0xa: {  	s0 =	rddreg [dreg:$0xa];
	_ =	strace $0x80000047;
	s2 =	stileid.u32  }
0xb: {  	s19 =	sshll.u32 s2, $0x9;
	s17 =	sshll.u32 s2, $0xC  }
0xc: {  	s9 =	sshll.u32 s2, $0xB;
	s13 =	sshll.u32 s2, $0x7;
	s29 =	simm.s32 $0x1  }
0xd: {  	s31 =	sor.u32 $0x2000, s2;
	s18 =	simm.s32 $0x0;
	s12 =	sadd.s32 s19, s10  }
0xe: {  	s9 =	sand.u32 $0x4000, s9;
	s5 =	sadd.s32 s5, s19;
	s26 =	sand.u32 $0x380, s13  }
0xf: {  	[tilespmem:s8], [sflag:$0x1] =	stream.linear.gather [hbm4b:s5+s8], $0x1000, $0x38;
	[tilespmem:$0xF8C0] =	vst v63  }
0x10: {  	s30 =	sshrl.u32 s19, $0x2;
	s0 =	sadd.s32 s19, s6;
	_ =	swait.ge [sflag:s29], $0x1000  }
0x11: {  	s28 =	sadd.s32 s9, s4;
	s15 =	sadd.s32 s30, s14;
	[sflag:s29] =	ssyncset.done $0x0  }
0x12: {  	s9 =	sadd.s32 s19, s11;
	s8 =	sadd.s32 s19, s1;
	[sflag:s29] =	ssyncadd.s32 $0xFFFFF000  }
0x13: {  	v0 =	vmov s31;
	s19 =	simm.s32 $0x40;
	s5 =	sadd.s32 s26, s28;
	[dreg:$0xb] =	wrdreg s0;
	v1 =	vld [tilespmem:s18+$0x0]  }
.LBB2_2:
0x14: {  	_ =	sdelay $0x1  }
0x15: {  	p0 =	sne.s32 s19, $0x3FC0  }
.Ltmp1:
0x16: {  	_ = 	snop;
	(pc) =	sbr.rel @p0 .LBB2_2-.Ltmp1, $4  }
0x17: {  	v2 =	vxor.u32 $0x80000000, v1;
	v3 =	vmov v1  }
0x18: {  	vm0 =	vge.f32 v3, $0.0e+00;
	v2 =	vxor.u32 $0xFFFFFFFF, v2  }
0x19: {  	s20 =	sshra.s32 s19, $0x2;
	v2 =	vsel vm0, v2, v3  }
0x1a: {  	s19 =	sadd.s32 $0x40, s19;
	v1 =	vld [tilespmem:s20+$0x0];
	[tilespmem:s18+$0x1000] =	vst v2;
	s18 =	smov.u32 s20  }
0x1b: {  	_ =	sdelay $0x3  }
0x1c: {  	v2 =	vxor.u32 $0x80000000, v1  }
0x1d: {  	vm0 =	vge.f32 v1, $0.0e+00;
	v2 =	vxor.u32 $0xFFFFFFFF, v2  }
0x1e: {  	v2 =	vsel vm0, v2, v1;
	v1 =	vlaneseq.u32  }
0x1f: {  	s19 =	simm.s32 $0x0;
	[tilespmem:s18+$0x1000] =	vst v2;
	s18 =	simm.s32 $0x40;
	v2 =	vor.u32 s17, v1  }
.LBB2_4:
0x20: {  	p0 =	sne.s32 s18, $0x3FC0  }
0x21: {  	[tilespmem:s19+$0x2000] =	vst v2;
	s17 =	sadd.s32 $0x10, s17;
	s19 =	smov.u32 s18;
	s18 =	sadd.s32 $0x40, s18  }
.Ltmp2:
0x22: {  	(pc) =	sbr.rel @p0 .LBB2_4-.Ltmp2, $2  }
0x23: {  	_ =	sdelay $0x2  }
0x24: {  	v2 =	vor.u32 s17, v1;
	s19 =	sshra.s32 s19, $0x2  }
0x25: {  	[tilespmem:s19+$0x2000] =	vst v2;
	v1 =	vimm.s32 $0xFFFFFFFF  }
0x26: {  	[tilespmem:$0xE080] =	vst v1  }
0x27: {  	[tilespmem:$0xE090] =	vst v1  }
0x28: {  	[tilespmem:$0xE0A0] =	vst v1  }
0x29: {  	[tilespmem:$0xE0B0] =	vst v1  }
0x2a: {  	[tilespmem:$0xE0C0] =	vst v1  }
0x2b: {  	[tilespmem:$0xE0D0] =	vst v1  }
0x2c: {  	[tilespmem:$0xE0E0] =	vst v1  }
0x2d: {  	[tilespmem:$0xE0F0] =	vst v1  }
0x2e: {  	[tilespmem:$0xE100] =	vst v1  }
0x2f: {  	[tilespmem:$0xE110] =	vst v1  }
0x30: {  	[tilespmem:$0xE120] =	vst v1  }
0x31: {  	[tilespmem:$0xE130] =	vst v1  }
0x32: {  	[tilespmem:$0xE140] =	vst v1  }
0x33: {  	[tilespmem:$0xE150] =	vst v1  }
0x34: {  	[tilespmem:$0xE160] =	vst v1  }
0x35: {  	[tilespmem:$0xE170] =	vst v1  }
0x36: {  	[tilespmem:$0xE180] =	vst v1  }
0x37: {  	[tilespmem:$0xE190] =	vst v1  }
0x38: {  	[tilespmem:$0xE1A0] =	vst v1  }
0x39: {  	[tilespmem:$0xE1B0] =	vst v1  }
0x3a: {  	[tilespmem:$0xE1C0] =	vst v1  }
0x3b: {  	[tilespmem:$0xE1D0] =	vst v1  }
0x3c: {  	[tilespmem:$0xE1E0] =	vst v1  }
0x3d: {  	[tilespmem:$0xE1F0] =	vst v1  }
0x3e: {  	[tilespmem:$0xE200] =	vst v1  }
0x3f: {  	[tilespmem:$0xE210] =	vst v1  }
0x40: {  	[tilespmem:$0xE220] =	vst v1  }
0x41: {  	[tilespmem:$0xE230] =	vst v1  }
0x42: {  	[tilespmem:$0xE240] =	vst v1  }
0x43: {  	[tilespmem:$0xE250] =	vst v1  }
0x44: {  	[tilespmem:$0xE260] =	vst v1  }
0x45: {  	s17 =	simm.s32 $0xE080;
	s31 =	simm.s32 $0x1;
	[tilespmem:$0xE270] =	vst v1  }
0x46: {  	[spmem:s12] =	stream.linear.scatter [tilespmem:s17], [sflag:$0x1], $0x200, $0x38;
	[tilespmem:$0xF8C0] =	vst v63  }
0x47: {  	_ =	swait.ge [sflag:s31], $0x200  }
0x48: {  	[sflag:s31] =	ssyncset.done $0x0  }
0x49: {  	v1 =	vimm.s32 $0x0;
	s17 =	simm.s32 $0x0;
	[sflag:s31] =	ssyncadd.s32 $0xFFFFFE00  }
.LBB2_6:
0x4a: {  	p0 =	sne.s32 s17, $0x1FC0  }
.Ltmp3:
0x4b: {  	_ = 	snop;
	(pc) =	sbr.rel @p0 .LBB2_6-.Ltmp3, $3  }
0x4c: {  	_ =	sdelay $0x1  }
0x4d: {  	s18 =	sshra.s32 s17, $0x2  }
0x4e: {  	s17 =	sadd.s32 $0x40, s17;
	[tilespmem:s18+$0x5000] =	vst v1  }
0x4f: {  	v1 =	vimm.s32 $0x1;
	s17 =	simm.s32 $0x5000;
	s19 =	simm.s32 $0x0;
	s18 =	simm.s32 $0x40  }
.LBB2_8:
0x50: {  	p0 =	sne.s32 s18, $0x3FC0;
	v2 =	vld [tilespmem:s19+$0x1000];
	_ =	sdelay $0x4  }
0x51: {  	v2 =	vshrl.u32 v2, $0x15  }
.Ltmp4:
0x52: {  	(pc) =	sbr.rel @p0 .LBB2_8-.Ltmp4, $2  }
0x53: {  	_ =	sdelay $0x2  }
0x54: {  	s19 =	sshra.s32 s18, $0x2;
	s18 =	sadd.s32 $0x40, s18;
	[tilespmem:v2+s17+$0x0] =	vst.idx.add.s32.msk $0xffff, v1  }
0x55: {  	v2 =	vld [tilespmem:s19+$0x1000];
	_ =	sdelay $0x4  }
0x56: {  	v2 =	vshrl.u32 v2, $0x15;
	_ =	sdelay $0x3  }
0x57: {  	s31 =	simm.s32 $0x80;
	s18 =	simm.s32 $0x400  }
0x58: {  	s19 =	simm.s32 $0x5000;
	p2 =	sne.s32 s2, $0x0;
	[tilespmem:v2+s17+$0x0] =	vst.idx.add.s32.msk $0xffff, v1;
	s17 =	simm.s32 $0x1  }
0x59: {  	[spmem:s5] =	stream.strided.scatter [tilespmem:s19], [sflag:$0x1], $0x800, s18, s31, $0x38;
	[tilespmem:$0xF8C0] =	vst v63  }
.Ltmp5:
0x5a: {  	_ =	swait.ge [sflag:s17], $0x800;
	(pc) =	sbr.rel @p2 .LBB2_15-.Ltmp5, $3  }
0x5b: {  	[sflag:s17] =	ssyncset.done $0x0  }
0x5c: {  	[sflag:s17] =	ssyncadd.s32 $0xFFFFF800  }
0x5d: {  	[bflag:$0x0] =	sbarrier.arrive $0xFFFF;
	_ =	sdelay $0x1  }
0x5e: {  	s18 =	simm.s32 $0x5800  }
0x5f: {  	[tilespmem:s18], [sflag:$0x1] =	stream.linear.gather [spmem:s4], $0x8000, $0x38;
	[tilespmem:$0xF8C0] =	vst v63  }
0x60: {  	s18 =	simm.s32 $0x0;
	_ =	swait.ge [sflag:s17], $0x8000  }
0x61: {  	s20 =	sand.u32 $0x70, s18;
	s21 =	sand.u32 $0x3C00, s18;
	[sflag:s17] =	ssyncset.done $0x0  }
0x62: {  	s20 =	sor.u32 s20, s21;
	[sflag:s17] =	ssyncadd.s32 $0xFFFF8000  }
0x63: {  	v1 =	vld [tilespmem:s20+$0x5880]  }
0x64: {  	v2 =	vld [tilespmem:s20+$0x5800]  }
0x65: {  	v3 =	vld [tilespmem:s20+$0x5900]  }
0x66: {  	v4 =	vld [tilespmem:s20+$0x5980]  }
0x67: {  	v5 =	vld [tilespmem:s20+$0x5A00]  }
0x68: {  	v6 =	vld [tilespmem:s20+$0x5A80]  }
0x69: {  	v1 =	vadd.s32 v2, v1;
	v2 =	vld [tilespmem:s20+$0x5B00]  }
0x6a: {  	v1 =	vadd.s32 v3, v1;
	v3 =	vld [tilespmem:s20+$0x5B80]  }
0x6b: {  	v58 =	vld [tilespmem:s20+$0x9800];
	v1 =	vadd.s32 v4, v1  }
0x6c: {  	v59 =	vld [tilespmem:s20+$0x9880];
	v1 =	vadd.s32 v5, v1  }
0x6d: {  	v60 =	vld [tilespmem:s20+$0x9900];
	v1 =	vadd.s32 v6, v1  }
0x6e: {  	v1 =	vadd.s32 v2, v1;
	v2 =	vld [tilespmem:s20+$0x9980]  }
0x6f: {  	v1 =	vadd.s32 v3, v1;
	v3 =	vld [tilespmem:s20+$0x9A00]  }
0x70: {  	v61 =	vld [tilespmem:s20+$0x9A80];
	v1 =	vadd.s32 v58, v1  }
0x71: {  	v62 =	vld [tilespmem:s20+$0x9B00];
	v1 =	vadd.s32 v59, v1  }
0x72: {  	v63 =	vld [tilespmem:s20+$0x9B80];
	v1 =	vadd.s32 v60, v1  }
0x73: {  	v1 =	vadd.s32 v2, v1  }
0x74: {  	v1 =	vadd.s32 v3, v1  }
0x75: {  	v1 =	vadd.s32 v61, v1  }
0x76: {  	s31 =	simm.s32 $0x10;
	s21 =	simm.s32 $0x80;
	v1 =	vadd.s32 v62, v1  }
0x77: {  	s22 =	sand.u32 $0x3C00, s21;
	s20 =	sand.u32 $0x70, s31;
	v1 =	vadd.s32 v63, v1  }
0x78: {  	s20 =	sor.u32 s20, s22;
	s22 =	simm.s32 $0x20;
	[tilespmem:s19+$0x0] =	vst v1  }
.LBB2_11:
0x79: {  	p0 =	sne.s32 s22, $0x7F0;
	v1 =	vld [tilespmem:s20+$0x5880]  }
0x7a: {  	v2 =	vld [tilespmem:s20+$0x5800]  }
0x7b: {  	v3 =	vld [tilespmem:s20+$0x5900]  }
0x7c: {  	v4 =	vld [tilespmem:s20+$0x5980]  }
0x7d: {  	v5 =	vld [tilespmem:s20+$0x5A00]  }
0x7e: {  	v6 =	vld [tilespmem:s20+$0x5A80]  }
0x7f: {  	v1 =	vadd.s32 v2, v1;
	v2 =	vld [tilespmem:s20+$0x5B00]  }
0x80: {  	v1 =	vadd.s32 v3, v1;
	v3 =	vld [tilespmem:s20+$0x5B80]  }
0x81: {  	v1 =	vadd.s32 v4, v1;
	v4 =	vld [tilespmem:s20+$0x9800]  }
0x82: {  	v1 =	vadd.s32 v5, v1;
	v5 =	vld [tilespmem:s20+$0x9880]  }
0x83: {  	v1 =	vadd.s32 v6, v1;
	v6 =	vld [tilespmem:s20+$0x9900]  }
0x84: {  	v1 =	vadd.s32 v2, v1;
	v2 =	vld [tilespmem:s20+$0x9980]  }
0x85: {  	v1 =	vadd.s32 v3, v1;
	v3 =	vld [tilespmem:s20+$0x9A00]  }
0x86: {  	v1 =	vadd.s32 v4, v1;
	v4 =	vld [tilespmem:s20+$0x9A80]  }
0x87: {  	v1 =	vadd.s32 v5, v1;
	v5 =	vld [tilespmem:s20+$0x9B00]  }
0x88: {  	v1 =	vadd.s32 v6, v1;
	v6 =	vld [tilespmem:s20+$0x9B80]  }
0x89: {  	v1 =	vadd.s32 v2, v1  }
.Ltmp6:
0x8a: {  	v1 =	vadd.s32 v3, v1;
	(pc) =	sbr.rel @p0 .LBB2_11-.Ltmp6, $4  }
0x8b: {  	v1 =	vadd.s32 v4, v1  }
0x8c: {  	s21 =	sadd.s32 $0x80, s21;
	v1 =	vadd.s32 v5, v1  }
0x8d: {  	s19 =	sadd.s32 $0x10, s19;
	s23 =	sand.u32 $0x3C00, s21;
	s20 =	sand.u32 $0x70, s22;
	v1 =	vadd.s32 v6, v1  }
0x8e: {  	s22 =	sadd.s32 $0x10, s22;
	s20 =	sor.u32 s20, s23;
	[tilespmem:s19+$0x0] =	vst v1  }
0x8f: {  	v1 =	vld [tilespmem:s20+$0x5880]  }
0x90: {  	v2 =	vld [tilespmem:s20+$0x5800]  }
0x91: {  	v3 =	vld [tilespmem:s20+$0x5900]  }
0x92: {  	v4 =	vld [tilespmem:s20+$0x5980]  }
0x93: {  	v5 =	vld [tilespmem:s20+$0x5A00]  }
0x94: {  	v6 =	vld [tilespmem:s20+$0x5A80]  }
0x95: {  	v1 =	vadd.s32 v2, v1;
	v2 =	vld [tilespmem:s20+$0x5B00]  }
0x96: {  	v1 =	vadd.s32 v3, v1;
	v3 =	vld [tilespmem:s20+$0x5B80]  }
0x97: {  	v58 =	vld [tilespmem:s20+$0x9800];
	v1 =	vadd.s32 v4, v1  }
0x98: {  	v59 =	vld [tilespmem:s20+$0x9880];
	v1 =	vadd.s32 v5, v1  }
0x99: {  	v60 =	vld [tilespmem:s20+$0x9900];
	v1 =	vadd.s32 v6, v1  }
0x9a: {  	v1 =	vadd.s32 v2, v1;
	v2 =	vld [tilespmem:s20+$0x9980]  }
0x9b: {  	v1 =	vadd.s32 v3, v1;
	v3 =	vld [tilespmem:s20+$0x9A00]  }
0x9c: {  	v61 =	vld [tilespmem:s20+$0x9A80];
	v1 =	vadd.s32 v58, v1  }
0x9d: {  	v62 =	vld [tilespmem:s20+$0x9B00];
	v1 =	vadd.s32 v59, v1  }
0x9e: {  	v63 =	vld [tilespmem:s20+$0x9B80];
	v1 =	vadd.s32 v60, v1  }
0x9f: {  	v1 =	vadd.s32 v2, v1  }
0xa0: {  	v1 =	vadd.s32 v3, v1  }
0xa1: {  	v1 =	vadd.s32 v61, v1  }
0xa2: {  	v1 =	vadd.s32 v62, v1  }
0xa3: {  	s19 =	sadd.s32 $0x10, s19;
	v1 =	vadd.s32 v63, v1  }
0xa4: {  	s31 =	simm.s32 $0x0;
	[tilespmem:s19+$0x0] =	vst v1  }
0xa5: {  	v1 =	vld [tilespmem:s31+$0x5000];
	_ =	sdelay $0x4  }
0xa6: {  	(xrf0) =	vadd.scan.msk.s32 $0xffff, v1;
	_ =	sdelay $0x5  }
0xa7: {  	v1, _, _ =	vpop (xrf0)  }
0xa8: {  	v1 =	vadd.s32 s18, v1  }
0xa9: {  	vm0 =	vlt.s32 v1, $0x2000;
	v1 =	vxor.u32 $0x80000000, v1  }
0xaa: {  	(xrf0) =	vmax.scan.msk.u32 $0xffff, v1;
	_ =	sdelay $0x1  }
0xab: {  	v2 =	vnsel vm0, $0x80000000, v1  }
0xac: {  	v1 =	vmpcnt.ones.xlane vm0;
	(xrf0) =	vmax.scan.msk.u32 $0xffff, v2;
	_ =	sdelay $0x1  }
0xad: {  	v1 =	vxor.u32 $0x80000000, v1  }
0xae: {  	v2, _, _ =	vpop (xrf0);
	(xrf0) =	vmax.scan.msk.u32 $0xffff, v1;
	_ =	sdelay $0x2  }
0xaf: {  	s21 =	simm.s32 $0x80;
	s20 =	simm.s32 $0x40;
	s19 =	simm.s32 $0x0;
	v1, _, _ =	vpop (xrf0);
	(v2sf) =	vpush v2, $0xF  }
.LBB2_13:
0xb0: {  	s22 =	smov.u32 s18  }
0xb1: {  	p0 =	sne.s32 s21, $0x1FC0;
	(v2sf) =	vpush v1, $0xF  }
0xb2: {  	v1, _, _ =	vpop (xrf0)  }
0xb3: {  	(v2sf) =	vpush v1, $0xF  }
0xb4: {  	s18 =	sshra.s32 s20, $0x2;
	s20 =	smov.u32 s21  }
0xb5: {  	v1 =	vld [tilespmem:s18+$0x5000];
	_ =	sdelay $0x4  }
0xb6: {  	(xrf0) =	vadd.scan.msk.s32 $0xffff, v1;
	_ =	sdelay $0x4  }
0xb7: {  	s18 =	spop (v2sf)  }
0xb8: {  	v1, _, _ =	vpop (xrf0);
	s18 =	sxor.u32 $0x80000000, s18;
	s23 =	spop (v2sf)  }
0xb9: {  	v1 =	vadd.s32 s18, v1;
	s18 =	sxor.u32 $0x80000000, s23  }
0xba: {  	vm0 =	vlt.s32 v1, $0x2000;
	v1 =	vxor.u32 $0x80000000, v1;
	p1 =	sgt.s32 s22, s18;
	s23 =	spop (v2sf)  }
0xbb: {  	v2 =	vmpcnt.ones.xlane vm0;
	v3 =	vnsel vm0, $0x80000000, v1;
	(xrf0) =	vmax.scan.msk.u32 $0xffff, v1;
	s19 =	sadd.s32 s23, s19;
	s18 =	smov.u32 @p1 s22  }
0xbc: {  	(xrf0) =	vmax.scan.msk.u32 $0xffff, v3;
	s19 =	sadd.s32 $0x80000000, s19  }
0xbd: {  	v1 =	vxor.u32 $0x80000000, v2  }
.Ltmp7:
0xbe: {  	(xrf0) =	vmax.scan.msk.u32 $0xffff, v1;
	(pc) =	sbr.rel @p0 .LBB2_13-.Ltmp7, $3  }
0xbf: {  	_ =	sdelay $0x1  }
0xc0: {  	v2, _, _ =	vpop (xrf0)  }
0xc1: {  	s21 =	sadd.s32 $0x40, s21;
	v1, _, _ =	vpop (xrf0);
	(v2sf) =	vpush v2, $0xF  }
0xc2: {  	_ =	sdelay $0x2  }
0xc3: {  	s20 =	sshra.s32 s20, $0x2  }
0xc4: {  	v2 =	vld [tilespmem:s20+$0x5000];
	_ =	sdelay $0x4  }
0xc5: {  	(xrf0) =	vadd.scan.msk.s32 $0xffff, v2;
	_ =	sdelay $0x4  }
0xc6: {  	v2, _, _ =	vpop (xrf0);
	s26 =	spop (v2sf)  }
0xc7: {  	v3, _, _ =	vpop (xrf0);
	s20 =	sxor.u32 $0x80000000, s26  }
0xc8: {  	v3 =	vadd.s32 s20, v3  }
0xc9: {  	vm0 =	vlt.s32 v3, $0x2000  }
0xca: {  	v3 =	vxor.u32 $0x80000000, v3;
	v4 =	vmpcnt.ones.xlane vm0  }
0xcb: {  	(xrf0) =	vmax.scan.msk.u32 $0xffff, v3;
	v3 =	vnsel vm0, $0x80000000, v3  }
0xcc: {  	(xrf0) =	vmax.scan.msk.u32 $0xffff, v3;
	v3 =	vxor.u32 $0x80000000, v4  }
0xcd: {  	(xrf0) =	vmax.scan.msk.u32 $0xffff, v3;
	_ =	sdelay $0x2  }
0xce: {  	(v2sf) =	vpush v1, $0xF  }
0xcf: {  	(v2sf) =	vpush v2, $0xF;
	v1, _, _ =	vpop (xrf0)  }
0xd0: {  	v2, _, _ =	vpop (xrf0);
	(v2sf) =	vpush v1, $0xF  }
0xd1: {  	(v2sf) =	vpush v2, $0xF;
	v1, _, _ =	vpop (xrf0)  }
0xd2: {  	(v2sf) =	vpush v1, $0xF;
	_ =	sdelay $0xa  }
0xd3: {  	s28 =	spop (v2sf)  }
0xd4: {  	s21 =	spop (v2sf)  }
0xd5: {  	s22 =	spop (v2sf)  }
0xd6: {  	s19 =	sadd.s32 s21, s19;
	s29 =	spop (v2sf)  }
0xd7: {  	s20 =	sxor.u32 $0x80000000, s28;
	s19 =	sadd.s32 $0x80000000, s19;
	s22 =	spop (v2sf)  }
0xd8: {  	p0 =	sgt.s32 s18, s20;
	s19 =	sadd.s32 s22, s19  }
0xd9: {  	s20 =	smov.u32 @p0 s18;
	s18 =	sxor.u32 $0x80000000, s29;
	s19 =	sadd.s32 $0x80000000, s19  }
0xda: {  	vm14 =	vcmask $0x300;
	p0 =	sgt.s32 s20, s18;
	v1 =	vmov s19  }
0xdb: {  	vm15 =	vcmask $0x704;
	s18 =	smov.u32 @p0 s20;
	v1 =	vnsel vm14, $0x0, v1  }
0xdc: {  	v1 =	vsel vm15, s18, v1  }
0xdd: {  	s30 =	simm.s32 $0xE000;
	s31 =	simm.s32 $0x1;
	[tilespmem:$0xE000] =	vst v1  }
0xde: {  	[spmem:s16] =	stream.linear.scatter [tilespmem:s30], [sflag:$0x1], $0x80, $0x38;
	[tilespmem:$0xF8C0] =	vst v63  }
0xdf: {  	_ =	swait.ge [sflag:s31], $0x80  }
0xe0: {  	[sflag:s31] =	ssyncset.done $0x0  }
0xe1: {  	[sflag:s31] =	ssyncadd.s32 $0xFFFFFF80  }
.LBB2_15:
0xe2: {  	[bflag:$0x0] =	sbarrier.arrive $0xFFFF;
	s18 =	simm.s32 $0xE000  }
0xe3: {  	[tilespmem:s18], [sflag:$0x1] =	stream.linear.gather [spmem:s16], $0x80, $0x38;
	[tilespmem:$0xF8C0] =	vst v63  }
0xe4: {  	_ =	swait.ge [sflag:s17], $0x80  }
0xe5: {  	[sflag:s17] =	ssyncset.done $0x0  }
0xe6: {  	[sflag:s17] =	ssyncadd.s32 $0xFFFFFF80  }
0xe7: {  	v1 =	vimm.s32 $0x0;
	s18 =	simm.s32 $0x0;
	s17 =	simm.s32 $0x40;
	v2 =	vld [tilespmem:$0xE000]  }
.LBB2_16:
0xe8: {  	p0 =	seq.s32 s17, $0x1FC0;
	[tilespmem:s18+$0x5000] =	vst v1;
	s18 =	smov.u32 s17;
	s17 =	sadd.s32 $0x40, s17  }
.Ltmp8:
0xe9: {  	(pc) =	sbr.rel @!p0 .LBB2_16-.Ltmp8, $2  }
0xea: {  	_ =	sdelay $0x2  }
0xeb: {  	s18 =	sshra.s32 s18, $0x2  }
0xec: {  	[tilespmem:s18+$0x5000] =	vst v1;
	v1 =	vbroadcast v2, $0x0;
	v3 =	vimm.s32 $0x1;
	s17 =	simm.s32 $0x5000;
	s19 =	simm.s32 $0x0;
	s18 =	simm.s32 $0x40  }
.LBB2_18:
0xed: {  	p0 =	sne.s32 s18, $0x3FC0;
	v4 =	vld [tilespmem:s19+$0x1000];
	_ =	sdelay $0x4  }
0xee: {  	v5 =	vshrl.u32 v4, $0x15  }
0xef: {  	v4 =	vshrl.u32 v4, $0xA;
	vm0 =	veq.s32 v5, v1  }
0xf0: {  	v4 =	vand.u32 $0x7FF, v4  }
.Ltmp9:
0xf1: {  	(pc) =	sbr.rel @p0 .LBB2_18-.Ltmp9, $2  }
0xf2: {  	_ =	sdelay $0x2  }
0xf3: {  	s19 =	sshra.s32 s18, $0x2;
	s18 =	sadd.s32 $0x40, s18;
	[tilespmem:v4+s17+$0x0] =	vst.idx.add.s32.msk vm0, v3  }
0xf4: {  	(v2sf) =	vpush v2, $0x0  }
0xf5: {  	(v2sf) =	vpush v2, $0x1;
	v2 =	vld [tilespmem:s19+$0x1000];
	_ =	sdelay $0x4  }
0xf6: {  	v4 =	vshrl.u32 v2, $0x15  }
0xf7: {  	v2 =	vshrl.u32 v2, $0xA;
	vm0 =	veq.s32 v4, v1  }
0xf8: {  	v2 =	vand.u32 $0x7FF, v2;
	_ =	sdelay $0x4  }
0xf9: {  	s30 =	simm.s32 $0x80;
	s31 =	simm.s32 $0x400;
	s20 =	simm.s32 $0x5000;
	[tilespmem:v2+s17+$0x0] =	vst.idx.add.s32.msk vm0, v3  }
0xfa: {  	[spmem:s5] =	stream.strided.scatter [tilespmem:s20], [sflag:$0x1], $0x800, s31, s30, $0x38;
	[tilespmem:$0xF8C0] =	vst v63  }
0xfb: {  	s18 =	spop (v2sf)  }
0xfc: {  	s19 =	simm.s32 $0x1;
	s17 =	spop (v2sf)  }
.Ltmp10:
0xfd: {  	_ =	swait.ge [sflag:s19], $0x800;
	(pc) =	sbr.rel @p2 .LBB2_25-.Ltmp10, $3  }
0xfe: {  	[sflag:s19] =	ssyncset.done $0x0  }
0xff: {  	[sflag:s19] =	ssyncadd.s32 $0xFFFFF800  }
0x100: {  	[bflag:$0x0] =	sbarrier.arrive $0xFFFF;
	_ =	sdelay $0x1  }
0x101: {  	s21 =	simm.s32 $0x5800  }
0x102: {  	[tilespmem:s21], [sflag:$0x1] =	stream.linear.gather [spmem:s4], $0x8000, $0x38;
	[tilespmem:$0xF8C0] =	vst v63  }
0x103: {  	s30 =	simm.s32 $0x0;
	_ =	swait.ge [sflag:s19], $0x8000  }
0x104: {  	s22 =	sand.u32 $0x70, s30;
	s21 =	sand.u32 $0x3C00, s30;
	[sflag:s19] =	ssyncset.done $0x0  }
0x105: {  	s21 =	sor.u32 s22, s21;
	[sflag:s19] =	ssyncadd.s32 $0xFFFF8000  }
0x106: {  	v2 =	vld [tilespmem:s21+$0x5880]  }
0x107: {  	v3 =	vld [tilespmem:s21+$0x5800]  }
0x108: {  	v4 =	vld [tilespmem:s21+$0x5900]  }
0x109: {  	v5 =	vld [tilespmem:s21+$0x5980]  }
0x10a: {  	v6 =	vld [tilespmem:s21+$0x5A00]  }
0x10b: {  	v7 =	vld [tilespmem:s21+$0x5A80]  }
0x10c: {  	v2 =	vadd.s32 v3, v2;
	v3 =	vld [tilespmem:s21+$0x5B00]  }
0x10d: {  	v56 =	vld [tilespmem:s21+$0x5B80];
	v2 =	vadd.s32 v4, v2  }
0x10e: {  	v57 =	vld [tilespmem:s21+$0x9800];
	v2 =	vadd.s32 v5, v2  }
0x10f: {  	v58 =	vld [tilespmem:s21+$0x9880];
	v2 =	vadd.s32 v6, v2  }
0x110: {  	v59 =	vld [tilespmem:s21+$0x9900];
	v2 =	vadd.s32 v7, v2  }
0x111: {  	v2 =	vadd.s32 v3, v2;
	v3 =	vld [tilespmem:s21+$0x9980]  }
0x112: {  	v60 =	vld [tilespmem:s21+$0x9A00];
	v2 =	vadd.s32 v56, v2  }
0x113: {  	v61 =	vld [tilespmem:s21+$0x9A80];
	v2 =	vadd.s32 v57, v2  }
0x114: {  	v62 =	vld [tilespmem:s21+$0x9B00];
	v2 =	vadd.s32 v58, v2  }
0x115: {  	v63 =	vld [tilespmem:s21+$0x9B80];
	v2 =	vadd.s32 v59, v2  }
0x116: {  	v2 =	vadd.s32 v3, v2  }
0x117: {  	v2 =	vadd.s32 v60, v2  }
0x118: {  	v2 =	vadd.s32 v61, v2  }
0x119: {  	s31 =	simm.s32 $0x10;
	s22 =	simm.s32 $0x80;
	v2 =	vadd.s32 v62, v2  }
0x11a: {  	s23 =	sand.u32 $0x3C00, s22;
	s21 =	sand.u32 $0x70, s31;
	v2 =	vadd.s32 v63, v2  }
0x11b: {  	s21 =	sor.u32 s21, s23;
	s23 =	simm.s32 $0x20;
	[tilespmem:s20+$0x0] =	vst v2  }
.LBB2_21:
0x11c: {  	p0 =	seq.s32 s23, $0x7F0;
	v2 =	vld [tilespmem:s21+$0x5880]  }
0x11d: {  	v3 =	vld [tilespmem:s21+$0x5800]  }
0x11e: {  	v4 =	vld [tilespmem:s21+$0x5900]  }
0x11f: {  	v5 =	vld [tilespmem:s21+$0x5980]  }
0x120: {  	v6 =	vld [tilespmem:s21+$0x5A00]  }
0x121: {  	v7 =	vld [tilespmem:s21+$0x5A80]  }
0x122: {  	v2 =	vadd.s32 v3, v2;
	v3 =	vld [tilespmem:s21+$0x5B00]  }
0x123: {  	v2 =	vadd.s32 v4, v2;
	v4 =	vld [tilespmem:s21+$0x5B80]  }
0x124: {  	v2 =	vadd.s32 v5, v2;
	v5 =	vld [tilespmem:s21+$0x9800]  }
0x125: {  	v2 =	vadd.s32 v6, v2;
	v6 =	vld [tilespmem:s21+$0x9880]  }
0x126: {  	v2 =	vadd.s32 v7, v2;
	v7 =	vld [tilespmem:s21+$0x9900]  }
0x127: {  	v2 =	vadd.s32 v3, v2;
	v3 =	vld [tilespmem:s21+$0x9980]  }
0x128: {  	v2 =	vadd.s32 v4, v2;
	v4 =	vld [tilespmem:s21+$0x9A00]  }
0x129: {  	v2 =	vadd.s32 v5, v2;
	v5 =	vld [tilespmem:s21+$0x9A80]  }
0x12a: {  	v2 =	vadd.s32 v6, v2;
	v6 =	vld [tilespmem:s21+$0x9B00]  }
0x12b: {  	v2 =	vadd.s32 v7, v2;
	v7 =	vld [tilespmem:s21+$0x9B80]  }
0x12c: {  	v2 =	vadd.s32 v3, v2  }
.Ltmp11:
0x12d: {  	v2 =	vadd.s32 v4, v2;
	(pc) =	sbr.rel @!p0 .LBB2_21-.Ltmp11, $4  }
0x12e: {  	v2 =	vadd.s32 v5, v2  }
0x12f: {  	s22 =	sadd.s32 $0x80, s22;
	v2 =	vadd.s32 v6, v2  }
0x130: {  	s20 =	sadd.s32 $0x10, s20;
	s24 =	sand.u32 $0x3C00, s22;
	s21 =	sand.u32 $0x70, s23;
	v2 =	vadd.s32 v7, v2  }
0x131: {  	s23 =	sadd.s32 $0x10, s23;
	s21 =	sor.u32 s21, s24;
	[tilespmem:s20+$0x0] =	vst v2  }
0x132: {  	v2 =	vld [tilespmem:s21+$0x5880]  }
0x133: {  	v3 =	vld [tilespmem:s21+$0x5800]  }
0x134: {  	v4 =	vld [tilespmem:s21+$0x5900]  }
0x135: {  	v5 =	vld [tilespmem:s21+$0x5980]  }
0x136: {  	v6 =	vld [tilespmem:s21+$0x5A00]  }
0x137: {  	v7 =	vld [tilespmem:s21+$0x5A80]  }
0x138: {  	v2 =	vadd.s32 v3, v2;
	v3 =	vld [tilespmem:s21+$0x5B00]  }
0x139: {  	v2 =	vadd.s32 v4, v2;
	v4 =	vld [tilespmem:s21+$0x5B80]  }
0x13a: {  	v2 =	vadd.s32 v5, v2;
	v5 =	vld [tilespmem:s21+$0x9800]  }
0x13b: {  	v60 =	vld [tilespmem:s21+$0x9880];
	v2 =	vadd.s32 v6, v2  }
0x13c: {  	v61 =	vld [tilespmem:s21+$0x9900];
	v2 =	vadd.s32 v7, v2  }
0x13d: {  	v2 =	vadd.s32 v3, v2;
	v3 =	vld [tilespmem:s21+$0x9980]  }
0x13e: {  	v2 =	vadd.s32 v4, v2;
	v4 =	vld [tilespmem:s21+$0x9A00]  }
0x13f: {  	v2 =	vadd.s32 v5, v2;
	v5 =	vld [tilespmem:s21+$0x9A80]  }
0x140: {  	v62 =	vld [tilespmem:s21+$0x9B00];
	v2 =	vadd.s32 v60, v2  }
0x141: {  	v63 =	vld [tilespmem:s21+$0x9B80];
	v2 =	vadd.s32 v61, v2  }
0x142: {  	v2 =	vadd.s32 v3, v2  }
0x143: {  	v2 =	vadd.s32 v4, v2  }
0x144: {  	v2 =	vadd.s32 v5, v2  }
0x145: {  	v2 =	vadd.s32 v62, v2  }
0x146: {  	s20 =	sadd.s32 $0x10, s20;
	v2 =	vadd.s32 v63, v2  }
0x147: {  	s31 =	simm.s32 $0x0;
	[tilespmem:s20+$0x0] =	vst v2  }
0x148: {  	v3 =	vld [tilespmem:s31+$0x5000];
	_ =	sdelay $0x4  }
0x149: {  	(xrf0) =	vadd.scan.msk.s32 $0xffff, v3;
	_ =	sdelay $0x5  }
0x14a: {  	s30 =	ssub.s32 $0x2000, s17;
	s20 =	simm.s32 $0x0;
	v3, _, _ =	vpop (xrf0)  }
0x14b: {  	v2 =	vmov s30;
	v3 =	vadd.s32 s20, v3  }
0x14c: {  	vm0 =	vlt.s32 v3, v2;
	v3 =	vxor.u32 $0x80000000, v3  }
0x14d: {  	(xrf0) =	vmax.scan.msk.u32 $0xffff, v3;
	_ =	sdelay $0x1  }
0x14e: {  	v4 =	vnsel vm0, $0x80000000, v3  }
0x14f: {  	v3 =	vmpcnt.ones.xlane vm0;
	(xrf0) =	vmax.scan.msk.u32 $0xffff, v4;
	_ =	sdelay $0x1  }
0x150: {  	v3 =	vxor.u32 $0x80000000, v3  }
0x151: {  	v4, _, _ =	vpop (xrf0);
	(xrf0) =	vmax.scan.msk.u32 $0xffff, v3;
	_ =	sdelay $0x2  }
0x152: {  	s22 =	simm.s32 $0x40;
	s23 =	simm.s32 $0x80;
	s21 =	simm.s32 $0x0;
	v3, _, _ =	vpop (xrf0);
	(v2sf) =	vpush v4, $0xF  }
.LBB2_23:
0x153: {  	s24 =	smov.u32 s20  }
0x154: {  	p0 =	sne.s32 s23, $0x1FC0;
	(v2sf) =	vpush v3, $0xF  }
0x155: {  	v3, _, _ =	vpop (xrf0)  }
0x156: {  	(v2sf) =	vpush v3, $0xF  }
0x157: {  	s20 =	sshra.s32 s22, $0x2;
	s22 =	smov.u32 s23  }
0x158: {  	v3 =	vld [tilespmem:s20+$0x5000];
	_ =	sdelay $0x4  }
0x159: {  	(xrf0) =	vadd.scan.msk.s32 $0xffff, v3;
	_ =	sdelay $0x4  }
0x15a: {  	s20 =	spop (v2sf)  }
0x15b: {  	v3, _, _ =	vpop (xrf0);
	s20 =	sxor.u32 $0x80000000, s20;
	s25 =	spop (v2sf)  }
0x15c: {  	v3 =	vadd.s32 s20, v3;
	s20 =	sxor.u32 $0x80000000, s25  }
0x15d: {  	vm0 =	vlt.s32 v3, v2;
	v3 =	vxor.u32 $0x80000000, v3;
	p1 =	sgt.s32 s24, s20;
	s25 =	spop (v2sf)  }
0x15e: {  	v4 =	vmpcnt.ones.xlane vm0;
	v5 =	vnsel vm0, $0x80000000, v3;
	(xrf0) =	vmax.scan.msk.u32 $0xffff, v3;
	s21 =	sadd.s32 s25, s21;
	s20 =	smov.u32 @p1 s24  }
0x15f: {  	(xrf0) =	vmax.scan.msk.u32 $0xffff, v5;
	s21 =	sadd.s32 $0x80000000, s21  }
0x160: {  	v3 =	vxor.u32 $0x80000000, v4  }
.Ltmp12:
0x161: {  	(xrf0) =	vmax.scan.msk.u32 $0xffff, v3;
	(pc) =	sbr.rel @p0 .LBB2_23-.Ltmp12, $3  }
0x162: {  	_ =	sdelay $0x1  }
0x163: {  	v4, _, _ =	vpop (xrf0)  }
0x164: {  	s23 =	sadd.s32 $0x40, s23;
	v3, _, _ =	vpop (xrf0);
	(v2sf) =	vpush v4, $0xF  }
0x165: {  	_ =	sdelay $0x2  }
0x166: {  	s22 =	sshra.s32 s22, $0x2  }
0x167: {  	v4 =	vld [tilespmem:s22+$0x5000];
	_ =	sdelay $0x4  }
0x168: {  	(xrf0) =	vadd.scan.msk.s32 $0xffff, v4;
	_ =	sdelay $0x4  }
0x169: {  	v62, _, _ =	vpop (xrf0);
	s26 =	spop (v2sf)  }
0x16a: {  	v5, _, _ =	vpop (xrf0);
	s22 =	sxor.u32 $0x80000000, s26  }
0x16b: {  	v5 =	vadd.s32 s22, v5  }
0x16c: {  	vm0 =	vlt.s32 v5, v2  }
0x16d: {  	v2 =	vxor.u32 $0x80000000, v5;
	v63 =	vmpcnt.ones.xlane vm0  }
0x16e: {  	(xrf0) =	vmax.scan.msk.u32 $0xffff, v2;
	v2 =	vnsel vm0, $0x80000000, v2  }
0x16f: {  	(xrf0) =	vmax.scan.msk.u32 $0xffff, v2;
	v2 =	vxor.u32 $0x80000000, v63  }
0x170: {  	(xrf0) =	vmax.scan.msk.u32 $0xffff, v2;
	_ =	sdelay $0x2  }
0x171: {  	(v2sf) =	vpush v3, $0xF  }
0x172: {  	(v2sf) =	vpush v62, $0xF;
	v2, _, _ =	vpop (xrf0)  }
0x173: {  	v3, _, _ =	vpop (xrf0);
	(v2sf) =	vpush v2, $0xF  }
0x174: {  	(v2sf) =	vpush v3, $0xF;
	v2, _, _ =	vpop (xrf0)  }
0x175: {  	(v2sf) =	vpush v2, $0xF;
	_ =	sdelay $0xa  }
0x176: {  	s28 =	spop (v2sf)  }
0x177: {  	s23 =	spop (v2sf)  }
0x178: {  	s24 =	spop (v2sf)  }
0x179: {  	s21 =	sadd.s32 s23, s21;
	s29 =	spop (v2sf)  }
0x17a: {  	s22 =	sxor.u32 $0x80000000, s28;
	s21 =	sadd.s32 $0x80000000, s21;
	s24 =	spop (v2sf)  }
0x17b: {  	p0 =	sgt.s32 s20, s22;
	s21 =	sadd.s32 s24, s21  }
0x17c: {  	s22 =	smov.u32 @p0 s20;
	s20 =	sxor.u32 $0x80000000, s29;
	s21 =	sadd.s32 $0x80000000, s21  }
0x17d: {  	vm14 =	vcmask $0x300;
	p0 =	sgt.s32 s22, s20;
	v2 =	vmov s21  }
0x17e: {  	vm15 =	vcmask $0x704;
	s20 =	smov.u32 @p0 s22;
	v2 =	vnsel vm14, $0x0, v2  }
0x17f: {  	v2 =	vsel vm15, s20, v2  }
0x180: {  	s30 =	simm.s32 $0xE000;
	s31 =	simm.s32 $0x1;
	[tilespmem:$0xE000] =	vst v2  }
0x181: {  	[spmem:s16] =	stream.linear.scatter [tilespmem:s30], [sflag:$0x1], $0x80, $0x38;
	[tilespmem:$0xF8C0] =	vst v63  }
0x182: {  	_ =	swait.ge [sflag:s31], $0x80  }
0x183: {  	[sflag:s31] =	ssyncset.done $0x0  }
0x184: {  	[sflag:s31] =	ssyncadd.s32 $0xFFFFFF80  }
.LBB2_25:
0x185: {  	[bflag:$0x0] =	sbarrier.arrive $0xFFFF;
	s20 =	simm.s32 $0xE000  }
0x186: {  	[tilespmem:s20], [sflag:$0x1] =	stream.linear.gather [spmem:s16], $0x80, $0x38;
	[tilespmem:$0xF8C0] =	vst v63  }
0x187: {  	_ =	swait.ge [sflag:s19], $0x80  }
0x188: {  	[sflag:s19] =	ssyncset.done $0x0  }
0x189: {  	[sflag:s19] =	ssyncadd.s32 $0xFFFFFF80  }
0x18a: {  	v3 =	vimm.s32 $0x0;
	s20 =	simm.s32 $0x0;
	s19 =	simm.s32 $0x40;
	v2 =	vld [tilespmem:$0xE000]  }
.LBB2_26:
0x18b: {  	p0 =	seq.s32 s19, $0x1FC0;
	[tilespmem:s20+$0x5000] =	vst v3;
	s20 =	smov.u32 s19;
	s19 =	sadd.s32 $0x40, s19  }
.Ltmp13:
0x18c: {  	(pc) =	sbr.rel @!p0 .LBB2_26-.Ltmp13, $2  }
0x18d: {  	_ =	sdelay $0x2  }
0x18e: {  	s20 =	sshra.s32 s20, $0x2  }
0x18f: {  	[tilespmem:s20+$0x5000] =	vst v3;
	v4 =	vbroadcast v2, $0x0;
	v3 =	vimm.s32 $0x1;
	s19 =	simm.s32 $0x5000;
	s21 =	simm.s32 $0x0;
	s20 =	simm.s32 $0x40  }
.LBB2_28:
0x190: {  	p0 =	sne.s32 s20, $0x3FC0;
	v5 =	vld [tilespmem:s21+$0x1000];
	_ =	sdelay $0x4  }
0x191: {  	v6 =	vshrl.u32 v5, $0xA  }
0x192: {  	v7 =	vshrl.u32 v5, $0x15;
	v6 =	vand.u32 $0x7FF, v6  }
0x193: {  	vm0 =	veq.s32 v7, v1;
	vm1 =	veq.s32 v6, v4  }
0x194: {  	vm0 =	vmand vm0, vm1  }
0x195: {  	v5 =	vand.u32 $0x3FF, v5  }
.Ltmp14:
0x196: {  	(pc) =	sbr.rel @p0 .LBB2_28-.Ltmp14, $2  }
0x197: {  	_ =	sdelay $0x2  }
0x198: {  	s21 =	sshra.s32 s20, $0x2;
	s20 =	sadd.s32 $0x40, s20;
	[tilespmem:v5+s19+$0x0] =	vst.idx.add.s32.msk vm0, v3  }
0x199: {  	(v2sf) =	vpush v2, $0x0  }
0x19a: {  	v5 =	vld [tilespmem:s21+$0x1000]  }
0x19b: {  	(v2sf) =	vpush v2, $0x1;
	_ =	sdelay $0x3  }
0x19c: {  	v2 =	vshrl.u32 v5, $0xA  }
0x19d: {  	v6 =	vshrl.u32 v5, $0x15;
	v2 =	vand.u32 $0x7FF, v2  }
0x19e: {  	vm0 =	veq.s32 v6, v1;
	vm1 =	veq.s32 v2, v4  }
0x19f: {  	vm0 =	vmand vm0, vm1  }
0x1a0: {  	v1 =	vand.u32 $0x3FF, v5;
	_ =	sdelay $0x3  }
0x1a1: {  	s30 =	simm.s32 $0x80  }
0x1a2: {  	s31 =	simm.s32 $0x400;
	s22 =	simm.s32 $0x5000;
	[tilespmem:v1+s19+$0x0] =	vst.idx.add.s32.msk vm0, v3;
	s20 =	spop (v2sf)  }
0x1a3: {  	[spmem:s5] =	stream.strided.scatter [tilespmem:s22], [sflag:$0x1], $0x800, s31, s30, $0x38;
	[tilespmem:$0xF8C0] =	vst v63  }
0x1a4: {  	s21 =	simm.s32 $0x1;
	s19 =	spop (v2sf)  }
.Ltmp15:
0x1a5: {  	_ =	swait.ge [sflag:s21], $0x800;
	(pc) =	sbr.rel @p2 .LBB2_35-.Ltmp15, $3  }
0x1a6: {  	[sflag:s21] =	ssyncset.done $0x0  }
0x1a7: {  	[sflag:s21] =	ssyncadd.s32 $0xFFFFF800  }
0x1a8: {  	[bflag:$0x0] =	sbarrier.arrive $0xFFFF;
	_ =	sdelay $0x1  }
0x1a9: {  	s23 =	simm.s32 $0x5800  }
0x1aa: {  	[tilespmem:s23], [sflag:$0x1] =	stream.linear.gather [spmem:s4], $0x8000, $0x38;
	[tilespmem:$0xF8C0] =	vst v63  }
0x1ab: {  	s30 =	simm.s32 $0x0;
	_ =	swait.ge [sflag:s21], $0x8000  }
0x1ac: {  	s24 =	sand.u32 $0x70, s30;
	s23 =	sand.u32 $0x1C00, s30;
	[sflag:s21] =	ssyncset.done $0x0  }
0x1ad: {  	s23 =	sor.u32 s24, s23;
	[sflag:s21] =	ssyncadd.s32 $0xFFFF8000  }
0x1ae: {  	v1 =	vld [tilespmem:s23+$0x5880]  }
0x1af: {  	v2 =	vld [tilespmem:s23+$0x5800]  }
0x1b0: {  	v3 =	vld [tilespmem:s23+$0x5900]  }
0x1b1: {  	v4 =	vld [tilespmem:s23+$0x5980]  }
0x1b2: {  	v5 =	vld [tilespmem:s23+$0x5A00]  }
0x1b3: {  	v6 =	vld [tilespmem:s23+$0x5A80]  }
0x1b4: {  	v1 =	vadd.s32 v2, v1;
	v2 =	vld [tilespmem:s23+$0x5B00]  }
0x1b5: {  	v1 =	vadd.s32 v3, v1;
	v3 =	vld [tilespmem:s23+$0x5B80]  }
0x1b6: {  	v58 =	vld [tilespmem:s23+$0x9800];
	v1 =	vadd.s32 v4, v1  }
0x1b7: {  	v59 =	vld [tilespmem:s23+$0x9880];
	v1 =	vadd.s32 v5, v1  }
0x1b8: {  	v60 =	vld [tilespmem:s23+$0x9900];
	v1 =	vadd.s32 v6, v1  }
0x1b9: {  	v1 =	vadd.s32 v2, v1;
	v2 =	vld [tilespmem:s23+$0x9980]  }
0x1ba: {  	v1 =	vadd.s32 v3, v1;
	v3 =	vld [tilespmem:s23+$0x9A00]  }
0x1bb: {  	v61 =	vld [tilespmem:s23+$0x9A80];
	v1 =	vadd.s32 v58, v1  }
0x1bc: {  	v62 =	vld [tilespmem:s23+$0x9B00];
	v1 =	vadd.s32 v59, v1  }
0x1bd: {  	v63 =	vld [tilespmem:s23+$0x9B80];
	v1 =	vadd.s32 v60, v1  }
0x1be: {  	v1 =	vadd.s32 v2, v1  }
0x1bf: {  	v1 =	vadd.s32 v3, v1  }
0x1c0: {  	v1 =	vadd.s32 v61, v1  }
0x1c1: {  	s31 =	simm.s32 $0x10;
	s24 =	simm.s32 $0x80;
	v1 =	vadd.s32 v62, v1  }
0x1c2: {  	s25 =	sand.u32 $0x1C00, s24;
	s23 =	sand.u32 $0x70, s31;
	v1 =	vadd.s32 v63, v1  }
0x1c3: {  	s23 =	sor.u32 s23, s25;
	s25 =	simm.s32 $0x20;
	[tilespmem:s22+$0x0] =	vst v1  }
.LBB2_31:
0x1c4: {  	p0 =	seq.s32 s25, $0x3F0;
	v1 =	vld [tilespmem:s23+$0x5880]  }
0x1c5: {  	v2 =	vld [tilespmem:s23+$0x5800]  }
0x1c6: {  	v3 =	vld [tilespmem:s23+$0x5900]  }
0x1c7: {  	v4 =	vld [tilespmem:s23+$0x5980]  }
0x1c8: {  	v5 =	vld [tilespmem:s23+$0x5A00]  }
0x1c9: {  	v6 =	vld [tilespmem:s23+$0x5A80]  }
0x1ca: {  	v1 =	vadd.s32 v2, v1;
	v2 =	vld [tilespmem:s23+$0x5B00]  }
0x1cb: {  	v1 =	vadd.s32 v3, v1;
	v3 =	vld [tilespmem:s23+$0x5B80]  }
0x1cc: {  	v1 =	vadd.s32 v4, v1;
	v4 =	vld [tilespmem:s23+$0x9800]  }
0x1cd: {  	v1 =	vadd.s32 v5, v1;
	v5 =	vld [tilespmem:s23+$0x9880]  }
0x1ce: {  	v1 =	vadd.s32 v6, v1;
	v6 =	vld [tilespmem:s23+$0x9900]  }
0x1cf: {  	v1 =	vadd.s32 v2, v1;
	v2 =	vld [tilespmem:s23+$0x9980]  }
0x1d0: {  	v1 =	vadd.s32 v3, v1;
	v3 =	vld [tilespmem:s23+$0x9A00]  }
0x1d1: {  	v1 =	vadd.s32 v4, v1;
	v4 =	vld [tilespmem:s23+$0x9A80]  }
0x1d2: {  	v1 =	vadd.s32 v5, v1;
	v5 =	vld [tilespmem:s23+$0x9B00]  }
0x1d3: {  	v1 =	vadd.s32 v6, v1;
	v6 =	vld [tilespmem:s23+$0x9B80]  }
0x1d4: {  	v1 =	vadd.s32 v2, v1  }
.Ltmp16:
0x1d5: {  	v1 =	vadd.s32 v3, v1;
	(pc) =	sbr.rel @!p0 .LBB2_31-.Ltmp16, $4  }
0x1d6: {  	v1 =	vadd.s32 v4, v1  }
0x1d7: {  	s24 =	sadd.s32 $0x80, s24;
	v1 =	vadd.s32 v5, v1  }
0x1d8: {  	s22 =	sadd.s32 $0x10, s22;
	s26 =	sand.u32 $0x1C00, s24;
	s23 =	sand.u32 $0x70, s25;
	v1 =	vadd.s32 v6, v1  }
0x1d9: {  	s25 =	sadd.s32 $0x10, s25;
	s23 =	sor.u32 s23, s26;
	[tilespmem:s22+$0x0] =	vst v1  }
0x1da: {  	v1 =	vld [tilespmem:s23+$0x5880]  }
0x1db: {  	v2 =	vld [tilespmem:s23+$0x5800]  }
0x1dc: {  	v3 =	vld [tilespmem:s23+$0x5900]  }
0x1dd: {  	v4 =	vld [tilespmem:s23+$0x5980]  }
0x1de: {  	v5 =	vld [tilespmem:s23+$0x5A00]  }
0x1df: {  	v6 =	vld [tilespmem:s23+$0x5A80]  }
0x1e0: {  	v1 =	vadd.s32 v2, v1;
	v2 =	vld [tilespmem:s23+$0x5B00]  }
0x1e1: {  	v1 =	vadd.s32 v3, v1;
	v3 =	vld [tilespmem:s23+$0x5B80]  }
0x1e2: {  	v58 =	vld [tilespmem:s23+$0x9800];
	v1 =	vadd.s32 v4, v1  }
0x1e3: {  	v59 =	vld [tilespmem:s23+$0x9880];
	v1 =	vadd.s32 v5, v1  }
0x1e4: {  	v60 =	vld [tilespmem:s23+$0x9900];
	v1 =	vadd.s32 v6, v1  }
0x1e5: {  	v1 =	vadd.s32 v2, v1;
	v2 =	vld [tilespmem:s23+$0x9980]  }
0x1e6: {  	v1 =	vadd.s32 v3, v1;
	v3 =	vld [tilespmem:s23+$0x9A00]  }
0x1e7: {  	v61 =	vld [tilespmem:s23+$0x9A80];
	v1 =	vadd.s32 v58, v1  }
0x1e8: {  	v62 =	vld [tilespmem:s23+$0x9B00];
	v1 =	vadd.s32 v59, v1  }
0x1e9: {  	v63 =	vld [tilespmem:s23+$0x9B80];
	v1 =	vadd.s32 v60, v1  }
0x1ea: {  	v1 =	vadd.s32 v2, v1  }
0x1eb: {  	v1 =	vadd.s32 v3, v1  }
0x1ec: {  	v1 =	vadd.s32 v61, v1  }
0x1ed: {  	v1 =	vadd.s32 v62, v1  }
0x1ee: {  	s22 =	sadd.s32 $0x10, s22;
	v1 =	vadd.s32 v63, v1  }
0x1ef: {  	s31 =	simm.s32 $0x0;
	[tilespmem:s22+$0x0] =	vst v1  }
0x1f0: {  	v2 =	vld [tilespmem:s31+$0x5000];
	_ =	sdelay $0x4  }
0x1f1: {  	(xrf0) =	vadd.scan.msk.s32 $0xffff, v2;
	_ =	sdelay $0x3  }
0x1f2: {  	s30 =	sadd.s32 s19, s17  }
0x1f3: {  	s22 =	ssub.s32 $0x2000, s30  }
0x1f4: {  	v1 =	vmov s22;
	s22 =	simm.s32 $0x0;
	v2, _, _ =	vpop (xrf0)  }
0x1f5: {  	v2 =	vadd.s32 s22, v2  }
0x1f6: {  	vm0 =	vlt.s32 v2, v1;
	v2 =	vxor.u32 $0x80000000, v2  }
0x1f7: {  	(xrf0) =	vmax.scan.msk.u32 $0xffff, v2;
	_ =	sdelay $0x1  }
0x1f8: {  	v3 =	vnsel vm0, $0x80000000, v2  }
0x1f9: {  	v2 =	vmpcnt.ones.xlane vm0;
	(xrf0) =	vmax.scan.msk.u32 $0xffff, v3;
	_ =	sdelay $0x1  }
0x1fa: {  	v2 =	vxor.u32 $0x80000000, v2  }
0x1fb: {  	v3, _, _ =	vpop (xrf0);
	(xrf0) =	vmax.scan.msk.u32 $0xffff, v2;
	_ =	sdelay $0x2  }
0x1fc: {  	s24 =	simm.s32 $0x40;
	s25 =	simm.s32 $0x80;
	s23 =	simm.s32 $0x0;
	v2, _, _ =	vpop (xrf0);
	(v2sf) =	vpush v3, $0xF  }
.LBB2_33:
0x1fd: {  	s26 =	smov.u32 s22  }
0x1fe: {  	p0 =	sne.s32 s25, $0xFC0;
	(v2sf) =	vpush v2, $0xF  }
0x1ff: {  	v2, _, _ =	vpop (xrf0)  }
0x200: {  	(v2sf) =	vpush v2, $0xF  }
0x201: {  	s22 =	sshra.s32 s24, $0x2;
	s24 =	smov.u32 s25  }
0x202: {  	v2 =	vld [tilespmem:s22+$0x5000];
	_ =	sdelay $0x4  }
0x203: {  	(xrf0) =	vadd.scan.msk.s32 $0xffff, v2;
	_ =	sdelay $0x4  }
0x204: {  	s22 =	spop (v2sf)  }
0x205: {  	v2, _, _ =	vpop (xrf0);
	s22 =	sxor.u32 $0x80000000, s22;
	s28 =	spop (v2sf)  }
0x206: {  	v2 =	vadd.s32 s22, v2;
	s22 =	sxor.u32 $0x80000000, s28  }
0x207: {  	vm0 =	vlt.s32 v2, v1;
	v2 =	vxor.u32 $0x80000000, v2;
	p1 =	sgt.s32 s26, s22;
	s28 =	spop (v2sf)  }
0x208: {  	v3 =	vmpcnt.ones.xlane vm0;
	v4 =	vnsel vm0, $0x80000000, v2;
	(xrf0) =	vmax.scan.msk.u32 $0xffff, v2;
	s23 =	sadd.s32 s28, s23;
	s22 =	smov.u32 @p1 s26  }
0x209: {  	(xrf0) =	vmax.scan.msk.u32 $0xffff, v4;
	s23 =	sadd.s32 $0x80000000, s23  }
0x20a: {  	v2 =	vxor.u32 $0x80000000, v3  }
.Ltmp17:
0x20b: {  	(xrf0) =	vmax.scan.msk.u32 $0xffff, v2;
	(pc) =	sbr.rel @p0 .LBB2_33-.Ltmp17, $3  }
0x20c: {  	_ =	sdelay $0x1  }
0x20d: {  	v3, _, _ =	vpop (xrf0)  }
0x20e: {  	s25 =	sadd.s32 $0x40, s25;
	v2, _, _ =	vpop (xrf0);
	(v2sf) =	vpush v3, $0xF  }
0x20f: {  	_ =	sdelay $0x2  }
0x210: {  	s24 =	sshra.s32 s24, $0x2  }
0x211: {  	v3 =	vld [tilespmem:s24+$0x5000];
	_ =	sdelay $0x4  }
0x212: {  	(xrf0) =	vadd.scan.msk.s32 $0xffff, v3;
	_ =	sdelay $0x4  }
0x213: {  	v3, _, _ =	vpop (xrf0);
	s26 =	spop (v2sf)  }
0x214: {  	v4, _, _ =	vpop (xrf0);
	s24 =	sxor.u32 $0x80000000, s26  }
0x215: {  	v4 =	vadd.s32 s24, v4  }
0x216: {  	vm0 =	vlt.s32 v4, v1  }
0x217: {  	v1 =	vxor.u32 $0x80000000, v4;
	v63 =	vmpcnt.ones.xlane vm0  }
0x218: {  	(xrf0) =	vmax.scan.msk.u32 $0xffff, v1;
	v1 =	vnsel vm0, $0x80000000, v1  }
0x219: {  	(xrf0) =	vmax.scan.msk.u32 $0xffff, v1;
	v1 =	vxor.u32 $0x80000000, v63  }
0x21a: {  	(xrf0) =	vmax.scan.msk.u32 $0xffff, v1;
	_ =	sdelay $0x2  }
0x21b: {  	(v2sf) =	vpush v2, $0xF  }
0x21c: {  	(v2sf) =	vpush v3, $0xF;
	v1, _, _ =	vpop (xrf0)  }
0x21d: {  	v2, _, _ =	vpop (xrf0);
	(v2sf) =	vpush v1, $0xF  }
0x21e: {  	(v2sf) =	vpush v2, $0xF;
	v1, _, _ =	vpop (xrf0)  }
0x21f: {  	(v2sf) =	vpush v1, $0xF;
	_ =	sdelay $0xa  }
0x220: {  	s28 =	spop (v2sf)  }
0x221: {  	s25 =	spop (v2sf)  }
0x222: {  	s26 =	spop (v2sf)  }
0x223: {  	s23 =	sadd.s32 s25, s23;
	s29 =	spop (v2sf)  }
0x224: {  	s24 =	sxor.u32 $0x80000000, s28;
	s23 =	sadd.s32 $0x80000000, s23;
	s26 =	spop (v2sf)  }
0x225: {  	p0 =	sgt.s32 s22, s24;
	s23 =	sadd.s32 s26, s23  }
0x226: {  	s24 =	smov.u32 @p0 s22;
	s22 =	sxor.u32 $0x80000000, s29;
	s23 =	sadd.s32 $0x80000000, s23  }
0x227: {  	vm14 =	vcmask $0x300;
	p0 =	sgt.s32 s24, s22;
	v1 =	vmov s23  }
0x228: {  	vm15 =	vcmask $0x704;
	s22 =	smov.u32 @p0 s24;
	v1 =	vnsel vm14, $0x0, v1  }
0x229: {  	v1 =	vsel vm15, s22, v1  }
0x22a: {  	s30 =	simm.s32 $0xE000;
	s31 =	simm.s32 $0x1;
	[tilespmem:$0xE000] =	vst v1  }
0x22b: {  	[spmem:s16] =	stream.linear.scatter [tilespmem:s30], [sflag:$0x1], $0x80, $0x38;
	[tilespmem:$0xF8C0] =	vst v63  }
0x22c: {  	_ =	swait.ge [sflag:s31], $0x80  }
0x22d: {  	[sflag:s31] =	ssyncset.done $0x0  }
0x22e: {  	[sflag:s31] =	ssyncadd.s32 $0xFFFFFF80  }
.LBB2_35:
0x22f: {  	s0 =	simm.s32 @!p2 $0x0  }
0x230: {  	s0 =	simm.s32 @p2 $0x1  }
0x231: {  	[smem:$0x7FD] =	sst s0  }
0x232: {  	s22 =	simm.s32 $0xE000;
	[bflag:$0x0] =	sbarrier.arrive $0xFFFF  }
0x233: {  	[tilespmem:s22], [sflag:$0x1] =	stream.linear.gather [spmem:s16], $0x80, $0x38;
	[tilespmem:$0xF8C0] =	vst v63  }
0x234: {  	_ =	swait.ge [sflag:s21], $0x80  }
0x235: {  	[sflag:s21] =	ssyncset.done $0x0  }
0x236: {  	[sflag:s21] =	ssyncadd.s32 $0xFFFFFF80  }
0x237: {  	v2 =	vld [tilespmem:$0xE000];
	_ =	sdelay $0x4  }
0x238: {  	(v2sf) =	vpush v2, $0x0;
	_ =	sdelay $0xb  }
0x239: {  	s23 =	simm.s32 $0x0  }
0x23a: {  	v3 =	vld [tilespmem:s23+$0x1000]  }
0x23b: {  	s24 =	sshll.u32 s18, $0x15;
	s25 =	sshll.u32 s20, $0xA;
	s26 =	simm.s32 $0x10  }
0x23c: {  	s16 =	sor.u32 s24, s25;
	v4 =	vld [tilespmem:s26+$0x1000];
	s28 =	spop (v2sf)  }
0x23d: {  	s29 =	simm.s32 $0x20;
	s16 =	sor.u32 s28, s16  }
0x23e: {  	v5 =	vld [tilespmem:s29+$0x1000];
	v1 =	vmov s16  }
0x23f: {  	vm0 =	vlt.u32 v3, v1  }
0x240: {  	vm1 =	veq.s32 v3, v1;
	v3 =	vmpcnt.ones.xlane vm0  }
0x241: {  	vm10 =	vlt.u32 v4, v1;
	v6 =	vmpcnt.ones.xlane vm1  }
0x242: {  	vm11 =	veq.s32 v4, v1;
	v4 =	vmpcnt.ones.xlane vm10;
	v3 =	vxor.u32 $0x80000000, v3  }
0x243: {  	vm12 =	vlt.u32 v5, v1;
	v6 =	vxor.u32 $0x80000000, v6;
	(xrf0) =	vmax.scan.msk.u32 $0xffff, v3;
	v3 =	vmpcnt.ones.xlane vm11  }
0x244: {  	vm13 =	veq.s32 v5, v1;
	v5 =	vmpcnt.ones.xlane vm12;
	v4 =	vxor.u32 $0x80000000, v4;
	(xrf0) =	vmax.scan.msk.u32 $0xffff, v6  }
0x245: {  	(xrf0) =	vmax.scan.msk.u32 $0xffff, v4;
	v3 =	vxor.u32 $0x80000000, v3;
	v4 =	vmpcnt.ones.xlane vm13  }
0x246: {  	(xrf0) =	vmax.scan.msk.u32 $0xffff, v3;
	v3 =	vxor.u32 $0x80000000, v5  }
0x247: {  	v4 =	vxor.u32 $0x80000000, v4;
	(xrf0) =	vmax.scan.msk.u32 $0xffff, v3;
	_ =	sdelay $0x1  }
0x248: {  	s30 =	simm.s32 $0x30;
	v3, _, _ =	vpop (xrf0)  }
0x249: {  	v6 =	vld [tilespmem:s30+$0x1000];
	(xrf0) =	vmax.scan.msk.u32 $0xffff, v4;
	v4, _, _ =	vpop (xrf0);
	(v2sf) =	vpush v3, $0xF  }
0x24a: {  	v5, _, _ =	vpop (xrf0);
	(v2sf) =	vpush v4, $0xF  }
0x24b: {  	(v2sf) =	vpush v5, $0xF;
	v5, _, _ =	vpop (xrf0)  }
0x24c: {  	(v2sf) =	vpush v5, $0xF;
	v5, _, _ =	vpop (xrf0)  }
0x24d: {  	(v2sf) =	vpush v5, $0xF  }
0x24e: {  	vm14 =	vlt.u32 v6, v1  }
0x24f: {  	v3 =	vmpcnt.ones.xlane vm14  }
0x250: {  	vm15 =	veq.s32 v6, v1  }
0x251: {  	s31 =	simm.s32 $0x40;
	v4 =	vmpcnt.ones.xlane vm15;
	v3 =	vxor.u32 $0x80000000, v3  }
0x252: {  	(xrf0) =	vmax.scan.msk.u32 $0xffff, v3;
	v3 =	vld [tilespmem:s31+$0x1000]  }
0x253: {  	v4 =	vxor.u32 $0x80000000, v4;
	_ =	sdelay $0x1  }
0x254: {  	s13 =	smov.u32 s6;
	s4 =	smov.u32 s1  }
0x255: {  	s20 =	simm.s32 $0x140;
	s18 =	simm.s32 $0x0;
	s16 =	simm.s32 $0x0;
	(xrf0) =	vmax.scan.msk.u32 $0xffff, v4;
	v4, _, _ =	vpop (xrf0)  }
.LBB2_36:
0x256: {  	s21 =	sshra.s32 s20, $0x2;
	vm0 =	vlt.u32 v3, v1;
	(v2sf) =	vpush v4, $0xF;
	p0 =	sne.s32 s20, $0x3FC0  }
.Ltmp18:
0x257: {  	s20 =	sadd.s32 $0x40, s20;
	vm1 =	veq.s32 v3, v1;
	v3 =	vld [tilespmem:s21+$0x1000];
	v7 =	vmpcnt.ones.xlane vm0;
	(pc) =	sbr.rel @p0 .LBB2_36-.Ltmp18, $4  }
0x258: {  	v5 =	vmpcnt.ones.xlane vm1;
	s21 =	spop (v2sf)  }
0x259: {  	v6 =	vxor.u32 $0x80000000, v7;
	s22 =	spop (v2sf)  }
0x25a: {  	v5 =	vxor.u32 $0x80000000, v5;
	s16 =	sadd.s32 s21, s16;
	(xrf0) =	vmax.scan.msk.u32 $0xffff, v6;
	v4, _, _ =	vpop (xrf0);
	s18 =	sadd.s32 s22, s18  }
0x25b: {  	s16 =	sadd.s32 $0x80000000, s16;
	(xrf0) =	vmax.scan.msk.u32 $0xffff, v5;
	(v2sf) =	vpush v4, $0xF;
	v4, _, _ =	vpop (xrf0);
	s18 =	sadd.s32 $0x80000000, s18  }
0x25c: {  	vm0 =	vlt.u32 v3, v1  }
0x25d: {  	v5 =	vmpcnt.ones.xlane vm0  }
0x25e: {  	vm0 =	veq.s32 v3, v1  }
0x25f: {  	v3 =	vmpcnt.ones.xlane vm0;
	v5 =	vxor.u32 $0x80000000, v5  }
0x260: {  	(xrf0) =	vmax.scan.msk.u32 $0xffff, v5  }
0x261: {  	v3 =	vxor.u32 $0x80000000, v3  }
0x262: {  	(xrf0) =	vmax.scan.msk.u32 $0xffff, v3;
	_ =	sdelay $0x1  }
0x263: {  	(v2sf) =	vpush v4, $0xF;
	v3, _, _ =	vpop (xrf0)  }
0x264: {  	(v2sf) =	vpush v3, $0xF;
	v3, _, _ =	vpop (xrf0)  }
0x265: {  	(v2sf) =	vpush v3, $0xF;
	v3, _, _ =	vpop (xrf0)  }
0x266: {  	(v2sf) =	vpush v3, $0xF  }
0x267: {  	v3, _, _ =	vpop (xrf0)  }
0x268: {  	(v2sf) =	vpush v3, $0xF;
	_ =	sdelay $0x4  }
0x269: {  	s20 =	spop (v2sf)  }
0x26a: {  	s21 =	spop (v2sf);
	s16 =	sadd.s32 s20, s16;
	(v2sf) =	vpush v2, $0x1  }
0x26b: {  	s16 =	sadd.s32 $0x80000000, s16;
	s24 =	spop (v2sf)  }
0x26c: {  	s18 =	sadd.s32 s21, s18;
	s16 =	sadd.s32 s24, s16;
	s25 =	spop (v2sf)  }
0x26d: {  	s18 =	sadd.s32 $0x80000000, s18;
	s16 =	sadd.s32 $0x80000000, s16;
	s26 =	spop (v2sf)  }
0x26e: {  	s18 =	sadd.s32 s25, s18;
	s28 =	spop (v2sf);
	s16 =	sadd.s32 s26, s16  }
0x26f: {  	s18 =	sadd.s32 $0x80000000, s18;
	s16 =	sadd.s32 $0x80000000, s16;
	s29 =	spop (v2sf)  }
0x270: {  	s18 =	sadd.s32 s28, s18;
	s30 =	spop (v2sf);
	s16 =	sadd.s32 s29, s16  }
0x271: {  	s18 =	sadd.s32 $0x80000000, s18;
	s16 =	sadd.s32 $0x80000000, s16;
	s31 =	spop (v2sf)  }
0x272: {  	s18 =	sadd.s32 s30, s18;
	s16 =	sadd.s32 s31, s16  }
0x273: {  	s18 =	sadd.s32 $0x80000000, s18;
	s0 =	spop (v2sf);
	s16 =	sadd.s32 $0x80000000, s16  }
0x274: {  	vm0 =	vcmask $0x300;
	s18 =	sadd.s32 s0, s18;
	v2 =	vmov s16  }
0x275: {  	s1 =	sadd.s32 $0x80000000, s18;
	v2 =	vnsel vm0, $0x0, v2;
	vm0 =	vcmask $0x704  }
0x276: {  	v2 =	vsel vm0, s1, v2  }
0x277: {  	s3 =	simm.s32 $0xE000;
	[tilespmem:$0xE000] =	vst v2  }
0x278: {  	[spmem:s15] =	stream.linear.scatter [tilespmem:s3], [sflag:$0x1], $0x80, $0x38;
	[tilespmem:$0xF8C0] =	vst v63  }
0x279: {  	s6 =	simm.s32 $0x1;
	s15 =	spop (v2sf)  }
0x27a: {  	_ =	swait.ge [sflag:s6], $0x80  }
0x27b: {  	[sflag:s6] =	ssyncset.done $0x0  }
0x27c: {  	[sflag:s6] =	ssyncadd.s32 $0xFFFFFF80  }
0x27d: {  	s7 =	simm.s32 $0xD800;
	[bflag:$0x0] =	sbarrier.arrive $0xFFFF  }
0x27e: {  	[tilespmem:s7], [sflag:$0x1] =	stream.linear.gather [spmem:s14], $0x800, $0x38;
	[tilespmem:$0xF8C0] =	vst v63  }
0x27f: {  	_ =	swait.ge [sflag:s6], $0x800  }
0x280: {  	[sflag:s6] =	ssyncset.done $0x0  }
0x281: {  	[sflag:s6] =	ssyncadd.s32 $0xFFFFF800  }
0x282: {  	v2 =	vld [tilespmem:$0xD800];
	_ =	sdelay $0x1  }
0x283: {  	v3 =	vld [tilespmem:$0xD880];
	_ =	sdelay $0x1  }
0x284: {  	v4 =	vld [tilespmem:$0xD900]  }
0x285: {  	(v2sf) =	vpush v2, $0x0  }
0x286: {  	(v2sf) =	vpush v2, $0x1;
	v2 =	vld [tilespmem:$0xD980]  }
0x287: {  	(v2sf) =	vpush v3, $0x0  }
0x288: {  	(v2sf) =	vpush v3, $0x1;
	v3 =	vld [tilespmem:$0xDA00]  }
0x289: {  	(v2sf) =	vpush v4, $0x0  }
0x28a: {  	(v2sf) =	vpush v4, $0x1;
	v4 =	vld [tilespmem:$0xDA80]  }
0x28b: {  	(v2sf) =	vpush v2, $0x0  }
0x28c: {  	(v2sf) =	vpush v2, $0x1  }
0x28d: {  	v2 =	vld [tilespmem:$0xDB00];
	(v2sf) =	vpush v3, $0x0  }
0x28e: {  	(v2sf) =	vpush v3, $0x1  }
0x28f: {  	v3 =	vld [tilespmem:$0xDB80];
	(v2sf) =	vpush v4, $0x0  }
0x290: {  	s19 =	sadd.s32 s17, s19;
	p2 =	seq.s32 s2, $0x0;
	(v2sf) =	vpush v4, $0x1  }
0x291: {  	p0 =	sgt.u32 s2, $0x6;
	s14 =	sadd.s32 s15, s19;
	s15 =	simm.s32 @!p2 $0x0;
	v4 =	vld [tilespmem:$0xDC00]  }
0x292: {  	p4 =	sgt.u32 s2, $0x5;
	p1 =	sgt.u32 s2, $0x1;
	s15 =	simm.s32 @p2 $0x1;
	(v2sf) =	vpush v2, $0x0  }
0x293: {  	p3 =	sgt.u32 s2, $0x4;
	[smem:$0x7F2] =	sst s15;
	s15 =	simm.s32 @!p1 $0x0;
	(v2sf) =	vpush v2, $0x1  }
0x294: {  	p5 =	sgt.u32 s2, $0x3;
	s15 =	simm.s32 @p1 $0x1;
	(v2sf) =	vpush v3, $0x0;
	s16 =	spop (v2sf)  }
0x295: {  	p6 =	sgt.u32 s2, $0x2;
	[smem:$0x7F3] =	sst s15;
	v2 =	vld [tilespmem:$0xDC80];
	(v2sf) =	vpush v3, $0x1;
	s25 =	spop (v2sf)  }
0x296: {  	s15 =	simm.s32 $0x0;
	(v2sf) =	vpush v4, $0x0;
	s16 =	simm.s32 @p2 $0x0;
	s29 =	spop (v2sf)  }
0x297: {  	s25 =	simm.s32 @p2 $0x0;
	p2 =	sgt.u32 s2, $0x8;
	s28 =	spop (v2sf)  }
0x298: {  	v3 =	vld [tilespmem:$0xDD00];
	(v2sf) =	vpush v4, $0x1;
	s29 =	simm.s32 @!p1 $0x0;
	s25 =	sadd.s32 s14, s25;
	s30 =	spop (v2sf)  }
0x299: {  	s28 =	simm.s32 @!p1 $0x0;
	s16 =	sadd.s32 s16, s29;
	s26 =	spop (v2sf)  }
0x29a: {  	(v2sf) =	vpush v2, $0x0;
	p1 =	sgt.u32 s2, $0x7;
	s30 =	simm.s32 @!p6 $0x0;
	s1 =	spop (v2sf)  }
0x29b: {  	s16 =	sadd.s32 s30, s16;
	s24 =	spop (v2sf);
	s1 =	simm.s32 @!p5 $0x0  }
0x29c: {  	(v2sf) =	vpush v2, $0x1;
	v2 =	vld [tilespmem:$0xDD80];
	s26 =	simm.s32 @!p6 $0x0;
	s0 =	spop (v2sf);
	s1 =	sadd.s32 s1, s16  }
0x29d: {  	(v2sf) =	vpush v3, $0x0;
	s24 =	simm.s32 @!p5 $0x0;
	s23 =	spop (v2sf);
	s0 =	simm.s32 @!p3 $0x0  }
0x29e: {  	s16 =	simm.s32 $0x10;
	s3 =	spop (v2sf);
	s0 =	sadd.s32 s0, s1  }
0x29f: {  	s1 =	simm.s32 @!p3 $0x0;
	s23 =	simm.s32 @!p3 $0x0;
	s22 =	spop (v2sf)  }
0x2a0: {  	(v2sf) =	vpush v3, $0x1;
	s3 =	simm.s32 @!p4 $0x0;
	s1 =	simm.s32 @p3 $0x1;
	p3 =	sgt.u32 s2, $0x9  }
0x2a1: {  	(v2sf) =	vpush v2, $0x0;
	s6 =	spop (v2sf);
	[smem:$0x7F4] =	sst s1;
	s0 =	sadd.s32 s3, s0  }
0x2a2: {  	(v2sf) =	vpush v2, $0x1;
	v2 =	vld [tilespmem:$0xDE00];
	s22 =	simm.s32 @!p4 $0x0;
	s21 =	spop (v2sf);
	s6 =	simm.s32 @!p0 $0x0  }
0x2a3: {  	s7 =	spop (v2sf);
	s0 =	sadd.s32 s6, s0;
	s6 =	simm.s32 @!p4 $0x0  }
0x2a4: {  	v3 =	vld [tilespmem:$0xDE80];
	s21 =	simm.s32 @!p0 $0x0;
	s20 =	spop (v2sf);
	s7 =	simm.s32 @!p1 $0x0  }
0x2a5: {  	s6 =	simm.s32 @p4 $0x1;
	s31 =	spop (v2sf);
	s0 =	sadd.s32 s7, s0  }
0x2a6: {  	v5 =	vld [tilespmem:$0xDF00];
	[smem:$0x7F5] =	sst s6;
	s6 =	simm.s32 @!p0 $0x0;
	s20 =	simm.s32 @!p1 $0x0  }
0x2a7: {  	v4 =	vld [tilespmem:s15+$0x1000];
	(v2sf) =	vpush v2, $0x0;
	s7 =	simm.s32 @!p3 $0x0;
	s18 =	spop (v2sf);
	s31 =	simm.s32 @!p2 $0x0  }
0x2a8: {  	(v2sf) =	vpush v2, $0x1;
	s6 =	simm.s32 @p0 $0x1;
	p0 =	sgt.u32 s2, $0xA;
	s7 =	simm.s32 @p3 $0x1  }
0x2a9: {  	s17 =	spop (v2sf);
	(v2sf) =	vpush v3, $0x0;
	s0 =	sadd.s32 s31, s0;
	[smem:$0x7F6] =	sst s6  }
0x2aa: {  	s6 =	simm.s32 @!p2 $0x0;
	s18 =	simm.s32 @!p2 $0x0;
	[smem:$0x7F8] =	sst s7  }
0x2ab: {  	s19 =	spop (v2sf);
	(v2sf) =	vpush v3, $0x1;
	s17 =	simm.s32 @!p3 $0x0;
	s6 =	simm.s32 @p2 $0x1  }
0x2ac: {  	vm0 =	vlt.u32 v4, v1;
	vm1 =	veq.s32 v4, v1;
	p2 =	sgt.u32 s2, $0xB;
	s1 =	spop (v2sf);
	(v2sf) =	vpush v5, $0x0;
	s0 =	sadd.s32 s17, s0  }
0x2ad: {  	v4 =	vmpcnt.ones.xlane vm0;
	v2 =	vimm.s32 $0x0;
	[smem:$0x7F7] =	sst s6;
	s6 =	sadd.s32 s28, s25;
	s19 =	simm.s32 @!p3 $0x0;
	(v2sf) =	vpush v5, $0x1  }
0x2ae: {  	v3 =	vsel vm0, $0x1, v2;
	p3 =	sgt.u32 s2, $0xC;
	s17 =	simm.s32 $0x20;
	s7 =	simm.s32 @!p2 $0x0  }
0x2af: {  	v7 =	vmpcnt.ones.xlane vm1;
	v6 =	vsel vm1, $0x1, v2;
	(xrf0) =	vadd.scan.msk.s32 $0xffff, v3;
	v3 =	vxor.u32 $0x80000000, v4;
	v4 =	vld [tilespmem:s16+$0x1000];
	s29 =	spop (v2sf);
	s1 =	simm.s32 @!p0 $0x0;
	s28 =	sadd.s32 s26, s6  }
0x2b0: {  	(xrf0) =	vadd.scan.msk.s32 $0xffff, v6;
	s7 =	simm.s32 @p2 $0x1;
	s0 =	sadd.s32 s1, s0;
	s29 =	simm.s32 @!p0 $0x0  }
0x2b1: {  	v5 =	vxor.u32 $0x80000000, v7;
	(xrf0) =	vmax.scan.msk.u32 $0xffff, v3;
	s1 =	sadd.s32 s24, s28;
	[smem:$0x7F9] =	sst s7;
	s7 =	simm.s32 @!p3 $0x0  }
0x2b2: {  	(xrf0) =	vmax.scan.msk.u32 $0xffff, v5;
	s1 =	sadd.s32 s23, s1;
	s7 =	simm.s32 @p3 $0x1;
	s3 =	spop (v2sf)  }
0x2b3: {  	s1 =	sadd.s32 s22, s1;
	[smem:$0x7FA] =	sst s7;
	s3 =	simm.s32 @!p2 $0x0  }
0x2b4: {  	s30 =	spop (v2sf);
	vm3 =	vlt.u32 v4, v1;
	s1 =	sadd.s32 s21, s1;
	s0 =	sadd.s32 s3, s0  }
0x2b5: {  	vm2 =	veq.s32 v4, v1;
	v5, _, _ =	vpop (xrf0);
	v3 =	vsel vm3, $0x1, v2;
	v4 =	vmpcnt.ones.xlane vm3;
	s30 =	simm.s32 @!p2 $0x0;
	s1 =	sadd.s32 s20, s1;
	p2 =	sgt.u32 s2, $0xD  }
0x2b6: {  	v8 =	vsel vm2, $0x1, v2;
	v7, _, _ =	vpop (xrf0);
	(xrf0) =	vadd.scan.msk.s32 $0xffff, v3;
	s1 =	sadd.s32 s18, s1;
	s7 =	simm.s32 @!p2 $0x0;
	s6 =	spop (v2sf)  }
0x2b7: {  	v9 =	vmpcnt.ones.xlane vm2;
	v6, _, _ =	vpop (xrf0);
	v4 =	vxor.u32 $0x80000000, v4;
	(xrf0) =	vadd.scan.msk.s32 $0xffff, v8;
	v8 =	vld [tilespmem:s17+$0x1000];
	s1 =	sadd.s32 s19, s1;
	s6 =	simm.s32 @!p3 $0x0;
	s3 =	spop (v2sf)  }
0x2b8: {  	(v2sf) =	vpush v6, $0xF;
	v3, _, _ =	vpop (xrf0);
	(xrf0) =	vmax.scan.msk.u32 $0xffff, v4;
	s1 =	sadd.s32 s29, s1;
	s0 =	sadd.s32 s6, s0;
	s6 =	spop (v2sf)  }
0x2b9: {  	s7 =	simm.s32 @p2 $0x1;
	s1 =	sadd.s32 s30, s1;
	(v2sf) =	vpush v3, $0xF;
	v3 =	vxor.u32 $0x80000000, v9;
	s6 =	simm.s32 @!p2 $0x0  }
0x2ba: {  	(xrf0) =	vmax.scan.msk.u32 $0xffff, v3;
	s3 =	simm.s32 @!p3 $0x0;
	s0 =	sadd.s32 s6, s0;
	s6 =	spop (v2sf)  }
0x2bb: {  	[smem:$0x7FB] =	sst s7;
	s1 =	sadd.s32 s3, s1;
	s7 =	spop (v2sf)  }
0x2bc: {  	vm4 =	vmmov vm3;
	vm3 =	vlt.u32 v8, v1;
	v3, _, _ =	vpop (xrf0);
	s6 =	simm.s32 @!p2 $0x0;
	p2 =	seq.s32 s2, $0xF;
	s18 =	spop (v2sf)  }
0x2bd: {  	v4 =	vsel vm3, $0x1, v2;
	v6, _, _ =	vpop (xrf0);
	s1 =	sadd.s32 s6, s1;
	s18 =	simm.s32 @!p2 $0x0  }
0x2be: {  	vm0 =	vmmov vm0;
	vm5 =	veq.s32 v8, v1;
	v8 =	vmpcnt.ones.xlane vm3;
	s7 =	simm.s32 @!p2 $0x0;
	v9, _, _ =	vpop (xrf0);
	s20 =	sadd.s32 s18, s1;
	s18 =	simm.s32 $0x30  }
0x2bf: {  	v10 =	vsel vm5, $0x1, v2;
	v11 =	vmpcnt.ones.xlane vm5;
	(xrf0) =	vadd.scan.msk.s32 $0xffff, v4;
	s19 =	sadd.s32 s7, s0;
	(v2sf) =	vpush v9, $0xF;
	v9 =	vld [tilespmem:s18+$0x1000]  }
0x2c0: {  	vm0 =	vmmov vm0;
	v8 =	vxor.u32 $0x80000000, v8;
	v4, _, _ =	vpop (xrf0);
	(xrf0) =	vadd.scan.msk.s32 $0xffff, v10;
	s0 =	sadd.s32 $0x0, s19  }
0x2c1: {  	(v2sf) =	vpush v4, $0xF;
	v4 =	vxor.u32 $0x80000000, v11;
	(xrf0) =	vmax.scan.msk.u32 $0xffff, v8;
	v8 =	vmov s0  }
0x2c2: {  	vm7 =	vmmov vm0;
	s1 =	sadd.s32 $0x0, s20;
	(xrf0) =	vmax.scan.msk.u32 $0xffff, v4;
	v4 =	vadd.s32 $0xFFFFFFFF, v8  }
0x2c3: {  	vm6 =	vmmov vm2;
	vm0 =	vmmov vm5;
	v10 =	vmov s1  }
0x2c4: {  	v8 =	vadd.s32 $0xFFFFFFFF, v10;
	v10 =	vbroadcast v4, $0x0;
	vm5 =	vlt.u32 v9, v1  }
0x2c5: {  	vm2 =	vmmov vm4;
	v4, _, _ =	vpop (xrf0);
	vm4 =	veq.s32 v9, v1;
	v9 =	vsel vm5, $0x1, v2  }
0x2c6: {  	v10 =	vadd.s32 v5, v10;
	v5, _, _ =	vpop (xrf0)  }
0x2c7: {  	s30 =	spop (v2sf);
	v11, _, _ =	vpop (xrf0)  }
0x2c8: {  	vm1 =	vmmov vm1;
	s31 =	spop (v2sf);
	(xrf0) =	vadd.scan.msk.s32 $0xffff, v9;
	(v2sf) =	vpush v11, $0xF;
	v9, _, _ =	vpop (xrf0)  }
0x2c9: {  	vm1 =	vmmov vm1;
	v8 =	vbroadcast v8, $0x0;
	(v2sf) =	vpush v9, $0xF  }
0x2ca: {  	vm8 =	vmmov vm1;
	vm1 =	vmmov vm6  }
0x2cb: {  	s21 =	simm.s32 $0x40;
	v7 =	vadd.s32 v7, v8;
	v8 =	vsel vm7, v10, v0;
	s0 =	sadd.s32 $0x0, s30;
	v10 =	vmpcnt.ones.xlane vm5;
	s1 =	sadd.s32 $0x0, s31  }
0x2cc: {  	s3 =	simm.s32 @!p2 $0x0;
	vm6 =	vlt.s32 v7, $0x2000;
	[tilespmem:s15+$0x3000] =	vst v8;
	v8 =	vsel vm4, $0x1, v2;
	v12 =	vmpcnt.ones.xlane vm4;
	s22 =	sadd.s32 $0x80000000, s0;
	s23 =	sadd.s32 $0x80000000, s1  }
0x2cd: {  	vm3 =	vmmov vm3;
	s3 =	simm.s32 @p2 $0x1;
	s0 =	sadd.s32 s22, s19;
	vm8 =	vmand vm8, vm6;
	v10 =	vxor.u32 $0x80000000, v10;
	(xrf0) =	vadd.scan.msk.s32 $0xffff, v8;
	s1 =	sadd.s32 s23, s20  }
0x2ce: {  	s24 =	simm.s32 $0x140;
	[smem:$0x7FC] =	sst s3;
	v8 =	vld [tilespmem:s21+$0x1000];
	v11 =	vxor.u32 $0x80000000, v12;
	(xrf0) =	vmax.scan.msk.u32 $0xffff, v10;
	v9 =	vmov s0;
	v10 =	vmov s1  }
.LBB2_38:
0x2cf: {  	v9 =	vadd.s32 $0xFFFFFFFF, v9;
	v10 =	vadd.s32 $0xFFFFFFFF, v10;
	v7 =	vsel vm8, v7, v0  }
0x2d0: {  	p2 =	sne.s32 s24, $0x3FC0;
	(xrf0) =	vmax.scan.msk.u32 $0xffff, v11;
	vm7 =	vmmov vm2;
	vm2 =	vmmov vm3;
	vm3 =	vmmov vm5  }
0x2d1: {  	vm6 =	vmmov vm1;
	v9 =	vbroadcast v9, $0x0;
	v10 =	vbroadcast v10, $0x0;
	[tilespmem:s15+$0x4000] =	vst v7;
	s15 =	smov.u32 s16;
	s16 =	smov.u32 s17;
	s17 =	smov.u32 s18  }
0x2d2: {  	vm1 =	vmmov vm0;
	vm0 =	vmmov vm4;
	s18 =	smov.u32 s21  }
0x2d3: {  	v9 =	vadd.s32 v3, v9;
	v7 =	vadd.s32 v6, v10;
	s0 =	spop (v2sf);
	v3 =	vmov v4;
	v4, _, _ =	vpop (xrf0)  }
.Ltmp19:
0x2d4: {  	vm5 =	vlt.u32 v8, v1;
	v12, _, _ =	vpop (xrf0);
	v6 =	vsel vm7, v9, v0;
	vm7 =	vlt.s32 v7, $0x2000;
	s1 =	spop (v2sf);
	(pc) =	sbr.rel @p2 .LBB2_38-.Ltmp19, $4  }
0x2d5: {  	vm4 =	veq.s32 v8, v1;
	s0 =	sadd.s32 s0, s22;
	v13 =	vsel vm5, $0x1, v2;
	v9 =	vmpcnt.ones.xlane vm5;
	v10, _, _ =	vpop (xrf0);
	[tilespmem:s15+$0x3000] =	vst v6;
	s1 =	sadd.s32 s1, s23  }
0x2d6: {  	v14 =	vsel vm4, $0x1, v2;
	v11 =	vmpcnt.ones.xlane vm4;
	s22 =	sadd.s32 $0x80000000, s0;
	(xrf0) =	vadd.scan.msk.s32 $0xffff, v13;
	(v2sf) =	vpush v10, $0xF;
	v8, _, _ =	vpop (xrf0);
	s23 =	sadd.s32 $0x80000000, s1  }
0x2d7: {  	s21 =	sshra.s32 s24, $0x2;
	vm8 =	vmand vm6, vm7;
	s0 =	sadd.s32 s22, s19;
	v9 =	vxor.u32 $0x80000000, v9;
	(xrf0) =	vadd.scan.msk.s32 $0xffff, v14;
	(v2sf) =	vpush v8, $0xF;
	s1 =	sadd.s32 s23, s20;
	v6 =	vmovc v5  }
0x2d8: {  	s24 =	sadd.s32 $0x40, s24;
	v11 =	vxor.u32 $0x80000000, v11;
	v5 =	vmovc v12;
	v8 =	vld [tilespmem:s21+$0x1000];
	(xrf0) =	vmax.scan.msk.u32 $0xffff, v9;
	v9 =	vmov s0;
	v10 =	vmov s1  }
0x2d9: {  	(xrf0) =	vmax.scan.msk.u32 $0xffff, v11;
	_ =	sdelay $0x2  }
0x2da: {  	v50, _, _ =	vpop (xrf0)  }
0x2db: {  	v12, _, _ =	vpop (xrf0)  }
0x2dc: {  	vm7 =	vlt.u32 v8, v1;
	vm6 =	veq.s32 v8, v1;
	v1, _, _ =	vpop (xrf0)  }
0x2dd: {  	(v2sf) =	vpush v1, $0xF;
	v1, _, _ =	vpop (xrf0)  }
0x2de: {  	v51 =	vsel vm7, $0x1, v2;
	v13 =	vmpcnt.ones.xlane vm7;
	(v2sf) =	vpush v1, $0xF  }
0x2df: {  	(xrf0) =	vadd.scan.msk.s32 $0xffff, v51;
	v1 =	vsel vm6, $0x1, v2  }
0x2e0: {  	(xrf0) =	vadd.scan.msk.s32 $0xffff, v1;
	v1 =	vxor.u32 $0x80000000, v13  }
0x2e1: {  	s0 =	simm.s32 @!p0 $0x0;
	v7 =	vsel vm8, v7, v0;
	s29 =	spop (v2sf);
	vm2 =	vmmov vm2;
	(xrf0) =	vmax.scan.msk.u32 $0xffff, v1;
	v1 =	vadd.s32 $0xFFFFFFFF, v9  }
0x2e2: {  	vm3 =	vmmov vm3;
	s0 =	simm.s32 @p0 $0x1;
	s1 =	spop (v2sf);
	v52 =	vmpcnt.ones.xlane vm6;
	v1 =	vbroadcast v1, $0x0  }
0x2e3: {  	vm5 =	vmmov vm5;
	vm1 =	vmmov vm1;
	vm0 =	vmmov vm0;
	[smem:$0x7F0] =	sst s0;
	s0 =	simm.s32 @!p1 $0x0;
	s1 =	sadd.s32 s1, s23  }
0x2e4: {  	vm4 =	vmmov vm4;
	s0 =	simm.s32 @p1 $0x1;
	s1 =	sadd.s32 $0x80000000, s1;
	v1 =	vadd.s32 v3, v1;
	v3 =	vxor.u32 $0x80000000, v52  }
0x2e5: {  	vm9 =	vmmov vm3;
	vm10 =	vmmov vm5;
	vm0 =	vmmov vm0;
	[smem:$0x7F1] =	sst s0;
	s0 =	sadd.s32 s29, s22;
	s6 =	sadd.s32 s1, s20;
	v53, _, _ =	vpop (xrf0);
	(xrf0) =	vmax.scan.msk.u32 $0xffff, v3  }
0x2e6: {  	vm4 =	vmmov vm4;
	vm14 =	vmmov vm10;
	s0 =	sadd.s32 $0x80000000, s0;
	v56 =	vmov s6  }
0x2e7: {  	vm11 =	vmmov vm7;
	s3 =	sadd.s32 s0, s19;
	v8 =	vadd.s32 $0xFFFFFFFF, v56;
	v2 =	vadd.s32 $0xFFFFFFFF, v10  }
0x2e8: {  	v55 =	vmov s3;
	v8 =	vbroadcast v8, $0x0;
	v2 =	vbroadcast v2, $0x0;
	v3, _, _ =	vpop (xrf0)  }
0x2e9: {  	vm12 =	vmmov vm6;
	vm15 =	vmmov vm11;
	v9 =	vadd.s32 $0xFFFFFFFF, v55;
	v54, _, _ =	vpop (xrf0)  }
0x2ea: {  	v5 =	vadd.s32 v5, v8;
	v2 =	vadd.s32 v6, v2;
	s30 =	spop (v2sf);
	(v2sf) =	vpush v54, $0xF  }
0x2eb: {  	v9 =	vbroadcast v9, $0x0;
	vm13 =	vlt.s32 v5, $0x2000;
	vm8 =	vlt.s32 v2, $0x2000;
	s31 =	spop (v2sf);
	s0 =	sadd.s32 s30, s0;
	v57, _, _ =	vpop (xrf0)  }
0x2ec: {  	vm0 =	vmand vm0, vm13;
	vm1 =	vmand vm1, vm8;
	s1 =	sadd.s32 s31, s1;
	s0 =	sadd.s32 $0x80000000, s0;
	(v2sf) =	vpush v57, $0xF;
	s22 =	spop (v2sf)  }
0x2ed: {  	v4 =	vadd.s32 v4, v9;
	v5 =	vsel vm0, v5, v0;
	vm8 =	vmmov vm4;
	s1 =	sadd.s32 $0x80000000, s1;
	s6 =	sadd.s32 s0, s19;
	s23 =	spop (v2sf)  }
0x2ee: {  	v1 =	vsel vm2, v1, v0;
	v2 =	vsel vm1, v2, v0;
	s7 =	sadd.s32 s1, s20;
	v58 =	vmov s6;
	s1 =	sadd.s32 s23, s1  }
0x2ef: {  	v4 =	vsel vm9, v4, v0;
	v59 =	vmov s7;
	v8 =	vadd.s32 $0xFFFFFFFF, v58;
	s0 =	sadd.s32 s22, s0;
	s1 =	sadd.s32 $0x80000000, s1  }
0x2f0: {  	vm9 =	vmmov vm12;
	v9 =	vadd.s32 $0xFFFFFFFF, v59;
	v8 =	vbroadcast v8, $0x0;
	s0 =	sadd.s32 $0x80000000, s0;
	s1 =	sadd.s32 s1, s20  }
0x2f1: {  	[tilespmem:s15+$0x4000] =	vst v7;
	vm12 =	vmmov vm15;
	v9 =	vbroadcast v9, $0x0;
	s0 =	sadd.s32 s0, s19;
	v61 =	vmov s1  }
0x2f2: {  	[tilespmem:s16+$0x3000] =	vst v1;
	v60 =	vadd.s32 v50, v8;
	v62 =	vmov s0;
	v8 =	vadd.s32 $0xFFFFFFFF, v61  }
0x2f3: {  	[tilespmem:s16+$0x4000] =	vst v2;
	v1 =	vadd.s32 v12, v9;
	v2 =	vadd.s32 $0xFFFFFFFF, v62;
	v8 =	vbroadcast v8, $0x0  }
0x2f4: {  	vm13 =	vmmov vm9;
	[tilespmem:s17+$0x3000] =	vst v4;
	vm10 =	vlt.s32 v1, $0x2000;
	v2 =	vbroadcast v2, $0x0  }
0x2f5: {  	[tilespmem:s17+$0x4000] =	vst v5;
	v63 =	vsel vm14, v60, v0;
	vm11 =	vmand vm8, vm10;
	v3 =	vadd.s32 v3, v8  }
0x2f6: {  	[tilespmem:s18+$0x3000] =	vst v63;
	v1 =	vsel vm11, v1, v0;
	v2 =	vadd.s32 v53, v2;
	vm14 =	vlt.s32 v3, $0x2000  }
0x2f7: {  	[tilespmem:s18+$0x4000] =	vst v1;
	v1 =	vsel vm12, v2, v0;
	vm15 =	vmand vm13, vm14  }
0x2f8: {  	[tilespmem:s21+$0x3000] =	vst v1;
	v1 =	vsel vm15, v3, v0  }
0x2f9: {  	s25 =	simm.s32 $0x1000;
	s0 =	simm.s32 $0x3000;
	s24 =	spop (v2sf);
	[tilespmem:s21+$0x4000] =	vst v1  }
0x2fa: {  	[spmem:s10] =	stream.indirect.scatter [tilespmem:s25], [sflag:$0x1], $0x1, s0, s25, $0xb8;
	[tilespmem:$0xF8C0] =	vst v63  }
0x2fb: {  	s3 =	simm.s32 $0x1;
	s26 =	spop (v2sf)  }
0x2fc: {  	_ =	swait.ge [sflag:s3], $0x1000  }
0x2fd: {  	[sflag:s3] =	ssyncset.done $0x0  }
0x2fe: {  	s28 =	simm.s32 $0x2000;
	[sflag:s3] =	ssyncadd.s32 $0xFFFFF000  }
0x2ff: {  	[spmem:s13] =	stream.indirect.scatter [tilespmem:s28], [sflag:$0x1], $0x1, s0, s25, $0xb8;
	[tilespmem:$0xF8C0] =	vst v63  }
0x300: {  	_ =	swait.ge [sflag:s3], $0x1000  }
0x301: {  	[sflag:s3] =	ssyncset.done $0x0  }
0x302: {  	[sflag:s3] =	ssyncadd.s32 $0xFFFFF000  }
0x303: {  	s29 =	simm.s32 $0x4000;
	s20 =	rddreg [dreg:$0x7]  }
0x304: {  	[spmem:s20] =	stream.indirect.scatter [tilespmem:s28], [sflag:$0x1], $0x1, s29, s25, $0xb8;
	[tilespmem:$0xF8C0] =	vst v63  }
0x305: {  	_ =	swait.ge [sflag:s3], $0x1000  }
0x306: {  	[sflag:s3] =	ssyncset.done $0x0  }
0x307: {  	[sflag:s3] =	ssyncadd.s32 $0xFFFFF000  }
0x308: {  	s30 =	simm.s32 $0xE080;
	[bflag:$0x0] =	sbarrier.arrive $0xFFFF  }
0x309: {  	[tilespmem:s30], [sflag:$0x1] =	stream.linear.gather [spmem:s12], $0x200, $0x38;
	[tilespmem:$0xF8C0] =	vst v63  }
0x30a: {  	_ =	swait.ge [sflag:s3], $0x200  }
0x30b: {  	s31 =	simm.s32 $0xE280;
	[sflag:s3] =	ssyncset.done $0x0  }
0x30c: {  	s24 =	smov.u32 s10;
	s10 =	rddreg [dreg:$0xb];
	[sflag:s3] =	ssyncadd.s32 $0xFFFFFE00  }
0x30d: {  	[tilespmem:s31], [sflag:$0x1] =	stream.linear.gather [spmem:s10], $0x200, $0x38;
	[tilespmem:$0xF8C0] =	vst v63  }
0x30e: {  	_ =	swait.ge [sflag:s3], $0x200  }
0x30f: {  	[sflag:s3] =	ssyncset.done $0x0  }
0x310: {  	v1 =	vimm.s32 $0x0;
	[sflag:s3] =	ssyncadd.s32 $0xFFFFFE00  }
0x311: {  	[tilespmem:$0x5000] =	vst v1  }
0x312: {  	[tilespmem:$0x5010] =	vst v1  }
0x313: {  	[tilespmem:$0x5020] =	vst v1  }
0x314: {  	[tilespmem:$0x5030] =	vst v1  }
0x315: {  	[tilespmem:$0x5040] =	vst v1  }
0x316: {  	[tilespmem:$0x5050] =	vst v1  }
0x317: {  	[tilespmem:$0x5060] =	vst v1  }
0x318: {  	[tilespmem:$0x5070] =	vst v1  }
0x319: {  	[tilespmem:$0x5080] =	vst v1  }
0x31a: {  	[tilespmem:$0x5090] =	vst v1  }
0x31b: {  	[tilespmem:$0x50A0] =	vst v1  }
0x31c: {  	[tilespmem:$0x50B0] =	vst v1  }
0x31d: {  	[tilespmem:$0x50C0] =	vst v1  }
0x31e: {  	[tilespmem:$0x50D0] =	vst v1  }
0x31f: {  	s15 =	simm.s32 $0x5000;
	s16 =	simm.s32 $0x40;
	[tilespmem:$0x50E0] =	vst v1  }
0x320: {  	s17 =	simm.s32 $0x0;
	s22 =	smov.u32 s11;
	s21 =	smov.u32 s4;
	[tilespmem:$0x50F0] =	vst v1;
	v1 =	vimm.s32 $0x1  }
.LBB2_40:
0x321: {  	p2 =	sne.s32 s16, $0x7C0;
	v2 =	vld [tilespmem:s17+$0xE080];
	_ =	sdelay $0x4  }
0x322: {  	v2 =	vand.u32 $0xFF, v2  }
.Ltmp20:
0x323: {  	(pc) =	sbr.rel @p2 .LBB2_40-.Ltmp20, $2  }
0x324: {  	_ =	sdelay $0x2  }
0x325: {  	s17 =	sshra.s32 s16, $0x2;
	s16 =	sadd.s32 $0x40, s16;
	[tilespmem:v2+s15+$0x0] =	vst.idx.add.s32.msk $0xffff, v1  }
0x326: {  	v2 =	vld [tilespmem:s17+$0xE080];
	_ =	sdelay $0x4  }
0x327: {  	v2 =	vand.u32 $0xFF, v2;
	_ =	sdelay $0x3  }
0x328: {  	s0 =	simm.s32 $0x80  }
0x329: {  	s1 =	simm.s32 $0x400;
	s28 =	simm.s32 $0x1;
	[tilespmem:v2+s15+$0x0] =	vst.idx.add.s32.msk $0xffff, v1;
	s15 =	simm.s32 $0x5000  }
0x32a: {  	[spmem:s5] =	stream.strided.scatter [tilespmem:s15], [sflag:$0x1], $0x800, s1, s0, $0x38;
	[tilespmem:$0xF8C0] =	vst v63  }
0x32b: {  	_ =	swait.ge [sflag:s28], $0x800  }
0x32c: {  	[sflag:s28] =	ssyncset.done $0x0  }
0x32d: {  	[sflag:s28] =	ssyncadd.s32 $0xFFFFF800  }
0x32e: {  	[bflag:$0x0] =	sbarrier.arrive $0xFFFF  }
0x32f: {  	s29 =	simm.s32 $0x5800;
	s4 =	rddreg [dreg:$0x4]  }
0x330: {  	[tilespmem:s29], [sflag:$0x1] =	stream.linear.gather [spmem:s4], $0x8000, $0x38;
	[tilespmem:$0xF8C0] =	vst v63  }
0x331: {  	s16 =	simm.s32 $0x0;
	_ =	swait.ge [sflag:s28], $0x8000  }
0x332: {  	s30 =	sand.u32 $0x70, s16;
	s3 =	sand.u32 $0x400, s16;
	[sflag:s28] =	ssyncset.done $0x0  }
0x333: {  	s31 =	sor.u32 s30, s3;
	[sflag:s28] =	ssyncadd.s32 $0xFFFF8000  }
0x334: {  	v1 =	vld [tilespmem:s31+$0x5880]  }
0x335: {  	v2 =	vld [tilespmem:s31+$0x5800]  }
0x336: {  	v3 =	vld [tilespmem:s31+$0x5900]  }
0x337: {  	v4 =	vld [tilespmem:s31+$0x5980]  }
0x338: {  	v5 =	vld [tilespmem:s31+$0x5A00]  }
0x339: {  	v6 =	vld [tilespmem:s31+$0x5A80]  }
0x33a: {  	v8 =	vld [tilespmem:s31+$0x5B00];
	v7 =	vadd.s32 v2, v1  }
0x33b: {  	v9 =	vld [tilespmem:s31+$0x5B80];
	v7 =	vadd.s32 v3, v7  }
0x33c: {  	v10 =	vld [tilespmem:s31+$0x9800];
	v7 =	vadd.s32 v4, v7  }
0x33d: {  	v11 =	vld [tilespmem:s31+$0x9880];
	v7 =	vadd.s32 v5, v7  }
0x33e: {  	v12 =	vld [tilespmem:s31+$0x9900];
	v7 =	vadd.s32 v6, v7  }
0x33f: {  	v13 =	vld [tilespmem:s31+$0x9980];
	v7 =	vadd.s32 v8, v7  }
0x340: {  	s1 =	sld [smem:$0x7F2];
	v14 =	vld [tilespmem:s31+$0x9A00];
	v7 =	vadd.s32 v9, v7  }
0x341: {  	s3 =	sld [smem:$0x7F3];
	v15 =	vld [tilespmem:s31+$0x9A80];
	v7 =	vadd.s32 v10, v7  }
0x342: {  	s6 =	sld [smem:$0x7F4];
	v16 =	vld [tilespmem:s31+$0x9B00];
	v7 =	vadd.s32 v11, v7  }
0x343: {  	s7 =	sld [smem:$0x7F5];
	v17 =	vld [tilespmem:s31+$0x9B80];
	p3 =	seq.s32 s1, $0x1;
	v7 =	vadd.s32 v12, v7  }
0x344: {  	s11 =	sld [smem:$0x7F6];
	p0 =	seq.s32 s3, $0x1;
	v2 =	vpsel p3, $0x0, v2;
	v7 =	vadd.s32 v13, v7  }
0x345: {  	s17 =	sld [smem:$0x7F1];
	v1 =	vpsel !p0, $0x0, v1;
	v2 =	vadd.s32 s16, v2;
	v7 =	vadd.s32 v14, v7  }
0x346: {  	s18 =	sld [smem:$0x7F7];
	v3 =	vpsel !p6, $0x0, v3;
	v1 =	vadd.s32 v1, v2;
	v7 =	vadd.s32 v15, v7  }
0x347: {  	s19 =	sld [smem:$0x7F8];
	p4 =	seq.s32 s6, $0x1;
	v2 =	vpsel !p5, $0x0, v4;
	v1 =	vadd.s32 v3, v1;
	v7 =	vadd.s32 v16, v7  }
0x348: {  	p1 =	seq.s32 s7, $0x1;
	p2 =	seq.s32 s11, $0x1;
	p0 =	por p6, p6;
	v3 =	vpsel !p4, $0x0, v5;
	v1 =	vadd.s32 v2, v1;
	v60 =	vadd.s32 v17, v7  }
0x349: {  	p6 =	por p5, p5;
	p5 =	por p4, p4;
	p4 =	seq.s32 s17, $0x1;
	v2 =	vpsel !p1, $0x0, v6;
	v1 =	vadd.s32 v3, v1;
	(xrf0) =	vadd.scan.msk.s32 $0xffff, v60  }
0x34a: {  	s23 =	sld [smem:$0x7F0];
	v3 =	vpsel !p2, $0x0, v8;
	v1 =	vadd.s32 v2, v1;
	v2 =	vpsel !p4, $0x0, v9;
	p4 =	seq.s32 s18, $0x1  }
0x34b: {  	s25 =	sld [smem:$0x7F9];
	v1 =	vadd.s32 v3, v1;
	v3 =	vpsel !p4, $0x0, v10;
	p4 =	seq.s32 s19, $0x1  }
0x34c: {  	s26 =	sld [smem:$0x7FA];
	v1 =	vadd.s32 v2, v1;
	v2 =	vpsel !p4, $0x0, v11  }
0x34d: {  	s28 =	sld [smem:$0x7FB];
	p4 =	seq.s32 s23, $0x1;
	v1 =	vadd.s32 v3, v1  }
0x34e: {  	s29 =	sld [smem:$0x7FC];
	v3 =	vpsel !p4, $0x0, v12;
	p4 =	seq.s32 s25, $0x1;
	v1 =	vadd.s32 v2, v1  }
0x34f: {  	v61 =	vpsel !p4, $0x0, v13;
	p4 =	seq.s32 s26, $0x1;
	v1 =	vadd.s32 v3, v1;
	v2, _, _ =	vpop (xrf0)  }
0x350: {  	v62 =	vpsel !p4, $0x0, v14;
	p4 =	seq.s32 s28, $0x1;
	v1 =	vadd.s32 v61, v1;
	v3 =	vxor.u32 $0x80000000, v2  }
0x351: {  	v1 =	vadd.s32 v62, v1;
	(xrf0) =	vmax.scan.msk.u32 $0xffff, v3;
	v3 =	vpsel !p4, $0x0, v15;
	p4 =	seq.s32 s29, $0x1  }
0x352: {  	v63 =	vpsel !p4, $0x0, v16;
	v1 =	vadd.s32 v3, v1  }
0x353: {  	v1 =	vadd.s32 v63, v1  }
0x354: {  	v1 =	vsub.s32 v1, v60  }
0x355: {  	v1 =	vadd.s32 v2, v1  }
0x356: {  	s30 =	simm.s32 $0x10;
	s17 =	simm.s32 $0x80  }
0x357: {  	s0 =	sand.u32 $0x70, s30;
	s31 =	sand.u32 $0x400, s17  }
0x358: {  	s18 =	simm.s32 $0x20;
	s19 =	sor.u32 s0, s31;
	[tilespmem:s15+$0x0] =	vst v1;
	v1, _, _ =	vpop (xrf0)  }
.LBB2_42:
0x359: {  	v2 =	vld [tilespmem:s19+$0x5880];
	(v2sf) =	vpush v1, $0xF  }
0x35a: {  	v1 =	vld [tilespmem:s19+$0x5800]  }
0x35b: {  	v3 =	vld [tilespmem:s19+$0x5900];
	s0 =	sld [smem:$0x7F3]  }
0x35c: {  	v4 =	vld [tilespmem:s19+$0x5980]  }
0x35d: {  	v5 =	vld [tilespmem:s19+$0x5A00]  }
0x35e: {  	v7 =	vld [tilespmem:s19+$0x5A80];
	p4 =	seq.s32 s0, $0x1  }
0x35f: {  	v6 =	vpsel !p4, $0x0, v2;
	v8 =	vpsel p3, $0x0, v1;
	v1 =	vadd.s32 v1, v2;
	v2 =	vld [tilespmem:s19+$0x5B00]  }
0x360: {  	v9 =	vld [tilespmem:s19+$0x5B80];
	v1 =	vadd.s32 v3, v1  }
0x361: {  	v10 =	vld [tilespmem:s19+$0x9800];
	v1 =	vadd.s32 v4, v1  }
0x362: {  	v11 =	vld [tilespmem:s19+$0x9880];
	v1 =	vadd.s32 v5, v1  }
0x363: {  	v12 =	vld [tilespmem:s19+$0x9900];
	v1 =	vadd.s32 v7, v1  }
0x364: {  	v13 =	vld [tilespmem:s19+$0x9980];
	v1 =	vadd.s32 v2, v1  }
0x365: {  	v14 =	vld [tilespmem:s19+$0x9A00];
	v1 =	vadd.s32 v9, v1  }
0x366: {  	v15 =	vld [tilespmem:s19+$0x9A80];
	v1 =	vadd.s32 v10, v1  }
0x367: {  	v16 =	vld [tilespmem:s19+$0x9B00];
	v1 =	vadd.s32 v11, v1  }
0x368: {  	v17 =	vld [tilespmem:s19+$0x9B80];
	v1 =	vadd.s32 v12, v1;
	s25 =	spop (v2sf)  }
0x369: {  	v1 =	vadd.s32 v13, v1;
	s0 =	sadd.s32 s25, s16  }
0x36a: {  	v1 =	vadd.s32 v14, v1;
	s16 =	sadd.s32 $0x80000000, s0  }
0x36b: {  	v1 =	vadd.s32 v15, v1;
	v8 =	vadd.s32 s16, v8  }
0x36c: {  	s3 =	sld [smem:$0x7F6];
	v3 =	vpsel !p0, $0x0, v3;
	v1 =	vadd.s32 v16, v1;
	v6 =	vadd.s32 v6, v8  }
0x36d: {  	s6 =	sld [smem:$0x7F1];
	v4 =	vpsel !p6, $0x0, v4;
	v1 =	vadd.s32 v17, v1;
	v3 =	vadd.s32 v3, v6  }
0x36e: {  	s7 =	sld [smem:$0x7F7];
	v5 =	vpsel !p5, $0x0, v5;
	(xrf0) =	vadd.scan.msk.s32 $0xffff, v1;
	v3 =	vadd.s32 v4, v3  }
0x36f: {  	s11 =	sld [smem:$0x7F8];
	p4 =	seq.s32 s3, $0x1;
	v7 =	vpsel !p1, $0x0, v7;
	v3 =	vadd.s32 v5, v3  }
0x370: {  	s23 =	sld [smem:$0x7F0];
	v2 =	vpsel !p4, $0x0, v2;
	p4 =	seq.s32 s6, $0x1;
	v3 =	vadd.s32 v7, v3  }
0x371: {  	s1 =	sld [smem:$0x7F9];
	v9 =	vpsel !p4, $0x0, v9;
	p4 =	seq.s32 s7, $0x1;
	v2 =	vadd.s32 v2, v3  }
0x372: {  	s26 =	sld [smem:$0x7FA];
	v10 =	vpsel !p4, $0x0, v10;
	p4 =	seq.s32 s11, $0x1;
	v2 =	vadd.s32 v9, v2  }
0x373: {  	s28 =	sld [smem:$0x7FB];
	v11 =	vpsel !p4, $0x0, v11;
	p4 =	seq.s32 s23, $0x1;
	v2 =	vadd.s32 v10, v2  }
0x374: {  	s29 =	sld [smem:$0x7FC];
	v12 =	vpsel !p4, $0x0, v12;
	p4 =	seq.s32 s1, $0x1;
	v3, _, _ =	vpop (xrf0);
	v2 =	vadd.s32 v11, v2  }
0x375: {  	v13 =	vpsel !p4, $0x0, v13;
	p4 =	seq.s32 s26, $0x1;
	v62 =	vxor.u32 $0x80000000, v3;
	v2 =	vadd.s32 v12, v2  }
0x376: {  	v14 =	vpsel !p4, $0x0, v14;
	p4 =	seq.s32 s28, $0x1;
	(xrf0) =	vmax.scan.msk.u32 $0xffff, v62;
	v2 =	vadd.s32 v13, v2  }
0x377: {  	p2 =	sne.s32 s18, $0xF0;
	v15 =	vpsel !p4, $0x0, v15;
	p4 =	seq.s32 s29, $0x1;
	v2 =	vadd.s32 v14, v2  }
.Ltmp21:
0x378: {  	v16 =	vpsel !p4, $0x0, v16;
	v2 =	vadd.s32 v15, v2;
	(pc) =	sbr.rel @p2 .LBB2_42-.Ltmp21, $4  }
0x379: {  	v2 =	vadd.s32 v16, v2  }
0x37a: {  	s17 =	sadd.s32 $0x80, s17;
	v63 =	vsub.s32 v2, v1  }
0x37b: {  	s30 =	sand.u32 $0x70, s18;
	s15 =	sadd.s32 $0x10, s15;
	s31 =	sand.u32 $0x400, s17;
	v2 =	vadd.s32 v3, v63  }
0x37c: {  	s18 =	sadd.s32 $0x10, s18;
	s19 =	sor.u32 s30, s31;
	v1, _, _ =	vpop (xrf0);
	[tilespmem:s15+$0x0] =	vst v2  }
0x37d: {  	(v2sf) =	vpush v1, $0xF;
	_ =	sdelay $0x5  }
0x37e: {  	v1 =	vld [tilespmem:s19+$0x5880]  }
0x37f: {  	v2 =	vld [tilespmem:s19+$0x5800]  }
0x380: {  	v3 =	vld [tilespmem:s19+$0x5900]  }
0x381: {  	v4 =	vld [tilespmem:s19+$0x5980]  }
0x382: {  	v5 =	vld [tilespmem:s19+$0x5A00]  }
0x383: {  	v6 =	vld [tilespmem:s19+$0x5A80]  }
0x384: {  	v8 =	vld [tilespmem:s19+$0x5B00];
	v7 =	vadd.s32 v2, v1  }
0x385: {  	v9 =	vld [tilespmem:s19+$0x5B80];
	v7 =	vadd.s32 v3, v7  }
0x386: {  	v10 =	vld [tilespmem:s19+$0x9800];
	s1 =	sld [smem:$0x7F3];
	v7 =	vadd.s32 v4, v7  }
0x387: {  	v11 =	vld [tilespmem:s19+$0x9880];
	v7 =	vadd.s32 v5, v7;
	s0 =	spop (v2sf)  }
0x388: {  	v12 =	vld [tilespmem:s19+$0x9900];
	v7 =	vadd.s32 v6, v7;
	s0 =	sadd.s32 s0, s16  }
0x389: {  	v13 =	vld [tilespmem:s19+$0x9980];
	p2 =	seq.s32 s1, $0x1;
	v2 =	vpsel p3, $0x0, v2;
	v7 =	vadd.s32 v8, v7;
	s0 =	sadd.s32 $0x80000000, s0  }
0x38a: {  	v14 =	vld [tilespmem:s19+$0x9A00];
	s17 =	sld [smem:$0x7F1];
	v1 =	vpsel !p2, $0x0, v1;
	v7 =	vadd.s32 v9, v7;
	v2 =	vadd.s32 s0, v2  }
0x38b: {  	v15 =	vld [tilespmem:s19+$0x9A80];
	v3 =	vpsel !p0, $0x0, v3;
	v7 =	vadd.s32 v10, v7;
	s16 =	sld [smem:$0x7F6];
	v1 =	vadd.s32 v1, v2  }
0x38c: {  	v62 =	vld [tilespmem:s19+$0x9B00];
	s18 =	sld [smem:$0x7F7];
	v61 =	vadd.s32 v11, v7;
	v2 =	vpsel !p6, $0x0, v4;
	v1 =	vadd.s32 v3, v1  }
0x38d: {  	v63 =	vld [tilespmem:s19+$0x9B80];
	s19 =	sld [smem:$0x7F8];
	s0 =	simm.s32 @!p0 $0x0;
	v4 =	vadd.s32 v12, v61;
	v3 =	vpsel !p5, $0x0, v5;
	v1 =	vadd.s32 v2, v1  }
0x38e: {  	s23 =	sld [smem:$0x7F0];
	s0 =	simm.s32 @p0 $0x1;
	p4 =	seq.s32 s16, $0x1;
	v4 =	vadd.s32 v13, v4;
	v2 =	vpsel !p1, $0x0, v6;
	v1 =	vadd.s32 v3, v1  }
0x38f: {  	[smem:$0x7EE] =	sst s0;
	s0 =	simm.s32 @!p6 $0x0;
	p5 =	seq.s32 s17, $0x1;
	v4 =	vadd.s32 v14, v4;
	v3 =	vpsel !p4, $0x0, v8;
	v1 =	vadd.s32 v2, v1  }
0x390: {  	s25 =	sld [smem:$0x7F9];
	s0 =	simm.s32 @p6 $0x1;
	p6 =	seq.s32 s18, $0x1;
	v4 =	vadd.s32 v15, v4;
	v2 =	vpsel !p5, $0x0, v9;
	v1 =	vadd.s32 v3, v1  }
0x391: {  	s26 =	sld [smem:$0x7FA];
	p1 =	seq.s32 s19, $0x1;
	v4 =	vadd.s32 v62, v4;
	v3 =	vpsel !p6, $0x0, v10;
	v1 =	vadd.s32 v2, v1  }
0x392: {  	s28 =	sld [smem:$0x7FB];
	p2 =	seq.s32 s23, $0x1;
	v4 =	vadd.s32 v63, v4;
	v2 =	vpsel !p1, $0x0, v11;
	v1 =	vadd.s32 v3, v1  }
0x393: {  	s29 =	sld [smem:$0x7FC];
	p3 =	seq.s32 s25, $0x1;
	(xrf0) =	vadd.scan.msk.s32 $0xffff, v4;
	v3 =	vpsel !p2, $0x0, v12;
	v1 =	vadd.s32 v2, v1  }
0x394: {  	p4 =	seq.s32 s26, $0x1;
	v2 =	vpsel !p3, $0x0, v13;
	v1 =	vadd.s32 v3, v1  }
0x395: {  	p5 =	seq.s32 s28, $0x1;
	v3 =	vpsel !p4, $0x0, v14;
	v1 =	vadd.s32 v2, v1  }
0x396: {  	p6 =	seq.s32 s29, $0x1;
	v2 =	vpsel !p5, $0x0, v15;
	v1 =	vadd.s32 v3, v1  }
0x397: {  	v3 =	vpsel !p6, $0x0, v62;
	v1 =	vadd.s32 v2, v1  }
0x398: {  	v1 =	vadd.s32 v3, v1  }
0x399: {  	v2, _, _ =	vpop (xrf0);
	v1 =	vsub.s32 v1, v4  }
0x39a: {  	s30 =	sadd.s32 $0x10, s15;
	v1 =	vadd.s32 v2, v1  }
0x39b: {  	s16 =	simm.s32 $0x0;
	[tilespmem:s30+$0x0] =	vst v1  }
0x39c: {  	v1 =	vld [tilespmem:s16+$0xE080];
	_ =	sdelay $0x2  }
0x39d: {  	v2 =	vxor.u32 $0x80000000, v2  }
0x39e: {  	(xrf0) =	vmax.scan.msk.u32 $0xffff, v2  }
0x39f: {  	v2 =	vand.u32 $0xFF, v1  }
0x3a0: {  	(xrf1) =	vunique.msk.u32 $0xffff, v2;
	_ =	sdelay $0x3  }
0x3a1: {  	v1, _, _ =	vpop (xrf0)  }
0x3a2: {  	(v2sf) =	vpush v1, $0xF;
	_ =	sdelay $0x7  }
0x3a3: {  	s15 =	simm.s32 $0x5000  }
0x3a4: {  	v1 =	vld.idx.msk [tilespmem:v2+s15+$0x0], $0xffff;
	_, v3, vm0 =	vpop (xrf1);
	_ =	sdelay $0x4  }
0x3a5: {  	s17 =	simm.s32 $0x80;
	v3 =	vadd.s32 v1, v3  }
0x3a6: {  	s18 =	simm.s32 $0x10;
	[smem:$0x7EF] =	sst s0;
	s31 =	spop (v2sf);
	v1 =	vadd.s32 $0xFFFFFFFF, v3;
	[tilespmem:v2+s15+$0x0] =	vst.idx.msk vm0, v3  }
.LBB2_44:
0x3a7: {  	p2 =	sne.s32 s17, $0x7C0;
	v2 =	vld [tilespmem:s18+$0xE080];
	[tilespmem:s16+$0xE480] =	vst v1;
	s0 =	smov.u32 s17;
	s17 =	sadd.s32 $0x40, s17  }
0x3a8: {  	s16 =	smov.u32 s18;
	_ =	sdelay $0x3  }
0x3a9: {  	v2 =	vand.u32 $0xFF, v2  }
0x3aa: {  	(xrf1) =	vunique.msk.u32 $0xffff, v2;
	_ =	sdelay $0xc  }
0x3ab: {  	v1 =	vld.idx.msk [tilespmem:v2+s15+$0x0], $0xffff  }
0x3ac: {  	_, v3, vm0 =	vpop (xrf1);
	_ =	sdelay $0x1  }
.Ltmp22:
0x3ad: {  	(pc) =	sbr.rel @p2 .LBB2_44-.Ltmp22, $3  }
0x3ae: {  	_ =	sdelay $0x1  }
0x3af: {  	v3 =	vadd.s32 v1, v3  }
0x3b0: {  	s18 =	sshra.s32 s0, $0x2;
	v1 =	vadd.s32 $0xFFFFFFFF, v3;
	[tilespmem:v2+s15+$0x0] =	vst.idx.msk vm0, v3  }
0x3b1: {  	v2 =	vld [tilespmem:s18+$0xE080];
	_ =	sdelay $0x4  }
0x3b2: {  	v2 =	vand.u32 $0xFF, v2  }
0x3b3: {  	(xrf1) =	vunique.msk.u32 $0xffff, v2;
	_ =	sdelay $0xc  }
0x3b4: {  	[tilespmem:s16+$0xE480] =	vst v1  }
0x3b5: {  	v1 =	vld.idx.msk [tilespmem:v2+s15+$0x0], $0xffff;
	_, v3, vm0 =	vpop (xrf1);
	_ =	sdelay $0x4  }
0x3b6: {  	v1 =	vadd.s32 v1, v3  }
0x3b7: {  	s0 =	simm.s32 $0x200;
	v3 =	vadd.s32 $0xFFFFFFFF, v1;
	[tilespmem:v2+s15+$0x0] =	vst.idx.msk vm0, v1  }
0x3b8: {  	s1 =	simm.s32 $0xE480;
	s3 =	simm.s32 $0xE080;
	s6 =	simm.s32 $0x1;
	[tilespmem:s18+$0xE480] =	vst v3  }
0x3b9: {  	[spmem:s22] =	stream.indirect.scatter [tilespmem:s3], [sflag:$0x1], $0x1, s1, s0, $0xb8;
	[tilespmem:$0xF8C0] =	vst v63  }
0x3ba: {  	_ =	swait.ge [sflag:s6], $0x200  }
0x3bb: {  	[sflag:s6] =	ssyncset.done $0x0  }
0x3bc: {  	s7 =	simm.s32 $0xE280;
	[sflag:s6] =	ssyncadd.s32 $0xFFFFFE00  }
0x3bd: {  	[spmem:s21] =	stream.indirect.scatter [tilespmem:s7], [sflag:$0x1], $0x1, s1, s0, $0xb8;
	[tilespmem:$0xF8C0] =	vst v63  }
0x3be: {  	_ =	swait.ge [sflag:s6], $0x200  }
0x3bf: {  	[sflag:s6] =	ssyncset.done $0x0  }
0x3c0: {  	[sflag:s6] =	ssyncadd.s32 $0xFFFFFE00  }
0x3c1: {  	[bflag:$0x0] =	sbarrier.arrive $0xFFFF  }
0x3c2: {  	[tilespmem:s3], [sflag:$0x1] =	stream.linear.gather [spmem:s9], $0x200, $0x38;
	[tilespmem:$0xF8C0] =	vst v63  }
0x3c3: {  	_ =	swait.ge [sflag:s6], $0x200  }
0x3c4: {  	[sflag:s6] =	ssyncset.done $0x0  }
0x3c5: {  	[sflag:s6] =	ssyncadd.s32 $0xFFFFFE00  }
0x3c6: {  	[tilespmem:s7], [sflag:$0x1] =	stream.linear.gather [spmem:s8], $0x200, $0x38;
	[tilespmem:$0xF8C0] =	vst v63  }
0x3c7: {  	_ =	swait.ge [sflag:s6], $0x200  }
0x3c8: {  	[sflag:s6] =	ssyncset.done $0x0  }
0x3c9: {  	v1 =	vimm.s32 $0x0;
	[sflag:s6] =	ssyncadd.s32 $0xFFFFFE00  }
0x3ca: {  	[tilespmem:$0x5000] =	vst v1  }
0x3cb: {  	[tilespmem:$0x5010] =	vst v1  }
0x3cc: {  	[tilespmem:$0x5020] =	vst v1  }
0x3cd: {  	[tilespmem:$0x5030] =	vst v1  }
0x3ce: {  	[tilespmem:$0x5040] =	vst v1  }
0x3cf: {  	[tilespmem:$0x5050] =	vst v1  }
0x3d0: {  	[tilespmem:$0x5060] =	vst v1  }
0x3d1: {  	[tilespmem:$0x5070] =	vst v1  }
0x3d2: {  	[tilespmem:$0x5080] =	vst v1  }
0x3d3: {  	[tilespmem:$0x5090] =	vst v1  }
0x3d4: {  	[tilespmem:$0x50A0] =	vst v1  }
0x3d5: {  	[tilespmem:$0x50B0] =	vst v1  }
0x3d6: {  	[tilespmem:$0x50C0] =	vst v1  }
0x3d7: {  	[tilespmem:$0x50D0] =	vst v1  }
0x3d8: {  	[tilespmem:$0x50E0] =	vst v1  }
0x3d9: {  	s17 =	simm.s32 $0x0;
	s16 =	simm.s32 $0x40;
	s15 =	simm.s32 $0x5000;
	[tilespmem:$0x50F0] =	vst v1;
	v1 =	vimm.s32 $0x1  }
.LBB2_46:
0x3da: {  	p2 =	sne.s32 s16, $0x7C0;
	v2 =	vld [tilespmem:s17+$0xE080];
	_ =	sdelay $0x4  }
0x3db: {  	v2 =	vshrl.u32 v2, $0x8  }
0x3dc: {  	v2 =	vand.u32 $0xFF, v2  }
.Ltmp23:
0x3dd: {  	(pc) =	sbr.rel @p2 .LBB2_46-.Ltmp23, $2  }
0x3de: {  	_ =	sdelay $0x2  }
0x3df: {  	s17 =	sshra.s32 s16, $0x2;
	s16 =	sadd.s32 $0x40, s16;
	[tilespmem:v2+s15+$0x0] =	vst.idx.add.s32.msk $0xffff, v1  }
0x3e0: {  	v2 =	vld [tilespmem:s17+$0xE080];
	_ =	sdelay $0x4  }
0x3e1: {  	v2 =	vshrl.u32 v2, $0x8  }
0x3e2: {  	v2 =	vand.u32 $0xFF, v2;
	_ =	sdelay $0x3  }
0x3e3: {  	s0 =	simm.s32 $0x80  }
0x3e4: {  	s1 =	simm.s32 $0x400;
	s25 =	simm.s32 $0x1;
	[tilespmem:v2+s15+$0x0] =	vst.idx.add.s32.msk $0xffff, v1;
	s15 =	simm.s32 $0x5000  }
0x3e5: {  	[spmem:s5] =	stream.strided.scatter [tilespmem:s15], [sflag:$0x1], $0x800, s1, s0, $0x38;
	[tilespmem:$0xF8C0] =	vst v63  }
0x3e6: {  	_ =	swait.ge [sflag:s25], $0x800  }
0x3e7: {  	[sflag:s25] =	ssyncset.done $0x0  }
0x3e8: {  	[sflag:s25] =	ssyncadd.s32 $0xFFFFF800  }
0x3e9: {  	s26 =	simm.s32 $0x5800;
	[bflag:$0x0] =	sbarrier.arrive $0xFFFF  }
0x3ea: {  	[tilespmem:s26], [sflag:$0x1] =	stream.linear.gather [spmem:s4], $0x8000, $0x38;
	[tilespmem:$0xF8C0] =	vst v63  }
0x3eb: {  	s16 =	simm.s32 $0x0;
	_ =	swait.ge [sflag:s25], $0x8000  }
0x3ec: {  	s28 =	sand.u32 $0x70, s16;
	s3 =	sand.u32 $0x400, s16;
	[sflag:s25] =	ssyncset.done $0x0  }
0x3ed: {  	s29 =	sor.u32 s28, s3;
	[sflag:s25] =	ssyncadd.s32 $0xFFFF8000  }
0x3ee: {  	v1 =	vld [tilespmem:s29+$0x5880]  }
0x3ef: {  	v2 =	vld [tilespmem:s29+$0x5800]  }
0x3f0: {  	v3 =	vld [tilespmem:s29+$0x5900]  }
0x3f1: {  	v4 =	vld [tilespmem:s29+$0x5980]  }
0x3f2: {  	v5 =	vld [tilespmem:s29+$0x5A00]  }
0x3f3: {  	v6 =	vld [tilespmem:s29+$0x5A80]  }
0x3f4: {  	v8 =	vld [tilespmem:s29+$0x5B00];
	v7 =	vadd.s32 v2, v1  }
0x3f5: {  	v9 =	vld [tilespmem:s29+$0x5B80];
	v7 =	vadd.s32 v3, v7  }
0x3f6: {  	v10 =	vld [tilespmem:s29+$0x9800];
	v7 =	vadd.s32 v4, v7  }
0x3f7: {  	v11 =	vld [tilespmem:s29+$0x9880];
	v7 =	vadd.s32 v5, v7  }
0x3f8: {  	v12 =	vld [tilespmem:s29+$0x9900];
	v7 =	vadd.s32 v6, v7  }
0x3f9: {  	s30 =	sld [smem:$0x7F2];
	v13 =	vld [tilespmem:s29+$0x9980];
	v7 =	vadd.s32 v8, v7  }
0x3fa: {  	s31 =	sld [smem:$0x7F3];
	v14 =	vld [tilespmem:s29+$0x9A00];
	v7 =	vadd.s32 v9, v7  }
0x3fb: {  	s1 =	sld [smem:$0x7EE];
	v15 =	vld [tilespmem:s29+$0x9A80];
	v7 =	vadd.s32 v10, v7  }
0x3fc: {  	s3 =	sld [smem:$0x7EF];
	v16 =	vld [tilespmem:s29+$0x9B00];
	v7 =	vadd.s32 v11, v7  }
0x3fd: {  	s6 =	sld [smem:$0x7F4];
	v17 =	vld [tilespmem:s29+$0x9B80];
	p3 =	seq.s32 s30, $0x1;
	v7 =	vadd.s32 v12, v7  }
0x3fe: {  	s7 =	sld [smem:$0x7F5];
	p1 =	seq.s32 s31, $0x1;
	v2 =	vpsel p3, $0x0, v2;
	v7 =	vadd.s32 v13, v7  }
0x3ff: {  	s11 =	sld [smem:$0x7F6];
	p0 =	seq.s32 s1, $0x1;
	v1 =	vpsel !p1, $0x0, v1;
	v2 =	vadd.s32 s16, v2;
	v7 =	vadd.s32 v14, v7  }
0x400: {  	s17 =	sld [smem:$0x7F1];
	p6 =	seq.s32 s3, $0x1;
	v3 =	vpsel !p0, $0x0, v3;
	v1 =	vadd.s32 v1, v2;
	v7 =	vadd.s32 v15, v7  }
0x401: {  	s18 =	sld [smem:$0x7F7];
	p5 =	seq.s32 s6, $0x1;
	v2 =	vpsel !p6, $0x0, v4;
	v1 =	vadd.s32 v3, v1;
	v7 =	vadd.s32 v16, v7  }
0x402: {  	s19 =	sld [smem:$0x7F8];
	p2 =	seq.s32 s7, $0x1;
	p4 =	seq.s32 s11, $0x1;
	v3 =	vpsel !p5, $0x0, v5;
	v1 =	vadd.s32 v2, v1;
	v60 =	vadd.s32 v17, v7  }
0x403: {  	v2 =	vpsel !p2, $0x0, v6;
	v1 =	vadd.s32 v3, v1;
	v3 =	vpsel !p4, $0x0, v8;
	p4 =	seq.s32 s17, $0x1;
	(xrf0) =	vadd.scan.msk.s32 $0xffff, v60  }
0x404: {  	s23 =	sld [smem:$0x7F0];
	v1 =	vadd.s32 v2, v1;
	v2 =	vpsel !p4, $0x0, v9;
	p4 =	seq.s32 s18, $0x1  }
0x405: {  	s25 =	sld [smem:$0x7F9];
	v1 =	vadd.s32 v3, v1;
	v3 =	vpsel !p4, $0x0, v10;
	p4 =	seq.s32 s19, $0x1  }
0x406: {  	s26 =	sld [smem:$0x7FA];
	v1 =	vadd.s32 v2, v1;
	v2 =	vpsel !p4, $0x0, v11  }
0x407: {  	s28 =	sld [smem:$0x7FB];
	p4 =	seq.s32 s23, $0x1;
	v1 =	vadd.s32 v3, v1  }
0x408: {  	s29 =	sld [smem:$0x7FC];
	v3 =	vpsel !p4, $0x0, v12;
	p4 =	seq.s32 s25, $0x1;
	v1 =	vadd.s32 v2, v1  }
0x409: {  	v61 =	vpsel !p4, $0x0, v13;
	p4 =	seq.s32 s26, $0x1;
	v1 =	vadd.s32 v3, v1;
	v2, _, _ =	vpop (xrf0)  }
0x40a: {  	v62 =	vpsel !p4, $0x0, v14;
	p4 =	seq.s32 s28, $0x1;
	v1 =	vadd.s32 v61, v1;
	v3 =	vxor.u32 $0x80000000, v2  }
0x40b: {  	v1 =	vadd.s32 v62, v1;
	(xrf0) =	vmax.scan.msk.u32 $0xffff, v3;
	v3 =	vpsel !p4, $0x0, v15;
	p4 =	seq.s32 s29, $0x1  }
0x40c: {  	v63 =	vpsel !p4, $0x0, v16;
	v1 =	vadd.s32 v3, v1  }
0x40d: {  	v1 =	vadd.s32 v63, v1  }
0x40e: {  	v1 =	vsub.s32 v1, v60  }
0x40f: {  	v1 =	vadd.s32 v2, v1  }
0x410: {  	s30 =	simm.s32 $0x10;
	s17 =	simm.s32 $0x80  }
0x411: {  	s0 =	sand.u32 $0x70, s30;
	s31 =	sand.u32 $0x400, s17  }
0x412: {  	s18 =	simm.s32 $0x20;
	s19 =	sor.u32 s0, s31;
	[tilespmem:s15+$0x0] =	vst v1;
	v1, _, _ =	vpop (xrf0)  }
.LBB2_48:
0x413: {  	v2 =	vld [tilespmem:s19+$0x5880];
	(v2sf) =	vpush v1, $0xF  }
0x414: {  	v1 =	vld [tilespmem:s19+$0x5800]  }
0x415: {  	v3 =	vld [tilespmem:s19+$0x5900]  }
0x416: {  	v4 =	vld [tilespmem:s19+$0x5980]  }
0x417: {  	v5 =	vld [tilespmem:s19+$0x5A00]  }
0x418: {  	v7 =	vld [tilespmem:s19+$0x5A80]  }
0x419: {  	v6 =	vpsel !p1, $0x0, v2;
	v8 =	vpsel p3, $0x0, v1;
	v1 =	vadd.s32 v1, v2;
	v2 =	vld [tilespmem:s19+$0x5B00]  }
0x41a: {  	v9 =	vld [tilespmem:s19+$0x5B80];
	v1 =	vadd.s32 v3, v1  }
0x41b: {  	v10 =	vld [tilespmem:s19+$0x9800];
	v1 =	vadd.s32 v4, v1  }
0x41c: {  	v11 =	vld [tilespmem:s19+$0x9880];
	v1 =	vadd.s32 v5, v1  }
0x41d: {  	v12 =	vld [tilespmem:s19+$0x9900];
	v1 =	vadd.s32 v7, v1  }
0x41e: {  	v13 =	vld [tilespmem:s19+$0x9980];
	v1 =	vadd.s32 v2, v1  }
0x41f: {  	v14 =	vld [tilespmem:s19+$0x9A00];
	v1 =	vadd.s32 v9, v1  }
0x420: {  	s0 =	sld [smem:$0x7F5];
	v15 =	vld [tilespmem:s19+$0x9A80];
	v1 =	vadd.s32 v10, v1  }
0x421: {  	v16 =	vld [tilespmem:s19+$0x9B00];
	v1 =	vadd.s32 v11, v1  }
0x422: {  	v17 =	vld [tilespmem:s19+$0x9B80];
	v1 =	vadd.s32 v12, v1;
	s25 =	spop (v2sf)  }
0x423: {  	p4 =	seq.s32 s0, $0x1;
	v1 =	vadd.s32 v13, v1;
	s0 =	sadd.s32 s25, s16  }
0x424: {  	v1 =	vadd.s32 v14, v1;
	s16 =	sadd.s32 $0x80000000, s0  }
0x425: {  	v1 =	vadd.s32 v15, v1;
	v8 =	vadd.s32 s16, v8  }
0x426: {  	s3 =	sld [smem:$0x7F6];
	v3 =	vpsel !p0, $0x0, v3;
	v1 =	vadd.s32 v16, v1;
	v6 =	vadd.s32 v6, v8  }
0x427: {  	s6 =	sld [smem:$0x7F1];
	v4 =	vpsel !p6, $0x0, v4;
	v1 =	vadd.s32 v17, v1;
	v3 =	vadd.s32 v3, v6  }
0x428: {  	s7 =	sld [smem:$0x7F7];
	v5 =	vpsel !p5, $0x0, v5;
	(xrf0) =	vadd.scan.msk.s32 $0xffff, v1;
	v3 =	vadd.s32 v4, v3  }
0x429: {  	s11 =	sld [smem:$0x7F8];
	v7 =	vpsel !p4, $0x0, v7;
	p4 =	seq.s32 s3, $0x1;
	v3 =	vadd.s32 v5, v3  }
0x42a: {  	s23 =	sld [smem:$0x7F0];
	v2 =	vpsel !p4, $0x0, v2;
	p4 =	seq.s32 s6, $0x1;
	v3 =	vadd.s32 v7, v3  }
0x42b: {  	s1 =	sld [smem:$0x7F9];
	v9 =	vpsel !p4, $0x0, v9;
	p4 =	seq.s32 s7, $0x1;
	v2 =	vadd.s32 v2, v3  }
0x42c: {  	s26 =	sld [smem:$0x7FA];
	v10 =	vpsel !p4, $0x0, v10;
	p4 =	seq.s32 s11, $0x1;
	v2 =	vadd.s32 v9, v2  }
0x42d: {  	s28 =	sld [smem:$0x7FB];
	v11 =	vpsel !p4, $0x0, v11;
	p4 =	seq.s32 s23, $0x1;
	v2 =	vadd.s32 v10, v2  }
0x42e: {  	s29 =	sld [smem:$0x7FC];
	v12 =	vpsel !p4, $0x0, v12;
	p4 =	seq.s32 s1, $0x1;
	v3, _, _ =	vpop (xrf0);
	v2 =	vadd.s32 v11, v2  }
0x42f: {  	v13 =	vpsel !p4, $0x0, v13;
	p4 =	seq.s32 s26, $0x1;
	v62 =	vxor.u32 $0x80000000, v3;
	v2 =	vadd.s32 v12, v2  }
0x430: {  	v14 =	vpsel !p4, $0x0, v14;
	p4 =	seq.s32 s28, $0x1;
	(xrf0) =	vmax.scan.msk.u32 $0xffff, v62;
	v2 =	vadd.s32 v13, v2  }
0x431: {  	p2 =	sne.s32 s18, $0xF0;
	v15 =	vpsel !p4, $0x0, v15;
	p4 =	seq.s32 s29, $0x1;
	v2 =	vadd.s32 v14, v2  }
.Ltmp24:
0x432: {  	v16 =	vpsel !p4, $0x0, v16;
	v2 =	vadd.s32 v15, v2;
	(pc) =	sbr.rel @p2 .LBB2_48-.Ltmp24, $4  }
0x433: {  	v2 =	vadd.s32 v16, v2  }
0x434: {  	s17 =	sadd.s32 $0x80, s17;
	v63 =	vsub.s32 v2, v1  }
0x435: {  	s30 =	sand.u32 $0x70, s18;
	s15 =	sadd.s32 $0x10, s15;
	s31 =	sand.u32 $0x400, s17;
	v2 =	vadd.s32 v3, v63  }
0x436: {  	s18 =	sadd.s32 $0x10, s18;
	s19 =	sor.u32 s30, s31;
	v1, _, _ =	vpop (xrf0);
	[tilespmem:s15+$0x0] =	vst v2  }
0x437: {  	(v2sf) =	vpush v1, $0xF;
	_ =	sdelay $0x5  }
0x438: {  	v1 =	vld [tilespmem:s19+$0x5880]  }
0x439: {  	v2 =	vld [tilespmem:s19+$0x5800]  }
0x43a: {  	v3 =	vld [tilespmem:s19+$0x5900]  }
0x43b: {  	v4 =	vld [tilespmem:s19+$0x5980]  }
0x43c: {  	v5 =	vld [tilespmem:s19+$0x5A00]  }
0x43d: {  	v6 =	vld [tilespmem:s19+$0x5A80]  }
0x43e: {  	v8 =	vld [tilespmem:s19+$0x5B00];
	v7 =	vadd.s32 v2, v1  }
0x43f: {  	v9 =	vld [tilespmem:s19+$0x5B80];
	v7 =	vadd.s32 v3, v7  }
0x440: {  	v10 =	vld [tilespmem:s19+$0x9800];
	v7 =	vadd.s32 v4, v7  }
0x441: {  	v11 =	vld [tilespmem:s19+$0x9880];
	v7 =	vadd.s32 v5, v7;
	s0 =	spop (v2sf)  }
0x442: {  	v12 =	vld [tilespmem:s19+$0x9900];
	v7 =	vadd.s32 v6, v7;
	s0 =	sadd.s32 s0, s16  }
0x443: {  	v13 =	vld [tilespmem:s19+$0x9980];
	v2 =	vpsel p3, $0x0, v2;
	v7 =	vadd.s32 v8, v7;
	s0 =	sadd.s32 $0x80000000, s0  }
0x444: {  	v14 =	vld [tilespmem:s19+$0x9A00];
	s11 =	sld [smem:$0x7F5];
	v1 =	vpsel !p1, $0x0, v1;
	v7 =	vadd.s32 v9, v7;
	v2 =	vadd.s32 s0, v2  }
0x445: {  	v15 =	vld [tilespmem:s19+$0x9A80];
	v3 =	vpsel !p0, $0x0, v3;
	v7 =	vadd.s32 v10, v7;
	s16 =	sld [smem:$0x7F6];
	v1 =	vadd.s32 v1, v2  }
0x446: {  	v62 =	vld [tilespmem:s19+$0x9B00];
	s17 =	sld [smem:$0x7F1];
	v61 =	vadd.s32 v11, v7;
	v2 =	vpsel !p6, $0x0, v4;
	v1 =	vadd.s32 v3, v1  }
0x447: {  	v63 =	vld [tilespmem:s19+$0x9B80];
	s18 =	sld [smem:$0x7F7];
	p3 =	seq.s32 s11, $0x1;
	v4 =	vadd.s32 v12, v61;
	v3 =	vpsel !p5, $0x0, v5;
	v1 =	vadd.s32 v2, v1  }
0x448: {  	s19 =	sld [smem:$0x7F8];
	p4 =	seq.s32 s16, $0x1;
	v4 =	vadd.s32 v13, v4;
	v2 =	vpsel !p3, $0x0, v6;
	v1 =	vadd.s32 v3, v1  }
0x449: {  	s23 =	sld [smem:$0x7F0];
	p5 =	seq.s32 s17, $0x1;
	v4 =	vadd.s32 v14, v4;
	v3 =	vpsel !p4, $0x0, v8;
	v1 =	vadd.s32 v2, v1  }
0x44a: {  	s25 =	sld [smem:$0x7F9];
	p6 =	seq.s32 s18, $0x1;
	v4 =	vadd.s32 v15, v4;
	v2 =	vpsel !p5, $0x0, v9;
	v1 =	vadd.s32 v3, v1  }
0x44b: {  	s26 =	sld [smem:$0x7FA];
	p1 =	seq.s32 s19, $0x1;
	v4 =	vadd.s32 v62, v4;
	v3 =	vpsel !p6, $0x0, v10;
	v1 =	vadd.s32 v2, v1  }
0x44c: {  	s28 =	sld [smem:$0x7FB];
	p2 =	seq.s32 s23, $0x1;
	v4 =	vadd.s32 v63, v4;
	v2 =	vpsel !p1, $0x0, v11;
	v1 =	vadd.s32 v3, v1  }
0x44d: {  	s29 =	sld [smem:$0x7FC];
	p3 =	seq.s32 s25, $0x1;
	(xrf0) =	vadd.scan.msk.s32 $0xffff, v4;
	v3 =	vpsel !p2, $0x0, v12;
	v1 =	vadd.s32 v2, v1  }
0x44e: {  	p4 =	seq.s32 s26, $0x1;
	v2 =	vpsel !p3, $0x0, v13;
	v1 =	vadd.s32 v3, v1  }
0x44f: {  	p5 =	seq.s32 s28, $0x1;
	v3 =	vpsel !p4, $0x0, v14;
	v1 =	vadd.s32 v2, v1  }
0x450: {  	p6 =	seq.s32 s29, $0x1;
	v2 =	vpsel !p5, $0x0, v15;
	v1 =	vadd.s32 v3, v1  }
0x451: {  	v3 =	vpsel !p6, $0x0, v62;
	v1 =	vadd.s32 v2, v1  }
0x452: {  	v1 =	vadd.s32 v3, v1  }
0x453: {  	v2, _, _ =	vpop (xrf0);
	v1 =	vsub.s32 v1, v4  }
0x454: {  	s30 =	sadd.s32 $0x10, s15;
	v1 =	vadd.s32 v2, v1  }
0x455: {  	s15 =	simm.s32 $0x0;
	[tilespmem:s30+$0x0] =	vst v1  }
0x456: {  	v1 =	vld [tilespmem:s15+$0xE080];
	_ =	sdelay $0x3  }
0x457: {  	v2 =	vxor.u32 $0x80000000, v2  }
0x458: {  	(xrf0) =	vmax.scan.msk.u32 $0xffff, v2;
	v1 =	vshrl.u32 v1, $0x8  }
0x459: {  	v2 =	vand.u32 $0xFF, v1  }
0x45a: {  	(xrf1) =	vunique.msk.u32 $0xffff, v2;
	_ =	sdelay $0x3  }
0x45b: {  	v1, _, _ =	vpop (xrf0)  }
0x45c: {  	(v2sf) =	vpush v1, $0xF;
	_ =	sdelay $0x7  }
0x45d: {  	s16 =	simm.s32 $0x5000  }
0x45e: {  	v1 =	vld.idx.msk [tilespmem:v2+s16+$0x0], $0xffff;
	_, v3, vm0 =	vpop (xrf1);
	_ =	sdelay $0x4  }
0x45f: {  	v3 =	vadd.s32 v1, v3  }
0x460: {  	s18 =	simm.s32 $0x10;
	s17 =	simm.s32 $0x80;
	v1 =	vadd.s32 $0xFFFFFFFF, v3;
	s31 =	spop (v2sf);
	[tilespmem:v2+s16+$0x0] =	vst.idx.msk vm0, v3  }
.LBB2_50:
0x461: {  	p2 =	sne.s32 s17, $0x7C0;
	v2 =	vld [tilespmem:s18+$0xE080];
	[tilespmem:s15+$0xE480] =	vst v1;
	s0 =	smov.u32 s17;
	s17 =	sadd.s32 $0x40, s17  }
0x462: {  	s15 =	smov.u32 s18;
	_ =	sdelay $0x3  }
0x463: {  	v1 =	vshrl.u32 v2, $0x8  }
0x464: {  	v2 =	vand.u32 $0xFF, v1  }
0x465: {  	(xrf1) =	vunique.msk.u32 $0xffff, v2;
	_ =	sdelay $0xc  }
0x466: {  	v1 =	vld.idx.msk [tilespmem:v2+s16+$0x0], $0xffff  }
0x467: {  	_, v3, vm0 =	vpop (xrf1);
	_ =	sdelay $0x1  }
.Ltmp25:
0x468: {  	(pc) =	sbr.rel @p2 .LBB2_50-.Ltmp25, $3  }
0x469: {  	_ =	sdelay $0x1  }
0x46a: {  	v3 =	vadd.s32 v1, v3  }
0x46b: {  	s18 =	sshra.s32 s0, $0x2;
	v1 =	vadd.s32 $0xFFFFFFFF, v3;
	[tilespmem:v2+s16+$0x0] =	vst.idx.msk vm0, v3  }
0x46c: {  	v2 =	vld [tilespmem:s18+$0xE080];
	_ =	sdelay $0x4  }
0x46d: {  	v2 =	vshrl.u32 v2, $0x8  }
0x46e: {  	v2 =	vand.u32 $0xFF, v2  }
0x46f: {  	(xrf1) =	vunique.msk.u32 $0xffff, v2;
	_ =	sdelay $0xc  }
0x470: {  	[tilespmem:s15+$0xE480] =	vst v1  }
0x471: {  	v1 =	vld.idx.msk [tilespmem:v2+s16+$0x0], $0xffff;
	_, v3, vm0 =	vpop (xrf1);
	_ =	sdelay $0x4  }
0x472: {  	v1 =	vadd.s32 v1, v3  }
0x473: {  	s0 =	simm.s32 $0x200;
	v3 =	vadd.s32 $0xFFFFFFFF, v1;
	[tilespmem:v2+s16+$0x0] =	vst.idx.msk vm0, v1  }
0x474: {  	s1 =	simm.s32 $0xE480;
	s3 =	simm.s32 $0xE080;
	s6 =	simm.s32 $0x1;
	[tilespmem:s18+$0xE480] =	vst v3  }
0x475: {  	[spmem:s24] =	stream.indirect.scatter [tilespmem:s3], [sflag:$0x1], $0x1, s1, s0, $0xb8;
	[tilespmem:$0xF8C0] =	vst v63  }
0x476: {  	_ =	swait.ge [sflag:s6], $0x200  }
0x477: {  	[sflag:s6] =	ssyncset.done $0x0  }
0x478: {  	s7 =	simm.s32 $0xE280;
	[sflag:s6] =	ssyncadd.s32 $0xFFFFFE00  }
0x479: {  	[spmem:s13] =	stream.indirect.scatter [tilespmem:s7], [sflag:$0x1], $0x1, s1, s0, $0xb8;
	[tilespmem:$0xF8C0] =	vst v63  }
0x47a: {  	_ =	swait.ge [sflag:s6], $0x200  }
0x47b: {  	[sflag:s6] =	ssyncset.done $0x0  }
0x47c: {  	[sflag:s6] =	ssyncadd.s32 $0xFFFFFE00  }
0x47d: {  	[bflag:$0x0] =	sbarrier.arrive $0xFFFF  }
0x47e: {  	[tilespmem:s3], [sflag:$0x1] =	stream.linear.gather [spmem:s12], $0x200, $0x38;
	[tilespmem:$0xF8C0] =	vst v63  }
0x47f: {  	_ =	swait.ge [sflag:s6], $0x200  }
0x480: {  	[sflag:s6] =	ssyncset.done $0x0  }
0x481: {  	[sflag:s6] =	ssyncadd.s32 $0xFFFFFE00  }
0x482: {  	[tilespmem:s7], [sflag:$0x1] =	stream.linear.gather [spmem:s10], $0x200, $0x38;
	[tilespmem:$0xF8C0] =	vst v63  }
0x483: {  	_ =	swait.ge [sflag:s6], $0x200  }
0x484: {  	[sflag:s6] =	ssyncset.done $0x0  }
0x485: {  	v1 =	vimm.s32 $0x0;
	[sflag:s6] =	ssyncadd.s32 $0xFFFFFE00  }
0x486: {  	[tilespmem:$0x5000] =	vst v1  }
0x487: {  	[tilespmem:$0x5010] =	vst v1  }
0x488: {  	[tilespmem:$0x5020] =	vst v1  }
0x489: {  	[tilespmem:$0x5030] =	vst v1  }
0x48a: {  	[tilespmem:$0x5040] =	vst v1  }
0x48b: {  	[tilespmem:$0x5050] =	vst v1  }
0x48c: {  	[tilespmem:$0x5060] =	vst v1  }
0x48d: {  	[tilespmem:$0x5070] =	vst v1  }
0x48e: {  	[tilespmem:$0x5080] =	vst v1  }
0x48f: {  	[tilespmem:$0x5090] =	vst v1  }
0x490: {  	[tilespmem:$0x50A0] =	vst v1  }
0x491: {  	[tilespmem:$0x50B0] =	vst v1  }
0x492: {  	[tilespmem:$0x50C0] =	vst v1  }
0x493: {  	[tilespmem:$0x50D0] =	vst v1  }
0x494: {  	[tilespmem:$0x50E0] =	vst v1  }
0x495: {  	s11 =	simm.s32 $0x40;
	s12 =	simm.s32 $0x0;
	s10 =	simm.s32 $0x5000;
	[tilespmem:$0x50F0] =	vst v1;
	v1 =	vimm.s32 $0x1  }
.LBB2_52:
0x496: {  	p2 =	sne.s32 s11, $0x7C0;
	v2 =	vld [tilespmem:s12+$0xE080];
	_ =	sdelay $0x4  }
0x497: {  	v2 =	vshrl.u32 v2, $0x10  }
0x498: {  	v2 =	vand.u32 $0xFF, v2  }
.Ltmp26:
0x499: {  	(pc) =	sbr.rel @p2 .LBB2_52-.Ltmp26, $2  }
0x49a: {  	_ =	sdelay $0x2  }
0x49b: {  	s12 =	sshra.s32 s11, $0x2;
	s11 =	sadd.s32 $0x40, s11;
	[tilespmem:v2+s10+$0x0] =	vst.idx.add.s32.msk $0xffff, v1  }
0x49c: {  	v2 =	vld [tilespmem:s12+$0xE080];
	_ =	sdelay $0x4  }
0x49d: {  	v2 =	vshrl.u32 v2, $0x10  }
0x49e: {  	v2 =	vand.u32 $0xFF, v2;
	_ =	sdelay $0x3  }
0x49f: {  	s0 =	simm.s32 $0x80  }
0x4a0: {  	s1 =	simm.s32 $0x400;
	s29 =	simm.s32 $0x1;
	[tilespmem:v2+s10+$0x0] =	vst.idx.add.s32.msk $0xffff, v1;
	s10 =	simm.s32 $0x5000  }
0x4a1: {  	[spmem:s5] =	stream.strided.scatter [tilespmem:s10], [sflag:$0x1], $0x800, s1, s0, $0x38;
	[tilespmem:$0xF8C0] =	vst v63  }
0x4a2: {  	_ =	swait.ge [sflag:s29], $0x800  }
0x4a3: {  	[sflag:s29] =	ssyncset.done $0x0  }
0x4a4: {  	[sflag:s29] =	ssyncadd.s32 $0xFFFFF800  }
0x4a5: {  	s30 =	simm.s32 $0x5800;
	[bflag:$0x0] =	sbarrier.arrive $0xFFFF  }
0x4a6: {  	[tilespmem:s30], [sflag:$0x1] =	stream.linear.gather [spmem:s4], $0x8000, $0x38;
	[tilespmem:$0xF8C0] =	vst v63  }
0x4a7: {  	s11 =	simm.s32 $0x0;
	_ =	swait.ge [sflag:s29], $0x8000  }
0x4a8: {  	s31 =	sand.u32 $0x70, s11;
	s3 =	sand.u32 $0x400, s11;
	[sflag:s29] =	ssyncset.done $0x0  }
0x4a9: {  	s3 =	sor.u32 s31, s3;
	[sflag:s29] =	ssyncadd.s32 $0xFFFF8000  }
0x4aa: {  	v1 =	vld [tilespmem:s3+$0x5880]  }
0x4ab: {  	v2 =	vld [tilespmem:s3+$0x5800]  }
0x4ac: {  	v3 =	vld [tilespmem:s3+$0x5900]  }
0x4ad: {  	v4 =	vld [tilespmem:s3+$0x5980]  }
0x4ae: {  	v5 =	vld [tilespmem:s3+$0x5A00]  }
0x4af: {  	v6 =	vld [tilespmem:s3+$0x5A80]  }
0x4b0: {  	v8 =	vld [tilespmem:s3+$0x5B00];
	v7 =	vadd.s32 v2, v1  }
0x4b1: {  	v9 =	vld [tilespmem:s3+$0x5B80];
	v7 =	vadd.s32 v3, v7  }
0x4b2: {  	v10 =	vld [tilespmem:s3+$0x9800];
	v7 =	vadd.s32 v4, v7  }
0x4b3: {  	v11 =	vld [tilespmem:s3+$0x9880];
	v7 =	vadd.s32 v5, v7  }
0x4b4: {  	v12 =	vld [tilespmem:s3+$0x9900];
	v7 =	vadd.s32 v6, v7  }
0x4b5: {  	s6 =	sld [smem:$0x7F2];
	v13 =	vld [tilespmem:s3+$0x9980];
	v7 =	vadd.s32 v8, v7  }
0x4b6: {  	s7 =	sld [smem:$0x7F3];
	v14 =	vld [tilespmem:s3+$0x9A00];
	v7 =	vadd.s32 v9, v7  }
0x4b7: {  	s12 =	sld [smem:$0x7EE];
	v15 =	vld [tilespmem:s3+$0x9A80];
	v7 =	vadd.s32 v10, v7  }
0x4b8: {  	s13 =	sld [smem:$0x7EF];
	v16 =	vld [tilespmem:s3+$0x9B00];
	v7 =	vadd.s32 v11, v7  }
0x4b9: {  	s15 =	sld [smem:$0x7F4];
	v17 =	vld [tilespmem:s3+$0x9B80];
	p3 =	seq.s32 s6, $0x1;
	v7 =	vadd.s32 v12, v7  }
0x4ba: {  	s16 =	sld [smem:$0x7F5];
	p1 =	seq.s32 s7, $0x1;
	v2 =	vpsel p3, $0x0, v2;
	v7 =	vadd.s32 v13, v7  }
0x4bb: {  	s17 =	sld [smem:$0x7F6];
	p0 =	seq.s32 s12, $0x1;
	v1 =	vpsel !p1, $0x0, v1;
	v2 =	vadd.s32 s11, v2;
	v7 =	vadd.s32 v14, v7  }
0x4bc: {  	s18 =	sld [smem:$0x7F1];
	p6 =	seq.s32 s13, $0x1;
	v3 =	vpsel !p0, $0x0, v3;
	v1 =	vadd.s32 v1, v2;
	v7 =	vadd.s32 v15, v7  }
0x4bd: {  	s19 =	sld [smem:$0x7F7];
	p5 =	seq.s32 s15, $0x1;
	v2 =	vpsel !p6, $0x0, v4;
	v1 =	vadd.s32 v3, v1;
	v7 =	vadd.s32 v16, v7  }
0x4be: {  	s23 =	sld [smem:$0x7F8];
	p2 =	seq.s32 s16, $0x1;
	p4 =	seq.s32 s17, $0x1;
	v3 =	vpsel !p5, $0x0, v5;
	v1 =	vadd.s32 v2, v1;
	v60 =	vadd.s32 v17, v7  }
0x4bf: {  	v2 =	vpsel !p2, $0x0, v6;
	v1 =	vadd.s32 v3, v1;
	v3 =	vpsel !p4, $0x0, v8;
	p4 =	seq.s32 s18, $0x1;
	(xrf0) =	vadd.scan.msk.s32 $0xffff, v60  }
0x4c0: {  	s24 =	sld [smem:$0x7F0];
	v1 =	vadd.s32 v2, v1;
	v2 =	vpsel !p4, $0x0, v9;
	p4 =	seq.s32 s19, $0x1  }
0x4c1: {  	s25 =	sld [smem:$0x7F9];
	v1 =	vadd.s32 v3, v1;
	v3 =	vpsel !p4, $0x0, v10;
	p4 =	seq.s32 s23, $0x1  }
0x4c2: {  	s26 =	sld [smem:$0x7FA];
	v1 =	vadd.s32 v2, v1;
	v2 =	vpsel !p4, $0x0, v11  }
0x4c3: {  	s28 =	sld [smem:$0x7FB];
	p4 =	seq.s32 s24, $0x1;
	v1 =	vadd.s32 v3, v1  }
0x4c4: {  	s29 =	sld [smem:$0x7FC];
	v3 =	vpsel !p4, $0x0, v12;
	p4 =	seq.s32 s25, $0x1;
	v1 =	vadd.s32 v2, v1  }
0x4c5: {  	v61 =	vpsel !p4, $0x0, v13;
	p4 =	seq.s32 s26, $0x1;
	v1 =	vadd.s32 v3, v1;
	v2, _, _ =	vpop (xrf0)  }
0x4c6: {  	v62 =	vpsel !p4, $0x0, v14;
	p4 =	seq.s32 s28, $0x1;
	v1 =	vadd.s32 v61, v1;
	v3 =	vxor.u32 $0x80000000, v2  }
0x4c7: {  	v1 =	vadd.s32 v62, v1;
	(xrf0) =	vmax.scan.msk.u32 $0xffff, v3;
	v3 =	vpsel !p4, $0x0, v15;
	p4 =	seq.s32 s29, $0x1  }
0x4c8: {  	v63 =	vpsel !p4, $0x0, v16;
	v1 =	vadd.s32 v3, v1  }
0x4c9: {  	v1 =	vadd.s32 v63, v1  }
0x4ca: {  	v1 =	vsub.s32 v1, v60  }
0x4cb: {  	v1 =	vadd.s32 v2, v1  }
0x4cc: {  	s30 =	simm.s32 $0x10;
	s12 =	simm.s32 $0x80  }
0x4cd: {  	s0 =	sand.u32 $0x70, s30;
	s31 =	sand.u32 $0x400, s12  }
0x4ce: {  	s13 =	simm.s32 $0x20;
	s15 =	sor.u32 s0, s31;
	[tilespmem:s10+$0x0] =	vst v1;
	v1, _, _ =	vpop (xrf0)  }
.LBB2_54:
0x4cf: {  	v2 =	vld [tilespmem:s15+$0x5880];
	(v2sf) =	vpush v1, $0xF  }
0x4d0: {  	v1 =	vld [tilespmem:s15+$0x5800]  }
0x4d1: {  	v3 =	vld [tilespmem:s15+$0x5900]  }
0x4d2: {  	v4 =	vld [tilespmem:s15+$0x5980]  }
0x4d3: {  	v5 =	vld [tilespmem:s15+$0x5A00]  }
0x4d4: {  	v7 =	vld [tilespmem:s15+$0x5A80]  }
0x4d5: {  	v6 =	vpsel !p1, $0x0, v2;
	v8 =	vpsel p3, $0x0, v1;
	v1 =	vadd.s32 v1, v2;
	v2 =	vld [tilespmem:s15+$0x5B00]  }
0x4d6: {  	v9 =	vld [tilespmem:s15+$0x5B80];
	v1 =	vadd.s32 v3, v1  }
0x4d7: {  	v10 =	vld [tilespmem:s15+$0x9800];
	v1 =	vadd.s32 v4, v1  }
0x4d8: {  	v11 =	vld [tilespmem:s15+$0x9880];
	v1 =	vadd.s32 v5, v1  }
0x4d9: {  	v12 =	vld [tilespmem:s15+$0x9900];
	v1 =	vadd.s32 v7, v1  }
0x4da: {  	v13 =	vld [tilespmem:s15+$0x9980];
	v1 =	vadd.s32 v2, v1  }
0x4db: {  	v14 =	vld [tilespmem:s15+$0x9A00];
	v1 =	vadd.s32 v9, v1  }
0x4dc: {  	s0 =	sld [smem:$0x7F5];
	v15 =	vld [tilespmem:s15+$0x9A80];
	v1 =	vadd.s32 v10, v1  }
0x4dd: {  	v16 =	vld [tilespmem:s15+$0x9B00];
	v1 =	vadd.s32 v11, v1  }
0x4de: {  	v17 =	vld [tilespmem:s15+$0x9B80];
	v1 =	vadd.s32 v12, v1;
	s25 =	spop (v2sf)  }
0x4df: {  	p4 =	seq.s32 s0, $0x1;
	v1 =	vadd.s32 v13, v1;
	s0 =	sadd.s32 s25, s11  }
0x4e0: {  	v1 =	vadd.s32 v14, v1;
	s11 =	sadd.s32 $0x80000000, s0  }
0x4e1: {  	v1 =	vadd.s32 v15, v1;
	v8 =	vadd.s32 s11, v8  }
0x4e2: {  	s17 =	sld [smem:$0x7F6];
	v3 =	vpsel !p0, $0x0, v3;
	v1 =	vadd.s32 v16, v1;
	v6 =	vadd.s32 v6, v8  }
0x4e3: {  	s18 =	sld [smem:$0x7F1];
	v4 =	vpsel !p6, $0x0, v4;
	v1 =	vadd.s32 v17, v1;
	v3 =	vadd.s32 v3, v6  }
0x4e4: {  	s19 =	sld [smem:$0x7F7];
	v5 =	vpsel !p5, $0x0, v5;
	(xrf0) =	vadd.scan.msk.s32 $0xffff, v1;
	v3 =	vadd.s32 v4, v3  }
0x4e5: {  	s23 =	sld [smem:$0x7F8];
	v7 =	vpsel !p4, $0x0, v7;
	p4 =	seq.s32 s17, $0x1;
	v3 =	vadd.s32 v5, v3  }
0x4e6: {  	s24 =	sld [smem:$0x7F0];
	v2 =	vpsel !p4, $0x0, v2;
	p4 =	seq.s32 s18, $0x1;
	v3 =	vadd.s32 v7, v3  }
0x4e7: {  	s1 =	sld [smem:$0x7F9];
	v9 =	vpsel !p4, $0x0, v9;
	p4 =	seq.s32 s19, $0x1;
	v2 =	vadd.s32 v2, v3  }
0x4e8: {  	s26 =	sld [smem:$0x7FA];
	v10 =	vpsel !p4, $0x0, v10;
	p4 =	seq.s32 s23, $0x1;
	v2 =	vadd.s32 v9, v2  }
0x4e9: {  	s28 =	sld [smem:$0x7FB];
	v11 =	vpsel !p4, $0x0, v11;
	p4 =	seq.s32 s24, $0x1;
	v2 =	vadd.s32 v10, v2  }
0x4ea: {  	s29 =	sld [smem:$0x7FC];
	v12 =	vpsel !p4, $0x0, v12;
	p4 =	seq.s32 s1, $0x1;
	v3, _, _ =	vpop (xrf0);
	v2 =	vadd.s32 v11, v2  }
0x4eb: {  	v13 =	vpsel !p4, $0x0, v13;
	p4 =	seq.s32 s26, $0x1;
	v62 =	vxor.u32 $0x80000000, v3;
	v2 =	vadd.s32 v12, v2  }
0x4ec: {  	v14 =	vpsel !p4, $0x0, v14;
	p4 =	seq.s32 s28, $0x1;
	(xrf0) =	vmax.scan.msk.u32 $0xffff, v62;
	v2 =	vadd.s32 v13, v2  }
0x4ed: {  	p2 =	sne.s32 s13, $0xF0;
	v15 =	vpsel !p4, $0x0, v15;
	p4 =	seq.s32 s29, $0x1;
	v2 =	vadd.s32 v14, v2  }
.Ltmp27:
0x4ee: {  	v16 =	vpsel !p4, $0x0, v16;
	v2 =	vadd.s32 v15, v2;
	(pc) =	sbr.rel @p2 .LBB2_54-.Ltmp27, $4  }
0x4ef: {  	v2 =	vadd.s32 v16, v2  }
0x4f0: {  	s12 =	sadd.s32 $0x80, s12;
	v63 =	vsub.s32 v2, v1  }
0x4f1: {  	s30 =	sand.u32 $0x70, s13;
	s10 =	sadd.s32 $0x10, s10;
	s31 =	sand.u32 $0x400, s12;
	v2 =	vadd.s32 v3, v63  }
0x4f2: {  	s13 =	sadd.s32 $0x10, s13;
	s15 =	sor.u32 s30, s31;
	v1, _, _ =	vpop (xrf0);
	[tilespmem:s10+$0x0] =	vst v2  }
0x4f3: {  	(v2sf) =	vpush v1, $0xF;
	_ =	sdelay $0x5  }
0x4f4: {  	v1 =	vld [tilespmem:s15+$0x5880]  }
0x4f5: {  	v2 =	vld [tilespmem:s15+$0x5800]  }
0x4f6: {  	v3 =	vld [tilespmem:s15+$0x5900]  }
0x4f7: {  	v4 =	vld [tilespmem:s15+$0x5980]  }
0x4f8: {  	v5 =	vld [tilespmem:s15+$0x5A00]  }
0x4f9: {  	v6 =	vld [tilespmem:s15+$0x5A80]  }
0x4fa: {  	v8 =	vld [tilespmem:s15+$0x5B00];
	v7 =	vadd.s32 v2, v1  }
0x4fb: {  	v9 =	vld [tilespmem:s15+$0x5B80];
	v7 =	vadd.s32 v3, v7  }
0x4fc: {  	v10 =	vld [tilespmem:s15+$0x9800];
	v7 =	vadd.s32 v4, v7  }
0x4fd: {  	v11 =	vld [tilespmem:s15+$0x9880];
	v7 =	vadd.s32 v5, v7;
	s0 =	spop (v2sf)  }
0x4fe: {  	v12 =	vld [tilespmem:s15+$0x9900];
	v7 =	vadd.s32 v6, v7;
	s0 =	sadd.s32 s0, s11  }
0x4ff: {  	v13 =	vld [tilespmem:s15+$0x9980];
	v2 =	vpsel p3, $0x0, v2;
	v7 =	vadd.s32 v8, v7;
	s0 =	sadd.s32 $0x80000000, s0  }
0x500: {  	v14 =	vld [tilespmem:s15+$0x9A00];
	s16 =	sld [smem:$0x7F5];
	v1 =	vpsel !p1, $0x0, v1;
	v7 =	vadd.s32 v9, v7;
	v2 =	vadd.s32 s0, v2  }
0x501: {  	v15 =	vld [tilespmem:s15+$0x9A80];
	s17 =	sld [smem:$0x7F6];
	v3 =	vpsel !p0, $0x0, v3;
	v7 =	vadd.s32 v10, v7;
	v1 =	vadd.s32 v1, v2  }
0x502: {  	v62 =	vld [tilespmem:s15+$0x9B00];
	s18 =	sld [smem:$0x7F1];
	v61 =	vadd.s32 v11, v7;
	v2 =	vpsel !p6, $0x0, v4;
	v1 =	vadd.s32 v3, v1  }
0x503: {  	v63 =	vld [tilespmem:s15+$0x9B80];
	s19 =	sld [smem:$0x7F7];
	p3 =	seq.s32 s16, $0x1;
	v4 =	vadd.s32 v12, v61;
	v3 =	vpsel !p5, $0x0, v5;
	v1 =	vadd.s32 v2, v1  }
0x504: {  	s23 =	sld [smem:$0x7F8];
	p4 =	seq.s32 s17, $0x1;
	v4 =	vadd.s32 v13, v4;
	v2 =	vpsel !p3, $0x0, v6;
	v1 =	vadd.s32 v3, v1  }
0x505: {  	s24 =	sld [smem:$0x7F0];
	p5 =	seq.s32 s18, $0x1;
	v4 =	vadd.s32 v14, v4;
	v3 =	vpsel !p4, $0x0, v8;
	v1 =	vadd.s32 v2, v1  }
0x506: {  	s25 =	sld [smem:$0x7F9];
	p6 =	seq.s32 s19, $0x1;
	v4 =	vadd.s32 v15, v4;
	v2 =	vpsel !p5, $0x0, v9;
	v1 =	vadd.s32 v3, v1  }
0x507: {  	s26 =	sld [smem:$0x7FA];
	p1 =	seq.s32 s23, $0x1;
	v4 =	vadd.s32 v62, v4;
	v3 =	vpsel !p6, $0x0, v10;
	v1 =	vadd.s32 v2, v1  }
0x508: {  	s28 =	sld [smem:$0x7FB];
	p2 =	seq.s32 s24, $0x1;
	v4 =	vadd.s32 v63, v4;
	v2 =	vpsel !p1, $0x0, v11;
	v1 =	vadd.s32 v3, v1  }
0x509: {  	s29 =	sld [smem:$0x7FC];
	p3 =	seq.s32 s25, $0x1;
	(xrf0) =	vadd.scan.msk.s32 $0xffff, v4;
	v3 =	vpsel !p2, $0x0, v12;
	v1 =	vadd.s32 v2, v1  }
0x50a: {  	p4 =	seq.s32 s26, $0x1;
	v2 =	vpsel !p3, $0x0, v13;
	v1 =	vadd.s32 v3, v1  }
0x50b: {  	p5 =	seq.s32 s28, $0x1;
	v3 =	vpsel !p4, $0x0, v14;
	v1 =	vadd.s32 v2, v1  }
0x50c: {  	p6 =	seq.s32 s29, $0x1;
	v2 =	vpsel !p5, $0x0, v15;
	v1 =	vadd.s32 v3, v1  }
0x50d: {  	v3 =	vpsel !p6, $0x0, v62;
	v1 =	vadd.s32 v2, v1  }
0x50e: {  	v1 =	vadd.s32 v3, v1  }
0x50f: {  	v2, _, _ =	vpop (xrf0);
	v1 =	vsub.s32 v1, v4  }
0x510: {  	s30 =	sadd.s32 $0x10, s10;
	v1 =	vadd.s32 v2, v1  }
0x511: {  	s10 =	simm.s32 $0x0;
	[tilespmem:s30+$0x0] =	vst v1  }
0x512: {  	v1 =	vld [tilespmem:s10+$0xE080];
	_ =	sdelay $0x3  }
0x513: {  	v2 =	vxor.u32 $0x80000000, v2  }
0x514: {  	(xrf0) =	vmax.scan.msk.u32 $0xffff, v2;
	v1 =	vshrl.u32 v1, $0x10  }
0x515: {  	v2 =	vand.u32 $0xFF, v1  }
0x516: {  	(xrf1) =	vunique.msk.u32 $0xffff, v2;
	_ =	sdelay $0x3  }
0x517: {  	v1, _, _ =	vpop (xrf0)  }
0x518: {  	(v2sf) =	vpush v1, $0xF;
	_ =	sdelay $0x7  }
0x519: {  	s11 =	simm.s32 $0x5000  }
0x51a: {  	v1 =	vld.idx.msk [tilespmem:v2+s11+$0x0], $0xffff;
	_, v3, vm0 =	vpop (xrf1);
	_ =	sdelay $0x4  }
0x51b: {  	v3 =	vadd.s32 v1, v3  }
0x51c: {  	s12 =	simm.s32 $0x80;
	s13 =	simm.s32 $0x10;
	v1 =	vadd.s32 $0xFFFFFFFF, v3;
	s31 =	spop (v2sf);
	[tilespmem:v2+s11+$0x0] =	vst.idx.msk vm0, v3  }
.LBB2_56:
0x51d: {  	p2 =	sne.s32 s12, $0x7C0;
	v2 =	vld [tilespmem:s13+$0xE080];
	[tilespmem:s10+$0xE480] =	vst v1;
	s0 =	smov.u32 s12;
	s12 =	sadd.s32 $0x40, s12  }
0x51e: {  	s10 =	smov.u32 s13;
	_ =	sdelay $0x3  }
0x51f: {  	v1 =	vshrl.u32 v2, $0x10  }
0x520: {  	v2 =	vand.u32 $0xFF, v1  }
0x521: {  	(xrf1) =	vunique.msk.u32 $0xffff, v2;
	_ =	sdelay $0xc  }
0x522: {  	v1 =	vld.idx.msk [tilespmem:v2+s11+$0x0], $0xffff  }
0x523: {  	_, v3, vm0 =	vpop (xrf1);
	_ =	sdelay $0x1  }
.Ltmp28:
0x524: {  	(pc) =	sbr.rel @p2 .LBB2_56-.Ltmp28, $3  }
0x525: {  	_ =	sdelay $0x1  }
0x526: {  	v3 =	vadd.s32 v1, v3  }
0x527: {  	s13 =	sshra.s32 s0, $0x2;
	v1 =	vadd.s32 $0xFFFFFFFF, v3;
	[tilespmem:v2+s11+$0x0] =	vst.idx.msk vm0, v3  }
0x528: {  	v2 =	vld [tilespmem:s13+$0xE080];
	_ =	sdelay $0x4  }
0x529: {  	v2 =	vshrl.u32 v2, $0x10  }
0x52a: {  	v2 =	vand.u32 $0xFF, v2  }
0x52b: {  	(xrf1) =	vunique.msk.u32 $0xffff, v2;
	_ =	sdelay $0xc  }
0x52c: {  	[tilespmem:s10+$0xE480] =	vst v1  }
0x52d: {  	v1 =	vld.idx.msk [tilespmem:v2+s11+$0x0], $0xffff;
	_, v3, vm0 =	vpop (xrf1);
	_ =	sdelay $0x4  }
0x52e: {  	v1 =	vadd.s32 v1, v3  }
0x52f: {  	s0 =	simm.s32 $0x200;
	v3 =	vadd.s32 $0xFFFFFFFF, v1;
	[tilespmem:v2+s11+$0x0] =	vst.idx.msk vm0, v1  }
0x530: {  	s1 =	simm.s32 $0xE480;
	s3 =	simm.s32 $0xE080;
	s6 =	simm.s32 $0x1;
	[tilespmem:s13+$0xE480] =	vst v3  }
0x531: {  	[spmem:s22] =	stream.indirect.scatter [tilespmem:s3], [sflag:$0x1], $0x1, s1, s0, $0xb8;
	[tilespmem:$0xF8C0] =	vst v63  }
0x532: {  	_ =	swait.ge [sflag:s6], $0x200  }
0x533: {  	[sflag:s6] =	ssyncset.done $0x0  }
0x534: {  	s7 =	simm.s32 $0xE280;
	[sflag:s6] =	ssyncadd.s32 $0xFFFFFE00  }
0x535: {  	[spmem:s21] =	stream.indirect.scatter [tilespmem:s7], [sflag:$0x1], $0x1, s1, s0, $0xb8;
	[tilespmem:$0xF8C0] =	vst v63  }
0x536: {  	_ =	swait.ge [sflag:s6], $0x200  }
0x537: {  	[sflag:s6] =	ssyncset.done $0x0  }
0x538: {  	[sflag:s6] =	ssyncadd.s32 $0xFFFFFE00  }
0x539: {  	[bflag:$0x0] =	sbarrier.arrive $0xFFFF  }
0x53a: {  	[tilespmem:s3], [sflag:$0x1] =	stream.linear.gather [spmem:s9], $0x200, $0x38;
	[tilespmem:$0xF8C0] =	vst v63  }
0x53b: {  	_ =	swait.ge [sflag:s6], $0x200  }
0x53c: {  	[sflag:s6] =	ssyncset.done $0x0  }
0x53d: {  	[sflag:s6] =	ssyncadd.s32 $0xFFFFFE00  }
0x53e: {  	[tilespmem:s7], [sflag:$0x1] =	stream.linear.gather [spmem:s8], $0x200, $0x38;
	[tilespmem:$0xF8C0] =	vst v63  }
0x53f: {  	_ =	swait.ge [sflag:s6], $0x200  }
0x540: {  	[sflag:s6] =	ssyncset.done $0x0  }
0x541: {  	v1 =	vimm.s32 $0x0;
	[sflag:s6] =	ssyncadd.s32 $0xFFFFFE00  }
0x542: {  	[tilespmem:$0x5000] =	vst v1  }
0x543: {  	[tilespmem:$0x5010] =	vst v1  }
0x544: {  	[tilespmem:$0x5020] =	vst v1  }
0x545: {  	[tilespmem:$0x5030] =	vst v1  }
0x546: {  	[tilespmem:$0x5040] =	vst v1  }
0x547: {  	[tilespmem:$0x5050] =	vst v1  }
0x548: {  	[tilespmem:$0x5060] =	vst v1  }
0x549: {  	[tilespmem:$0x5070] =	vst v1  }
0x54a: {  	[tilespmem:$0x5080] =	vst v1  }
0x54b: {  	[tilespmem:$0x5090] =	vst v1  }
0x54c: {  	[tilespmem:$0x50A0] =	vst v1  }
0x54d: {  	[tilespmem:$0x50B0] =	vst v1  }
0x54e: {  	[tilespmem:$0x50C0] =	vst v1  }
0x54f: {  	[tilespmem:$0x50D0] =	vst v1  }
0x550: {  	[tilespmem:$0x50E0] =	vst v1  }
0x551: {  	s8 =	simm.s32 $0x0;
	s7 =	simm.s32 $0x40;
	s6 =	simm.s32 $0x5000;
	[tilespmem:$0x50F0] =	vst v1;
	v1 =	vimm.s32 $0x1  }
.LBB2_58:
0x552: {  	p2 =	sne.s32 s7, $0x7C0;
	v2 =	vld [tilespmem:s8+$0xE080];
	_ =	sdelay $0x4  }
0x553: {  	v2 =	vshrl.u32 v2, $0x18  }
.Ltmp29:
0x554: {  	(pc) =	sbr.rel @p2 .LBB2_58-.Ltmp29, $2  }
0x555: {  	_ =	sdelay $0x2  }
0x556: {  	s8 =	sshra.s32 s7, $0x2;
	s7 =	sadd.s32 $0x40, s7;
	[tilespmem:v2+s6+$0x0] =	vst.idx.add.s32.msk $0xffff, v1  }
0x557: {  	v2 =	vld [tilespmem:s8+$0xE080];
	_ =	sdelay $0x4  }
0x558: {  	v2 =	vshrl.u32 v2, $0x18;
	_ =	sdelay $0x3  }
0x559: {  	s0 =	simm.s32 $0x80  }
0x55a: {  	s1 =	simm.s32 $0x400;
	s8 =	simm.s32 $0x1;
	[tilespmem:v2+s6+$0x0] =	vst.idx.add.s32.msk $0xffff, v1;
	s6 =	simm.s32 $0x5000  }
0x55b: {  	[spmem:s5] =	stream.strided.scatter [tilespmem:s6], [sflag:$0x1], $0x800, s1, s0, $0x38;
	[tilespmem:$0xF8C0] =	vst v63  }
0x55c: {  	_ =	swait.ge [sflag:s8], $0x800  }
0x55d: {  	[sflag:s8] =	ssyncset.done $0x0  }
0x55e: {  	[sflag:s8] =	ssyncadd.s32 $0xFFFFF800  }
0x55f: {  	s9 =	simm.s32 $0x5800;
	[bflag:$0x0] =	sbarrier.arrive $0xFFFF  }
0x560: {  	[tilespmem:s9], [sflag:$0x1] =	stream.linear.gather [spmem:s4], $0x8000, $0x38;
	[tilespmem:$0xF8C0] =	vst v63  }
0x561: {  	s4 =	simm.s32 $0x0;
	_ =	swait.ge [sflag:s8], $0x8000  }
0x562: {  	s16 =	sand.u32 $0x70, s4;
	s17 =	sand.u32 $0x400, s4;
	[sflag:s8] =	ssyncset.done $0x0  }
0x563: {  	s0 =	sor.u32 s16, s17;
	[sflag:s8] =	ssyncadd.s32 $0xFFFF8000  }
0x564: {  	v1 =	vld [tilespmem:s0+$0x5880]  }
0x565: {  	v2 =	vld [tilespmem:s0+$0x5800]  }
0x566: {  	v3 =	vld [tilespmem:s0+$0x5900]  }
0x567: {  	v4 =	vld [tilespmem:s0+$0x5980]  }
0x568: {  	v5 =	vld [tilespmem:s0+$0x5A00]  }
0x569: {  	v6 =	vld [tilespmem:s0+$0x5A80]  }
0x56a: {  	v8 =	vld [tilespmem:s0+$0x5B00];
	v7 =	vadd.s32 v2, v1  }
0x56b: {  	v9 =	vld [tilespmem:s0+$0x5B80];
	v7 =	vadd.s32 v3, v7  }
0x56c: {  	v10 =	vld [tilespmem:s0+$0x9800];
	v7 =	vadd.s32 v4, v7  }
0x56d: {  	v11 =	vld [tilespmem:s0+$0x9880];
	v7 =	vadd.s32 v5, v7  }
0x56e: {  	v12 =	vld [tilespmem:s0+$0x9900];
	v7 =	vadd.s32 v6, v7  }
0x56f: {  	s10 =	sld [smem:$0x7F6];
	v13 =	vld [tilespmem:s0+$0x9980];
	v7 =	vadd.s32 v8, v7  }
0x570: {  	s15 =	sld [smem:$0x7F2];
	v14 =	vld [tilespmem:s0+$0x9A00];
	v7 =	vadd.s32 v9, v7  }
0x571: {  	s13 =	sld [smem:$0x7F3];
	v15 =	vld [tilespmem:s0+$0x9A80];
	v7 =	vadd.s32 v10, v7  }
0x572: {  	s12 =	sld [smem:$0x7EE];
	v16 =	vld [tilespmem:s0+$0x9B00];
	v7 =	vadd.s32 v11, v7  }
0x573: {  	s18 =	sld [smem:$0x7EF];
	v17 =	vld [tilespmem:s0+$0x9B80];
	p6 =	seq.s32 s15, $0x1;
	v7 =	vadd.s32 v12, v7  }
0x574: {  	s11 =	sld [smem:$0x7F4];
	p1 =	seq.s32 s13, $0x1;
	v2 =	vpsel p6, $0x0, v2;
	v7 =	vadd.s32 v13, v7  }
0x575: {  	s19 =	sld [smem:$0x7F5];
	p0 =	seq.s32 s12, $0x1;
	v1 =	vpsel !p1, $0x0, v1;
	v2 =	vadd.s32 s4, v2;
	v7 =	vadd.s32 v14, v7  }
0x576: {  	s21 =	sld [smem:$0x7F1];
	p4 =	seq.s32 s18, $0x1;
	v3 =	vpsel !p0, $0x0, v3;
	v1 =	vadd.s32 v1, v2;
	v7 =	vadd.s32 v15, v7  }
0x577: {  	s22 =	sld [smem:$0x7F7];
	p5 =	seq.s32 s11, $0x1;
	v2 =	vpsel !p4, $0x0, v4;
	v1 =	vadd.s32 v3, v1;
	v7 =	vadd.s32 v16, v7  }
0x578: {  	s23 =	sld [smem:$0x7F8];
	v3 =	vpsel !p5, $0x0, v5;
	p5 =	seq.s32 s19, $0x1;
	v1 =	vadd.s32 v2, v1;
	v60 =	vadd.s32 v17, v7  }
0x579: {  	p3 =	seq.s32 s10, $0x1;
	v2 =	vpsel !p5, $0x0, v6;
	v1 =	vadd.s32 v3, v1;
	(xrf0) =	vadd.scan.msk.s32 $0xffff, v60  }
0x57a: {  	s24 =	sld [smem:$0x7F0];
	p2 =	seq.s32 s21, $0x1;
	v3 =	vpsel !p3, $0x0, v8;
	v1 =	vadd.s32 v2, v1  }
0x57b: {  	s25 =	sld [smem:$0x7F9];
	p4 =	seq.s32 s22, $0x1;
	p5 =	seq.s32 s23, $0x1;
	v2 =	vpsel !p2, $0x0, v9;
	v1 =	vadd.s32 v3, v1  }
0x57c: {  	s26 =	sld [smem:$0x7FA];
	v3 =	vpsel !p4, $0x0, v10;
	v1 =	vadd.s32 v2, v1;
	v2 =	vpsel !p5, $0x0, v11  }
0x57d: {  	s28 =	sld [smem:$0x7FB];
	p2 =	seq.s32 s24, $0x1;
	v1 =	vadd.s32 v3, v1  }
0x57e: {  	s29 =	sld [smem:$0x7FC];
	p4 =	seq.s32 s25, $0x1;
	v3 =	vpsel !p2, $0x0, v12;
	v1 =	vadd.s32 v2, v1  }
0x57f: {  	v61 =	vpsel !p4, $0x0, v13;
	p5 =	seq.s32 s26, $0x1;
	v1 =	vadd.s32 v3, v1;
	v2, _, _ =	vpop (xrf0)  }
0x580: {  	p4 =	seq.s32 s28, $0x1;
	v62 =	vpsel !p5, $0x0, v14;
	v1 =	vadd.s32 v61, v1;
	v3 =	vxor.u32 $0x80000000, v2  }
0x581: {  	p0 =	seq.s32 s29, $0x1;
	v1 =	vadd.s32 v62, v1;
	(xrf0) =	vmax.scan.msk.u32 $0xffff, v3;
	v3 =	vpsel !p4, $0x0, v15  }
0x582: {  	v63 =	vpsel !p0, $0x0, v16;
	v1 =	vadd.s32 v3, v1  }
0x583: {  	v1 =	vadd.s32 v63, v1  }
0x584: {  	v1 =	vsub.s32 v1, v60  }
0x585: {  	v1 =	vadd.s32 v2, v1  }
0x586: {  	s30 =	simm.s32 $0x10;
	s5 =	simm.s32 $0x80  }
0x587: {  	s31 =	sand.u32 $0x400, s5;
	s0 =	sand.u32 $0x70, s30  }
0x588: {  	s7 =	simm.s32 $0x20;
	s8 =	sor.u32 s0, s31;
	[tilespmem:s6+$0x0] =	vst v1;
	v1, _, _ =	vpop (xrf0)  }
.LBB2_60:
0x589: {  	v2 =	vld [tilespmem:s8+$0x5880];
	(v2sf) =	vpush v1, $0xF  }
0x58a: {  	v1 =	vld [tilespmem:s8+$0x5800]  }
0x58b: {  	v3 =	vld [tilespmem:s8+$0x5900]  }
0x58c: {  	v4 =	vld [tilespmem:s8+$0x5980]  }
0x58d: {  	v5 =	vld [tilespmem:s8+$0x5A00]  }
0x58e: {  	v7 =	vld [tilespmem:s8+$0x5A80]  }
0x58f: {  	v6 =	vpsel !p1, $0x0, v2;
	v8 =	vpsel p6, $0x0, v1;
	v1 =	vadd.s32 v1, v2;
	v2 =	vld [tilespmem:s8+$0x5B00]  }
0x590: {  	v9 =	vld [tilespmem:s8+$0x5B80];
	v1 =	vadd.s32 v3, v1  }
0x591: {  	v10 =	vld [tilespmem:s8+$0x9800];
	v1 =	vadd.s32 v4, v1  }
0x592: {  	v11 =	vld [tilespmem:s8+$0x9880];
	v1 =	vadd.s32 v5, v1  }
0x593: {  	v12 =	vld [tilespmem:s8+$0x9900];
	v1 =	vadd.s32 v7, v1  }
0x594: {  	v13 =	vld [tilespmem:s8+$0x9980];
	v1 =	vadd.s32 v2, v1  }
0x595: {  	v14 =	vld [tilespmem:s8+$0x9A00];
	v1 =	vadd.s32 v9, v1  }
0x596: {  	s0 =	sld [smem:$0x7EE];
	v15 =	vld [tilespmem:s8+$0x9A80];
	v1 =	vadd.s32 v10, v1  }
0x597: {  	v16 =	vld [tilespmem:s8+$0x9B00];
	v1 =	vadd.s32 v11, v1  }
0x598: {  	v17 =	vld [tilespmem:s8+$0x9B80];
	v1 =	vadd.s32 v12, v1;
	s28 =	spop (v2sf)  }
0x599: {  	s19 =	sld [smem:$0x7EF];
	p5 =	seq.s32 s0, $0x1;
	v1 =	vadd.s32 v13, v1;
	s0 =	sadd.s32 s28, s4  }
0x59a: {  	s21 =	sld [smem:$0x7F4];
	v1 =	vadd.s32 v14, v1;
	s4 =	sadd.s32 $0x80000000, s0  }
0x59b: {  	s22 =	sld [smem:$0x7F5];
	v1 =	vadd.s32 v15, v1;
	v8 =	vadd.s32 s4, v8  }
0x59c: {  	v3 =	vpsel !p5, $0x0, v3;
	p5 =	seq.s32 s19, $0x1;
	v1 =	vadd.s32 v16, v1;
	v6 =	vadd.s32 v6, v8  }
0x59d: {  	s23 =	sld [smem:$0x7F1];
	v4 =	vpsel !p5, $0x0, v4;
	p5 =	seq.s32 s21, $0x1;
	v1 =	vadd.s32 v17, v1;
	v3 =	vadd.s32 v3, v6  }
0x59e: {  	s24 =	sld [smem:$0x7F7];
	v5 =	vpsel !p5, $0x0, v5;
	p5 =	seq.s32 s22, $0x1;
	(xrf0) =	vadd.scan.msk.s32 $0xffff, v1;
	v3 =	vadd.s32 v4, v3  }
0x59f: {  	s25 =	sld [smem:$0x7F8];
	v7 =	vpsel !p5, $0x0, v7;
	v3 =	vadd.s32 v5, v3  }
0x5a0: {  	s26 =	sld [smem:$0x7F0];
	p5 =	seq.s32 s23, $0x1;
	v2 =	vpsel !p3, $0x0, v2;
	v3 =	vadd.s32 v7, v3  }
0x5a1: {  	s1 =	sld [smem:$0x7F9];
	v9 =	vpsel !p5, $0x0, v9;
	p5 =	seq.s32 s24, $0x1;
	v2 =	vadd.s32 v2, v3  }
0x5a2: {  	s29 =	sld [smem:$0x7FA];
	v10 =	vpsel !p5, $0x0, v10;
	p5 =	seq.s32 s25, $0x1;
	v2 =	vadd.s32 v9, v2  }
0x5a3: {  	v11 =	vpsel !p5, $0x0, v11;
	p5 =	seq.s32 s26, $0x1;
	v2 =	vadd.s32 v10, v2  }
0x5a4: {  	v12 =	vpsel !p5, $0x0, v12;
	p5 =	seq.s32 s1, $0x1;
	v3, _, _ =	vpop (xrf0);
	v2 =	vadd.s32 v11, v2  }
0x5a5: {  	v13 =	vpsel !p5, $0x0, v13;
	p5 =	seq.s32 s29, $0x1;
	v62 =	vxor.u32 $0x80000000, v3;
	v2 =	vadd.s32 v12, v2  }
0x5a6: {  	v14 =	vpsel !p5, $0x0, v14;
	(xrf0) =	vmax.scan.msk.u32 $0xffff, v62;
	v2 =	vadd.s32 v13, v2  }
0x5a7: {  	p2 =	seq.s32 s7, $0xF0;
	v15 =	vpsel !p4, $0x0, v15;
	v2 =	vadd.s32 v14, v2  }
.Ltmp30:
0x5a8: {  	v16 =	vpsel !p0, $0x0, v16;
	v2 =	vadd.s32 v15, v2;
	(pc) =	sbr.rel @!p2 .LBB2_60-.Ltmp30, $4  }
0x5a9: {  	v2 =	vadd.s32 v16, v2  }
0x5aa: {  	s5 =	sadd.s32 $0x80, s5;
	v63 =	vsub.s32 v2, v1  }
0x5ab: {  	s30 =	sand.u32 $0x70, s7;
	s6 =	sadd.s32 $0x10, s6;
	s31 =	sand.u32 $0x400, s5;
	v2 =	vadd.s32 v3, v63  }
0x5ac: {  	s7 =	sadd.s32 $0x10, s7;
	s8 =	sor.u32 s30, s31;
	v1, _, _ =	vpop (xrf0);
	[tilespmem:s6+$0x0] =	vst v2  }
0x5ad: {  	v2 =	vld [tilespmem:s8+$0x5880]  }
0x5ae: {  	v3 =	vld [tilespmem:s8+$0x5800]  }
0x5af: {  	v4 =	vld [tilespmem:s8+$0x5900]  }
0x5b0: {  	v5 =	vld [tilespmem:s8+$0x5980]  }
0x5b1: {  	v6 =	vld [tilespmem:s8+$0x5A00]  }
0x5b2: {  	v7 =	vld [tilespmem:s8+$0x5A80]  }
0x5b3: {  	v9 =	vld [tilespmem:s8+$0x5B00];
	v8 =	vadd.s32 v3, v2  }
0x5b4: {  	v10 =	vld [tilespmem:s8+$0x5B80];
	v8 =	vadd.s32 v4, v8  }
0x5b5: {  	v11 =	vld [tilespmem:s8+$0x9800];
	v8 =	vadd.s32 v5, v8  }
0x5b6: {  	v12 =	vld [tilespmem:s8+$0x9880];
	v8 =	vadd.s32 v6, v8  }
0x5b7: {  	v13 =	vld [tilespmem:s8+$0x9900];
	v8 =	vadd.s32 v7, v8  }
0x5b8: {  	v14 =	vld [tilespmem:s8+$0x9980];
	v8 =	vadd.s32 v9, v8  }
0x5b9: {  	v15 =	vld [tilespmem:s8+$0x9A00];
	v8 =	vadd.s32 v10, v8  }
0x5ba: {  	v16 =	vld [tilespmem:s8+$0x9A80];
	v8 =	vadd.s32 v11, v8  }
0x5bb: {  	v17 =	vld [tilespmem:s8+$0x9B00];
	(v2sf) =	vpush v1, $0xF;
	v8 =	vadd.s32 v12, v8  }
0x5bc: {  	v18 =	vld [tilespmem:s8+$0x9B80];
	v8 =	vadd.s32 v13, v8  }
0x5bd: {  	v1 =	vadd.s32 v14, v8  }
0x5be: {  	v1 =	vadd.s32 v15, v1  }
0x5bf: {  	v1 =	vadd.s32 v16, v1  }
0x5c0: {  	v1 =	vadd.s32 v17, v1  }
0x5c1: {  	v1 =	vadd.s32 v18, v1  }
0x5c2: {  	(xrf0) =	vadd.scan.msk.s32 $0xffff, v1;
	_ =	sdelay $0x5  }
0x5c3: {  	v56, _, _ =	vpop (xrf0)  }
0x5c4: {  	v57 =	vxor.u32 $0x80000000, v56  }
0x5c5: {  	s0 =	spop (v2sf);
	(xrf0) =	vmax.scan.msk.u32 $0xffff, v57  }
0x5c6: {  	s18 =	sld [smem:$0x7EE];
	s0 =	sadd.s32 s0, s4  }
0x5c7: {  	s19 =	sld [smem:$0x7EF];
	v3 =	vpsel p6, $0x0, v3;
	s0 =	sadd.s32 $0x80000000, s0  }
0x5c8: {  	s21 =	sld [smem:$0x7F4];
	v3 =	vadd.s32 s0, v3  }
0x5c9: {  	s22 =	sld [smem:$0x7F5];
	p2 =	seq.s32 s18, $0x1;
	v2 =	vpsel !p1, $0x0, v2  }
0x5ca: {  	p5 =	seq.s32 s19, $0x1;
	v4 =	vpsel !p2, $0x0, v4;
	v2 =	vadd.s32 v2, v3  }
0x5cb: {  	s23 =	sld [smem:$0x7F1];
	p6 =	seq.s32 s21, $0x1;
	v5 =	vpsel !p5, $0x0, v5;
	v2 =	vadd.s32 v4, v2;
	v3, _, _ =	vpop (xrf0)  }
0x5cc: {  	s24 =	sld [smem:$0x7F7];
	p2 =	seq.s32 s22, $0x1;
	v2 =	vadd.s32 v5, v2;
	(v2sf) =	vpush v3, $0xF;
	v3 =	vpsel !p6, $0x0, v6  }
0x5cd: {  	s25 =	sld [smem:$0x7F8];
	v58 =	vpsel !p2, $0x0, v7;
	v2 =	vadd.s32 v3, v2  }
0x5ce: {  	s26 =	sld [smem:$0x7F0];
	p5 =	seq.s32 s23, $0x1;
	v3 =	vpsel !p3, $0x0, v9;
	v2 =	vadd.s32 v58, v2  }
0x5cf: {  	s28 =	sld [smem:$0x7F9];
	v59 =	vpsel !p5, $0x0, v10;
	p6 =	seq.s32 s24, $0x1;
	v2 =	vadd.s32 v3, v2  }
0x5d0: {  	s29 =	sld [smem:$0x7FA];
	p2 =	seq.s32 s25, $0x1;
	v3 =	vpsel !p6, $0x0, v11;
	v2 =	vadd.s32 v59, v2  }
0x5d1: {  	v60 =	vpsel !p2, $0x0, v12;
	p3 =	seq.s32 s26, $0x1;
	v2 =	vadd.s32 v3, v2  }
0x5d2: {  	p5 =	seq.s32 s28, $0x1;
	v3 =	vpsel !p3, $0x0, v13;
	v2 =	vadd.s32 v60, v2  }
0x5d3: {  	v61 =	vpsel !p5, $0x0, v14;
	p6 =	seq.s32 s29, $0x1;
	v2 =	vadd.s32 v3, v2  }
0x5d4: {  	v3 =	vpsel !p6, $0x0, v15;
	v2 =	vadd.s32 v61, v2  }
0x5d5: {  	v62 =	vpsel !p4, $0x0, v16;
	v2 =	vadd.s32 v3, v2  }
0x5d6: {  	v3 =	vpsel !p0, $0x0, v17;
	v2 =	vadd.s32 v62, v2  }
0x5d7: {  	v2 =	vadd.s32 v3, v2  }
0x5d8: {  	v1 =	vsub.s32 v2, v1  }
0x5d9: {  	s30 =	sadd.s32 $0x10, s6;
	v1 =	vadd.s32 v56, v1  }
0x5da: {  	s5 =	simm.s32 $0x0;
	[tilespmem:s30+$0x0] =	vst v1  }
0x5db: {  	v2 =	vld [tilespmem:s5+$0xE080];
	_ =	sdelay $0x4  }
0x5dc: {  	v2 =	vshrl.u32 v2, $0x18  }
0x5dd: {  	(xrf1) =	vunique.msk.u32 $0xffff, v2;
	_ =	sdelay $0xa  }
0x5de: {  	s4 =	simm.s32 $0x5000  }
0x5df: {  	v3 =	vld.idx.msk [tilespmem:v2+s4+$0x0], $0xffff;
	_ =	sdelay $0x1  }
0x5e0: {  	_, v63, vm0 =	vpop (xrf1);
	_ =	sdelay $0x2  }
0x5e1: {  	s0 =	sld [smem:$0x7FD];
	v3 =	vadd.s32 v3, v63  }
0x5e2: {  	v1 =	vmov s14;
	v4 =	vadd.s32 $0xFFFFFFFF, v3  }
0x5e3: {  	s6 =	simm.s32 $0x80;
	vm1 =	vlt.s32 v4, v1  }
0x5e4: {  	s7 =	simm.s32 $0x10;
	p1 =	seq.s32 s0, $0x1;
	s31 =	spop (v2sf);
	[tilespmem:v2+s4+$0x0] =	vst.idx.msk vm0, v3;
	v2 =	vsel vm1, v4, v0  }
.LBB2_62:
0x5e5: {  	p0 =	sne.s32 s6, $0x7C0;
	v3 =	vld [tilespmem:s7+$0xE080];
	[tilespmem:s5+$0xE480] =	vst v2;
	s0 =	smov.u32 s6;
	s6 =	sadd.s32 $0x40, s6  }
0x5e6: {  	s5 =	smov.u32 s7;
	_ =	sdelay $0x3  }
0x5e7: {  	v2 =	vshrl.u32 v3, $0x18  }
0x5e8: {  	(xrf1) =	vunique.msk.u32 $0xffff, v2;
	_ =	sdelay $0xa  }
0x5e9: {  	v3 =	vld.idx.msk [tilespmem:v2+s4+$0x0], $0xffff;
	_ =	sdelay $0x2  }
0x5ea: {  	_, v4, vm0 =	vpop (xrf1);
	_ =	sdelay $0x1  }
.Ltmp31:
0x5eb: {  	(pc) =	sbr.rel @p0 .LBB2_62-.Ltmp31, $4  }
0x5ec: {  	v3 =	vadd.s32 v3, v4  }
0x5ed: {  	v4 =	vadd.s32 $0xFFFFFFFF, v3  }
0x5ee: {  	vm1 =	vlt.s32 v4, v1  }
0x5ef: {  	s7 =	sshra.s32 s0, $0x2;
	[tilespmem:v2+s4+$0x0] =	vst.idx.msk vm0, v3;
	v2 =	vsel vm1, v4, v0  }
0x5f0: {  	v3 =	vld [tilespmem:s7+$0xE080];
	_ =	sdelay $0x4  }
0x5f1: {  	v3 =	vshrl.u32 v3, $0x18  }
0x5f2: {  	(xrf1) =	vunique.msk.u32 $0xffff, v3;
	_ =	sdelay $0xa  }
0x5f3: {  	[tilespmem:s5+$0xE480] =	vst v2  }
0x5f4: {  	v2 =	vld.idx.msk [tilespmem:v3+s4+$0x0], $0xffff;
	_ =	sdelay $0x1  }
0x5f5: {  	_, v4, vm0 =	vpop (xrf1);
	_ =	sdelay $0x2  }
0x5f6: {  	v2 =	vadd.s32 v2, v4  }
0x5f7: {  	v4 =	vadd.s32 $0xFFFFFFFF, v2  }
0x5f8: {  	vm1 =	vlt.s32 v4, v1  }
0x5f9: {  	s0 =	simm.s32 $0x200;
	v0 =	vsel vm1, v4, v0;
	[tilespmem:v3+s4+$0x0] =	vst.idx.msk vm0, v2  }
0x5fa: {  	s1 =	simm.s32 $0xE480;
	s3 =	simm.s32 $0xE280;
	s31 =	simm.s32 $0x1;
	[tilespmem:s7+$0xE480] =	vst v0  }
0x5fb: {  	[spmem:s20] =	stream.indirect.scatter [tilespmem:s3], [sflag:$0x1], $0x1, s1, s0, $0xb8;
	[tilespmem:$0xF8C0] =	vst v63  }
0x5fc: {  	_ =	swait.ge [sflag:s31], $0x200  }
0x5fd: {  	[sflag:s31] =	ssyncset.done $0x0  }
0x5fe: {  	[sflag:s31] =	ssyncadd.s32 $0xFFFFFE00  }
0x5ff: {  	[bflag:$0x0] =	sbarrier.arrive $0xFFFF  }
0x600: {  	s0 =	sshrl.u32 @!p1 s20, $0x3;
	s1 =	simm.s32 @!p1 $0x1C01;
	s3 =	rddreg [dreg:$0x1]  }
0x601: {  	[hbm:s3], [sflag:s1] =	dma.local @!p1 [spmem:s0], $0x400  }
0x602: {  	s0 =	simm.s32 @!p1 $0x1  }
0x603: {  	_ =	swait.ge @!p1 [sflag:s0], $0x400  }
0x604: {  	[sflag:s0] =	ssyncset.done @!p1 $0x0  }
0x605: {  	[sflag:s0] =	ssyncadd.s32 @!p1 $0xFFFFFC00  }
0x606: {  	s0 =	rddreg [dreg:$0xa]  }
.LBB2_64:
0x607: {  	_ =	sfence.sel $0x180000  }
0x608: {  	[bflag:$0x0] =	sbarrier.arrive $0xFFFF  }
0x609: {  	p0 =	sne.s32 s2, $0x0;
	_ =	strace $0x90000047  }
0x60a: {  	s0 =	sadd.s32 @!p0 $0x100000, s0;
	[bflag:$0x2] =	sbarrier.arrive $0xFFFF  }
0x60b: {  	[sflag:s0] =	ssyncadd.tile.s32 @!p0 $0x1;
	_ =	shalt  }
.Lfunc_end2:
_tile_overlayer_lowered:
.L_overlay_start_2:
0x60c: {  	(tag) =	ssettag $0x2  }
0x60d: {  	s0 =	rddreg [dreg:$0x0];
	s2 =	stileid.u32  }
0x60e: {  	s1 =	rddreg [dreg:$0x1];
	p0 =	sne.s32 s2, $0x0  }
0x60f: {  	s3 =	rddreg [dreg:$0x2];
	[bflag:$0x3] =	sbarrier.arrive $0xFFFF;
	s2 =	simm.s32 @!p0 $0x1C01  }
0x610: {  	[timem:s3], [sflag:s2] =	dma.local @!p0 [hbm:s0], s1  }
0x611: {  	s0 =	simm.s32 @!p0 $0x1  }
0x612: {  	_ =	swait.ge @!p0 [sflag:s0], s1  }
0x613: {  	s1 =	ssub.s32 @!p0 $0x0, s1;
	[sflag:s0] =	ssyncset.done @!p0 $0x0  }
0x614: {  	[sflag:s0] =	ssyncadd.s32 @!p0 s1  }
0x615: {  	[bflag:$0x3] =	sbarrier.arrive $0xFFFF  }
0x616: {  	_ =	shalt  }

// kernel: kernel.7.cloned.1.call-start
scs
__scs_entry_jumppad:
0x0: {  	(pc) =	sbr.rel $0x88, $3  }
0x1: {  	(tag) =	ssettag $0x0;
	lr =	simm.s32 $0x1  }
0x2: {  	[smem:$0x3F9B] =	sst lr;
	_ =	strace $0xD0000000  }
0x3: {  	_ = 	snop  }
0x4: {  	_ = 	snop  }
0x5: {  	_ = 	snop  }
0x6: {  	_ = 	snop  }
0x7: {  	_ = 	snop  }
__scs_overlays_trampoline_lowered:
0x8: {  	[smem:$0x3FAA] =	sst s0  }
0x9: {  	[smem:$0x3FAB] =	sst s1  }
0xa: {  	[smem:$0x3FAC] =	sst s2  }
0xb: {  	[smem:$0x3FAD] =	sst s3  }
0xc: {  	[smem:$0x3FAE] =	sst s4  }
0xd: {  	[smem:$0x3FAF] =	sst s5  }
0xe: {  	[smem:$0x3FB0] =	sst s6  }
0xf: {  	[smem:$0x3FB1] =	sst s7  }
0x10: {  	[smem:$0x3FB2] =	sst s8  }
0x11: {  	[smem:$0x3FB3] =	sst s9;
	s0 =	simm.s32 @!p0 $0x0  }
0x12: {  	s1 =	sld [smem:$0x3F99];
	s0 =	simm.s32 @p0 $0x1  }
0x13: {  	[smem:$0x3FB4] =	sst s0;
	s0 =	simm.s32 @!p1 $0x0  }
0x14: {  	s2 =	sld [smem:$0x3F98];
	s0 =	simm.s32 @p1 $0x1  }
0x15: {  	[smem:$0x3FB5] =	sst s0;
	s0 =	simm.s32 @!p2 $0x0  }
0x16: {  	s3 =	sld [smem:$0x3FDB];
	s0 =	simm.s32 @p2 $0x1  }
0x17: {  	s4 =	simm.s32 $0x1BF5;
	[smem:$0x3FB7] =	sst s0  }
0x18: {  	s0 =	sld [smem:$0x3F9A];
	_ =	swait.ge [sflag:s4], $0x0  }
0x19: {  	s7 =	sld [smem:$0x3F9B]  }
0x1a: {  	s8 =	sadd.s32 $0xFFFFE003, lr  }
0x1b: {  	s9 =	sadd.s32 $0xFFFFFEF7, lr;
	s5 =	simm.s32 $0xFFFFFFFF;
	p2 =	slt.u32 s8, $0xFFFFF086  }
0x1c: {  	p1 =	slt.u32 s9, $0xF7A;
	s5 =	simm.s32 @!p2 $0x0  }
0x1d: {  	s5 =	simm.s32 @p1 $0x1;
	p0 =	seq.s32 s7, s2  }
0x1e: {  	s7 =	smul.u32 @!p0 $0xF7A, s2;
	p2 =	seq.s32 @!p0 s5, $0x0  }
0x1f: {  	s9 =	smul.u32 $0xF7A, s1;
	s8 =	simm.s32 @!p0 $0x1BF5;
	p2 =	por !p2, p0  }
0x20: {  	[sflag:s8] =	ssyncset.s32 @!p0 $0xFFFFF086;
	s6 =	sadd.s32 @!p0 s3, s7;
	s7 =	simm.s32 @!p0 $0x108  }
0x21: {  	s3 =	sadd.s32 s3, s9;
	s6 =	sadd.s32 @!p0 $0x88, s6;
	s7 =	simm.s32 @p2 $0x1082  }
0x22: {  	[simem:s7], [sflag:s8] =	dma.local @!p0 [hbm:s6], $0xF7A  }
0x23: {  	s9 =	sor.u32 $0xD0000000, s2;
	s6 =	simm.s32 $0x108;
	_ =	swait.ge @!p0 [sflag:s8], $0x0  }
0x24: {  	s3 =	sadd.s32 $0x88, s3;
	s6 =	simm.s32 @!p1 $0x1082;
	[sflag:s4] =	ssyncset.s32 $0xFFFFF086  }
0x25: {  	[simem:s6], [sflag:s4] =	dma.local [hbm:s3], $0xF7A  }
0x26: {  	[smem:$0x3F9B] =	sst s1;
	(tag) =	ssettag s2;
	_ =	strace s9  }
0x27: {  	s1 =	sld [smem:$0x3FAB]  }
0x28: {  	s2 =	sld [smem:$0x3FAC]  }
0x29: {  	s4 =	sld [smem:$0x3FAE]  }
0x2a: {  	p0 =	seq.s32 s5, $0x0;
	s5 =	sld [smem:$0x3FAF]  }
0x2b: {  	s6 =	sld [smem:$0x3FB0]  }
0x2c: {  	s7 =	sld [smem:$0x3FB1]  }
0x2d: {  	s3 =	simm.s32 $0x108;
	s8 =	sld [smem:$0x3FB2]  }
0x2e: {  	s3 =	simm.s32 @!p0 $0x1082;
	s9 =	sld [smem:$0x3FB3]  }
0x2f: {  	lr =	sadd.s32 s0, s3;
	s0 =	sld [smem:$0x3FAA]  }
0x30: {  	s3 =	sld [smem:$0x3FAD]  }
0x31: {  	[smem:$0x3FB6] =	sst s10  }
0x32: {  	s10 =	sld [smem:$0x3FB4];
	_ =	sdelay $0x3  }
0x33: {  	p0 =	seq.s32 s10, $0x1;
	s10 =	sld [smem:$0x3FB6];
	_ =	sdelay $0x3  }
0x34: {  	[smem:$0x3FB6] =	sst s10  }
0x35: {  	s10 =	sld [smem:$0x3FB5];
	_ =	sdelay $0x3  }
0x36: {  	p1 =	seq.s32 s10, $0x1;
	s10 =	sld [smem:$0x3FB6];
	_ =	sdelay $0x3  }
0x37: {  	[smem:$0x3FB6] =	sst s10  }
0x38: {  	s10 =	sld [smem:$0x3FB7]  }
0x39: {  	_ = 	snop;
	(pc) =	sbr.ind lr, $3  }
0x3a: {  	_ = 	snop  }
0x3b: {  	_ = 	snop  }
0x3c: {  	p2 =	seq.s32 s10, $0x1;
	s10 =	sld [smem:$0x3FB6]  }
0x3d: {  	_ =	shalt  }
0x3e: {  	_ =	shalt  }
0x3f: {  	_ =	shalt  }
0x40: {  	_ =	shalt  }
0x41: {  	_ =	shalt  }
0x42: {  	_ =	shalt  }
0x43: {  	_ =	shalt  }
0x44: {  	_ =	shalt  }
0x45: {  	_ =	shalt  }
0x46: {  	_ =	shalt  }
0x47: {  	_ =	shalt  }
0x48: {  	_ =	shalt  }
0x49: {  	_ =	shalt  }
0x4a: {  	_ =	shalt  }
0x4b: {  	_ =	shalt  }
0x4c: {  	_ =	shalt  }
0x4d: {  	_ =	shalt  }
0x4e: {  	_ =	shalt  }
0x4f: {  	_ =	shalt  }
0x50: {  	_ =	shalt  }
0x51: {  	_ =	shalt  }
0x52: {  	_ =	shalt  }
0x53: {  	_ =	shalt  }
0x54: {  	_ =	shalt  }
0x55: {  	_ =	shalt  }
0x56: {  	_ =	shalt  }
0x57: {  	_ =	shalt  }
0x58: {  	_ =	shalt  }
0x59: {  	_ =	shalt  }
0x5a: {  	_ =	shalt  }
0x5b: {  	_ =	shalt  }
0x5c: {  	_ =	shalt  }
0x5d: {  	_ =	shalt  }
0x5e: {  	_ =	shalt  }
0x5f: {  	_ =	shalt  }
0x60: {  	_ =	shalt  }
0x61: {  	_ =	shalt  }
0x62: {  	_ =	shalt  }
0x63: {  	_ =	shalt  }
0x64: {  	_ =	shalt  }
0x65: {  	_ =	shalt  }
0x66: {  	_ =	shalt  }
0x67: {  	_ =	shalt  }
0x68: {  	_ =	shalt  }
0x69: {  	_ =	shalt  }
0x6a: {  	_ =	shalt  }
0x6b: {  	_ =	shalt  }
0x6c: {  	_ =	shalt  }
0x6d: {  	_ =	shalt  }
0x6e: {  	_ =	shalt  }
0x6f: {  	_ =	shalt  }
0x70: {  	_ =	shalt  }
0x71: {  	_ =	shalt  }
0x72: {  	_ =	shalt  }
0x73: {  	_ =	shalt  }
0x74: {  	_ =	shalt  }
0x75: {  	_ =	shalt  }
0x76: {  	_ =	shalt  }
0x77: {  	_ =	shalt  }
0x78: {  	_ =	shalt  }
0x79: {  	_ =	shalt  }
0x7a: {  	_ =	shalt  }
0x7b: {  	_ =	shalt  }
0x7c: {  	_ =	shalt  }
0x7d: {  	_ =	shalt  }
0x7e: {  	_ =	shalt  }
0x7f: {  	_ =	shalt  }
0x80: {  	_ =	shalt  }
0x81: {  	_ =	shalt  }
0x82: {  	_ =	shalt  }
0x83: {  	_ =	shalt  }
0x84: {  	_ =	shalt  }
0x85: {  	_ =	shalt  }
0x86: {  	_ =	shalt  }
0x87: {  	_ =	shalt  }
.Lfunc_end0:
.L_simem_size_0:
called_computation.1_lowered:
.L_overlay_start_0:
0x88: {  	s2 =	sld [smem:$0x3FD9]  }
0x89: {  	s3 =	sld [smem:$0x3FFE];
	_ =	sdelay $0x1  }
0x8a: {  	s1 =	srdreg.scid  }
0x8b: {  	s0 =	sand.u32 $0x1, s1  }
0x8c: {  	s14 =	sshll.u32 s0, $0xA;
	s2 =	sadd.s32 s3, s2  }
0x8d: {  	s2 =	sadd.s32 s2, s14  }
0x8e: {  	[smem:$0x3FC2] =	sst s2  }
0x8f: {  	_ = 	snop  }
0x90: {  	s2 =	sld [smem:$0x3FD0];
	_ =	sdelay $0x2  }
0x91: {  	s4 =	simm.s32 $0xA;
	s5 =	simm.s32 $0x10;
	s15 =	sld [smem:$0x3FC9]  }
0x92: {  	[smem:s5], [sflag:s4] =	dma.local [hbm:s2], $0x1  }
0x93: {  	_ =	swait.eq [sflag:s4], $0x1  }
0x94: {  	[sflag:s4] =	ssyncset.done $0x0  }
0x95: {  	s16 =	sld [smem:$0x10];
	[sflag:s4] =	ssyncadd.s32 $0xFFFFFFFF  }
0x96: {  	s17 =	sld [smem:$0x11];
	(tm) =	ssettm $0x1  }
0x97: {  	s18 =	sld [smem:$0x3FFB];
	_ =	sdelay $0x3  }
0x98: {  	_ =	strace s18  }
0x99: {  	s5 =	sld [smem:$0x3FFC];
	_ =	sdelay $0x3  }
0x9a: {  	_ =	strace s5  }
0x9b: {  	s5 =	sld [smem:$0x3FFD];
	_ =	sdelay $0x3  }
0x9c: {  	_ =	strace s5  }
0x9d: {  	_ =	strace $0x8FFFFFFF  }
0x9e: {  	s19 =	sld [smem:$0x3FDB];
	_ =	sdelay $0x1  }
0x9f: {  	s6 =	simm.s32 $_scs_section_size  }
0xa0: {  	s7 =	simm.s32 $_size__tile_overlayer_lowered;
	s8 =	simm.s32 $_tile_overlayer_lowered  }
0xa1: {  	s22 =	simm.s32 $0x1BFF;
	s21 =	sshll.u32 s8, $0x1;
	s5 =	sadd.s32 s6, s19  }
0xa2: {  	s9 =	simm.s32 $0x0;
	s20 =	sshll.u32 s7, $0x1;
	s7 =	sadd.s32 s21, s5  }
0xa3: {  	[timem:s9], [sflag:s22] =	dma.local [hbm:s7], s20  }
0xa4: {  	_ =	swait.ge [sflag:s22], s20  }
0xa5: {  	s6 =	ssub.s32 $0x0, s20;
	[sflag:s22] =	ssyncset.done $0x0  }
0xa6: {  	[sflag:s22] =	ssyncadd.s32 s6;
	_ =	sdelay $0x1  }
0xa7: {  	s23 =	simm.s32 $0x1B8B  }
0xa8: {  	_ =	swait.ge [sflag:s23], $0x1  }
0xa9: {  	[sflag:s23] =	ssyncset.done $0x0  }
0xaa: {  	s25 =	simm.s32 $0x1B8E;
	s24 =	sld [smem:$0x3FFE];
	[sflag:s23] =	ssyncadd.s32 $0xFFFFFFFF  }
0xab: {  	s26 =	simm.s32 $execute0_lowered;
	[smem:$0x3FD2] =	sst s25  }
0xac: {  	s7 =	sshll.u32 s26, $0x1;
	_ =	strace $0x80000049;
	[dreg:$0x1] =	wrdreg $0xFFFFFFFF  }
0xad: {  	s28 =	simm.s32 $_size_execute0_lowered;
	s5 =	sadd.s32 s5, s7;
	[dreg:$0x0] =	wrdreg $0x0  }
0xae: {  	s7 =	sshll.u32 s28, $0x1;
	[dreg:$0x2] =	wrdreg s5  }
0xaf: {  	[dreg:$0x3] =	wrdreg s7  }
0xb0: {  	[dreg:$0x4] =	wrdreg $0xC0  }
0xb1: {  	_ =	task [dreg:s9], $0x5FFFF  }
0xb2: {  	[dreg:$0x1] =	wrdreg $0xFFFFFFFF  }
0xb3: {  	[dreg:$0x0] =	wrdreg $0x60  }
0xb4: {  	[dreg:$0x2] =	wrdreg s15  }
0xb5: {  	[dreg:$0x3] =	wrdreg s24  }
0xb6: {  	[dreg:$0x4] =	wrdreg s17  }
0xb7: {  	[dreg:$0x5] =	wrdreg s16  }
0xb8: {  	[dreg:$0x6] =	wrdreg $0x9  }
0xb9: {  	_ =	task.clear_ibuf [dreg:s9], $0x7FFFF;
	_ =	strace $0x90000049  }
0xba: {  	s29 =	simm.s32 $0x9;
	_ =	strace $0x8000004B  }
0xbb: {  	_ =	swait.ge [sflag:s29], $0x1  }
0xbc: {  	[sflag:s29] =	ssyncadd.s32 $0xFFFFFFFF  }
0xbd: {  	_ =	strace $0x9000004B  }
0xbe: {  	_ =	sfence  }
0xbf: {  	s30 =	sld [smem:$0x0];
	_ =	sdelay $0x2  }
0xc0: {  	s31 =	sshll.u32 s1, $0xD;
	s1 =	sshrl.u32 s1, $0x2  }
0xc1: {  	s3 =	sand.u32 $0x4000, s31;
	s1 =	sadd.s32 s1, s30  }
0xc2: {  	s0 =	sor.u32 s3, s0;
	s1 =	sshll.u32 s1, $0x11  }
0xc3: {  	s0 =	sor.u32 s1, s0  }
0xc4: {  	s0 =	sadd.s32 $0x8F2B, s0  }
0xc5: {  	[sflag:s0] =	ssyncadd.remote.s32 $0x1  }
0xc6: {  	_ =	sfence.sel $0xFFFF  }
0xc7: {  	[dreg:$0x0] =	wrdreg $0xFFFFFFFF;
	(pc) =	sbr.abs _section_cstart, $3  }
0xc8: {  	[dreg:$0x1] =	wrdreg $0xFFFFFFFF  }
0xc9: {  	_ =	task.clear_ibuf [dreg:s9], $0x2FFFF;
	_ =	strace $0x9FFFFFFF  }
0xca: {  	(tm) =	ssettm $0x7FFFFFFF  }
0xcb: {  	_ =	shalt  }
tec
execute0_lowered:
.L_overlay_start_1:
0x0: {  	(tag) =	ssettag $0x1  }
0x1: {  	s1 =	rddreg [dreg:$0x0]  }
0x2: {  	s0 =	rddreg [dreg:$0x1]  }
0x3: {  	s2 =	rddreg [dreg:$0x2]  }
0x4: {  	s4 =	rddreg [dreg:$0x3]  }
0x5: {  	s5 =	srdreg.scid;
	s6 =	stileid.u32;
	s3 =	simm.s32 $0x0  }
0x6: {  	s11 =	simm.s32 $0x3;
	s29 =	simm.s32 $0x1100;
	s30 =	simm.s32 $0x1900  }
0x7: {  	s31 =	simm.s32 $0x2100;
	s12 =	simm.s32 $0x3900;
	s13 =	simm.s32 $0x5100  }
0x8: {  	s14 =	simm.s32 $0x6100;
	s9 =	simm.s32 $0x6900;
	s10 =	simm.s32 $0x7100  }
0x9: {  	s16 =	simm.s32 $0x7900;
	s17 =	simm.s32 $0x8100;
	s18 =	simm.s32 $0x8900  }
0xa: {  	s19 =	simm.s32 $0x9100;
	s20 =	simm.s32 $0x9900;
	s21 =	simm.s32 $0xA100  }
0xb: {  	s15 =	simm.s32 $0xB100;
	s28 =	simm.s32 $0xB900;
	s5 =	sand.u32 $0x1, s5  }
0xc: {  	s6 =	sshll.u32 s6, $0x1;
	[smem:$0x7FF] =	sst s3;
	s8 =	sadd.s32 $0x1000, s0  }
0xd: {  	s6 =	sor.u32 s5, s6;
	_ =	strace $0x8000004A;
	s5 =	ssub.s32 $0x2, s5  }
0xe: {  	[dreg:$0x5] =	wrdreg s8;
	s8 =	simm.s32 $0x5900;
	s7 =	sshll.u32 s6, $0x7  }
0xf: {  	s22 =	sshrl.u32 s5, $0x1;
	s23 =	sshll.u32 s6, $0x5;
	s24 =	sshll.u32 s6, $0xE  }
0x10: {  	s6 =	sadd.s32 $0x100, s1;
	s0 =	sadd.s32 s7, s0;
	s2 =	sadd.s32 s2, s23  }
0x11: {  	s5 =	ssub.s32 s5, s22;
	s25 =	sadd.s32 s4, s24;
	[dreg:$0x6] =	wrdreg s2  }
0x12: {  	s23 =	simm.s32 $0x0;
	[dreg:$0x7] =	wrdreg s25;
	s2 =	sadd.s32 $0x2000, s25  }
0x13: {  	v0 =	vlaneseq.u32;
	s7 =	simm.s32 $0xA900;
	s0 =	sadd.s32 $0x9000, s0;
	[dreg:$0x8] =	wrdreg s2  }
0x14: {  	vm0 =	vmmov $0xffff;
	v1 =	vand.u32 $0x3, v0;
	v3 =	vshrl.u32 v0, $0x3;
	s22 =	simm.s32 $0xC100;
	s26 =	smax.u32 s5, $0x1;
	[dreg:$0x9] =	wrdreg s0  }
0x15: {  	v2 =	vand.u32 $0x7, v0;
	v4 =	vor.u32 $0x8, v0;
	v3 =	vmul.u32 $0x8, v3;
	s5 =	simm.s32 $0x4900;
	[dreg:$0xa] =	wrdreg s26;
	s2 =	simm.s32 $0x10100  }
.LBB2_1:
0x16: {  	v5 =	vor.u32 s3, v0  }
0x17: {  	s24 =	rddreg [dreg:$0x6];
	v5 =	vshrl.u32 v5, $0x2  }
0x18: {  	[tilespmem:s3], [sflag:$0x3] =	stream.linear.gather [hbm4b:s24+s3], $0x100, $0x38;
	[tilespmem:$0x10900] =	vst v63  }
0x19: {  	_ =	swait.ge [sflag:s11], $0x100  }
0x1a: {  	[sflag:s11] =	ssyncset.done $0x0  }
0x1b: {  	[sflag:s11] =	ssyncadd.s32 $0xFFFFFF00  }
0x1c: {  	v5 =	vld.idx.msk [tilespmem:v5+s3+$0x0], $0xffff  }
0x1d: {  	s25 =	simm.s32 $0x10  }
0x1e: {  	v6 =	vor.u32 s25, v0  }
0x1f: {  	v6 =	vshrl.u32 v6, $0x2;
	_ =	sdelay $0x1  }
0x20: {  	v5 =	vshll.u32 v5, $0x2  }
0x21: {  	v5 =	vor.u32 v1, v5  }
0x22: {  	[tilespmem:s2+$0x0] =	vst v5  }
0x23: {  	v5 =	vld.idx.msk [tilespmem:v6+s3+$0x0], $0xffff  }
0x24: {  	s26 =	simm.s32 $0x20  }
0x25: {  	s25 =	simm.s32 $0x30;
	s24 =	simm.s32 $0x10100;
	v6 =	vor.u32 s26, v0  }
.LBB2_2:
0x26: {  	p0 =	sne.s32 s25, $0x3F0;
	v6 =	vshrl.u32 v6, $0x2;
	_ =	sdelay $0x1  }
0x27: {  	v5 =	vshll.u32 v5, $0x2  }
0x28: {  	s24 =	sadd.s32 $0x10, s24;
	v5 =	vor.u32 v1, v5  }
.Ltmp0:
0x29: {  	[tilespmem:s24+$0x0] =	vst v5;
	(pc) =	sbr.rel @p0 .LBB2_2-.Ltmp0, $2  }
0x2a: {  	v5 =	vld.idx.msk [tilespmem:v6+s3+$0x0], $0xffff;
	_ =	sdelay $0x2  }
0x2b: {  	v6 =	vor.u32 s25, v0;
	s25 =	sadd.s32 $0x10, s25  }
0x2c: {  	v6 =	vshrl.u32 v6, $0x2;
	_ =	sdelay $0x1  }
0x2d: {  	v5 =	vshll.u32 v5, $0x2  }
0x2e: {  	s24 =	sadd.s32 $0x10, s24;
	v5 =	vor.u32 v1, v5  }
0x2f: {  	[tilespmem:s24+$0x0] =	vst v5  }
0x30: {  	v5 =	vld.idx.msk [tilespmem:v6+s3+$0x0], $0xffff;
	_ =	sdelay $0x4  }
0x31: {  	v5 =	vshll.u32 v5, $0x2  }
0x32: {  	s4 =	rddreg [dreg:$0x5];
	s24 =	sadd.s32 $0x10, s24;
	v5 =	vor.u32 v1, v5  }
0x33: {  	s25 =	simm.s32 $0x400;
	s26 =	simm.s32 $0x10100;
	s0 =	simm.s32 $0x10500;
	[tilespmem:s24+$0x0] =	vst v5  }
0x34: {  	[tilespmem:s0], [sflag:$0x2] =	stream.indirect.gather [hbm4b:s4+s25], $0x1, s26, s25, $0xb8;
	[tilespmem:$0x10900] =	vst v63  }
0x35: {  	v5 =	vld [tilespmem:$0x0];
	_ =	sdelay $0x4  }
0x36: {  	v6 =	vshll.u32 v5, $0x2  }
0x37: {  	v5 =	vand.u32 $0x7, v5;
	v6 =	vand.u32 $0xFFFFFFE0, v6  }
0x38: {  	v5 =	vor.u32 v5, v6  }
0x39: {  	v6 =	vperm.xlane v5, v2;
	_ =	sdelay $0x1  }
0x3a: {  	v6 =	vadd.s32 v3, v6;
	_ =	sdelay $0x1  }
0x3b: {  	v5 =	vperm.xlane v5, v4;
	_ =	sdelay $0x1  }
0x3c: {  	s26 =	simm.s32 $0x100;
	v5 =	vadd.s32 v3, v5  }
0x3d: {  	[tilespmem:s26], [sflag:$0x1] =	stream.indirect_vreg.gather [hbm4b:s1+s3], $0x80, v6, vm0, $0xb8;
	[tilespmem:$0x10900] =	vst v63  }
0x3e: {  	s26 =	simm.s32 $0x900  }
0x3f: {  	[tilespmem:s26], [sflag:$0x1] =	stream.indirect_vreg.gather [hbm4b:s6+s3], $0x80, v6, vm0, $0xb8;
	[tilespmem:$0x10900] =	vst v63  }
0x40: {  	_ = 	snop  }
0x41: {  	[tilespmem:s29], [sflag:$0x1] =	stream.indirect_vreg.gather [hbm4b:s1+s3], $0x80, v5, vm0, $0xb8;
	[tilespmem:$0x10900] =	vst v63  }
0x42: {  	_ = 	snop  }
0x43: {  	[tilespmem:s30], [sflag:$0x1] =	stream.indirect_vreg.gather [hbm4b:s6+s3], $0x80, v5, vm0, $0xb8;
	[tilespmem:$0x10900] =	vst v63  }
0x44: {  	v5 =	vld [tilespmem:$0x10];
	_ =	sdelay $0x4  }
0x45: {  	v6 =	vshll.u32 v5, $0x2  }
0x46: {  	v5 =	vand.u32 $0x7, v5;
	v6 =	vand.u32 $0xFFFFFFE0, v6  }
0x47: {  	v5 =	vor.u32 v5, v6  }
0x48: {  	v6 =	vperm.xlane v5, v2;
	_ =	sdelay $0x1  }
0x49: {  	v6 =	vadd.s32 v3, v6;
	_ =	sdelay $0x1  }
0x4a: {  	v5 =	vperm.xlane v5, v4;
	_ =	sdelay $0x1  }
0x4b: {  	v5 =	vadd.s32 v3, v5  }
0x4c: {  	[tilespmem:s31], [sflag:$0x1] =	stream.indirect_vreg.gather [hbm4b:s1+s3], $0x80, v6, vm0, $0xb8;
	[tilespmem:$0x10900] =	vst v63  }
0x4d: {  	s4 =	simm.s32 $0x2900  }
0x4e: {  	[tilespmem:s4], [sflag:$0x1] =	stream.indirect_vreg.gather [hbm4b:s6+s3], $0x80, v6, vm0, $0xb8;
	[tilespmem:$0x10900] =	vst v63  }
0x4f: {  	s24 =	simm.s32 $0x3100  }
0x50: {  	[tilespmem:s24], [sflag:$0x1] =	stream.indirect_vreg.gather [hbm4b:s1+s3], $0x80, v5, vm0, $0xb8;
	[tilespmem:$0x10900] =	vst v63  }
0x51: {  	_ = 	snop  }
0x52: {  	[tilespmem:s12], [sflag:$0x1] =	stream.indirect_vreg.gather [hbm4b:s6+s3], $0x80, v5, vm0, $0xb8;
	[tilespmem:$0x10900] =	vst v63  }
0x53: {  	v5 =	vld [tilespmem:$0x20];
	_ =	sdelay $0x4  }
0x54: {  	v6 =	vshll.u32 v5, $0x2  }
0x55: {  	v5 =	vand.u32 $0x7, v5;
	v6 =	vand.u32 $0xFFFFFFE0, v6  }
0x56: {  	v5 =	vor.u32 v5, v6  }
0x57: {  	v6 =	vperm.xlane v5, v2;
	_ =	sdelay $0x1  }
0x58: {  	v6 =	vadd.s32 v3, v6;
	_ =	sdelay $0x1  }
0x59: {  	v5 =	vperm.xlane v5, v4;
	_ =	sdelay $0x1  }
0x5a: {  	s4 =	simm.s32 $0x4100;
	v5 =	vadd.s32 v3, v5  }
0x5b: {  	[tilespmem:s4], [sflag:$0x1] =	stream.indirect_vreg.gather [hbm4b:s1+s3], $0x80, v6, vm0, $0xb8;
	[tilespmem:$0x10900] =	vst v63  }
0x5c: {  	_ = 	snop  }
0x5d: {  	[tilespmem:s5], [sflag:$0x1] =	stream.indirect_vreg.gather [hbm4b:s6+s3], $0x80, v6, vm0, $0xb8;
	[tilespmem:$0x10900] =	vst v63  }
0x5e: {  	_ = 	snop  }
0x5f: {  	[tilespmem:s13], [sflag:$0x1] =	stream.indirect_vreg.gather [hbm4b:s1+s3], $0x80, v5, vm0, $0xb8;
	[tilespmem:$0x10900] =	vst v63  }
0x60: {  	_ = 	snop  }
0x61: {  	[tilespmem:s8], [sflag:$0x1] =	stream.indirect_vreg.gather [hbm4b:s6+s3], $0x80, v5, vm0, $0xb8;
	[tilespmem:$0x10900] =	vst v63  }
0x62: {  	v5 =	vld [tilespmem:$0x30];
	_ =	sdelay $0x4  }
0x63: {  	v6 =	vshll.u32 v5, $0x2  }
0x64: {  	v5 =	vand.u32 $0x7, v5;
	v6 =	vand.u32 $0xFFFFFFE0, v6  }
0x65: {  	v5 =	vor.u32 v5, v6  }
0x66: {  	v6 =	vperm.xlane v5, v2;
	_ =	sdelay $0x1  }
0x67: {  	v6 =	vadd.s32 v3, v6;
	_ =	sdelay $0x1  }
0x68: {  	v5 =	vperm.xlane v5, v4;
	_ =	sdelay $0x1  }
0x69: {  	v5 =	vadd.s32 v3, v5  }
0x6a: {  	[tilespmem:s14], [sflag:$0x1] =	stream.indirect_vreg.gather [hbm4b:s1+s3], $0x80, v6, vm0, $0xb8;
	[tilespmem:$0x10900] =	vst v63  }
0x6b: {  	_ = 	snop  }
0x6c: {  	[tilespmem:s9], [sflag:$0x1] =	stream.indirect_vreg.gather [hbm4b:s6+s3], $0x80, v6, vm0, $0xb8;
	[tilespmem:$0x10900] =	vst v63  }
0x6d: {  	_ = 	snop  }
0x6e: {  	[tilespmem:s10], [sflag:$0x1] =	stream.indirect_vreg.gather [hbm4b:s1+s3], $0x80, v5, vm0, $0xb8;
	[tilespmem:$0x10900] =	vst v63  }
0x6f: {  	_ = 	snop  }
0x70: {  	[tilespmem:s16], [sflag:$0x1] =	stream.indirect_vreg.gather [hbm4b:s6+s3], $0x80, v5, vm0, $0xb8;
	[tilespmem:$0x10900] =	vst v63  }
0x71: {  	v5 =	vld [tilespmem:$0x40];
	_ =	sdelay $0x4  }
0x72: {  	v6 =	vshll.u32 v5, $0x2  }
0x73: {  	v5 =	vand.u32 $0x7, v5;
	v6 =	vand.u32 $0xFFFFFFE0, v6  }
0x74: {  	v5 =	vor.u32 v5, v6  }
0x75: {  	v6 =	vperm.xlane v5, v2;
	_ =	sdelay $0x1  }
0x76: {  	v6 =	vadd.s32 v3, v6;
	_ =	sdelay $0x1  }
0x77: {  	v5 =	vperm.xlane v5, v4;
	_ =	sdelay $0x1  }
0x78: {  	v5 =	vadd.s32 v3, v5  }
0x79: {  	[tilespmem:s17], [sflag:$0x1] =	stream.indirect_vreg.gather [hbm4b:s1+s3], $0x80, v6, vm0, $0xb8;
	[tilespmem:$0x10900] =	vst v63  }
0x7a: {  	_ = 	snop  }
0x7b: {  	[tilespmem:s18], [sflag:$0x1] =	stream.indirect_vreg.gather [hbm4b:s6+s3], $0x80, v6, vm0, $0xb8;
	[tilespmem:$0x10900] =	vst v63  }
0x7c: {  	_ = 	snop  }
0x7d: {  	[tilespmem:s19], [sflag:$0x1] =	stream.indirect_vreg.gather [hbm4b:s1+s3], $0x80, v5, vm0, $0xb8;
	[tilespmem:$0x10900] =	vst v63  }
0x7e: {  	_ = 	snop  }
0x7f: {  	[tilespmem:s20], [sflag:$0x1] =	stream.indirect_vreg.gather [hbm4b:s6+s3], $0x80, v5, vm0, $0xb8;
	[tilespmem:$0x10900] =	vst v63  }
0x80: {  	v5 =	vld [tilespmem:$0x50];
	_ =	sdelay $0x4  }
0x81: {  	v6 =	vshll.u32 v5, $0x2  }
0x82: {  	v5 =	vand.u32 $0x7, v5;
	v6 =	vand.u32 $0xFFFFFFE0, v6  }
0x83: {  	v5 =	vor.u32 v5, v6  }
0x84: {  	v6 =	vperm.xlane v5, v2;
	_ =	sdelay $0x1  }
0x85: {  	v6 =	vadd.s32 v3, v6;
	_ =	sdelay $0x1  }
0x86: {  	v5 =	vperm.xlane v5, v4;
	_ =	sdelay $0x1  }
0x87: {  	v5 =	vadd.s32 v3, v5  }
0x88: {  	[tilespmem:s21], [sflag:$0x1] =	stream.indirect_vreg.gather [hbm4b:s1+s3], $0x80, v6, vm0, $0xb8;
	[tilespmem:$0x10900] =	vst v63  }
0x89: {  	_ = 	snop  }
0x8a: {  	[tilespmem:s7], [sflag:$0x1] =	stream.indirect_vreg.gather [hbm4b:s6+s3], $0x80, v6, vm0, $0xb8;
	[tilespmem:$0x10900] =	vst v63  }
0x8b: {  	_ = 	snop  }
0x8c: {  	[tilespmem:s15], [sflag:$0x1] =	stream.indirect_vreg.gather [hbm4b:s1+s3], $0x80, v5, vm0, $0xb8;
	[tilespmem:$0x10900] =	vst v63  }
0x8d: {  	_ = 	snop  }
0x8e: {  	[tilespmem:s28], [sflag:$0x1] =	stream.indirect_vreg.gather [hbm4b:s6+s3], $0x80, v5, vm0, $0xb8;
	[tilespmem:$0x10900] =	vst v63  }
0x8f: {  	v5 =	vld [tilespmem:$0x60];
	_ =	sdelay $0x4  }
0x90: {  	v6 =	vshll.u32 v5, $0x2  }
0x91: {  	v5 =	vand.u32 $0x7, v5;
	v6 =	vand.u32 $0xFFFFFFE0, v6  }
0x92: {  	v5 =	vor.u32 v5, v6  }
0x93: {  	v6 =	vperm.xlane v5, v2;
	_ =	sdelay $0x1  }
0x94: {  	v6 =	vadd.s32 v3, v6;
	_ =	sdelay $0x1  }
0x95: {  	v5 =	vperm.xlane v5, v4;
	_ =	sdelay $0x1  }
0x96: {  	v5 =	vadd.s32 v3, v5  }
0x97: {  	[tilespmem:s22], [sflag:$0x1] =	stream.indirect_vreg.gather [hbm4b:s1+s3], $0x80, v6, vm0, $0xb8;
	[tilespmem:$0x10900] =	vst v63  }
0x98: {  	s25 =	simm.s32 $0xC900  }
0x99: {  	[tilespmem:s25], [sflag:$0x1] =	stream.indirect_vreg.gather [hbm4b:s6+s3], $0x80, v6, vm0, $0xb8;
	[tilespmem:$0x10900] =	vst v63  }
0x9a: {  	s24 =	simm.s32 $0xD100  }
0x9b: {  	[tilespmem:s24], [sflag:$0x1] =	stream.indirect_vreg.gather [hbm4b:s1+s3], $0x80, v5, vm0, $0xb8;
	[tilespmem:$0x10900] =	vst v63  }
0x9c: {  	s25 =	simm.s32 $0xD900  }
0x9d: {  	[tilespmem:s25], [sflag:$0x1] =	stream.indirect_vreg.gather [hbm4b:s6+s3], $0x80, v5, vm0, $0xb8;
	[tilespmem:$0x10900] =	vst v63  }
0x9e: {  	v5 =	vld [tilespmem:$0x70];
	_ =	sdelay $0x4  }
0x9f: {  	v6 =	vshll.u32 v5, $0x2  }
0xa0: {  	v5 =	vand.u32 $0x7, v5;
	v6 =	vand.u32 $0xFFFFFFE0, v6  }
0xa1: {  	v5 =	vor.u32 v5, v6  }
0xa2: {  	v6 =	vperm.xlane v5, v2;
	_ =	sdelay $0x1  }
0xa3: {  	v6 =	vadd.s32 v3, v6;
	_ =	sdelay $0x1  }
0xa4: {  	v5 =	vperm.xlane v5, v4;
	_ =	sdelay $0x1  }
0xa5: {  	s24 =	simm.s32 $0xE100;
	v5 =	vadd.s32 v3, v5  }
0xa6: {  	[tilespmem:s24], [sflag:$0x1] =	stream.indirect_vreg.gather [hbm4b:s1+s3], $0x80, v6, vm0, $0xb8;
	[tilespmem:$0x10900] =	vst v63  }
0xa7: {  	s25 =	simm.s32 $0xE900  }
0xa8: {  	[tilespmem:s25], [sflag:$0x1] =	stream.indirect_vreg.gather [hbm4b:s6+s3], $0x80, v6, vm0, $0xb8;
	[tilespmem:$0x10900] =	vst v63  }
0xa9: {  	s24 =	simm.s32 $0xF100  }
0xaa: {  	[tilespmem:s24], [sflag:$0x1] =	stream.indirect_vreg.gather [hbm4b:s1+s3], $0x80, v5, vm0, $0xb8;
	[tilespmem:$0x10900] =	vst v63  }
0xab: {  	s0 =	simm.s32 $0x1;
	s25 =	simm.s32 $0xF900  }
0xac: {  	[tilespmem:s25], [sflag:$0x1] =	stream.indirect_vreg.gather [hbm4b:s6+s3], $0x80, v5, vm0, $0xb8;
	[tilespmem:$0x10900] =	vst v63  }
0xad: {  	_ =	swait.ge [sflag:s0], $0x10000  }
0xae: {  	[sflag:s0] =	ssyncset.done $0x0  }
0xaf: {  	s25 =	simm.s32 $0x100;
	s24 =	rddreg [dreg:$0x7];
	[sflag:s0] =	ssyncadd.s32 $0xFFFF0000  }
0xb0: {  	[hbm4b:s24+s3] =	stream.linear.scatter [tilespmem:s25], [sflag:$0x3], $0x10000, $0x38;
	[tilespmem:$0x10900] =	vst v63  }
0xb1: {  	_ =	swait.ge [sflag:s11], $0x10000  }
0xb2: {  	[sflag:s11] =	ssyncset.done $0x0  }
0xb3: {  	[sflag:s11] =	ssyncadd.s32 $0xFFFF0000  }
0xb4: {  	v5 =	vld [tilespmem:$0x80];
	_ =	sdelay $0x4  }
0xb5: {  	v6 =	vshll.u32 v5, $0x2  }
0xb6: {  	v5 =	vand.u32 $0x7, v5;
	v6 =	vand.u32 $0xFFFFFFE0, v6  }
0xb7: {  	v5 =	vor.u32 v5, v6  }
0xb8: {  	v6 =	vperm.xlane v5, v2;
	_ =	sdelay $0x1  }
0xb9: {  	v6 =	vadd.s32 v3, v6;
	_ =	sdelay $0x1  }
0xba: {  	v5 =	vperm.xlane v5, v4;
	_ =	sdelay $0x1  }
0xbb: {  	v5 =	vadd.s32 v3, v5  }
0xbc: {  	[tilespmem:s25], [sflag:$0x1] =	stream.indirect_vreg.gather [hbm4b:s1+s3], $0x80, v6, vm0, $0xb8;
	[tilespmem:$0x10900] =	vst v63  }
0xbd: {  	_ = 	snop  }
0xbe: {  	[tilespmem:s26], [sflag:$0x1] =	stream.indirect_vreg.gather [hbm4b:s6+s3], $0x80, v6, vm0, $0xb8;
	[tilespmem:$0x10900] =	vst v63  }
0xbf: {  	_ = 	snop  }
0xc0: {  	[tilespmem:s29], [sflag:$0x1] =	stream.indirect_vreg.gather [hbm4b:s1+s3], $0x80, v5, vm0, $0xb8;
	[tilespmem:$0x10900] =	vst v63  }
0xc1: {  	_ = 	snop  }
0xc2: {  	[tilespmem:s30], [sflag:$0x1] =	stream.indirect_vreg.gather [hbm4b:s6+s3], $0x80, v5, vm0, $0xb8;
	[tilespmem:$0x10900] =	vst v63  }
0xc3: {  	v5 =	vld [tilespmem:$0x90];
	_ =	sdelay $0x4  }
0xc4: {  	v6 =	vshll.u32 v5, $0x2  }
0xc5: {  	v5 =	vand.u32 $0x7, v5;
	v6 =	vand.u32 $0xFFFFFFE0, v6  }
0xc6: {  	v5 =	vor.u32 v5, v6  }
0xc7: {  	v6 =	vperm.xlane v5, v2;
	_ =	sdelay $0x1  }
0xc8: {  	v6 =	vadd.s32 v3, v6;
	_ =	sdelay $0x1  }
0xc9: {  	v5 =	vperm.xlane v5, v4;
	_ =	sdelay $0x1  }
0xca: {  	v5 =	vadd.s32 v3, v5  }
0xcb: {  	[tilespmem:s31], [sflag:$0x1] =	stream.indirect_vreg.gather [hbm4b:s1+s3], $0x80, v6, vm0, $0xb8;
	[tilespmem:$0x10900] =	vst v63  }
0xcc: {  	s26 =	simm.s32 $0x2900  }
0xcd: {  	[tilespmem:s26], [sflag:$0x1] =	stream.indirect_vreg.gather [hbm4b:s6+s3], $0x80, v6, vm0, $0xb8;
	[tilespmem:$0x10900] =	vst v63  }
0xce: {  	s26 =	simm.s32 $0x3100  }
0xcf: {  	[tilespmem:s26], [sflag:$0x1] =	stream.indirect_vreg.gather [hbm4b:s1+s3], $0x80, v5, vm0, $0xb8;
	[tilespmem:$0x10900] =	vst v63  }
0xd0: {  	_ = 	snop  }
0xd1: {  	[tilespmem:s12], [sflag:$0x1] =	stream.indirect_vreg.gather [hbm4b:s6+s3], $0x80, v5, vm0, $0xb8;
	[tilespmem:$0x10900] =	vst v63  }
0xd2: {  	v5 =	vld [tilespmem:$0xA0];
	_ =	sdelay $0x4  }
0xd3: {  	v6 =	vshll.u32 v5, $0x2  }
0xd4: {  	v5 =	vand.u32 $0x7, v5;
	v6 =	vand.u32 $0xFFFFFFE0, v6  }
0xd5: {  	v5 =	vor.u32 v5, v6  }
0xd6: {  	v6 =	vperm.xlane v5, v2;
	_ =	sdelay $0x1  }
0xd7: {  	v6 =	vadd.s32 v3, v6;
	_ =	sdelay $0x1  }
0xd8: {  	v5 =	vperm.xlane v5, v4;
	_ =	sdelay $0x1  }
0xd9: {  	v5 =	vadd.s32 v3, v5  }
0xda: {  	[tilespmem:s4], [sflag:$0x1] =	stream.indirect_vreg.gather [hbm4b:s1+s3], $0x80, v6, vm0, $0xb8;
	[tilespmem:$0x10900] =	vst v63  }
0xdb: {  	_ = 	snop  }
0xdc: {  	[tilespmem:s5], [sflag:$0x1] =	stream.indirect_vreg.gather [hbm4b:s6+s3], $0x80, v6, vm0, $0xb8;
	[tilespmem:$0x10900] =	vst v63  }
0xdd: {  	_ = 	snop  }
0xde: {  	[tilespmem:s13], [sflag:$0x1] =	stream.indirect_vreg.gather [hbm4b:s1+s3], $0x80, v5, vm0, $0xb8;
	[tilespmem:$0x10900] =	vst v63  }
0xdf: {  	_ = 	snop  }
0xe0: {  	[tilespmem:s8], [sflag:$0x1] =	stream.indirect_vreg.gather [hbm4b:s6+s3], $0x80, v5, vm0, $0xb8;
	[tilespmem:$0x10900] =	vst v63  }
0xe1: {  	v5 =	vld [tilespmem:$0xB0];
	_ =	sdelay $0x4  }
0xe2: {  	v6 =	vshll.u32 v5, $0x2  }
0xe3: {  	v5 =	vand.u32 $0x7, v5;
	v6 =	vand.u32 $0xFFFFFFE0, v6  }
0xe4: {  	v5 =	vor.u32 v5, v6  }
0xe5: {  	v6 =	vperm.xlane v5, v2;
	_ =	sdelay $0x1  }
0xe6: {  	v6 =	vadd.s32 v3, v6;
	_ =	sdelay $0x1  }
0xe7: {  	v5 =	vperm.xlane v5, v4;
	_ =	sdelay $0x1  }
0xe8: {  	v5 =	vadd.s32 v3, v5  }
0xe9: {  	[tilespmem:s14], [sflag:$0x1] =	stream.indirect_vreg.gather [hbm4b:s1+s3], $0x80, v6, vm0, $0xb8;
	[tilespmem:$0x10900] =	vst v63  }
0xea: {  	_ = 	snop  }
0xeb: {  	[tilespmem:s9], [sflag:$0x1] =	stream.indirect_vreg.gather [hbm4b:s6+s3], $0x80, v6, vm0, $0xb8;
	[tilespmem:$0x10900] =	vst v63  }
0xec: {  	_ = 	snop  }
0xed: {  	[tilespmem:s10], [sflag:$0x1] =	stream.indirect_vreg.gather [hbm4b:s1+s3], $0x80, v5, vm0, $0xb8;
	[tilespmem:$0x10900] =	vst v63  }
0xee: {  	_ = 	snop  }
0xef: {  	[tilespmem:s16], [sflag:$0x1] =	stream.indirect_vreg.gather [hbm4b:s6+s3], $0x80, v5, vm0, $0xb8;
	[tilespmem:$0x10900] =	vst v63  }
0xf0: {  	v5 =	vld [tilespmem:$0xC0];
	_ =	sdelay $0x4  }
0xf1: {  	v6 =	vshll.u32 v5, $0x2  }
0xf2: {  	v5 =	vand.u32 $0x7, v5;
	v6 =	vand.u32 $0xFFFFFFE0, v6  }
0xf3: {  	v5 =	vor.u32 v5, v6  }
0xf4: {  	v6 =	vperm.xlane v5, v2;
	_ =	sdelay $0x1  }
0xf5: {  	v6 =	vadd.s32 v3, v6;
	_ =	sdelay $0x1  }
0xf6: {  	v5 =	vperm.xlane v5, v4;
	_ =	sdelay $0x1  }
0xf7: {  	v5 =	vadd.s32 v3, v5  }
0xf8: {  	[tilespmem:s17], [sflag:$0x1] =	stream.indirect_vreg.gather [hbm4b:s1+s3], $0x80, v6, vm0, $0xb8;
	[tilespmem:$0x10900] =	vst v63  }
0xf9: {  	_ = 	snop  }
0xfa: {  	[tilespmem:s18], [sflag:$0x1] =	stream.indirect_vreg.gather [hbm4b:s6+s3], $0x80, v6, vm0, $0xb8;
	[tilespmem:$0x10900] =	vst v63  }
0xfb: {  	_ = 	snop  }
0xfc: {  	[tilespmem:s19], [sflag:$0x1] =	stream.indirect_vreg.gather [hbm4b:s1+s3], $0x80, v5, vm0, $0xb8;
	[tilespmem:$0x10900] =	vst v63  }
0xfd: {  	_ = 	snop  }
0xfe: {  	[tilespmem:s20], [sflag:$0x1] =	stream.indirect_vreg.gather [hbm4b:s6+s3], $0x80, v5, vm0, $0xb8;
	[tilespmem:$0x10900] =	vst v63  }
0xff: {  	v5 =	vld [tilespmem:$0xD0];
	_ =	sdelay $0x4  }
0x100: {  	v6 =	vshll.u32 v5, $0x2  }
0x101: {  	v5 =	vand.u32 $0x7, v5;
	v6 =	vand.u32 $0xFFFFFFE0, v6  }
0x102: {  	v5 =	vor.u32 v5, v6  }
0x103: {  	v6 =	vperm.xlane v5, v2;
	_ =	sdelay $0x1  }
0x104: {  	v6 =	vadd.s32 v3, v6;
	_ =	sdelay $0x1  }
0x105: {  	v5 =	vperm.xlane v5, v4;
	_ =	sdelay $0x1  }
0x106: {  	v5 =	vadd.s32 v3, v5  }
0x107: {  	[tilespmem:s21], [sflag:$0x1] =	stream.indirect_vreg.gather [hbm4b:s1+s3], $0x80, v6, vm0, $0xb8;
	[tilespmem:$0x10900] =	vst v63  }
0x108: {  	_ = 	snop  }
0x109: {  	[tilespmem:s7], [sflag:$0x1] =	stream.indirect_vreg.gather [hbm4b:s6+s3], $0x80, v6, vm0, $0xb8;
	[tilespmem:$0x10900] =	vst v63  }
0x10a: {  	_ = 	snop  }
0x10b: {  	[tilespmem:s15], [sflag:$0x1] =	stream.indirect_vreg.gather [hbm4b:s1+s3], $0x80, v5, vm0, $0xb8;
	[tilespmem:$0x10900] =	vst v63  }
0x10c: {  	_ = 	snop  }
0x10d: {  	[tilespmem:s28], [sflag:$0x1] =	stream.indirect_vreg.gather [hbm4b:s6+s3], $0x80, v5, vm0, $0xb8;
	[tilespmem:$0x10900] =	vst v63  }
0x10e: {  	v5 =	vld [tilespmem:$0xE0];
	_ =	sdelay $0x4  }
0x10f: {  	v6 =	vshll.u32 v5, $0x2  }
0x110: {  	v5 =	vand.u32 $0x7, v5;
	v6 =	vand.u32 $0xFFFFFFE0, v6  }
0x111: {  	v5 =	vor.u32 v5, v6  }
0x112: {  	v6 =	vperm.xlane v5, v2;
	_ =	sdelay $0x1  }
0x113: {  	v6 =	vadd.s32 v3, v6;
	_ =	sdelay $0x1  }
0x114: {  	v5 =	vperm.xlane v5, v4;
	_ =	sdelay $0x1  }
0x115: {  	v5 =	vadd.s32 v3, v5  }
0x116: {  	[tilespmem:s22], [sflag:$0x1] =	stream.indirect_vreg.gather [hbm4b:s1+s3], $0x80, v6, vm0, $0xb8;
	[tilespmem:$0x10900] =	vst v63  }
0x117: {  	s26 =	simm.s32 $0xC900  }
0x118: {  	[tilespmem:s26], [sflag:$0x1] =	stream.indirect_vreg.gather [hbm4b:s6+s3], $0x80, v6, vm0, $0xb8;
	[tilespmem:$0x10900] =	vst v63  }
0x119: {  	s24 =	simm.s32 $0xD100  }
0x11a: {  	[tilespmem:s24], [sflag:$0x1] =	stream.indirect_vreg.gather [hbm4b:s1+s3], $0x80, v5, vm0, $0xb8;
	[tilespmem:$0x10900] =	vst v63  }
0x11b: {  	s26 =	simm.s32 $0xD900  }
0x11c: {  	[tilespmem:s26], [sflag:$0x1] =	stream.indirect_vreg.gather [hbm4b:s6+s3], $0x80, v5, vm0, $0xb8;
	[tilespmem:$0x10900] =	vst v63  }
0x11d: {  	v5 =	vld [tilespmem:$0xF0];
	_ =	sdelay $0x4  }
0x11e: {  	v6 =	vshll.u32 v5, $0x2  }
0x11f: {  	v5 =	vand.u32 $0x7, v5;
	v6 =	vand.u32 $0xFFFFFFE0, v6  }
0x120: {  	v5 =	vor.u32 v5, v6  }
0x121: {  	v6 =	vperm.xlane v5, v2;
	_ =	sdelay $0x1  }
0x122: {  	v6 =	vadd.s32 v3, v6;
	_ =	sdelay $0x1  }
0x123: {  	v5 =	vperm.xlane v5, v4;
	_ =	sdelay $0x1  }
0x124: {  	s24 =	simm.s32 $0xE100;
	v5 =	vadd.s32 v3, v5  }
0x125: {  	[tilespmem:s24], [sflag:$0x1] =	stream.indirect_vreg.gather [hbm4b:s1+s3], $0x80, v6, vm0, $0xb8;
	[tilespmem:$0x10900] =	vst v63  }
0x126: {  	s26 =	simm.s32 $0xE900  }
0x127: {  	[tilespmem:s26], [sflag:$0x1] =	stream.indirect_vreg.gather [hbm4b:s6+s3], $0x80, v6, vm0, $0xb8;
	[tilespmem:$0x10900] =	vst v63  }
0x128: {  	s24 =	simm.s32 $0xF100  }
0x129: {  	[tilespmem:s24], [sflag:$0x1] =	stream.indirect_vreg.gather [hbm4b:s1+s3], $0x80, v5, vm0, $0xb8;
	[tilespmem:$0x10900] =	vst v63  }
0x12a: {  	s26 =	simm.s32 $0xF900  }
0x12b: {  	[tilespmem:s26], [sflag:$0x1] =	stream.indirect_vreg.gather [hbm4b:s6+s3], $0x80, v5, vm0, $0xb8;
	[tilespmem:$0x10900] =	vst v63  }
0x12c: {  	_ =	swait.ge [sflag:s0], $0x10000  }
0x12d: {  	[sflag:s0] =	ssyncset.done $0x0  }
0x12e: {  	s25 =	simm.s32 $0x100;
	s4 =	rddreg [dreg:$0x8];
	[sflag:s0] =	ssyncadd.s32 $0xFFFF0000  }
0x12f: {  	[hbm4b:s4+s3] =	stream.linear.scatter [tilespmem:s25], [sflag:$0x3], $0x10000, $0x38;
	[tilespmem:$0x10900] =	vst v63  }
0x130: {  	_ =	swait.ge [sflag:s11], $0x10000  }
0x131: {  	[sflag:s11] =	ssyncset.done $0x0  }
0x132: {  	s26 =	simm.s32 $0x2;
	[sflag:s11] =	ssyncadd.s32 $0xFFFF0000  }
0x133: {  	_ =	swait.ge [sflag:s26], $0x400  }
0x134: {  	[sflag:s26] =	ssyncset.done $0x0  }
0x135: {  	s25 =	simm.s32 $0x10500;
	s4 =	rddreg [dreg:$0x9];
	[sflag:s26] =	ssyncadd.s32 $0xFFFFFC00  }
0x136: {  	[hbm4b:s4+s3] =	stream.linear.scatter [tilespmem:s25], [sflag:$0x3], $0x400, $0x38;
	[tilespmem:$0x10900] =	vst v63  }
0x137: {  	_ =	swait.ge [sflag:s11], $0x400  }
0x138: {  	s23 =	sadd.s32 $0x1, s23;
	s26 =	rddreg [dreg:$0xa]  }
0x139: {  	p0 =	sne.s32 s23, s26  }
.Ltmp1:
0x13a: {  	_ = 	snop;
	(pc) =	sbr.rel @p0 .LBB2_1-.Ltmp1, $3  }
0x13b: {  	_ =	sdelay $0x1  }
0x13c: {  	[sflag:s11] =	ssyncset.done $0x0  }
0x13d: {  	s2 =	simm.s32 $0x10100;
	[sflag:s11] =	ssyncadd.s32 $0xFFFFFC00  }
0x13e: {  	_ =	sfence.sel $0x180000  }
0x13f: {  	[bflag:$0x0] =	sbarrier.arrive $0xFFFF  }
0x140: {  	_ =	strace $0x9000004A  }
0x141: {  	s0 =	stileid.u32;
	[bflag:$0x2] =	sbarrier.arrive $0xFFFF  }
0x142: {  	p0 =	sne.s32 s0, $0x0;
	s0 =	rddreg [dreg:$0x4]  }
0x143: {  	s0 =	sadd.s32 @!p0 $0x100000, s0  }
0x144: {  	[sflag:s0] =	ssyncadd.tile.s32 @!p0 $0x1;
	_ =	shalt  }
.Lfunc_end2:
_tile_overlayer_lowered:
.L_overlay_start_2:
0x145: {  	(tag) =	ssettag $0x2  }
0x146: {  	s0 =	rddreg [dreg:$0x0];
	s2 =	stileid.u32  }
0x147: {  	s1 =	rddreg [dreg:$0x1];
	p0 =	sne.s32 s2, $0x0  }
0x148: {  	s3 =	rddreg [dreg:$0x2];
	[bflag:$0x3] =	sbarrier.arrive $0xFFFF;
	s2 =	simm.s32 @!p0 $0x1C03  }
0x149: {  	[timem:s3], [sflag:s2] =	dma.local @!p0 [hbm:s0], s1  }
0x14a: {  	s0 =	simm.s32 @!p0 $0x3  }
0x14b: {  	_ =	swait.ge @!p0 [sflag:s0], s1  }
0x14c: {  	s1 =	ssub.s32 @!p0 $0x0, s1;
	[sflag:s0] =	ssyncset.done @!p0 $0x0  }
0x14d: {  	[sflag:s0] =	ssyncadd.s32 @!p0 s1  }
0x14e: {  	[bflag:$0x3] =	sbarrier.arrive $0xFFFF  }
0x14f: {  	_ =	shalt  }

</sc_bundles>
